<compile_context>
chip_gen: v7x
topology: tpu7x:2x2x1
jax: 0.10.2.dev20260603
libtpu: 0.0.44.dev20260713+nightly
codegen_flags: <defaults>
</compile_context>

<pallas_src>
import jax
import jax.numpy as jnp
from jax import lax
from jax.experimental import pallas as pl
from jax.experimental.pallas import tpu as pltpu
from jax.experimental.pallas import tpu_sc as plsc

N = 10000
D = 128
HD = D // 2
E = 320000
NC = 2
NS = 16
NW = NC * NS
CHUNK = 128
NBUF = 6
CPT = 160
NGRP = CPT // NBUF
TAIL = CPT % NBUF
DCPT = 80
EP = NS * CPT * CHUNK
DNBUF = 8
DNGRP = DCPT // DNBUF
ACC_ROWS = 10112
ZROWS = ACC_ROWS // NS
DEG_W = 16
BLK = 1000
GRID = N // BLK

_mesh = plsc.VectorSubcoreMesh(core_axis_name="c", subcore_axis_name="s",
                               num_cores=NC, num_subcores=NS)


def _deg_body(dst_hbm, ones_hbm, zeros_hbm, out_hbm, idx_d, onesbuf, acc, sem):
  c = lax.axis_index("c")
  s = lax.axis_index("s")
  w = c * NS + s
  pltpu.sync_copy(dst_hbm.at[w], idx_d)
  pltpu.sync_copy(ones_hbm, onesbuf)
  pltpu.sync_copy(zeros_hbm, acc.at[pl.ds(s * ZROWS, ZROWS)])
  plsc.subcore_barrier()

  @pl.loop(0, DNGRP)
  def _grp(gi):
    base = gi * DNBUF
    descs = [
        pltpu.async_copy(onesbuf, acc.at[idx_d.at[base + b]], sem, add=True)
        for b in range(DNBUF)
    ]
    for d in descs:
      d.wait()

  plsc.subcore_barrier()
  pltpu.sync_copy(acc.at[pl.ds(s * ZROWS, ZROWS)],
                  out_hbm.at[c, pl.ds(s * ZROWS, ZROWS)])


_deg = pl.kernel(
    _deg_body,
    out_type=jax.ShapeDtypeStruct((NC, ACC_ROWS, DEG_W), jnp.float32),
    mesh=_mesh,
    compiler_params=pltpu.CompilerParams(use_tc_tiling_on_sc=False),
    scratch_types=[
        pltpu.VMEM((DCPT, CHUNK), jnp.int32),
        pltpu.VMEM((CHUNK, DEG_W), jnp.float32),
        pltpu.VMEM_SHARED((ACC_ROWS, DEG_W), jnp.float32),
        pltpu.SemaphoreType.DMA,
    ],
)


def _agg_body(g_hbm, src_hbm, dst_hbm, zeros_hbm, out_hbm,
              idx_s, idx_d, bufs, acc, gsem, ssem):
  c = lax.axis_index("c")
  s = lax.axis_index("s")
  pltpu.sync_copy(src_hbm.at[s], idx_s)
  pltpu.sync_copy(dst_hbm.at[s], idx_d)
  pltpu.sync_copy(zeros_hbm, acc.at[pl.ds(s * ZROWS, ZROWS)])
  plsc.subcore_barrier()

  def _run_group(base, nb):
    gds = []
    for b in range(nb):
      gds.append(
          pltpu.async_copy(g_hbm.at[c].at[idx_s.at[base + b]], bufs.at[b],
                           gsem.at[b]))
    sds = []
    for b in range(nb):
      gds[b].wait()
      sds.append(
          pltpu.async_copy(bufs.at[b], acc.at[idx_d.at[base + b]],
                           ssem.at[b], add=True))
    for d in sds:
      d.wait()

  @pl.loop(0, NGRP)
  def _grp(gi):
    _run_group(gi * NBUF, NBUF)

  if TAIL:
    _run_group(NGRP * NBUF, TAIL)

  plsc.subcore_barrier()
  pltpu.sync_copy(acc.at[pl.ds(s * ZROWS, ZROWS)],
                  out_hbm.at[c, pl.ds(s * ZROWS, ZROWS)])


_agg = pl.kernel(
    _agg_body,
    out_type=jax.ShapeDtypeStruct((NC, ACC_ROWS, HD), jnp.float32),
    mesh=_mesh,
    compiler_params=pltpu.CompilerParams(use_tc_tiling_on_sc=False),
    scratch_types=[
        pltpu.VMEM((CPT, CHUNK), jnp.int32),
        pltpu.VMEM((CPT, CHUNK), jnp.int32),
        pltpu.VMEM((NBUF, CHUNK, HD), jnp.float32),
        pltpu.VMEM_SHARED((ACC_ROWS, HD), jnp.float32),
        pltpu.SemaphoreType.DMA((NBUF,)),
        pltpu.SemaphoreType.DMA((NBUF,)),
    ],
)


def _d1_body(x_ref, w_ref, degp_ref, g_ref, dis_ref):
  deg = 1.0 + degp_ref[0, :, 0:1] + degp_ref[1, :, 0:1]
  dis = lax.rsqrt(deg)
  g = jnp.dot(x_ref[...], w_ref[...], preferred_element_type=jnp.float32) * dis
  g_ref[0] = g[:, :HD]
  g_ref[1] = g[:, HD:]
  dis_ref[...] = dis


_d1 = pl.pallas_call(
    _d1_body,
    grid=(GRID,),
    in_specs=[
        pl.BlockSpec((BLK, D), lambda i: (i, 0)),
        pl.BlockSpec((D, D), lambda i: (0, 0)),
        pl.BlockSpec((NC, BLK, DEG_W), lambda i: (0, i, 0)),
    ],
    out_specs=[
        pl.BlockSpec((NC, BLK, HD), lambda i: (0, i, 0)),
        pl.BlockSpec((BLK, 1), lambda i: (i, 0)),
    ],
    out_shape=[
        jax.ShapeDtypeStruct((NC, N, HD), jnp.float32),
        jax.ShapeDtypeStruct((N, 1), jnp.float32),
    ],
)


def _dmid_body(p_ref, g_ref, dis_ref, b_ref, w_ref, gn_ref):
  dis = dis_ref[...]
  agg = jnp.concatenate([p_ref[0] + g_ref[0], p_ref[1] + g_ref[1]], axis=1)
  z = jnp.maximum(dis * agg + b_ref[...], 0.0)
  gn = jnp.dot(z, w_ref[...], preferred_element_type=jnp.float32) * dis
  gn_ref[0] = gn[:, :HD]
  gn_ref[1] = gn[:, HD:]


_dmid = pl.pallas_call(
    _dmid_body,
    grid=(GRID,),
    in_specs=[
        pl.BlockSpec((NC, BLK, HD), lambda i: (0, i, 0)),
        pl.BlockSpec((NC, BLK, HD), lambda i: (0, i, 0)),
        pl.BlockSpec((BLK, 1), lambda i: (i, 0)),
        pl.BlockSpec((1, D), lambda i: (0, 0)),
        pl.BlockSpec((D, D), lambda i: (0, 0)),
    ],
    out_specs=pl.BlockSpec((NC, BLK, HD), lambda i: (0, i, 0)),
    out_shape=jax.ShapeDtypeStruct((NC, N, HD), jnp.float32),
)


def _dfin_body(p_ref, g_ref, dis_ref, b_ref, out_ref):
  agg = jnp.concatenate([p_ref[0] + g_ref[0], p_ref[1] + g_ref[1]], axis=1)
  out_ref[...] = dis_ref[...] * agg + b_ref[...]


_dfin = pl.pallas_call(
    _dfin_body,
    grid=(GRID,),
    in_specs=[
        pl.BlockSpec((NC, BLK, HD), lambda i: (0, i, 0)),
        pl.BlockSpec((NC, BLK, HD), lambda i: (0, i, 0)),
        pl.BlockSpec((BLK, 1), lambda i: (i, 0)),
        pl.BlockSpec((1, D), lambda i: (0, 0)),
    ],
    out_specs=pl.BlockSpec((BLK, D), lambda i: (i, 0)),
    out_shape=jax.ShapeDtypeStruct((N, D), jnp.float32),
)


def kernel(x, edge_index_shards, W1, b1, W2, b2, W3, b3):
  ei = edge_index_shards.astype(jnp.int32)
  pad = jnp.arange(EP - E, dtype=jnp.int32)
  pad_src = (pad * 97) % N
  pad_dst = N + (pad % (ACC_ROWS - N))
  src = jnp.concatenate([ei[0], pad_src])
  dst = jnp.concatenate([ei[1], pad_dst])
  src_a = src.reshape(NS, CPT, CHUNK)
  dst_a = dst.reshape(NS, CPT, CHUNK)
  dst_d = dst.reshape(NW, DCPT, CHUNK)

  zeros_h = jnp.zeros((ZROWS, HD), jnp.float32)
  zeros_w = jnp.zeros((ZROWS, DEG_W), jnp.float32)
  ones_w = jnp.ones((CHUNK, DEG_W), jnp.float32)

  degp = _deg(dst_d, ones_w, zeros_w)
  g1, dis = _d1(x, W1, degp)
  p1 = _agg(g1, src_a, dst_a, zeros_h)
  g2 = _dmid(p1, g1, dis, b1.reshape(1, D), W2)
  p2 = _agg(g2, src_a, dst_a, zeros_h)
  g3 = _dmid(p2, g2, dis, b2.reshape(1, D), W3)
  p3 = _agg(g3, src_a, dst_a, zeros_h)
  return _dfin(p3, g3, dis, b3.reshape(1, D))

# --- scband reference (transcript-rebuilt; emitter-appended) ---
"""Pipeline reference for scband-net-42752104465113 (READ-ONLY COPY).

The authoritative reference and input builder live on the scoring server;
editing this copy changes nothing except your own understanding.
"""

import jax, jax.numpy as jnp
import numpy as np

N_NODES = 10000
N_EDGES = 320000
D_IN = 128
D_HID = 128
D_OUT = 128


def gcn_conv(x, edge_index, W, b):
    # Standard GCNConv (PyG semantics): add self-loops, symmetric normalization,
    # out = D^{-1/2} (A + I) D^{-1/2} X W + b
    N = x.shape[0]
    src = edge_index[0]
    dst = edge_index[1]
    loop = jnp.arange(N, dtype=src.dtype)
    src = jnp.concatenate([src, loop])
    dst = jnp.concatenate([dst, loop])
    ones = jnp.ones(src.shape[0], dtype=x.dtype)
    deg = jnp.zeros((N,), dtype=x.dtype).at[dst].add(ones)
    deg_inv_sqrt = jnp.where(deg > 0, jax.lax.rsqrt(jnp.maximum(deg, 1e-12)), 0.0)
    norm = deg_inv_sqrt[src] * deg_inv_sqrt[dst]
    h = x @ W  # linear transform first (small d), then propagate
    msg = h[src] * norm[:, None]  # gather + scale
    out = jnp.zeros((N, W.shape[1]), dtype=x.dtype).at[dst].add(msg)  # scatter-add
    return out + b


def setup_inputs(seed: int = 0) -> dict:
    key = jax.random.key(seed)
    ks = jax.random.split(key, 8)
    x = jax.random.normal(ks[0], (N_NODES, D_IN), dtype=jnp.float32)
    edge_index_shards = jax.random.randint(ks[1], (2, N_EDGES), 0, N_NODES, dtype=jnp.int64)
    W1 = jax.random.normal(ks[2], (D_IN, D_HID), dtype=jnp.float32) * (1.0 / np.sqrt(D_IN))
    b1 = jnp.zeros((D_HID,), dtype=jnp.float32)
    W2 = jax.random.normal(ks[3], (D_HID, D_HID), dtype=jnp.float32) * (1.0 / np.sqrt(D_HID))
    b2 = jnp.zeros((D_HID,), dtype=jnp.float32)
    W3 = jax.random.normal(ks[4], (D_HID, D_OUT), dtype=jnp.float32) * (1.0 / np.sqrt(D_HID))
    b3 = jnp.zeros((D_OUT,), dtype=jnp.float32)
    return {"x": x, "edge_index_shards": edge_index_shards,
            "W1": W1, "b1": b1, "W2": W2, "b2": b2, "W3": W3, "b3": b3}


def reference(x, edge_index_shards, W1, b1, W2, b2, W3, b3):
    h = gcn_conv(x, edge_index_shards, W1, b1)
    h = jax.nn.relu(h)
    h = gcn_conv(h, edge_index_shards, W2, b2)
    h = jax.nn.relu(h)
    out = gcn_conv(h, edge_index_shards, W3, b3)
    return out

if __name__ == "__main__":
    import jax
    _d = setup_inputs()
    print(jax.jit(kernel)(*tuple(_d.values())))

</pallas_src>

<mosaic_0001>
#map = affine_map<(d0, d1) -> (0, 0, 0)>
#map1 = affine_map<(d0, d1) -> (0, 0)>
module attributes {stable_mosaic.version = 14 : i64} {
  func.func @_agg_body(%arg0: i32, %arg1: i32, %arg2: memref<2x10000x64xf32, #tpu.memory_space<hbm>>, %arg3: memref<16x160x128xi32, #tpu.memory_space<hbm>>, %arg4: memref<16x160x128xi32, #tpu.memory_space<hbm>>, %arg5: memref<632x64xf32, #tpu.memory_space<hbm>>, %arg6: memref<2x10112x64xf32, #tpu.memory_space<hbm>>, %arg7: memref<160x128xi32, #tpu.memory_space<vmem>>, %arg8: memref<160x128xi32, #tpu.memory_space<vmem>>, %arg9: memref<6x128x64xf32, #tpu.memory_space<vmem>>, %arg10: memref<10112x64xf32, #tpu.memory_space<vmem_shared>>, %arg11: memref<6x!tpu.dma_semaphore, #tpu.memory_space<semaphore_mem>>, %arg12: memref<6x!tpu.dma_semaphore, #tpu.memory_space<semaphore_mem>>) attributes {dimension_semantics = [#tpu.dimension_semantics<core_parallel>, #tpu.dimension_semantics<subcore_parallel>], iteration_bounds = array<i64: 2, 16>, scalar_prefetch = 0 : i64, scratch_operands = 6 : i64, tpu.core_type = #tpu.core_type<sc_vector_subcore>, window_params = [{transform_indices = #map}, {transform_indices = #map}, {transform_indices = #map}, {transform_indices = #map1}, {transform_indices = #map}]} {
    "tpu.region"() ({
      %run_scoped3A = tpu.sem_alloc : memref<!tpu.dma_semaphore, #tpu.memory_space<semaphore_mem>>
      %dma_start3A_280 = arith.constant 0 : i32
      %dma_start3A_281 = arith.constant 0 : i32
      %dma_start3A_282 = tpu.memref_slice %arg3[%arg1, %dma_start3A_280, %dma_start3A_281] : memref<16x160x128xi32, #tpu.memory_space<hbm>> -> memref<1x160x128xi32, #tpu.memory_space<hbm>>
      %dma_start3A_283 = tpu.memref_squeeze %dma_start3A_282 : memref<1x160x128xi32, #tpu.memory_space<hbm>> -> memref<160x128xi32, #tpu.memory_space<hbm>>
      %dma_start3A_284 = arith.constant 0 : i32
      %dma_start3A_285 = arith.constant 0 : i32
      %dma_start3A_286 = tpu.memref_slice %arg3[%arg1, %dma_start3A_284, %dma_start3A_285] : memref<16x160x128xi32, #tpu.memory_space<hbm>> -> memref<1x160x128xi32, #tpu.memory_space<hbm>>
      %dma_start3A_287 = tpu.memref_squeeze %dma_start3A_286 : memref<1x160x128xi32, #tpu.memory_space<hbm>> -> memref<160x128xi32, #tpu.memory_space<hbm>>
      tpu.enqueue_dma source(%dma_start3A_287 : memref<160x128xi32, #tpu.memory_space<hbm>>) target(%arg7 : memref<160x128xi32, #tpu.memory_space<vmem>>) target_semaphore(%run_scoped3A : memref<!tpu.dma_semaphore, #tpu.memory_space<semaphore_mem>>)
      %dma_wait3A_288 = arith.constant 0 : i32
      %dma_wait3A_289 = arith.constant 0 : i32
      %dma_wait3A_290 = tpu.memref_slice %arg3[%arg1, %dma_wait3A_288, %dma_wait3A_289] : memref<16x160x128xi32, #tpu.memory_space<hbm>> -> memref<1x160x128xi32, #tpu.memory_space<hbm>>
      %dma_wait3A_291 = tpu.memref_squeeze %dma_wait3A_290 : memref<1x160x128xi32, #tpu.memory_space<hbm>> -> memref<160x128xi32, #tpu.memory_space<hbm>>
      %dma_wait3A_292 = arith.constant 0 : i32
      %dma_wait3A_293 = arith.constant 0 : i32
      %dma_wait3A_294 = tpu.memref_slice %arg3[%arg1, %dma_wait3A_292, %dma_wait3A_293] : memref<16x160x128xi32, #tpu.memory_space<hbm>> -> memref<1x160x128xi32, #tpu.memory_space<hbm>>
      %dma_wait3A_295 = tpu.memref_squeeze %dma_wait3A_294 : memref<1x160x128xi32, #tpu.memory_space<hbm>> -> memref<160x128xi32, #tpu.memory_space<hbm>>
      tpu.wait_dma2 semaphore(%run_scoped3A : memref<!tpu.dma_semaphore, #tpu.memory_space<semaphore_mem>>) src(%dma_wait3A_295 : memref<160x128xi32, #tpu.memory_space<hbm>>) dst(%arg7 : memref<160x128xi32, #tpu.memory_space<vmem>>)
      tpu.yield
    }) : () -> ()
    "tpu.region"() ({
      %run_scoped3A = tpu.sem_alloc : memref<!tpu.dma_semaphore, #tpu.memory_space<semaphore_mem>>
      %dma_start3A_280 = arith.constant 0 : i32
      %dma_start3A_281 = arith.constant 0 : i32
      %dma_start3A_282 = tpu.memref_slice %arg4[%arg1, %dma_start3A_280, %dma_start3A_281] : memref<16x160x128xi32, #tpu.memory_space<hbm>> -> memref<1x160x128xi32, #tpu.memory_space<hbm>>
      %dma_start3A_283 = tpu.memref_squeeze %dma_start3A_282 : memref<1x160x128xi32, #tpu.memory_space<hbm>> -> memref<160x128xi32, #tpu.memory_space<hbm>>
      %dma_start3A_284 = arith.constant 0 : i32
      %dma_start3A_285 = arith.constant 0 : i32
      %dma_start3A_286 = tpu.memref_slice %arg4[%arg1, %dma_start3A_284, %dma_start3A_285] : memref<16x160x128xi32, #tpu.memory_space<hbm>> -> memref<1x160x128xi32, #tpu.memory_space<hbm>>
      %dma_start3A_287 = tpu.memref_squeeze %dma_start3A_286 : memref<1x160x128xi32, #tpu.memory_space<hbm>> -> memref<160x128xi32, #tpu.memory_space<hbm>>
      tpu.enqueue_dma source(%dma_start3A_287 : memref<160x128xi32, #tpu.memory_space<hbm>>) target(%arg8 : memref<160x128xi32, #tpu.memory_space<vmem>>) target_semaphore(%run_scoped3A : memref<!tpu.dma_semaphore, #tpu.memory_space<semaphore_mem>>)
      %dma_wait3A_288 = arith.constant 0 : i32
      %dma_wait3A_289 = arith.constant 0 : i32
      %dma_wait3A_290 = tpu.memref_slice %arg4[%arg1, %dma_wait3A_288, %dma_wait3A_289] : memref<16x160x128xi32, #tpu.memory_space<hbm>> -> memref<1x160x128xi32, #tpu.memory_space<hbm>>
      %dma_wait3A_291 = tpu.memref_squeeze %dma_wait3A_290 : memref<1x160x128xi32, #tpu.memory_space<hbm>> -> memref<160x128xi32, #tpu.memory_space<hbm>>
      %dma_wait3A_292 = arith.constant 0 : i32
      %dma_wait3A_293 = arith.constant 0 : i32
      %dma_wait3A_294 = tpu.memref_slice %arg4[%arg1, %dma_wait3A_292, %dma_wait3A_293] : memref<16x160x128xi32, #tpu.memory_space<hbm>> -> memref<1x160x128xi32, #tpu.memory_space<hbm>>
      %dma_wait3A_295 = tpu.memref_squeeze %dma_wait3A_294 : memref<1x160x128xi32, #tpu.memory_space<hbm>> -> memref<160x128xi32, #tpu.memory_space<hbm>>
      tpu.wait_dma2 semaphore(%run_scoped3A : memref<!tpu.dma_semaphore, #tpu.memory_space<semaphore_mem>>) src(%dma_wait3A_295 : memref<160x128xi32, #tpu.memory_space<hbm>>) dst(%arg8 : memref<160x128xi32, #tpu.memory_space<vmem>>)
      tpu.yield
    }) : () -> ()
    %mul3A = arith.constant 632 : i32
    %mul3A_0 = arith.muli %arg1, %mul3A : i32
    "tpu.region"() ({
      %run_scoped3A = tpu.sem_alloc : memref<!tpu.dma_semaphore, #tpu.memory_space<semaphore_mem>>
      %dma_start3A_280 = arith.constant 0 : i32
      %dma_start3A_281 = tpu.memref_slice %arg10[%mul3A_0, %dma_start3A_280] : memref<10112x64xf32, #tpu.memory_space<vmem_shared>> -> memref<632x64xf32, #tpu.memory_space<vmem_shared>>
      tpu.enqueue_dma source(%arg5 : memref<632x64xf32, #tpu.memory_space<hbm>>) target(%dma_start3A_281 : memref<632x64xf32, #tpu.memory_space<vmem_shared>>) target_semaphore(%run_scoped3A : memref<!tpu.dma_semaphore, #tpu.memory_space<semaphore_mem>>)
      %dma_wait3A_282 = arith.constant 0 : i32
      %dma_wait3A_283 = tpu.memref_slice %arg10[%mul3A_0, %dma_wait3A_282] : memref<10112x64xf32, #tpu.memory_space<vmem_shared>> -> memref<632x64xf32, #tpu.memory_space<vmem_shared>>
      tpu.wait_dma2 semaphore(%run_scoped3A : memref<!tpu.dma_semaphore, #tpu.memory_space<semaphore_mem>>) src(%arg5 : memref<632x64xf32, #tpu.memory_space<hbm>>) dst(%dma_wait3A_283 : memref<632x64xf32, #tpu.memory_space<vmem_shared>>)
      tpu.yield
    }) : () -> ()
    %barrier3A = arith.constant 0 : index
    tpu.barrier barrier_id(%barrier3A)
    %scan3A = arith.constant 0 : i32
    %scan3A_1 = arith.constant 26 : i32
    %scan3A_2 = arith.addi %scan3A, %scan3A_1 : i32
    %scan3A_3 = arith.constant 1 : i32
    scf.for %scan3A_280 = %scan3A to %scan3A_2 step %scan3A_3  : i32 {
      %mul3A_281 = arith.constant 1 : i32
      %mul3A_282 = arith.muli %scan3A_280, %mul3A_281 : i32
      %add3A = arith.constant 0 : i32
      %add3A_283 = arith.addi %add3A, %mul3A_282 : i32
      %mul3A_284 = arith.constant 6 : i32
      %mul3A_285 = arith.muli %add3A_283, %mul3A_284 : i32
      %add3A_286 = arith.constant 0 : i32
      %add3A_287 = arith.addi %mul3A_285, %add3A_286 : i32
      %dma_start3A_288 = arith.constant 0 : i32
      %dma_start3A_289 = arith.constant 0 : i32
      %dma_start3A_290 = arith.constant 0 : i32
      %dma_start3A_291 = arith.constant 0 : i32
      %dma_start3A_292 = tpu.memref_slice %arg9[%dma_start3A_288, %dma_start3A_290, %dma_start3A_291] : memref<6x128x64xf32, #tpu.memory_space<vmem>> -> memref<1x128x64xf32, #tpu.memory_space<vmem>>
      %dma_start3A_293 = tpu.memref_squeeze %dma_start3A_292 : memref<1x128x64xf32, #tpu.memory_space<vmem>> -> memref<128x64xf32, #tpu.memory_space<vmem>>
      %dma_start3A_294 = arith.constant 0 : i32
      %dma_start3A_295 = tpu.memref_slice %arg7[%add3A_287, %dma_start3A_294] : memref<160x128xi32, #tpu.memory_space<vmem>> -> memref<1x128xi32, #tpu.memory_space<vmem>>
      %dma_start3A_296 = tpu.memref_squeeze %dma_start3A_295 : memref<1x128xi32, #tpu.memory_space<vmem>> -> memref<128xi32, #tpu.memory_space<vmem>>
      %dma_start3A_297 = arith.constant 0 : i32
      %dma_start3A_298 = arith.constant 0 : i32
      %dma_start3A_299 = tpu.memref_slice %arg2[%arg0, %dma_start3A_297, %dma_start3A_298] : memref<2x10000x64xf32, #tpu.memory_space<hbm>> -> memref<1x10000x64xf32, #tpu.memory_space<hbm>>
      %dma_start3A_300 = tpu.memref_squeeze %dma_start3A_299 : memref<1x10000x64xf32, #tpu.memory_space<hbm>> -> memref<10000x64xf32, #tpu.memory_space<hbm>>
      %dma_start3A_301 = arith.constant 0 : i32
      %dma_start3A_302 = arith.constant 0 : i32
      %dma_start3A_303 = tpu.memref_slice %dma_start3A_300[%dma_start3A_301, %dma_start3A_302] : memref<10000x64xf32, #tpu.memory_space<hbm>> -> memref<10000x64xf32, #tpu.memory_space<hbm>>
      %dma_start3A_304 = tpu.memref_slice %arg11[%dma_start3A_289] : memref<6x!tpu.dma_semaphore, #tpu.memory_space<semaphore_mem>> -> memref<1x!tpu.dma_semaphore, #tpu.memory_space<semaphore_mem>>
      %dma_start3A_305 = tpu.memref_squeeze %dma_start3A_304 : memref<1x!tpu.dma_semaphore, #tpu.memory_space<semaphore_mem>> -> memref<!tpu.dma_semaphore, #tpu.memory_space<semaphore_mem>>
      tpu.enqueue_indirect_dma source(%dma_start3A_303 : memref<10000x64xf32, #tpu.memory_space<hbm>>) target(%dma_start3A_293 : memref<128x64xf32, #tpu.memory_space<vmem>>) offsets(%dma_start3A_296 : memref<128xi32, #tpu.memory_space<vmem>>) semaphore(%dma_start3A_305 : memref<!tpu.dma_semaphore, #tpu.memory_space<semaphore_mem>>)
      %add3A_306 = arith.constant 1 : i32
      %add3A_307 = arith.addi %mul3A_285, %add3A_306 : i32
      %dma_start3A_308 = arith.constant 1 : i32
      %dma_start3A_309 = arith.constant 1 : i32
      %dma_start3A_310 = arith.constant 0 : i32
      %dma_start3A_311 = arith.constant 0 : i32
      %dma_start3A_312 = tpu.memref_slice %arg9[%dma_start3A_308, %dma_start3A_310, %dma_start3A_311] : memref<6x128x64xf32, #tpu.memory_space<vmem>> -> memref<1x128x64xf32, #tpu.memory_space<vmem>>
      %dma_start3A_313 = tpu.memref_squeeze %dma_start3A_312 : memref<1x128x64xf32, #tpu.memory_space<vmem>> -> memref<128x64xf32, #tpu.memory_space<vmem>>
      %dma_start3A_314 = arith.constant 0 : i32
      %dma_start3A_315 = tpu.memref_slice %arg7[%add3A_307, %dma_start3A_314] : memref<160x128xi32, #tpu.memory_space<vmem>> -> memref<1x128xi32, #tpu.memory_space<vmem>>
      %dma_start3A_316 = tpu.memref_squeeze %dma_start3A_315 : memref<1x128xi32, #tpu.memory_space<vmem>> -> memref<128xi32, #tpu.memory_space<vmem>>
      %dma_start3A_317 = arith.constant 0 : i32
      %dma_start3A_318 = arith.constant 0 : i32
      %dma_start3A_319 = tpu.memref_slice %arg2[%arg0, %dma_start3A_317, %dma_start3A_318] : memref<2x10000x64xf32, #tpu.memory_space<hbm>> -> memref<1x10000x64xf32, #tpu.memory_space<hbm>>
      %dma_start3A_320 = tpu.memref_squeeze %dma_start3A_319 : memref<1x10000x64xf32, #tpu.memory_space<hbm>> -> memref<10000x64xf32, #tpu.memory_space<hbm>>
      %dma_start3A_321 = arith.constant 0 : i32
      %dma_start3A_322 = arith.constant 0 : i32
      %dma_start3A_323 = tpu.memref_slice %dma_start3A_320[%dma_start3A_321, %dma_start3A_322] : memref<10000x64xf32, #tpu.memory_space<hbm>> -> memref<10000x64xf32, #tpu.memory_space<hbm>>
      %dma_start3A_324 = tpu.memref_slice %arg11[%dma_start3A_309] : memref<6x!tpu.dma_semaphore, #tpu.memory_space<semaphore_mem>> -> memref<1x!tpu.dma_semaphore, #tpu.memory_space<semaphore_mem>>
      %dma_start3A_325 = tpu.memref_squeeze %dma_start3A_324 : memref<1x!tpu.dma_semaphore, #tpu.memory_space<semaphore_mem>> -> memref<!tpu.dma_semaphore, #tpu.memory_space<semaphore_mem>>
      tpu.enqueue_indirect_dma source(%dma_start3A_323 : memref<10000x64xf32, #tpu.memory_space<hbm>>) target(%dma_start3A_313 : memref<128x64xf32, #tpu.memory_space<vmem>>) offsets(%dma_start3A_316 : memref<128xi32, #tpu.memory_space<vmem>>) semaphore(%dma_start3A_325 : memref<!tpu.dma_semaphore, #tpu.memory_space<semaphore_mem>>)
      %add3A_326 = arith.constant 2 : i32
      %add3A_327 = arith.addi %mul3A_285, %add3A_326 : i32
      %dma_start3A_328 = arith.constant 2 : i32
      %dma_start3A_329 = arith.constant 2 : i32
      %dma_start3A_330 = arith.constant 0 : i32
      %dma_start3A_331 = arith.constant 0 : i32
      %dma_start3A_332 = tpu.memref_slice %arg9[%dma_start3A_328, %dma_start3A_330, %dma_start3A_331] : memref<6x128x64xf32, #tpu.memory_space<vmem>> -> memref<1x128x64xf32, #tpu.memory_space<vmem>>
      %dma_start3A_333 = tpu.memref_squeeze %dma_start3A_332 : memref<1x128x64xf32, #tpu.memory_space<vmem>> -> memref<128x64xf32, #tpu.memory_space<vmem>>
      %dma_start3A_334 = arith.constant 0 : i32
      %dma_start3A_335 = tpu.memref_slice %arg7[%add3A_327, %dma_start3A_334] : memref<160x128xi32, #tpu.memory_space<vmem>> -> memref<1x128xi32, #tpu.memory_space<vmem>>
      %dma_start3A_336 = tpu.memref_squeeze %dma_start3A_335 : memref<1x128xi32, #tpu.memory_space<vmem>> -> memref<128xi32, #tpu.memory_space<vmem>>
      %dma_start3A_337 = arith.constant 0 : i32
      %dma_start3A_338 = arith.constant 0 : i32
      %dma_start3A_339 = tpu.memref_slice %arg2[%arg0, %dma_start3A_337, %dma_start3A_338] : memref<2x10000x64xf32, #tpu.memory_space<hbm>> -> memref<1x10000x64xf32, #tpu.memory_space<hbm>>
      %dma_start3A_340 = tpu.memref_squeeze %dma_start3A_339 : memref<1x10000x64xf32, #tpu.memory_space<hbm>> -> memref<10000x64xf32, #tpu.memory_space<hbm>>
      %dma_start3A_341 = arith.constant 0 : i32
      %dma_start3A_342 = arith.constant 0 : i32
      %dma_start3A_343 = tpu.memref_slice %dma_start3A_340[%dma_start3A_341, %dma_start3A_342] : memref<10000x64xf32, #tpu.memory_space<hbm>> -> memref<10000x64xf32, #tpu.memory_space<hbm>>
      %dma_start3A_344 = tpu.memref_slice %arg11[%dma_start3A_329] : memref<6x!tpu.dma_semaphore, #tpu.memory_space<semaphore_mem>> -> memref<1x!tpu.dma_semaphore, #tpu.memory_space<semaphore_mem>>
      %dma_start3A_345 = tpu.memref_squeeze %dma_start3A_344 : memref<1x!tpu.dma_semaphore, #tpu.memory_space<semaphore_mem>> -> memref<!tpu.dma_semaphore, #tpu.memory_space<semaphore_mem>>
      tpu.enqueue_indirect_dma source(%dma_start3A_343 : memref<10000x64xf32, #tpu.memory_space<hbm>>) target(%dma_start3A_333 : memref<128x64xf32, #tpu.memory_space<vmem>>) offsets(%dma_start3A_336 : memref<128xi32, #tpu.memory_space<vmem>>) semaphore(%dma_start3A_345 : memref<!tpu.dma_semaphore, #tpu.memory_space<semaphore_mem>>)
      %add3A_346 = arith.constant 3 : i32
      %add3A_347 = arith.addi %mul3A_285, %add3A_346 : i32
      %dma_start3A_348 = arith.constant 3 : i32
      %dma_start3A_349 = arith.constant 3 : i32
      %dma_start3A_350 = arith.constant 0 : i32
      %dma_start3A_351 = arith.constant 0 : i32
      %dma_start3A_352 = tpu.memref_slice %arg9[%dma_start3A_348, %dma_start3A_350, %dma_start3A_351] : memref<6x128x64xf32, #tpu.memory_space<vmem>> -> memref<1x128x64xf32, #tpu.memory_space<vmem>>
      %dma_start3A_353 = tpu.memref_squeeze %dma_start3A_352 : memref<1x128x64xf32, #tpu.memory_space<vmem>> -> memref<128x64xf32, #tpu.memory_space<vmem>>
      %dma_start3A_354 = arith.constant 0 : i32
      %dma_start3A_355 = tpu.memref_slice %arg7[%add3A_347, %dma_start3A_354] : memref<160x128xi32, #tpu.memory_space<vmem>> -> memref<1x128xi32, #tpu.memory_space<vmem>>
      %dma_start3A_356 = tpu.memref_squeeze %dma_start3A_355 : memref<1x128xi32, #tpu.memory_space<vmem>> -> memref<128xi32, #tpu.memory_space<vmem>>
      %dma_start3A_357 = arith.constant 0 : i32
      %dma_start3A_358 = arith.constant 0 : i32
      %dma_start3A_359 = tpu.memref_slice %arg2[%arg0, %dma_start3A_357, %dma_start3A_358] : memref<2x10000x64xf32, #tpu.memory_space<hbm>> -> memref<1x10000x64xf32, #tpu.memory_space<hbm>>
      %dma_start3A_360 = tpu.memref_squeeze %dma_start3A_359 : memref<1x10000x64xf32, #tpu.memory_space<hbm>> -> memref<10000x64xf32, #tpu.memory_space<hbm>>
      %dma_start3A_361 = arith.constant 0 : i32
      %dma_start3A_362 = arith.constant 0 : i32
      %dma_start3A_363 = tpu.memref_slice %dma_start3A_360[%dma_start3A_361, %dma_start3A_362] : memref<10000x64xf32, #tpu.memory_space<hbm>> -> memref<10000x64xf32, #tpu.memory_space<hbm>>
      %dma_start3A_364 = tpu.memref_slice %arg11[%dma_start3A_349] : memref<6x!tpu.dma_semaphore, #tpu.memory_space<semaphore_mem>> -> memref<1x!tpu.dma_semaphore, #tpu.memory_space<semaphore_mem>>
      %dma_start3A_365 = tpu.memref_squeeze %dma_start3A_364 : memref<1x!tpu.dma_semaphore, #tpu.memory_space<semaphore_mem>> -> memref<!tpu.dma_semaphore, #tpu.memory_space<semaphore_mem>>
      tpu.enqueue_indirect_dma source(%dma_start3A_363 : memref<10000x64xf32, #tpu.memory_space<hbm>>) target(%dma_start3A_353 : memref<128x64xf32, #tpu.memory_space<vmem>>) offsets(%dma_start3A_356 : memref<128xi32, #tpu.memory_space<vmem>>) semaphore(%dma_start3A_365 : memref<!tpu.dma_semaphore, #tpu.memory_space<semaphore_mem>>)
      %add3A_366 = arith.constant 4 : i32
      %add3A_367 = arith.addi %mul3A_285, %add3A_366 : i32
      %dma_start3A_368 = arith.constant 4 : i32
      %dma_start3A_369 = arith.constant 4 : i32
      %dma_start3A_370 = arith.constant 0 : i32
      %dma_start3A_371 = arith.constant 0 : i32
      %dma_start3A_372 = tpu.memref_slice %arg9[%dma_start3A_368, %dma_start3A_370, %dma_start3A_371] : memref<6x128x64xf32, #tpu.memory_space<vmem>> -> memref<1x128x64xf32, #tpu.memory_space<vmem>>
      %dma_start3A_373 = tpu.memref_squeeze %dma_start3A_372 : memref<1x128x64xf32, #tpu.memory_space<vmem>> -> memref<128x64xf32, #tpu.memory_space<vmem>>
      %dma_start3A_374 = arith.constant 0 : i32
      %dma_start3A_375 = tpu.memref_slice %arg7[%add3A_367, %dma_start3A_374] : memref<160x128xi32, #tpu.memory_space<vmem>> -> memref<1x128xi32, #tpu.memory_space<vmem>>
      %dma_start3A_376 = tpu.memref_squeeze %dma_start3A_375 : memref<1x128xi32, #tpu.memory_space<vmem>> -> memref<128xi32, #tpu.memory_space<vmem>>
      %dma_start3A_377 = arith.constant 0 : i32
      %dma_start3A_378 = arith.constant 0 : i32
      %dma_start3A_379 = tpu.memref_slice %arg2[%arg0, %dma_start3A_377, %dma_start3A_378] : memref<2x10000x64xf32, #tpu.memory_space<hbm>> -> memref<1x10000x64xf32, #tpu.memory_space<hbm>>
      %dma_start3A_380 = tpu.memref_squeeze %dma_start3A_379 : memref<1x10000x64xf32, #tpu.memory_space<hbm>> -> memref<10000x64xf32, #tpu.memory_space<hbm>>
      %dma_start3A_381 = arith.constant 0 : i32
      %dma_start3A_382 = arith.constant 0 : i32
      %dma_start3A_383 = tpu.memref_slice %dma_start3A_380[%dma_start3A_381, %dma_start3A_382] : memref<10000x64xf32, #tpu.memory_space<hbm>> -> memref<10000x64xf32, #tpu.memory_space<hbm>>
      %dma_start3A_384 = tpu.memref_slice %arg11[%dma_start3A_369] : memref<6x!tpu.dma_semaphore, #tpu.memory_space<semaphore_mem>> -> memref<1x!tpu.dma_semaphore, #tpu.memory_space<semaphore_mem>>
      %dma_start3A_385 = tpu.memref_squeeze %dma_start3A_384 : memref<1x!tpu.dma_semaphore, #tpu.memory_space<semaphore_mem>> -> memref<!tpu.dma_semaphore, #tpu.memory_space<semaphore_mem>>
      tpu.enqueue_indirect_dma source(%dma_start3A_383 : memref<10000x64xf32, #tpu.memory_space<hbm>>) target(%dma_start3A_373 : memref<128x64xf32, #tpu.memory_space<vmem>>) offsets(%dma_start3A_376 : memref<128xi32, #tpu.memory_space<vmem>>) semaphore(%dma_start3A_385 : memref<!tpu.dma_semaphore, #tpu.memory_space<semaphore_mem>>)
      %add3A_386 = arith.constant 5 : i32
      %add3A_387 = arith.addi %mul3A_285, %add3A_386 : i32
      %dma_start3A_388 = arith.constant 5 : i32
      %dma_start3A_389 = arith.constant 5 : i32
      %dma_start3A_390 = arith.constant 0 : i32
      %dma_start3A_391 = arith.constant 0 : i32
      %dma_start3A_392 = tpu.memref_slice %arg9[%dma_start3A_388, %dma_start3A_390, %dma_start3A_391] : memref<6x128x64xf32, #tpu.memory_space<vmem>> -> memref<1x128x64xf32, #tpu.memory_space<vmem>>
      %dma_start3A_393 = tpu.memref_squeeze %dma_start3A_392 : memref<1x128x64xf32, #tpu.memory_space<vmem>> -> memref<128x64xf32, #tpu.memory_space<vmem>>
      %dma_start3A_394 = arith.constant 0 : i32
      %dma_start3A_395 = tpu.memref_slice %arg7[%add3A_387, %dma_start3A_394] : memref<160x128xi32, #tpu.memory_space<vmem>> -> memref<1x128xi32, #tpu.memory_space<vmem>>
      %dma_start3A_396 = tpu.memref_squeeze %dma_start3A_395 : memref<1x128xi32, #tpu.memory_space<vmem>> -> memref<128xi32, #tpu.memory_space<vmem>>
      %dma_start3A_397 = arith.constant 0 : i32
      %dma_start3A_398 = arith.constant 0 : i32
      %dma_start3A_399 = tpu.memref_slice %arg2[%arg0, %dma_start3A_397, %dma_start3A_398] : memref<2x10000x64xf32, #tpu.memory_space<hbm>> -> memref<1x10000x64xf32, #tpu.memory_space<hbm>>
      %dma_start3A_400 = tpu.memref_squeeze %dma_start3A_399 : memref<1x10000x64xf32, #tpu.memory_space<hbm>> -> memref<10000x64xf32, #tpu.memory_space<hbm>>
      %dma_start3A_401 = arith.constant 0 : i32
      %dma_start3A_402 = arith.constant 0 : i32
      %dma_start3A_403 = tpu.memref_slice %dma_start3A_400[%dma_start3A_401, %dma_start3A_402] : memref<10000x64xf32, #tpu.memory_space<hbm>> -> memref<10000x64xf32, #tpu.memory_space<hbm>>
      %dma_start3A_404 = tpu.memref_slice %arg11[%dma_start3A_389] : memref<6x!tpu.dma_semaphore, #tpu.memory_space<semaphore_mem>> -> memref<1x!tpu.dma_semaphore, #tpu.memory_space<semaphore_mem>>
      %dma_start3A_405 = tpu.memref_squeeze %dma_start3A_404 : memref<1x!tpu.dma_semaphore, #tpu.memory_space<semaphore_mem>> -> memref<!tpu.dma_semaphore, #tpu.memory_space<semaphore_mem>>
      tpu.enqueue_indirect_dma source(%dma_start3A_403 : memref<10000x64xf32, #tpu.memory_space<hbm>>) target(%dma_start3A_393 : memref<128x64xf32, #tpu.memory_space<vmem>>) offsets(%dma_start3A_396 : memref<128xi32, #tpu.memory_space<vmem>>) semaphore(%dma_start3A_405 : memref<!tpu.dma_semaphore, #tpu.memory_space<semaphore_mem>>)
      %dma_wait3A_406 = arith.constant 0 : i32
      %dma_wait3A_407 = arith.constant 0 : i32
      %dma_wait3A_408 = arith.constant 0 : i32
      %dma_wait3A_409 = arith.constant 0 : i32
      %dma_wait3A_410 = tpu.memref_slice %arg9[%dma_wait3A_406, %dma_wait3A_408, %dma_wait3A_409] : memref<6x128x64xf32, #tpu.memory_space<vmem>> -> memref<1x128x64xf32, #tpu.memory_space<vmem>>
      %dma_wait3A_411 = tpu.memref_squeeze %dma_wait3A_410 : memref<1x128x64xf32, #tpu.memory_space<vmem>> -> memref<128x64xf32, #tpu.memory_space<vmem>>
      %dma_wait3A_412 = arith.constant 0 : i32
      %dma_wait3A_413 = tpu.memref_slice %arg7[%add3A_287, %dma_wait3A_412] : memref<160x128xi32, #tpu.memory_space<vmem>> -> memref<1x128xi32, #tpu.memory_space<vmem>>
      %dma_wait3A_414 = tpu.memref_squeeze %dma_wait3A_413 : memref<1x128xi32, #tpu.memory_space<vmem>> -> memref<128xi32, #tpu.memory_space<vmem>>
      %dma_wait3A_415 = arith.constant 0 : i32
      %dma_wait3A_416 = arith.constant 0 : i32
      %dma_wait3A_417 = tpu.memref_slice %arg2[%arg0, %dma_wait3A_415, %dma_wait3A_416] : memref<2x10000x64xf32, #tpu.memory_space<hbm>> -> memref<1x10000x64xf32, #tpu.memory_space<hbm>>
      %dma_wait3A_418 = tpu.memref_squeeze %dma_wait3A_417 : memref<1x10000x64xf32, #tpu.memory_space<hbm>> -> memref<10000x64xf32, #tpu.memory_space<hbm>>
      %dma_wait3A_419 = arith.constant 0 : i32
      %dma_wait3A_420 = arith.constant 0 : i32
      %dma_wait3A_421 = tpu.memref_slice %dma_wait3A_418[%dma_wait3A_419, %dma_wait3A_420] : memref<10000x64xf32, #tpu.memory_space<hbm>> -> memref<10000x64xf32, #tpu.memory_space<hbm>>
      %dma_wait3A_422 = tpu.memref_slice %arg11[%dma_wait3A_407] : memref<6x!tpu.dma_semaphore, #tpu.memory_space<semaphore_mem>> -> memref<1x!tpu.dma_semaphore, #tpu.memory_space<semaphore_mem>>
      %dma_wait3A_423 = tpu.memref_squeeze %dma_wait3A_422 : memref<1x!tpu.dma_semaphore, #tpu.memory_space<semaphore_mem>> -> memref<!tpu.dma_semaphore, #tpu.memory_space<semaphore_mem>>
      tpu.wait_indirect_dma semaphore(%dma_wait3A_423 : memref<!tpu.dma_semaphore, #tpu.memory_space<semaphore_mem>>) src(%dma_wait3A_421 : memref<10000x64xf32, #tpu.memory_space<hbm>>) dst(%dma_wait3A_411 : memref<128x64xf32, #tpu.memory_space<vmem>>)
      %add3A_424 = arith.constant 0 : i32
      %add3A_425 = arith.addi %mul3A_285, %add3A_424 : i32
      %dma_start3A_426 = arith.constant 0 : i32
      %dma_start3A_427 = arith.constant 0 : i32
      %dma_start3A_428 = arith.constant 0 : i32
      %dma_start3A_429 = arith.constant 0 : i32
      %dma_start3A_430 = tpu.memref_slice %arg9[%dma_start3A_426, %dma_start3A_428, %dma_start3A_429] : memref<6x128x64xf32, #tpu.memory_space<vmem>> -> memref<1x128x64xf32, #tpu.memory_space<vmem>>
      %dma_start3A_431 = tpu.memref_squeeze %dma_start3A_430 : memref<1x128x64xf32, #tpu.memory_space<vmem>> -> memref<128x64xf32, #tpu.memory_space<vmem>>
      %dma_start3A_432 = arith.constant 0 : i32
      %dma_start3A_433 = tpu.memref_slice %arg8[%add3A_425, %dma_start3A_432] : memref<160x128xi32, #tpu.memory_space<vmem>> -> memref<1x128xi32, #tpu.memory_space<vmem>>
      %dma_start3A_434 = tpu.memref_squeeze %dma_start3A_433 : memref<1x128xi32, #tpu.memory_space<vmem>> -> memref<128xi32, #tpu.memory_space<vmem>>
      %dma_start3A_435 = arith.constant 0 : i32
      %dma_start3A_436 = arith.constant 0 : i32
      %dma_start3A_437 = tpu.memref_slice %arg10[%dma_start3A_435, %dma_start3A_436] : memref<10112x64xf32, #tpu.memory_space<vmem_shared>> -> memref<10112x64xf32, #tpu.memory_space<vmem_shared>>
      %dma_start3A_438 = tpu.memref_slice %arg12[%dma_start3A_427] : memref<6x!tpu.dma_semaphore, #tpu.memory_space<semaphore_mem>> -> memref<1x!tpu.dma_semaphore, #tpu.memory_space<semaphore_mem>>
      %dma_start3A_439 = tpu.memref_squeeze %dma_start3A_438 : memref<1x!tpu.dma_semaphore, #tpu.memory_space<semaphore_mem>> -> memref<!tpu.dma_semaphore, #tpu.memory_space<semaphore_mem>>
      tpu.enqueue_indirect_dma source(%dma_start3A_431 : memref<128x64xf32, #tpu.memory_space<vmem>>) target(%dma_start3A_437 : memref<10112x64xf32, #tpu.memory_space<vmem_shared>>) offsets(%dma_start3A_434 : memref<128xi32, #tpu.memory_space<vmem>>) semaphore(%dma_start3A_439 : memref<!tpu.dma_semaphore, #tpu.memory_space<semaphore_mem>>) {add = true}
      %dma_wait3A_440 = arith.constant 1 : i32
      %dma_wait3A_441 = arith.constant 1 : i32
      %dma_wait3A_442 = arith.constant 0 : i32
      %dma_wait3A_443 = arith.constant 0 : i32
      %dma_wait3A_444 = tpu.memref_slice %arg9[%dma_wait3A_440, %dma_wait3A_442, %dma_wait3A_443] : memref<6x128x64xf32, #tpu.memory_space<vmem>> -> memref<1x128x64xf32, #tpu.memory_space<vmem>>
      %dma_wait3A_445 = tpu.memref_squeeze %dma_wait3A_444 : memref<1x128x64xf32, #tpu.memory_space<vmem>> -> memref<128x64xf32, #tpu.memory_space<vmem>>
      %dma_wait3A_446 = arith.constant 0 : i32
      %dma_wait3A_447 = tpu.memref_slice %arg7[%add3A_307, %dma_wait3A_446] : memref<160x128xi32, #tpu.memory_space<vmem>> -> memref<1x128xi32, #tpu.memory_space<vmem>>
      %dma_wait3A_448 = tpu.memref_squeeze %dma_wait3A_447 : memref<1x128xi32, #tpu.memory_space<vmem>> -> memref<128xi32, #tpu.memory_space<vmem>>
      %dma_wait3A_449 = arith.constant 0 : i32
      %dma_wait3A_450 = arith.constant 0 : i32
      %dma_wait3A_451 = tpu.memref_slice %arg2[%arg0, %dma_wait3A_449, %dma_wait3A_450] : memref<2x10000x64xf32, #tpu.memory_space<hbm>> -> memref<1x10000x64xf32, #tpu.memory_space<hbm>>
      %dma_wait3A_452 = tpu.memref_squeeze %dma_wait3A_451 : memref<1x10000x64xf32, #tpu.memory_space<hbm>> -> memref<10000x64xf32, #tpu.memory_space<hbm>>
      %dma_wait3A_453 = arith.constant 0 : i32
      %dma_wait3A_454 = arith.constant 0 : i32
      %dma_wait3A_455 = tpu.memref_slice %dma_wait3A_452[%dma_wait3A_453, %dma_wait3A_454] : memref<10000x64xf32, #tpu.memory_space<hbm>> -> memref<10000x64xf32, #tpu.memory_space<hbm>>
      %dma_wait3A_456 = tpu.memref_slice %arg11[%dma_wait3A_441] : memref<6x!tpu.dma_semaphore, #tpu.memory_space<semaphore_mem>> -> memref<1x!tpu.dma_semaphore, #tpu.memory_space<semaphore_mem>>
      %dma_wait3A_457 = tpu.memref_squeeze %dma_wait3A_456 : memref<1x!tpu.dma_semaphore, #tpu.memory_space<semaphore_mem>> -> memref<!tpu.dma_semaphore, #tpu.memory_space<semaphore_mem>>
      tpu.wait_indirect_dma semaphore(%dma_wait3A_457 : memref<!tpu.dma_semaphore, #tpu.memory_space<semaphore_mem>>) src(%dma_wait3A_455 : memref<10000x64xf32, #tpu.memory_space<hbm>>) dst(%dma_wait3A_445 : memref<128x64xf32, #tpu.memory_space<vmem>>)
      %add3A_458 = arith.constant 1 : i32
      %add3A_459 = arith.addi %mul3A_285, %add3A_458 : i32
      %dma_start3A_460 = arith.constant 1 : i32
      %dma_start3A_461 = arith.constant 1 : i32
      %dma_start3A_462 = arith.constant 0 : i32
      %dma_start3A_463 = arith.constant 0 : i32
      %dma_start3A_464 = tpu.memref_slice %arg9[%dma_start3A_460, %dma_start3A_462, %dma_start3A_463] : memref<6x128x64xf32, #tpu.memory_space<vmem>> -> memref<1x128x64xf32, #tpu.memory_space<vmem>>
      %dma_start3A_465 = tpu.memref_squeeze %dma_start3A_464 : memref<1x128x64xf32, #tpu.memory_space<vmem>> -> memref<128x64xf32, #tpu.memory_space<vmem>>
      %dma_start3A_466 = arith.constant 0 : i32
      %dma_start3A_467 = tpu.memref_slice %arg8[%add3A_459, %dma_start3A_466] : memref<160x128xi32, #tpu.memory_space<vmem>> -> memref<1x128xi32, #tpu.memory_space<vmem>>
      %dma_start3A_468 = tpu.memref_squeeze %dma_start3A_467 : memref<1x128xi32, #tpu.memory_space<vmem>> -> memref<128xi32, #tpu.memory_space<vmem>>
      %dma_start3A_469 = arith.constant 0 : i32
      %dma_start3A_470 = arith.constant 0 : i32
      %dma_start3A_471 = tpu.memref_slice %arg10[%dma_start3A_469, %dma_start3A_470] : memref<10112x64xf32, #tpu.memory_space<vmem_shared>> -> memref<10112x64xf32, #tpu.memory_space<vmem_shared>>
      %dma_start3A_472 = tpu.memref_slice %arg12[%dma_start3A_461] : memref<6x!tpu.dma_semaphore, #tpu.memory_space<semaphore_mem>> -> memref<1x!tpu.dma_semaphore, #tpu.memory_space<semaphore_mem>>
      %dma_start3A_473 = tpu.memref_squeeze %dma_start3A_472 : memref<1x!tpu.dma_semaphore, #tpu.memory_space<semaphore_mem>> -> memref<!tpu.dma_semaphore, #tpu.memory_space<semaphore_mem>>
      tpu.enqueue_indirect_dma source(%dma_start3A_465 : memref<128x64xf32, #tpu.memory_space<vmem>>) target(%dma_start3A_471 : memref<10112x64xf32, #tpu.memory_space<vmem_shared>>) offsets(%dma_start3A_468 : memref<128xi32, #tpu.memory_space<vmem>>) semaphore(%dma_start3A_473 : memref<!tpu.dma_semaphore, #tpu.memory_space<semaphore_mem>>) {add = true}
      %dma_wait3A_474 = arith.constant 2 : i32
      %dma_wait3A_475 = arith.constant 2 : i32
      %dma_wait3A_476 = arith.constant 0 : i32
      %dma_wait3A_477 = arith.constant 0 : i32
      %dma_wait3A_478 = tpu.memref_slice %arg9[%dma_wait3A_474, %dma_wait3A_476, %dma_wait3A_477] : memref<6x128x64xf32, #tpu.memory_space<vmem>> -> memref<1x128x64xf32, #tpu.memory_space<vmem>>
      %dma_wait3A_479 = tpu.memref_squeeze %dma_wait3A_478 : memref<1x128x64xf32, #tpu.memory_space<vmem>> -> memref<128x64xf32, #tpu.memory_space<vmem>>
      %dma_wait3A_480 = arith.constant 0 : i32
      %dma_wait3A_481 = tpu.memref_slice %arg7[%add3A_327, %dma_wait3A_480] : memref<160x128xi32, #tpu.memory_space<vmem>> -> memref<1x128xi32, #tpu.memory_space<vmem>>
      %dma_wait3A_482 = tpu.memref_squeeze %dma_wait3A_481 : memref<1x128xi32, #tpu.memory_space<vmem>> -> memref<128xi32, #tpu.memory_space<vmem>>
      %dma_wait3A_483 = arith.constant 0 : i32
      %dma_wait3A_484 = arith.constant 0 : i32
      %dma_wait3A_485 = tpu.memref_slice %arg2[%arg0, %dma_wait3A_483, %dma_wait3A_484] : memref<2x10000x64xf32, #tpu.memory_space<hbm>> -> memref<1x10000x64xf32, #tpu.memory_space<hbm>>
      %dma_wait3A_486 = tpu.memref_squeeze %dma_wait3A_485 : memref<1x10000x64xf32, #tpu.memory_space<hbm>> -> memref<10000x64xf32, #tpu.memory_space<hbm>>
      %dma_wait3A_487 = arith.constant 0 : i32
      %dma_wait3A_488 = arith.constant 0 : i32
      %dma_wait3A_489 = tpu.memref_slice %dma_wait3A_486[%dma_wait3A_487, %dma_wait3A_488] : memref<10000x64xf32, #tpu.memory_space<hbm>> -> memref<10000x64xf32, #tpu.memory_space<hbm>>
      %dma_wait3A_490 = tpu.memref_slice %arg11[%dma_wait3A_475] : memref<6x!tpu.dma_semaphore, #tpu.memory_space<semaphore_mem>> -> memref<1x!tpu.dma_semaphore, #tpu.memory_space<semaphore_mem>>
      %dma_wait3A_491 = tpu.memref_squeeze %dma_wait3A_490 : memref<1x!tpu.dma_semaphore, #tpu.memory_space<semaphore_mem>> -> memref<!tpu.dma_semaphore, #tpu.memory_space<semaphore_mem>>
      tpu.wait_indirect_dma semaphore(%dma_wait3A_491 : memref<!tpu.dma_semaphore, #tpu.memory_space<semaphore_mem>>) src(%dma_wait3A_489 : memref<10000x64xf32, #tpu.memory_space<hbm>>) dst(%dma_wait3A_479 : memref<128x64xf32, #tpu.memory_space<vmem>>)
      %add3A_492 = arith.constant 2 : i32
      %add3A_493 = arith.addi %mul3A_285, %add3A_492 : i32
      %dma_start3A_494 = arith.constant 2 : i32
      %dma_start3A_495 = arith.constant 2 : i32
      %dma_start3A_496 = arith.constant 0 : i32
      %dma_start3A_497 = arith.constant 0 : i32
      %dma_start3A_498 = tpu.memref_slice %arg9[%dma_start3A_494, %dma_start3A_496, %dma_start3A_497] : memref<6x128x64xf32, #tpu.memory_space<vmem>> -> memref<1x128x64xf32, #tpu.memory_space<vmem>>
      %dma_start3A_499 = tpu.memref_squeeze %dma_start3A_498 : memref<1x128x64xf32, #tpu.memory_space<vmem>> -> memref<128x64xf32, #tpu.memory_space<vmem>>
      %dma_start3A_500 = arith.constant 0 : i32
      %dma_start3A_501 = tpu.memref_slice %arg8[%add3A_493, %dma_start3A_500] : memref<160x128xi32, #tpu.memory_space<vmem>> -> memref<1x128xi32, #tpu.memory_space<vmem>>
      %dma_start3A_502 = tpu.memref_squeeze %dma_start3A_501 : memref<1x128xi32, #tpu.memory_space<vmem>> -> memref<128xi32, #tpu.memory_space<vmem>>
      %dma_start3A_503 = arith.constant 0 : i32
      %dma_start3A_504 = arith.constant 0 : i32
      %dma_start3A_505 = tpu.memref_slice %arg10[%dma_start3A_503, %dma_start3A_504] : memref<10112x64xf32, #tpu.memory_space<vmem_shared>> -> memref<10112x64xf32, #tpu.memory_space<vmem_shared>>
      %dma_start3A_506 = tpu.memref_slice %arg12[%dma_start3A_495] : memref<6x!tpu.dma_semaphore, #tpu.memory_space<semaphore_mem>> -> memref<1x!tpu.dma_semaphore, #tpu.memory_space<semaphore_mem>>
      %dma_start3A_507 = tpu.memref_squeeze %dma_start3A_506 : memref<1x!tpu.dma_semaphore, #tpu.memory_space<semaphore_mem>> -> memref<!tpu.dma_semaphore, #tpu.memory_space<semaphore_mem>>
      tpu.enqueue_indirect_dma source(%dma_start3A_499 : memref<128x64xf32, #tpu.memory_space<vmem>>) target(%dma_start3A_505 : memref<10112x64xf32, #tpu.memory_space<vmem_shared>>) offsets(%dma_start3A_502 : memref<128xi32, #tpu.memory_space<vmem>>) semaphore(%dma_start3A_507 : memref<!tpu.dma_semaphore, #tpu.memory_space<semaphore_mem>>) {add = true}
      %dma_wait3A_508 = arith.constant 3 : i32
      %dma_wait3A_509 = arith.constant 3 : i32
      %dma_wait3A_510 = arith.constant 0 : i32
      %dma_wait3A_511 = arith.constant 0 : i32
      %dma_wait3A_512 = tpu.memref_slice %arg9[%dma_wait3A_508, %dma_wait3A_510, %dma_wait3A_511] : memref<6x128x64xf32, #tpu.memory_space<vmem>> -> memref<1x128x64xf32, #tpu.memory_space<vmem>>
      %dma_wait3A_513 = tpu.memref_squeeze %dma_wait3A_512 : memref<1x128x64xf32, #tpu.memory_space<vmem>> -> memref<128x64xf32, #tpu.memory_space<vmem>>
      %dma_wait3A_514 = arith.constant 0 : i32
      %dma_wait3A_515 = tpu.memref_slice %arg7[%add3A_347, %dma_wait3A_514] : memref<160x128xi32, #tpu.memory_space<vmem>> -> memref<1x128xi32, #tpu.memory_space<vmem>>
      %dma_wait3A_516 = tpu.memref_squeeze %dma_wait3A_515 : memref<1x128xi32, #tpu.memory_space<vmem>> -> memref<128xi32, #tpu.memory_space<vmem>>
      %dma_wait3A_517 = arith.constant 0 : i32
      %dma_wait3A_518 = arith.constant 0 : i32
      %dma_wait3A_519 = tpu.memref_slice %arg2[%arg0, %dma_wait3A_517, %dma_wait3A_518] : memref<2x10000x64xf32, #tpu.memory_space<hbm>> -> memref<1x10000x64xf32, #tpu.memory_space<hbm>>
      %dma_wait3A_520 = tpu.memref_squeeze %dma_wait3A_519 : memref<1x10000x64xf32, #tpu.memory_space<hbm>> -> memref<10000x64xf32, #tpu.memory_space<hbm>>
      %dma_wait3A_521 = arith.constant 0 : i32
      %dma_wait3A_522 = arith.constant 0 : i32
      %dma_wait3A_523 = tpu.memref_slice %dma_wait3A_520[%dma_wait3A_521, %dma_wait3A_522] : memref<10000x64xf32, #tpu.memory_space<hbm>> -> memref<10000x64xf32, #tpu.memory_space<hbm>>
      %dma_wait3A_524 = tpu.memref_slice %arg11[%dma_wait3A_509] : memref<6x!tpu.dma_semaphore, #tpu.memory_space<semaphore_mem>> -> memref<1x!tpu.dma_semaphore, #tpu.memory_space<semaphore_mem>>
      %dma_wait3A_525 = tpu.memref_squeeze %dma_wait3A_524 : memref<1x!tpu.dma_semaphore, #tpu.memory_space<semaphore_mem>> -> memref<!tpu.dma_semaphore, #tpu.memory_space<semaphore_mem>>
      tpu.wait_indirect_dma semaphore(%dma_wait3A_525 : memref<!tpu.dma_semaphore, #tpu.memory_space<semaphore_mem>>) src(%dma_wait3A_523 : memref<10000x64xf32, #tpu.memory_space<hbm>>) dst(%dma_wait3A_513 : memref<128x64xf32, #tpu.memory_space<vmem>>)
      %add3A_526 = arith.constant 3 : i32
      %add3A_527 = arith.addi %mul3A_285, %add3A_526 : i32
      %dma_start3A_528 = arith.constant 3 : i32
      %dma_start3A_529 = arith.constant 3 : i32
      %dma_start3A_530 = arith.constant 0 : i32
      %dma_start3A_531 = arith.constant 0 : i32
      %dma_start3A_532 = tpu.memref_slice %arg9[%dma_start3A_528, %dma_start3A_530, %dma_start3A_531] : memref<6x128x64xf32, #tpu.memory_space<vmem>> -> memref<1x128x64xf32, #tpu.memory_space<vmem>>
      %dma_start3A_533 = tpu.memref_squeeze %dma_start3A_532 : memref<1x128x64xf32, #tpu.memory_space<vmem>> -> memref<128x64xf32, #tpu.memory_space<vmem>>
      %dma_start3A_534 = arith.constant 0 : i32
      %dma_start3A_535 = tpu.memref_slice %arg8[%add3A_527, %dma_start3A_534] : memref<160x128xi32, #tpu.memory_space<vmem>> -> memref<1x128xi32, #tpu.memory_space<vmem>>
      %dma_start3A_536 = tpu.memref_squeeze %dma_start3A_535 : memref<1x128xi32, #tpu.memory_space<vmem>> -> memref<128xi32, #tpu.memory_space<vmem>>
      %dma_start3A_537 = arith.constant 0 : i32
      %dma_start3A_538 = arith.constant 0 : i32
      %dma_start3A_539 = tpu.memref_slice %arg10[%dma_start3A_537, %dma_start3A_538] : memref<10112x64xf32, #tpu.memory_space<vmem_shared>> -> memref<10112x64xf32, #tpu.memory_space<vmem_shared>>
      %dma_start3A_540 = tpu.memref_slice %arg12[%dma_start3A_529] : memref<6x!tpu.dma_semaphore, #tpu.memory_space<semaphore_mem>> -> memref<1x!tpu.dma_semaphore, #tpu.memory_space<semaphore_mem>>
      %dma_start3A_541 = tpu.memref_squeeze %dma_start3A_540 : memref<1x!tpu.dma_semaphore, #tpu.memory_space<semaphore_mem>> -> memref<!tpu.dma_semaphore, #tpu.memory_space<semaphore_mem>>
      tpu.enqueue_indirect_dma source(%dma_start3A_533 : memref<128x64xf32, #tpu.memory_space<vmem>>) target(%dma_start3A_539 : memref<10112x64xf32, #tpu.memory_space<vmem_shared>>) offsets(%dma_start3A_536 : memref<128xi32, #tpu.memory_space<vmem>>) semaphore(%dma_start3A_541 : memref<!tpu.dma_semaphore, #tpu.memory_space<semaphore_mem>>) {add = true}
      %dma_wait3A_542 = arith.constant 4 : i32
      %dma_wait3A_543 = arith.constant 4 : i32
      %dma_wait3A_544 = arith.constant 0 : i32
      %dma_wait3A_545 = arith.constant 0 : i32
      %dma_wait3A_546 = tpu.memref_slice %arg9[%dma_wait3A_542, %dma_wait3A_544, %dma_wait3A_545] : memref<6x128x64xf32, #tpu.memory_space<vmem>> -> memref<1x128x64xf32, #tpu.memory_space<vmem>>
      %dma_wait3A_547 = tpu.memref_squeeze %dma_wait3A_546 : memref<1x128x64xf32, #tpu.memory_space<vmem>> -> memref<128x64xf32, #tpu.memory_space<vmem>>
      %dma_wait3A_548 = arith.constant 0 : i32
      %dma_wait3A_549 = tpu.memref_slice %arg7[%add3A_367, %dma_wait3A_548] : memref<160x128xi32, #tpu.memory_space<vmem>> -> memref<1x128xi32, #tpu.memory_space<vmem>>
      %dma_wait3A_550 = tpu.memref_squeeze %dma_wait3A_549 : memref<1x128xi32, #tpu.memory_space<vmem>> -> memref<128xi32, #tpu.memory_space<vmem>>
      %dma_wait3A_551 = arith.constant 0 : i32
      %dma_wait3A_552 = arith.constant 0 : i32
      %dma_wait3A_553 = tpu.memref_slice %arg2[%arg0, %dma_wait3A_551, %dma_wait3A_552] : memref<2x10000x64xf32, #tpu.memory_space<hbm>> -> memref<1x10000x64xf32, #tpu.memory_space<hbm>>
      %dma_wait3A_554 = tpu.memref_squeeze %dma_wait3A_553 : memref<1x10000x64xf32, #tpu.memory_space<hbm>> -> memref<10000x64xf32, #tpu.memory_space<hbm>>
      %dma_wait3A_555 = arith.constant 0 : i32
      %dma_wait3A_556 = arith.constant 0 : i32
      %dma_wait3A_557 = tpu.memref_slice %dma_wait3A_554[%dma_wait3A_555, %dma_wait3A_556] : memref<10000x64xf32, #tpu.memory_space<hbm>> -> memref<10000x64xf32, #tpu.memory_space<hbm>>
      %dma_wait3A_558 = tpu.memref_slice %arg11[%dma_wait3A_543] : memref<6x!tpu.dma_semaphore, #tpu.memory_space<semaphore_mem>> -> memref<1x!tpu.dma_semaphore, #tpu.memory_space<semaphore_mem>>
      %dma_wait3A_559 = tpu.memref_squeeze %dma_wait3A_558 : memref<1x!tpu.dma_semaphore, #tpu.memory_space<semaphore_mem>> -> memref<!tpu.dma_semaphore, #tpu.memory_space<semaphore_mem>>
      tpu.wait_indirect_dma semaphore(%dma_wait3A_559 : memref<!tpu.dma_semaphore, #tpu.memory_space<semaphore_mem>>) src(%dma_wait3A_557 : memref<10000x64xf32, #tpu.memory_space<hbm>>) dst(%dma_wait3A_547 : memref<128x64xf32, #tpu.memory_space<vmem>>)
      %add3A_560 = arith.constant 4 : i32
      %add3A_561 = arith.addi %mul3A_285, %add3A_560 : i32
      %dma_start3A_562 = arith.constant 4 : i32
      %dma_start3A_563 = arith.constant 4 : i32
      %dma_start3A_564 = arith.constant 0 : i32
      %dma_start3A_565 = arith.constant 0 : i32
      %dma_start3A_566 = tpu.memref_slice %arg9[%dma_start3A_562, %dma_start3A_564, %dma_start3A_565] : memref<6x128x64xf32, #tpu.memory_space<vmem>> -> memref<1x128x64xf32, #tpu.memory_space<vmem>>
      %dma_start3A_567 = tpu.memref_squeeze %dma_start3A_566 : memref<1x128x64xf32, #tpu.memory_space<vmem>> -> memref<128x64xf32, #tpu.memory_space<vmem>>
      %dma_start3A_568 = arith.constant 0 : i32
      %dma_start3A_569 = tpu.memref_slice %arg8[%add3A_561, %dma_start3A_568] : memref<160x128xi32, #tpu.memory_space<vmem>> -> memref<1x128xi32, #tpu.memory_space<vmem>>
      %dma_start3A_570 = tpu.memref_squeeze %dma_start3A_569 : memref<1x128xi32, #tpu.memory_space<vmem>> -> memref<128xi32, #tpu.memory_space<vmem>>
      %dma_start3A_571 = arith.constant 0 : i32
      %dma_start3A_572 = arith.constant 0 : i32
      %dma_start3A_573 = tpu.memref_slice %arg10[%dma_start3A_571, %dma_start3A_572] : memref<10112x64xf32, #tpu.memory_space<vmem_shared>> -> memref<10112x64xf32, #tpu.memory_space<vmem_shared>>
      %dma_start3A_574 = tpu.memref_slice %arg12[%dma_start3A_563] : memref<6x!tpu.dma_semaphore, #tpu.memory_space<semaphore_mem>> -> memref<1x!tpu.dma_semaphore, #tpu.memory_space<semaphore_mem>>
      %dma_start3A_575 = tpu.memref_squeeze %dma_start3A_574 : memref<1x!tpu.dma_semaphore, #tpu.memory_space<semaphore_mem>> -> memref<!tpu.dma_semaphore, #tpu.memory_space<semaphore_mem>>
      tpu.enqueue_indirect_dma source(%dma_start3A_567 : memref<128x64xf32, #tpu.memory_space<vmem>>) target(%dma_start3A_573 : memref<10112x64xf32, #tpu.memory_space<vmem_shared>>) offsets(%dma_start3A_570 : memref<128xi32, #tpu.memory_space<vmem>>) semaphore(%dma_start3A_575 : memref<!tpu.dma_semaphore, #tpu.memory_space<semaphore_mem>>) {add = true}
      %dma_wait3A_576 = arith.constant 5 : i32
      %dma_wait3A_577 = arith.constant 5 : i32
      %dma_wait3A_578 = arith.constant 0 : i32
      %dma_wait3A_579 = arith.constant 0 : i32
      %dma_wait3A_580 = tpu.memref_slice %arg9[%dma_wait3A_576, %dma_wait3A_578, %dma_wait3A_579] : memref<6x128x64xf32, #tpu.memory_space<vmem>> -> memref<1x128x64xf32, #tpu.memory_space<vmem>>
      %dma_wait3A_581 = tpu.memref_squeeze %dma_wait3A_580 : memref<1x128x64xf32, #tpu.memory_space<vmem>> -> memref<128x64xf32, #tpu.memory_space<vmem>>
      %dma_wait3A_582 = arith.constant 0 : i32
      %dma_wait3A_583 = tpu.memref_slice %arg7[%add3A_387, %dma_wait3A_582] : memref<160x128xi32, #tpu.memory_space<vmem>> -> memref<1x128xi32, #tpu.memory_space<vmem>>
      %dma_wait3A_584 = tpu.memref_squeeze %dma_wait3A_583 : memref<1x128xi32, #tpu.memory_space<vmem>> -> memref<128xi32, #tpu.memory_space<vmem>>
      %dma_wait3A_585 = arith.constant 0 : i32
      %dma_wait3A_586 = arith.constant 0 : i32
      %dma_wait3A_587 = tpu.memref_slice %arg2[%arg0, %dma_wait3A_585, %dma_wait3A_586] : memref<2x10000x64xf32, #tpu.memory_space<hbm>> -> memref<1x10000x64xf32, #tpu.memory_space<hbm>>
      %dma_wait3A_588 = tpu.memref_squeeze %dma_wait3A_587 : memref<1x10000x64xf32, #tpu.memory_space<hbm>> -> memref<10000x64xf32, #tpu.memory_space<hbm>>
      %dma_wait3A_589 = arith.constant 0 : i32
      %dma_wait3A_590 = arith.constant 0 : i32
      %dma_wait3A_591 = tpu.memref_slice %dma_wait3A_588[%dma_wait3A_589, %dma_wait3A_590] : memref<10000x64xf32, #tpu.memory_space<hbm>> -> memref<10000x64xf32, #tpu.memory_space<hbm>>
      %dma_wait3A_592 = tpu.memref_slice %arg11[%dma_wait3A_577] : memref<6x!tpu.dma_semaphore, #tpu.memory_space<semaphore_mem>> -> memref<1x!tpu.dma_semaphore, #tpu.memory_space<semaphore_mem>>
      %dma_wait3A_593 = tpu.memref_squeeze %dma_wait3A_592 : memref<1x!tpu.dma_semaphore, #tpu.memory_space<semaphore_mem>> -> memref<!tpu.dma_semaphore, #tpu.memory_space<semaphore_mem>>
      tpu.wait_indirect_dma semaphore(%dma_wait3A_593 : memref<!tpu.dma_semaphore, #tpu.memory_space<semaphore_mem>>) src(%dma_wait3A_591 : memref<10000x64xf32, #tpu.memory_space<hbm>>) dst(%dma_wait3A_581 : memref<128x64xf32, #tpu.memory_space<vmem>>)
      %add3A_594 = arith.constant 5 : i32
      %add3A_595 = arith.addi %mul3A_285, %add3A_594 : i32
      %dma_start3A_596 = arith.constant 5 : i32
      %dma_start3A_597 = arith.constant 5 : i32
      %dma_start3A_598 = arith.constant 0 : i32
      %dma_start3A_599 = arith.constant 0 : i32
      %dma_start3A_600 = tpu.memref_slice %arg9[%dma_start3A_596, %dma_start3A_598, %dma_start3A_599] : memref<6x128x64xf32, #tpu.memory_space<vmem>> -> memref<1x128x64xf32, #tpu.memory_space<vmem>>
      %dma_start3A_601 = tpu.memref_squeeze %dma_start3A_600 : memref<1x128x64xf32, #tpu.memory_space<vmem>> -> memref<128x64xf32, #tpu.memory_space<vmem>>
      %dma_start3A_602 = arith.constant 0 : i32
      %dma_start3A_603 = tpu.memref_slice %arg8[%add3A_595, %dma_start3A_602] : memref<160x128xi32, #tpu.memory_space<vmem>> -> memref<1x128xi32, #tpu.memory_space<vmem>>
      %dma_start3A_604 = tpu.memref_squeeze %dma_start3A_603 : memref<1x128xi32, #tpu.memory_space<vmem>> -> memref<128xi32, #tpu.memory_space<vmem>>
      %dma_start3A_605 = arith.constant 0 : i32
      %dma_start3A_606 = arith.constant 0 : i32
      %dma_start3A_607 = tpu.memref_slice %arg10[%dma_start3A_605, %dma_start3A_606] : memref<10112x64xf32, #tpu.memory_space<vmem_shared>> -> memref<10112x64xf32, #tpu.memory_space<vmem_shared>>
      %dma_start3A_608 = tpu.memref_slice %arg12[%dma_start3A_597] : memref<6x!tpu.dma_semaphore, #tpu.memory_space<semaphore_mem>> -> memref<1x!tpu.dma_semaphore, #tpu.memory_space<semaphore_mem>>
      %dma_start3A_609 = tpu.memref_squeeze %dma_start3A_608 : memref<1x!tpu.dma_semaphore, #tpu.memory_space<semaphore_mem>> -> memref<!tpu.dma_semaphore, #tpu.memory_space<semaphore_mem>>
      tpu.enqueue_indirect_dma source(%dma_start3A_601 : memref<128x64xf32, #tpu.memory_space<vmem>>) target(%dma_start3A_607 : memref<10112x64xf32, #tpu.memory_space<vmem_shared>>) offsets(%dma_start3A_604 : memref<128xi32, #tpu.memory_space<vmem>>) semaphore(%dma_start3A_609 : memref<!tpu.dma_semaphore, #tpu.memory_space<semaphore_mem>>) {add = true}
      %dma_wait3A_610 = arith.constant 0 : i32
      %dma_wait3A_611 = arith.constant 0 : i32
      %dma_wait3A_612 = arith.constant 0 : i32
      %dma_wait3A_613 = arith.constant 0 : i32
      %dma_wait3A_614 = tpu.memref_slice %arg9[%dma_wait3A_610, %dma_wait3A_612, %dma_wait3A_613] : memref<6x128x64xf32, #tpu.memory_space<vmem>> -> memref<1x128x64xf32, #tpu.memory_space<vmem>>
      %dma_wait3A_615 = tpu.memref_squeeze %dma_wait3A_614 : memref<1x128x64xf32, #tpu.memory_space<vmem>> -> memref<128x64xf32, #tpu.memory_space<vmem>>
      %dma_wait3A_616 = arith.constant 0 : i32
      %dma_wait3A_617 = tpu.memref_slice %arg8[%add3A_425, %dma_wait3A_616] : memref<160x128xi32, #tpu.memory_space<vmem>> -> memref<1x128xi32, #tpu.memory_space<vmem>>
      %dma_wait3A_618 = tpu.memref_squeeze %dma_wait3A_617 : memref<1x128xi32, #tpu.memory_space<vmem>> -> memref<128xi32, #tpu.memory_space<vmem>>
      %dma_wait3A_619 = arith.constant 0 : i32
      %dma_wait3A_620 = arith.constant 0 : i32
      %dma_wait3A_621 = tpu.memref_slice %arg10[%dma_wait3A_619, %dma_wait3A_620] : memref<10112x64xf32, #tpu.memory_space<vmem_shared>> -> memref<10112x64xf32, #tpu.memory_space<vmem_shared>>
      %dma_wait3A_622 = tpu.memref_slice %arg12[%dma_wait3A_611] : memref<6x!tpu.dma_semaphore, #tpu.memory_space<semaphore_mem>> -> memref<1x!tpu.dma_semaphore, #tpu.memory_space<semaphore_mem>>
      %dma_wait3A_623 = tpu.memref_squeeze %dma_wait3A_622 : memref<1x!tpu.dma_semaphore, #tpu.memory_space<semaphore_mem>> -> memref<!tpu.dma_semaphore, #tpu.memory_space<semaphore_mem>>
      tpu.wait_indirect_dma semaphore(%dma_wait3A_623 : memref<!tpu.dma_semaphore, #tpu.memory_space<semaphore_mem>>) src(%dma_wait3A_615 : memref<128x64xf32, #tpu.memory_space<vmem>>) dst(%dma_wait3A_621 : memref<10112x64xf32, #tpu.memory_space<vmem_shared>>)
      %dma_wait3A_624 = arith.constant 1 : i32
      %dma_wait3A_625 = arith.constant 1 : i32
      %dma_wait3A_626 = arith.constant 0 : i32
      %dma_wait3A_627 = arith.constant 0 : i32
      %dma_wait3A_628 = tpu.memref_slice %arg9[%dma_wait3A_624, %dma_wait3A_626, %dma_wait3A_627] : memref<6x128x64xf32, #tpu.memory_space<vmem>> -> memref<1x128x64xf32, #tpu.memory_space<vmem>>
      %dma_wait3A_629 = tpu.memref_squeeze %dma_wait3A_628 : memref<1x128x64xf32, #tpu.memory_space<vmem>> -> memref<128x64xf32, #tpu.memory_space<vmem>>
      %dma_wait3A_630 = arith.constant 0 : i32
      %dma_wait3A_631 = tpu.memref_slice %arg8[%add3A_459, %dma_wait3A_630] : memref<160x128xi32, #tpu.memory_space<vmem>> -> memref<1x128xi32, #tpu.memory_space<vmem>>
      %dma_wait3A_632 = tpu.memref_squeeze %dma_wait3A_631 : memref<1x128xi32, #tpu.memory_space<vmem>> -> memref<128xi32, #tpu.memory_space<vmem>>
      %dma_wait3A_633 = arith.constant 0 : i32
      %dma_wait3A_634 = arith.constant 0 : i32
      %dma_wait3A_635 = tpu.memref_slice %arg10[%dma_wait3A_633, %dma_wait3A_634] : memref<10112x64xf32, #tpu.memory_space<vmem_shared>> -> memref<10112x64xf32, #tpu.memory_space<vmem_shared>>
      %dma_wait3A_636 = tpu.memref_slice %arg12[%dma_wait3A_625] : memref<6x!tpu.dma_semaphore, #tpu.memory_space<semaphore_mem>> -> memref<1x!tpu.dma_semaphore, #tpu.memory_space<semaphore_mem>>
      %dma_wait3A_637 = tpu.memref_squeeze %dma_wait3A_636 : memref<1x!tpu.dma_semaphore, #tpu.memory_space<semaphore_mem>> -> memref<!tpu.dma_semaphore, #tpu.memory_space<semaphore_mem>>
      tpu.wait_indirect_dma semaphore(%dma_wait3A_637 : memref<!tpu.dma_semaphore, #tpu.memory_space<semaphore_mem>>) src(%dma_wait3A_629 : memref<128x64xf32, #tpu.memory_space<vmem>>) dst(%dma_wait3A_635 : memref<10112x64xf32, #tpu.memory_space<vmem_shared>>)
      %dma_wait3A_638 = arith.constant 2 : i32
      %dma_wait3A_639 = arith.constant 2 : i32
      %dma_wait3A_640 = arith.constant 0 : i32
      %dma_wait3A_641 = arith.constant 0 : i32
      %dma_wait3A_642 = tpu.memref_slice %arg9[%dma_wait3A_638, %dma_wait3A_640, %dma_wait3A_641] : memref<6x128x64xf32, #tpu.memory_space<vmem>> -> memref<1x128x64xf32, #tpu.memory_space<vmem>>
      %dma_wait3A_643 = tpu.memref_squeeze %dma_wait3A_642 : memref<1x128x64xf32, #tpu.memory_space<vmem>> -> memref<128x64xf32, #tpu.memory_space<vmem>>
      %dma_wait3A_644 = arith.constant 0 : i32
      %dma_wait3A_645 = tpu.memref_slice %arg8[%add3A_493, %dma_wait3A_644] : memref<160x128xi32, #tpu.memory_space<vmem>> -> memref<1x128xi32, #tpu.memory_space<vmem>>
      %dma_wait3A_646 = tpu.memref_squeeze %dma_wait3A_645 : memref<1x128xi32, #tpu.memory_space<vmem>> -> memref<128xi32, #tpu.memory_space<vmem>>
      %dma_wait3A_647 = arith.constant 0 : i32
      %dma_wait3A_648 = arith.constant 0 : i32
      %dma_wait3A_649 = tpu.memref_slice %arg10[%dma_wait3A_647, %dma_wait3A_648] : memref<10112x64xf32, #tpu.memory_space<vmem_shared>> -> memref<10112x64xf32, #tpu.memory_space<vmem_shared>>
      %dma_wait3A_650 = tpu.memref_slice %arg12[%dma_wait3A_639] : memref<6x!tpu.dma_semaphore, #tpu.memory_space<semaphore_mem>> -> memref<1x!tpu.dma_semaphore, #tpu.memory_space<semaphore_mem>>
      %dma_wait3A_651 = tpu.memref_squeeze %dma_wait3A_650 : memref<1x!tpu.dma_semaphore, #tpu.memory_space<semaphore_mem>> -> memref<!tpu.dma_semaphore, #tpu.memory_space<semaphore_mem>>
      tpu.wait_indirect_dma semaphore(%dma_wait3A_651 : memref<!tpu.dma_semaphore, #tpu.memory_space<semaphore_mem>>) src(%dma_wait3A_643 : memref<128x64xf32, #tpu.memory_space<vmem>>) dst(%dma_wait3A_649 : memref<10112x64xf32, #tpu.memory_space<vmem_shared>>)
      %dma_wait3A_652 = arith.constant 3 : i32
      %dma_wait3A_653 = arith.constant 3 : i32
      %dma_wait3A_654 = arith.constant 0 : i32
      %dma_wait3A_655 = arith.constant 0 : i32
      %dma_wait3A_656 = tpu.memref_slice %arg9[%dma_wait3A_652, %dma_wait3A_654, %dma_wait3A_655] : memref<6x128x64xf32, #tpu.memory_space<vmem>> -> memref<1x128x64xf32, #tpu.memory_space<vmem>>
      %dma_wait3A_657 = tpu.memref_squeeze %dma_wait3A_656 : memref<1x128x64xf32, #tpu.memory_space<vmem>> -> memref<128x64xf32, #tpu.memory_space<vmem>>
      %dma_wait3A_658 = arith.constant 0 : i32
      %dma_wait3A_659 = tpu.memref_slice %arg8[%add3A_527, %dma_wait3A_658] : memref<160x128xi32, #tpu.memory_space<vmem>> -> memref<1x128xi32, #tpu.memory_space<vmem>>
      %dma_wait3A_660 = tpu.memref_squeeze %dma_wait3A_659 : memref<1x128xi32, #tpu.memory_space<vmem>> -> memref<128xi32, #tpu.memory_space<vmem>>
      %dma_wait3A_661 = arith.constant 0 : i32
      %dma_wait3A_662 = arith.constant 0 : i32
      %dma_wait3A_663 = tpu.memref_slice %arg10[%dma_wait3A_661, %dma_wait3A_662] : memref<10112x64xf32, #tpu.memory_space<vmem_shared>> -> memref<10112x64xf32, #tpu.memory_space<vmem_shared>>
      %dma_wait3A_664 = tpu.memref_slice %arg12[%dma_wait3A_653] : memref<6x!tpu.dma_semaphore, #tpu.memory_space<semaphore_mem>> -> memref<1x!tpu.dma_semaphore, #tpu.memory_space<semaphore_mem>>
      %dma_wait3A_665 = tpu.memref_squeeze %dma_wait3A_664 : memref<1x!tpu.dma_semaphore, #tpu.memory_space<semaphore_mem>> -> memref<!tpu.dma_semaphore, #tpu.memory_space<semaphore_mem>>
      tpu.wait_indirect_dma semaphore(%dma_wait3A_665 : memref<!tpu.dma_semaphore, #tpu.memory_space<semaphore_mem>>) src(%dma_wait3A_657 : memref<128x64xf32, #tpu.memory_space<vmem>>) dst(%dma_wait3A_663 : memref<10112x64xf32, #tpu.memory_space<vmem_shared>>)
      %dma_wait3A_666 = arith.constant 4 : i32
      %dma_wait3A_667 = arith.constant 4 : i32
      %dma_wait3A_668 = arith.constant 0 : i32
      %dma_wait3A_669 = arith.constant 0 : i32
      %dma_wait3A_670 = tpu.memref_slice %arg9[%dma_wait3A_666, %dma_wait3A_668, %dma_wait3A_669] : memref<6x128x64xf32, #tpu.memory_space<vmem>> -> memref<1x128x64xf32, #tpu.memory_space<vmem>>
      %dma_wait3A_671 = tpu.memref_squeeze %dma_wait3A_670 : memref<1x128x64xf32, #tpu.memory_space<vmem>> -> memref<128x64xf32, #tpu.memory_space<vmem>>
      %dma_wait3A_672 = arith.constant 0 : i32
      %dma_wait3A_673 = tpu.memref_slice %arg8[%add3A_561, %dma_wait3A_672] : memref<160x128xi32, #tpu.memory_space<vmem>> -> memref<1x128xi32, #tpu.memory_space<vmem>>
      %dma_wait3A_674 = tpu.memref_squeeze %dma_wait3A_673 : memref<1x128xi32, #tpu.memory_space<vmem>> -> memref<128xi32, #tpu.memory_space<vmem>>
      %dma_wait3A_675 = arith.constant 0 : i32
      %dma_wait3A_676 = arith.constant 0 : i32
      %dma_wait3A_677 = tpu.memref_slice %arg10[%dma_wait3A_675, %dma_wait3A_676] : memref<10112x64xf32, #tpu.memory_space<vmem_shared>> -> memref<10112x64xf32, #tpu.memory_space<vmem_shared>>
      %dma_wait3A_678 = tpu.memref_slice %arg12[%dma_wait3A_667] : memref<6x!tpu.dma_semaphore, #tpu.memory_space<semaphore_mem>> -> memref<1x!tpu.dma_semaphore, #tpu.memory_space<semaphore_mem>>
      %dma_wait3A_679 = tpu.memref_squeeze %dma_wait3A_678 : memref<1x!tpu.dma_semaphore, #tpu.memory_space<semaphore_mem>> -> memref<!tpu.dma_semaphore, #tpu.memory_space<semaphore_mem>>
      tpu.wait_indirect_dma semaphore(%dma_wait3A_679 : memref<!tpu.dma_semaphore, #tpu.memory_space<semaphore_mem>>) src(%dma_wait3A_671 : memref<128x64xf32, #tpu.memory_space<vmem>>) dst(%dma_wait3A_677 : memref<10112x64xf32, #tpu.memory_space<vmem_shared>>)
      %dma_wait3A_680 = arith.constant 5 : i32
      %dma_wait3A_681 = arith.constant 5 : i32
      %dma_wait3A_682 = arith.constant 0 : i32
      %dma_wait3A_683 = arith.constant 0 : i32
      %dma_wait3A_684 = tpu.memref_slice %arg9[%dma_wait3A_680, %dma_wait3A_682, %dma_wait3A_683] : memref<6x128x64xf32, #tpu.memory_space<vmem>> -> memref<1x128x64xf32, #tpu.memory_space<vmem>>
      %dma_wait3A_685 = tpu.memref_squeeze %dma_wait3A_684 : memref<1x128x64xf32, #tpu.memory_space<vmem>> -> memref<128x64xf32, #tpu.memory_space<vmem>>
      %dma_wait3A_686 = arith.constant 0 : i32
      %dma_wait3A_687 = tpu.memref_slice %arg8[%add3A_595, %dma_wait3A_686] : memref<160x128xi32, #tpu.memory_space<vmem>> -> memref<1x128xi32, #tpu.memory_space<vmem>>
      %dma_wait3A_688 = tpu.memref_squeeze %dma_wait3A_687 : memref<1x128xi32, #tpu.memory_space<vmem>> -> memref<128xi32, #tpu.memory_space<vmem>>
      %dma_wait3A_689 = arith.constant 0 : i32
      %dma_wait3A_690 = arith.constant 0 : i32
      %dma_wait3A_691 = tpu.memref_slice %arg10[%dma_wait3A_689, %dma_wait3A_690] : memref<10112x64xf32, #tpu.memory_space<vmem_shared>> -> memref<10112x64xf32, #tpu.memory_space<vmem_shared>>
      %dma_wait3A_692 = tpu.memref_slice %arg12[%dma_wait3A_681] : memref<6x!tpu.dma_semaphore, #tpu.memory_space<semaphore_mem>> -> memref<1x!tpu.dma_semaphore, #tpu.memory_space<semaphore_mem>>
      %dma_wait3A_693 = tpu.memref_squeeze %dma_wait3A_692 : memref<1x!tpu.dma_semaphore, #tpu.memory_space<semaphore_mem>> -> memref<!tpu.dma_semaphore, #tpu.memory_space<semaphore_mem>>
      tpu.wait_indirect_dma semaphore(%dma_wait3A_693 : memref<!tpu.dma_semaphore, #tpu.memory_space<semaphore_mem>>) src(%dma_wait3A_685 : memref<128x64xf32, #tpu.memory_space<vmem>>) dst(%dma_wait3A_691 : memref<10112x64xf32, #tpu.memory_space<vmem_shared>>)
    }
    %scan3A_4 = arith.constant 26 : i32
    %dma_start3A = arith.constant 156 : i32
    %dma_start3A_5 = arith.constant 0 : i32
    %dma_start3A_6 = arith.constant 0 : i32
    %dma_start3A_7 = arith.constant 0 : i32
    %dma_start3A_8 = arith.constant 0 : i32
    %dma_start3A_9 = tpu.memref_slice %arg9[%dma_start3A_5, %dma_start3A_7, %dma_start3A_8] : memref<6x128x64xf32, #tpu.memory_space<vmem>> -> memref<1x128x64xf32, #tpu.memory_space<vmem>>
    %dma_start3A_10 = tpu.memref_squeeze %dma_start3A_9 : memref<1x128x64xf32, #tpu.memory_space<vmem>> -> memref<128x64xf32, #tpu.memory_space<vmem>>
    %dma_start3A_11 = arith.constant 0 : i32
    %dma_start3A_12 = tpu.memref_slice %arg7[%dma_start3A, %dma_start3A_11] : memref<160x128xi32, #tpu.memory_space<vmem>> -> memref<1x128xi32, #tpu.memory_space<vmem>>
    %dma_start3A_13 = tpu.memref_squeeze %dma_start3A_12 : memref<1x128xi32, #tpu.memory_space<vmem>> -> memref<128xi32, #tpu.memory_space<vmem>>
    %dma_start3A_14 = arith.constant 0 : i32
    %dma_start3A_15 = arith.constant 0 : i32
    %dma_start3A_16 = tpu.memref_slice %arg2[%arg0, %dma_start3A_14, %dma_start3A_15] : memref<2x10000x64xf32, #tpu.memory_space<hbm>> -> memref<1x10000x64xf32, #tpu.memory_space<hbm>>
    %dma_start3A_17 = tpu.memref_squeeze %dma_start3A_16 : memref<1x10000x64xf32, #tpu.memory_space<hbm>> -> memref<10000x64xf32, #tpu.memory_space<hbm>>
    %dma_start3A_18 = arith.constant 0 : i32
    %dma_start3A_19 = arith.constant 0 : i32
    %dma_start3A_20 = tpu.memref_slice %dma_start3A_17[%dma_start3A_18, %dma_start3A_19] : memref<10000x64xf32, #tpu.memory_space<hbm>> -> memref<10000x64xf32, #tpu.memory_space<hbm>>
    %dma_start3A_21 = tpu.memref_slice %arg11[%dma_start3A_6] : memref<6x!tpu.dma_semaphore, #tpu.memory_space<semaphore_mem>> -> memref<1x!tpu.dma_semaphore, #tpu.memory_space<semaphore_mem>>
    %dma_start3A_22 = tpu.memref_squeeze %dma_start3A_21 : memref<1x!tpu.dma_semaphore, #tpu.memory_space<semaphore_mem>> -> memref<!tpu.dma_semaphore, #tpu.memory_space<semaphore_mem>>
    tpu.enqueue_indirect_dma source(%dma_start3A_20 : memref<10000x64xf32, #tpu.memory_space<hbm>>) target(%dma_start3A_10 : memref<128x64xf32, #tpu.memory_space<vmem>>) offsets(%dma_start3A_13 : memref<128xi32, #tpu.memory_space<vmem>>) semaphore(%dma_start3A_22 : memref<!tpu.dma_semaphore, #tpu.memory_space<semaphore_mem>>)
    %dma_start3A_23 = arith.constant 157 : i32
    %dma_start3A_24 = arith.constant 1 : i32
    %dma_start3A_25 = arith.constant 1 : i32
    %dma_start3A_26 = arith.constant 0 : i32
    %dma_start3A_27 = arith.constant 0 : i32
    %dma_start3A_28 = tpu.memref_slice %arg9[%dma_start3A_24, %dma_start3A_26, %dma_start3A_27] : memref<6x128x64xf32, #tpu.memory_space<vmem>> -> memref<1x128x64xf32, #tpu.memory_space<vmem>>
    %dma_start3A_29 = tpu.memref_squeeze %dma_start3A_28 : memref<1x128x64xf32, #tpu.memory_space<vmem>> -> memref<128x64xf32, #tpu.memory_space<vmem>>
    %dma_start3A_30 = arith.constant 0 : i32
    %dma_start3A_31 = tpu.memref_slice %arg7[%dma_start3A_23, %dma_start3A_30] : memref<160x128xi32, #tpu.memory_space<vmem>> -> memref<1x128xi32, #tpu.memory_space<vmem>>
    %dma_start3A_32 = tpu.memref_squeeze %dma_start3A_31 : memref<1x128xi32, #tpu.memory_space<vmem>> -> memref<128xi32, #tpu.memory_space<vmem>>
    %dma_start3A_33 = arith.constant 0 : i32
    %dma_start3A_34 = arith.constant 0 : i32
    %dma_start3A_35 = tpu.memref_slice %arg2[%arg0, %dma_start3A_33, %dma_start3A_34] : memref<2x10000x64xf32, #tpu.memory_space<hbm>> -> memref<1x10000x64xf32, #tpu.memory_space<hbm>>
    %dma_start3A_36 = tpu.memref_squeeze %dma_start3A_35 : memref<1x10000x64xf32, #tpu.memory_space<hbm>> -> memref<10000x64xf32, #tpu.memory_space<hbm>>
    %dma_start3A_37 = arith.constant 0 : i32
    %dma_start3A_38 = arith.constant 0 : i32
    %dma_start3A_39 = tpu.memref_slice %dma_start3A_36[%dma_start3A_37, %dma_start3A_38] : memref<10000x64xf32, #tpu.memory_space<hbm>> -> memref<10000x64xf32, #tpu.memory_space<hbm>>
    %dma_start3A_40 = tpu.memref_slice %arg11[%dma_start3A_25] : memref<6x!tpu.dma_semaphore, #tpu.memory_space<semaphore_mem>> -> memref<1x!tpu.dma_semaphore, #tpu.memory_space<semaphore_mem>>
    %dma_start3A_41 = tpu.memref_squeeze %dma_start3A_40 : memref<1x!tpu.dma_semaphore, #tpu.memory_space<semaphore_mem>> -> memref<!tpu.dma_semaphore, #tpu.memory_space<semaphore_mem>>
    tpu.enqueue_indirect_dma source(%dma_start3A_39 : memref<10000x64xf32, #tpu.memory_space<hbm>>) target(%dma_start3A_29 : memref<128x64xf32, #tpu.memory_space<vmem>>) offsets(%dma_start3A_32 : memref<128xi32, #tpu.memory_space<vmem>>) semaphore(%dma_start3A_41 : memref<!tpu.dma_semaphore, #tpu.memory_space<semaphore_mem>>)
    %dma_start3A_42 = arith.constant 158 : i32
    %dma_start3A_43 = arith.constant 2 : i32
    %dma_start3A_44 = arith.constant 2 : i32
    %dma_start3A_45 = arith.constant 0 : i32
    %dma_start3A_46 = arith.constant 0 : i32
    %dma_start3A_47 = tpu.memref_slice %arg9[%dma_start3A_43, %dma_start3A_45, %dma_start3A_46] : memref<6x128x64xf32, #tpu.memory_space<vmem>> -> memref<1x128x64xf32, #tpu.memory_space<vmem>>
    %dma_start3A_48 = tpu.memref_squeeze %dma_start3A_47 : memref<1x128x64xf32, #tpu.memory_space<vmem>> -> memref<128x64xf32, #tpu.memory_space<vmem>>
    %dma_start3A_49 = arith.constant 0 : i32
    %dma_start3A_50 = tpu.memref_slice %arg7[%dma_start3A_42, %dma_start3A_49] : memref<160x128xi32, #tpu.memory_space<vmem>> -> memref<1x128xi32, #tpu.memory_space<vmem>>
    %dma_start3A_51 = tpu.memref_squeeze %dma_start3A_50 : memref<1x128xi32, #tpu.memory_space<vmem>> -> memref<128xi32, #tpu.memory_space<vmem>>
    %dma_start3A_52 = arith.constant 0 : i32
    %dma_start3A_53 = arith.constant 0 : i32
    %dma_start3A_54 = tpu.memref_slice %arg2[%arg0, %dma_start3A_52, %dma_start3A_53] : memref<2x10000x64xf32, #tpu.memory_space<hbm>> -> memref<1x10000x64xf32, #tpu.memory_space<hbm>>
    %dma_start3A_55 = tpu.memref_squeeze %dma_start3A_54 : memref<1x10000x64xf32, #tpu.memory_space<hbm>> -> memref<10000x64xf32, #tpu.memory_space<hbm>>
    %dma_start3A_56 = arith.constant 0 : i32
    %dma_start3A_57 = arith.constant 0 : i32
    %dma_start3A_58 = tpu.memref_slice %dma_start3A_55[%dma_start3A_56, %dma_start3A_57] : memref<10000x64xf32, #tpu.memory_space<hbm>> -> memref<10000x64xf32, #tpu.memory_space<hbm>>
    %dma_start3A_59 = tpu.memref_slice %arg11[%dma_start3A_44] : memref<6x!tpu.dma_semaphore, #tpu.memory_space<semaphore_mem>> -> memref<1x!tpu.dma_semaphore, #tpu.memory_space<semaphore_mem>>
    %dma_start3A_60 = tpu.memref_squeeze %dma_start3A_59 : memref<1x!tpu.dma_semaphore, #tpu.memory_space<semaphore_mem>> -> memref<!tpu.dma_semaphore, #tpu.memory_space<semaphore_mem>>
    tpu.enqueue_indirect_dma source(%dma_start3A_58 : memref<10000x64xf32, #tpu.memory_space<hbm>>) target(%dma_start3A_48 : memref<128x64xf32, #tpu.memory_space<vmem>>) offsets(%dma_start3A_51 : memref<128xi32, #tpu.memory_space<vmem>>) semaphore(%dma_start3A_60 : memref<!tpu.dma_semaphore, #tpu.memory_space<semaphore_mem>>)
    %dma_start3A_61 = arith.constant 159 : i32
    %dma_start3A_62 = arith.constant 3 : i32
    %dma_start3A_63 = arith.constant 3 : i32
    %dma_start3A_64 = arith.constant 0 : i32
    %dma_start3A_65 = arith.constant 0 : i32
    %dma_start3A_66 = tpu.memref_slice %arg9[%dma_start3A_62, %dma_start3A_64, %dma_start3A_65] : memref<6x128x64xf32, #tpu.memory_space<vmem>> -> memref<1x128x64xf32, #tpu.memory_space<vmem>>
    %dma_start3A_67 = tpu.memref_squeeze %dma_start3A_66 : memref<1x128x64xf32, #tpu.memory_space<vmem>> -> memref<128x64xf32, #tpu.memory_space<vmem>>
    %dma_start3A_68 = arith.constant 0 : i32
    %dma_start3A_69 = tpu.memref_slice %arg7[%dma_start3A_61, %dma_start3A_68] : memref<160x128xi32, #tpu.memory_space<vmem>> -> memref<1x128xi32, #tpu.memory_space<vmem>>
    %dma_start3A_70 = tpu.memref_squeeze %dma_start3A_69 : memref<1x128xi32, #tpu.memory_space<vmem>> -> memref<128xi32, #tpu.memory_space<vmem>>
    %dma_start3A_71 = arith.constant 0 : i32
    %dma_start3A_72 = arith.constant 0 : i32
    %dma_start3A_73 = tpu.memref_slice %arg2[%arg0, %dma_start3A_71, %dma_start3A_72] : memref<2x10000x64xf32, #tpu.memory_space<hbm>> -> memref<1x10000x64xf32, #tpu.memory_space<hbm>>
    %dma_start3A_74 = tpu.memref_squeeze %dma_start3A_73 : memref<1x10000x64xf32, #tpu.memory_space<hbm>> -> memref<10000x64xf32, #tpu.memory_space<hbm>>
    %dma_start3A_75 = arith.constant 0 : i32
    %dma_start3A_76 = arith.constant 0 : i32
    %dma_start3A_77 = tpu.memref_slice %dma_start3A_74[%dma_start3A_75, %dma_start3A_76] : memref<10000x64xf32, #tpu.memory_space<hbm>> -> memref<10000x64xf32, #tpu.memory_space<hbm>>
    %dma_start3A_78 = tpu.memref_slice %arg11[%dma_start3A_63] : memref<6x!tpu.dma_semaphore, #tpu.memory_space<semaphore_mem>> -> memref<1x!tpu.dma_semaphore, #tpu.memory_space<semaphore_mem>>
    %dma_start3A_79 = tpu.memref_squeeze %dma_start3A_78 : memref<1x!tpu.dma_semaphore, #tpu.memory_space<semaphore_mem>> -> memref<!tpu.dma_semaphore, #tpu.memory_space<semaphore_mem>>
    tpu.enqueue_indirect_dma source(%dma_start3A_77 : memref<10000x64xf32, #tpu.memory_space<hbm>>) target(%dma_start3A_67 : memref<128x64xf32, #tpu.memory_space<vmem>>) offsets(%dma_start3A_70 : memref<128xi32, #tpu.memory_space<vmem>>) semaphore(%dma_start3A_79 : memref<!tpu.dma_semaphore, #tpu.memory_space<semaphore_mem>>)
    %dma_wait3A = arith.constant 156 : i32
    %dma_wait3A_80 = arith.constant 0 : i32
    %dma_wait3A_81 = arith.constant 0 : i32
    %dma_wait3A_82 = arith.constant 0 : i32
    %dma_wait3A_83 = arith.constant 0 : i32
    %dma_wait3A_84 = tpu.memref_slice %arg9[%dma_wait3A_80, %dma_wait3A_82, %dma_wait3A_83] : memref<6x128x64xf32, #tpu.memory_space<vmem>> -> memref<1x128x64xf32, #tpu.memory_space<vmem>>
    %dma_wait3A_85 = tpu.memref_squeeze %dma_wait3A_84 : memref<1x128x64xf32, #tpu.memory_space<vmem>> -> memref<128x64xf32, #tpu.memory_space<vmem>>
    %dma_wait3A_86 = arith.constant 0 : i32
    %dma_wait3A_87 = tpu.memref_slice %arg7[%dma_wait3A, %dma_wait3A_86] : memref<160x128xi32, #tpu.memory_space<vmem>> -> memref<1x128xi32, #tpu.memory_space<vmem>>
    %dma_wait3A_88 = tpu.memref_squeeze %dma_wait3A_87 : memref<1x128xi32, #tpu.memory_space<vmem>> -> memref<128xi32, #tpu.memory_space<vmem>>
    %dma_wait3A_89 = arith.constant 0 : i32
    %dma_wait3A_90 = arith.constant 0 : i32
    %dma_wait3A_91 = tpu.memref_slice %arg2[%arg0, %dma_wait3A_89, %dma_wait3A_90] : memref<2x10000x64xf32, #tpu.memory_space<hbm>> -> memref<1x10000x64xf32, #tpu.memory_space<hbm>>
    %dma_wait3A_92 = tpu.memref_squeeze %dma_wait3A_91 : memref<1x10000x64xf32, #tpu.memory_space<hbm>> -> memref<10000x64xf32, #tpu.memory_space<hbm>>
    %dma_wait3A_93 = arith.constant 0 : i32
    %dma_wait3A_94 = arith.constant 0 : i32
    %dma_wait3A_95 = tpu.memref_slice %dma_wait3A_92[%dma_wait3A_93, %dma_wait3A_94] : memref<10000x64xf32, #tpu.memory_space<hbm>> -> memref<10000x64xf32, #tpu.memory_space<hbm>>
    %dma_wait3A_96 = tpu.memref_slice %arg11[%dma_wait3A_81] : memref<6x!tpu.dma_semaphore, #tpu.memory_space<semaphore_mem>> -> memref<1x!tpu.dma_semaphore, #tpu.memory_space<semaphore_mem>>
    %dma_wait3A_97 = tpu.memref_squeeze %dma_wait3A_96 : memref<1x!tpu.dma_semaphore, #tpu.memory_space<semaphore_mem>> -> memref<!tpu.dma_semaphore, #tpu.memory_space<semaphore_mem>>
    tpu.wait_indirect_dma semaphore(%dma_wait3A_97 : memref<!tpu.dma_semaphore, #tpu.memory_space<semaphore_mem>>) src(%dma_wait3A_95 : memref<10000x64xf32, #tpu.memory_space<hbm>>) dst(%dma_wait3A_85 : memref<128x64xf32, #tpu.memory_space<vmem>>)
    %dma_start3A_98 = arith.constant 0 : i32
    %dma_start3A_99 = arith.constant 156 : i32
    %dma_start3A_100 = arith.constant 0 : i32
    %dma_start3A_101 = arith.constant 0 : i32
    %dma_start3A_102 = arith.constant 0 : i32
    %dma_start3A_103 = tpu.memref_slice %arg9[%dma_start3A_98, %dma_start3A_101, %dma_start3A_102] : memref<6x128x64xf32, #tpu.memory_space<vmem>> -> memref<1x128x64xf32, #tpu.memory_space<vmem>>
    %dma_start3A_104 = tpu.memref_squeeze %dma_start3A_103 : memref<1x128x64xf32, #tpu.memory_space<vmem>> -> memref<128x64xf32, #tpu.memory_space<vmem>>
    %dma_start3A_105 = arith.constant 0 : i32
    %dma_start3A_106 = tpu.memref_slice %arg8[%dma_start3A_99, %dma_start3A_105] : memref<160x128xi32, #tpu.memory_space<vmem>> -> memref<1x128xi32, #tpu.memory_space<vmem>>
    %dma_start3A_107 = tpu.memref_squeeze %dma_start3A_106 : memref<1x128xi32, #tpu.memory_space<vmem>> -> memref<128xi32, #tpu.memory_space<vmem>>
    %dma_start3A_108 = arith.constant 0 : i32
    %dma_start3A_109 = arith.constant 0 : i32
    %dma_start3A_110 = tpu.memref_slice %arg10[%dma_start3A_108, %dma_start3A_109] : memref<10112x64xf32, #tpu.memory_space<vmem_shared>> -> memref<10112x64xf32, #tpu.memory_space<vmem_shared>>
    %dma_start3A_111 = tpu.memref_slice %arg12[%dma_start3A_100] : memref<6x!tpu.dma_semaphore, #tpu.memory_space<semaphore_mem>> -> memref<1x!tpu.dma_semaphore, #tpu.memory_space<semaphore_mem>>
    %dma_start3A_112 = tpu.memref_squeeze %dma_start3A_111 : memref<1x!tpu.dma_semaphore, #tpu.memory_space<semaphore_mem>> -> memref<!tpu.dma_semaphore, #tpu.memory_space<semaphore_mem>>
    tpu.enqueue_indirect_dma source(%dma_start3A_104 : memref<128x64xf32, #tpu.memory_space<vmem>>) target(%dma_start3A_110 : memref<10112x64xf32, #tpu.memory_space<vmem_shared>>) offsets(%dma_start3A_107 : memref<128xi32, #tpu.memory_space<vmem>>) semaphore(%dma_start3A_112 : memref<!tpu.dma_semaphore, #tpu.memory_space<semaphore_mem>>) {add = true}
    %dma_wait3A_113 = arith.constant 157 : i32
    %dma_wait3A_114 = arith.constant 1 : i32
    %dma_wait3A_115 = arith.constant 1 : i32
    %dma_wait3A_116 = arith.constant 0 : i32
    %dma_wait3A_117 = arith.constant 0 : i32
    %dma_wait3A_118 = tpu.memref_slice %arg9[%dma_wait3A_114, %dma_wait3A_116, %dma_wait3A_117] : memref<6x128x64xf32, #tpu.memory_space<vmem>> -> memref<1x128x64xf32, #tpu.memory_space<vmem>>
    %dma_wait3A_119 = tpu.memref_squeeze %dma_wait3A_118 : memref<1x128x64xf32, #tpu.memory_space<vmem>> -> memref<128x64xf32, #tpu.memory_space<vmem>>
    %dma_wait3A_120 = arith.constant 0 : i32
    %dma_wait3A_121 = tpu.memref_slice %arg7[%dma_wait3A_113, %dma_wait3A_120] : memref<160x128xi32, #tpu.memory_space<vmem>> -> memref<1x128xi32, #tpu.memory_space<vmem>>
    %dma_wait3A_122 = tpu.memref_squeeze %dma_wait3A_121 : memref<1x128xi32, #tpu.memory_space<vmem>> -> memref<128xi32, #tpu.memory_space<vmem>>
    %dma_wait3A_123 = arith.constant 0 : i32
    %dma_wait3A_124 = arith.constant 0 : i32
    %dma_wait3A_125 = tpu.memref_slice %arg2[%arg0, %dma_wait3A_123, %dma_wait3A_124] : memref<2x10000x64xf32, #tpu.memory_space<hbm>> -> memref<1x10000x64xf32, #tpu.memory_space<hbm>>
    %dma_wait3A_126 = tpu.memref_squeeze %dma_wait3A_125 : memref<1x10000x64xf32, #tpu.memory_space<hbm>> -> memref<10000x64xf32, #tpu.memory_space<hbm>>
    %dma_wait3A_127 = arith.constant 0 : i32
    %dma_wait3A_128 = arith.constant 0 : i32
    %dma_wait3A_129 = tpu.memref_slice %dma_wait3A_126[%dma_wait3A_127, %dma_wait3A_128] : memref<10000x64xf32, #tpu.memory_space<hbm>> -> memref<10000x64xf32, #tpu.memory_space<hbm>>
    %dma_wait3A_130 = tpu.memref_slice %arg11[%dma_wait3A_115] : memref<6x!tpu.dma_semaphore, #tpu.memory_space<semaphore_mem>> -> memref<1x!tpu.dma_semaphore, #tpu.memory_space<semaphore_mem>>
    %dma_wait3A_131 = tpu.memref_squeeze %dma_wait3A_130 : memref<1x!tpu.dma_semaphore, #tpu.memory_space<semaphore_mem>> -> memref<!tpu.dma_semaphore, #tpu.memory_space<semaphore_mem>>
    tpu.wait_indirect_dma semaphore(%dma_wait3A_131 : memref<!tpu.dma_semaphore, #tpu.memory_space<semaphore_mem>>) src(%dma_wait3A_129 : memref<10000x64xf32, #tpu.memory_space<hbm>>) dst(%dma_wait3A_119 : memref<128x64xf32, #tpu.memory_space<vmem>>)
    %dma_start3A_132 = arith.constant 1 : i32
    %dma_start3A_133 = arith.constant 157 : i32
    %dma_start3A_134 = arith.constant 1 : i32
    %dma_start3A_135 = arith.constant 0 : i32
    %dma_start3A_136 = arith.constant 0 : i32
    %dma_start3A_137 = tpu.memref_slice %arg9[%dma_start3A_132, %dma_start3A_135, %dma_start3A_136] : memref<6x128x64xf32, #tpu.memory_space<vmem>> -> memref<1x128x64xf32, #tpu.memory_space<vmem>>
    %dma_start3A_138 = tpu.memref_squeeze %dma_start3A_137 : memref<1x128x64xf32, #tpu.memory_space<vmem>> -> memref<128x64xf32, #tpu.memory_space<vmem>>
    %dma_start3A_139 = arith.constant 0 : i32
    %dma_start3A_140 = tpu.memref_slice %arg8[%dma_start3A_133, %dma_start3A_139] : memref<160x128xi32, #tpu.memory_space<vmem>> -> memref<1x128xi32, #tpu.memory_space<vmem>>
    %dma_start3A_141 = tpu.memref_squeeze %dma_start3A_140 : memref<1x128xi32, #tpu.memory_space<vmem>> -> memref<128xi32, #tpu.memory_space<vmem>>
    %dma_start3A_142 = arith.constant 0 : i32
    %dma_start3A_143 = arith.constant 0 : i32
    %dma_start3A_144 = tpu.memref_slice %arg10[%dma_start3A_142, %dma_start3A_143] : memref<10112x64xf32, #tpu.memory_space<vmem_shared>> -> memref<10112x64xf32, #tpu.memory_space<vmem_shared>>
    %dma_start3A_145 = tpu.memref_slice %arg12[%dma_start3A_134] : memref<6x!tpu.dma_semaphore, #tpu.memory_space<semaphore_mem>> -> memref<1x!tpu.dma_semaphore, #tpu.memory_space<semaphore_mem>>
    %dma_start3A_146 = tpu.memref_squeeze %dma_start3A_145 : memref<1x!tpu.dma_semaphore, #tpu.memory_space<semaphore_mem>> -> memref<!tpu.dma_semaphore, #tpu.memory_space<semaphore_mem>>
    tpu.enqueue_indirect_dma source(%dma_start3A_138 : memref<128x64xf32, #tpu.memory_space<vmem>>) target(%dma_start3A_144 : memref<10112x64xf32, #tpu.memory_space<vmem_shared>>) offsets(%dma_start3A_141 : memref<128xi32, #tpu.memory_space<vmem>>) semaphore(%dma_start3A_146 : memref<!tpu.dma_semaphore, #tpu.memory_space<semaphore_mem>>) {add = true}
    %dma_wait3A_147 = arith.constant 158 : i32
    %dma_wait3A_148 = arith.constant 2 : i32
    %dma_wait3A_149 = arith.constant 2 : i32
    %dma_wait3A_150 = arith.constant 0 : i32
    %dma_wait3A_151 = arith.constant 0 : i32
    %dma_wait3A_152 = tpu.memref_slice %arg9[%dma_wait3A_148, %dma_wait3A_150, %dma_wait3A_151] : memref<6x128x64xf32, #tpu.memory_space<vmem>> -> memref<1x128x64xf32, #tpu.memory_space<vmem>>
    %dma_wait3A_153 = tpu.memref_squeeze %dma_wait3A_152 : memref<1x128x64xf32, #tpu.memory_space<vmem>> -> memref<128x64xf32, #tpu.memory_space<vmem>>
    %dma_wait3A_154 = arith.constant 0 : i32
    %dma_wait3A_155 = tpu.memref_slice %arg7[%dma_wait3A_147, %dma_wait3A_154] : memref<160x128xi32, #tpu.memory_space<vmem>> -> memref<1x128xi32, #tpu.memory_space<vmem>>
    %dma_wait3A_156 = tpu.memref_squeeze %dma_wait3A_155 : memref<1x128xi32, #tpu.memory_space<vmem>> -> memref<128xi32, #tpu.memory_space<vmem>>
    %dma_wait3A_157 = arith.constant 0 : i32
    %dma_wait3A_158 = arith.constant 0 : i32
    %dma_wait3A_159 = tpu.memref_slice %arg2[%arg0, %dma_wait3A_157, %dma_wait3A_158] : memref<2x10000x64xf32, #tpu.memory_space<hbm>> -> memref<1x10000x64xf32, #tpu.memory_space<hbm>>
    %dma_wait3A_160 = tpu.memref_squeeze %dma_wait3A_159 : memref<1x10000x64xf32, #tpu.memory_space<hbm>> -> memref<10000x64xf32, #tpu.memory_space<hbm>>
    %dma_wait3A_161 = arith.constant 0 : i32
    %dma_wait3A_162 = arith.constant 0 : i32
    %dma_wait3A_163 = tpu.memref_slice %dma_wait3A_160[%dma_wait3A_161, %dma_wait3A_162] : memref<10000x64xf32, #tpu.memory_space<hbm>> -> memref<10000x64xf32, #tpu.memory_space<hbm>>
    %dma_wait3A_164 = tpu.memref_slice %arg11[%dma_wait3A_149] : memref<6x!tpu.dma_semaphore, #tpu.memory_space<semaphore_mem>> -> memref<1x!tpu.dma_semaphore, #tpu.memory_space<semaphore_mem>>
    %dma_wait3A_165 = tpu.memref_squeeze %dma_wait3A_164 : memref<1x!tpu.dma_semaphore, #tpu.memory_space<semaphore_mem>> -> memref<!tpu.dma_semaphore, #tpu.memory_space<semaphore_mem>>
    tpu.wait_indirect_dma semaphore(%dma_wait3A_165 : memref<!tpu.dma_semaphore, #tpu.memory_space<semaphore_mem>>) src(%dma_wait3A_163 : memref<10000x64xf32, #tpu.memory_space<hbm>>) dst(%dma_wait3A_153 : memref<128x64xf32, #tpu.memory_space<vmem>>)
    %dma_start3A_166 = arith.constant 2 : i32
    %dma_start3A_167 = arith.constant 158 : i32
    %dma_start3A_168 = arith.constant 2 : i32
    %dma_start3A_169 = arith.constant 0 : i32
    %dma_start3A_170 = arith.constant 0 : i32
    %dma_start3A_171 = tpu.memref_slice %arg9[%dma_start3A_166, %dma_start3A_169, %dma_start3A_170] : memref<6x128x64xf32, #tpu.memory_space<vmem>> -> memref<1x128x64xf32, #tpu.memory_space<vmem>>
    %dma_start3A_172 = tpu.memref_squeeze %dma_start3A_171 : memref<1x128x64xf32, #tpu.memory_space<vmem>> -> memref<128x64xf32, #tpu.memory_space<vmem>>
    %dma_start3A_173 = arith.constant 0 : i32
    %dma_start3A_174 = tpu.memref_slice %arg8[%dma_start3A_167, %dma_start3A_173] : memref<160x128xi32, #tpu.memory_space<vmem>> -> memref<1x128xi32, #tpu.memory_space<vmem>>
    %dma_start3A_175 = tpu.memref_squeeze %dma_start3A_174 : memref<1x128xi32, #tpu.memory_space<vmem>> -> memref<128xi32, #tpu.memory_space<vmem>>
    %dma_start3A_176 = arith.constant 0 : i32
    %dma_start3A_177 = arith.constant 0 : i32
    %dma_start3A_178 = tpu.memref_slice %arg10[%dma_start3A_176, %dma_start3A_177] : memref<10112x64xf32, #tpu.memory_space<vmem_shared>> -> memref<10112x64xf32, #tpu.memory_space<vmem_shared>>
    %dma_start3A_179 = tpu.memref_slice %arg12[%dma_start3A_168] : memref<6x!tpu.dma_semaphore, #tpu.memory_space<semaphore_mem>> -> memref<1x!tpu.dma_semaphore, #tpu.memory_space<semaphore_mem>>
    %dma_start3A_180 = tpu.memref_squeeze %dma_start3A_179 : memref<1x!tpu.dma_semaphore, #tpu.memory_space<semaphore_mem>> -> memref<!tpu.dma_semaphore, #tpu.memory_space<semaphore_mem>>
    tpu.enqueue_indirect_dma source(%dma_start3A_172 : memref<128x64xf32, #tpu.memory_space<vmem>>) target(%dma_start3A_178 : memref<10112x64xf32, #tpu.memory_space<vmem_shared>>) offsets(%dma_start3A_175 : memref<128xi32, #tpu.memory_space<vmem>>) semaphore(%dma_start3A_180 : memref<!tpu.dma_semaphore, #tpu.memory_space<semaphore_mem>>) {add = true}
    %dma_wait3A_181 = arith.constant 159 : i32
    %dma_wait3A_182 = arith.constant 3 : i32
    %dma_wait3A_183 = arith.constant 3 : i32
    %dma_wait3A_184 = arith.constant 0 : i32
    %dma_wait3A_185 = arith.constant 0 : i32
    %dma_wait3A_186 = tpu.memref_slice %arg9[%dma_wait3A_182, %dma_wait3A_184, %dma_wait3A_185] : memref<6x128x64xf32, #tpu.memory_space<vmem>> -> memref<1x128x64xf32, #tpu.memory_space<vmem>>
    %dma_wait3A_187 = tpu.memref_squeeze %dma_wait3A_186 : memref<1x128x64xf32, #tpu.memory_space<vmem>> -> memref<128x64xf32, #tpu.memory_space<vmem>>
    %dma_wait3A_188 = arith.constant 0 : i32
    %dma_wait3A_189 = tpu.memref_slice %arg7[%dma_wait3A_181, %dma_wait3A_188] : memref<160x128xi32, #tpu.memory_space<vmem>> -> memref<1x128xi32, #tpu.memory_space<vmem>>
    %dma_wait3A_190 = tpu.memref_squeeze %dma_wait3A_189 : memref<1x128xi32, #tpu.memory_space<vmem>> -> memref<128xi32, #tpu.memory_space<vmem>>
    %dma_wait3A_191 = arith.constant 0 : i32
    %dma_wait3A_192 = arith.constant 0 : i32
    %dma_wait3A_193 = tpu.memref_slice %arg2[%arg0, %dma_wait3A_191, %dma_wait3A_192] : memref<2x10000x64xf32, #tpu.memory_space<hbm>> -> memref<1x10000x64xf32, #tpu.memory_space<hbm>>
    %dma_wait3A_194 = tpu.memref_squeeze %dma_wait3A_193 : memref<1x10000x64xf32, #tpu.memory_space<hbm>> -> memref<10000x64xf32, #tpu.memory_space<hbm>>
    %dma_wait3A_195 = arith.constant 0 : i32
    %dma_wait3A_196 = arith.constant 0 : i32
    %dma_wait3A_197 = tpu.memref_slice %dma_wait3A_194[%dma_wait3A_195, %dma_wait3A_196] : memref<10000x64xf32, #tpu.memory_space<hbm>> -> memref<10000x64xf32, #tpu.memory_space<hbm>>
    %dma_wait3A_198 = tpu.memref_slice %arg11[%dma_wait3A_183] : memref<6x!tpu.dma_semaphore, #tpu.memory_space<semaphore_mem>> -> memref<1x!tpu.dma_semaphore, #tpu.memory_space<semaphore_mem>>
    %dma_wait3A_199 = tpu.memref_squeeze %dma_wait3A_198 : memref<1x!tpu.dma_semaphore, #tpu.memory_space<semaphore_mem>> -> memref<!tpu.dma_semaphore, #tpu.memory_space<semaphore_mem>>
    tpu.wait_indirect_dma semaphore(%dma_wait3A_199 : memref<!tpu.dma_semaphore, #tpu.memory_space<semaphore_mem>>) src(%dma_wait3A_197 : memref<10000x64xf32, #tpu.memory_space<hbm>>) dst(%dma_wait3A_187 : memref<128x64xf32, #tpu.memory_space<vmem>>)
    %dma_start3A_200 = arith.constant 3 : i32
    %dma_start3A_201 = arith.constant 159 : i32
    %dma_start3A_202 = arith.constant 3 : i32
    %dma_start3A_203 = arith.constant 0 : i32
    %dma_start3A_204 = arith.constant 0 : i32
    %dma_start3A_205 = tpu.memref_slice %arg9[%dma_start3A_200, %dma_start3A_203, %dma_start3A_204] : memref<6x128x64xf32, #tpu.memory_space<vmem>> -> memref<1x128x64xf32, #tpu.memory_space<vmem>>
    %dma_start3A_206 = tpu.memref_squeeze %dma_start3A_205 : memref<1x128x64xf32, #tpu.memory_space<vmem>> -> memref<128x64xf32, #tpu.memory_space<vmem>>
    %dma_start3A_207 = arith.constant 0 : i32
    %dma_start3A_208 = tpu.memref_slice %arg8[%dma_start3A_201, %dma_start3A_207] : memref<160x128xi32, #tpu.memory_space<vmem>> -> memref<1x128xi32, #tpu.memory_space<vmem>>
    %dma_start3A_209 = tpu.memref_squeeze %dma_start3A_208 : memref<1x128xi32, #tpu.memory_space<vmem>> -> memref<128xi32, #tpu.memory_space<vmem>>
    %dma_start3A_210 = arith.constant 0 : i32
    %dma_start3A_211 = arith.constant 0 : i32
    %dma_start3A_212 = tpu.memref_slice %arg10[%dma_start3A_210, %dma_start3A_211] : memref<10112x64xf32, #tpu.memory_space<vmem_shared>> -> memref<10112x64xf32, #tpu.memory_space<vmem_shared>>
    %dma_start3A_213 = tpu.memref_slice %arg12[%dma_start3A_202] : memref<6x!tpu.dma_semaphore, #tpu.memory_space<semaphore_mem>> -> memref<1x!tpu.dma_semaphore, #tpu.memory_space<semaphore_mem>>
    %dma_start3A_214 = tpu.memref_squeeze %dma_start3A_213 : memref<1x!tpu.dma_semaphore, #tpu.memory_space<semaphore_mem>> -> memref<!tpu.dma_semaphore, #tpu.memory_space<semaphore_mem>>
    tpu.enqueue_indirect_dma source(%dma_start3A_206 : memref<128x64xf32, #tpu.memory_space<vmem>>) target(%dma_start3A_212 : memref<10112x64xf32, #tpu.memory_space<vmem_shared>>) offsets(%dma_start3A_209 : memref<128xi32, #tpu.memory_space<vmem>>) semaphore(%dma_start3A_214 : memref<!tpu.dma_semaphore, #tpu.memory_space<semaphore_mem>>) {add = true}
    %dma_wait3A_215 = arith.constant 0 : i32
    %dma_wait3A_216 = arith.constant 156 : i32
    %dma_wait3A_217 = arith.constant 0 : i32
    %dma_wait3A_218 = arith.constant 0 : i32
    %dma_wait3A_219 = arith.constant 0 : i32
    %dma_wait3A_220 = tpu.memref_slice %arg9[%dma_wait3A_215, %dma_wait3A_218, %dma_wait3A_219] : memref<6x128x64xf32, #tpu.memory_space<vmem>> -> memref<1x128x64xf32, #tpu.memory_space<vmem>>
    %dma_wait3A_221 = tpu.memref_squeeze %dma_wait3A_220 : memref<1x128x64xf32, #tpu.memory_space<vmem>> -> memref<128x64xf32, #tpu.memory_space<vmem>>
    %dma_wait3A_222 = arith.constant 0 : i32
    %dma_wait3A_223 = tpu.memref_slice %arg8[%dma_wait3A_216, %dma_wait3A_222] : memref<160x128xi32, #tpu.memory_space<vmem>> -> memref<1x128xi32, #tpu.memory_space<vmem>>
    %dma_wait3A_224 = tpu.memref_squeeze %dma_wait3A_223 : memref<1x128xi32, #tpu.memory_space<vmem>> -> memref<128xi32, #tpu.memory_space<vmem>>
    %dma_wait3A_225 = arith.constant 0 : i32
    %dma_wait3A_226 = arith.constant 0 : i32
    %dma_wait3A_227 = tpu.memref_slice %arg10[%dma_wait3A_225, %dma_wait3A_226] : memref<10112x64xf32, #tpu.memory_space<vmem_shared>> -> memref<10112x64xf32, #tpu.memory_space<vmem_shared>>
    %dma_wait3A_228 = tpu.memref_slice %arg12[%dma_wait3A_217] : memref<6x!tpu.dma_semaphore, #tpu.memory_space<semaphore_mem>> -> memref<1x!tpu.dma_semaphore, #tpu.memory_space<semaphore_mem>>
    %dma_wait3A_229 = tpu.memref_squeeze %dma_wait3A_228 : memref<1x!tpu.dma_semaphore, #tpu.memory_space<semaphore_mem>> -> memref<!tpu.dma_semaphore, #tpu.memory_space<semaphore_mem>>
    tpu.wait_indirect_dma semaphore(%dma_wait3A_229 : memref<!tpu.dma_semaphore, #tpu.memory_space<semaphore_mem>>) src(%dma_wait3A_221 : memref<128x64xf32, #tpu.memory_space<vmem>>) dst(%dma_wait3A_227 : memref<10112x64xf32, #tpu.memory_space<vmem_shared>>)
    %dma_wait3A_230 = arith.constant 1 : i32
    %dma_wait3A_231 = arith.constant 157 : i32
    %dma_wait3A_232 = arith.constant 1 : i32
    %dma_wait3A_233 = arith.constant 0 : i32
    %dma_wait3A_234 = arith.constant 0 : i32
    %dma_wait3A_235 = tpu.memref_slice %arg9[%dma_wait3A_230, %dma_wait3A_233, %dma_wait3A_234] : memref<6x128x64xf32, #tpu.memory_space<vmem>> -> memref<1x128x64xf32, #tpu.memory_space<vmem>>
    %dma_wait3A_236 = tpu.memref_squeeze %dma_wait3A_235 : memref<1x128x64xf32, #tpu.memory_space<vmem>> -> memref<128x64xf32, #tpu.memory_space<vmem>>
    %dma_wait3A_237 = arith.constant 0 : i32
    %dma_wait3A_238 = tpu.memref_slice %arg8[%dma_wait3A_231, %dma_wait3A_237] : memref<160x128xi32, #tpu.memory_space<vmem>> -> memref<1x128xi32, #tpu.memory_space<vmem>>
    %dma_wait3A_239 = tpu.memref_squeeze %dma_wait3A_238 : memref<1x128xi32, #tpu.memory_space<vmem>> -> memref<128xi32, #tpu.memory_space<vmem>>
    %dma_wait3A_240 = arith.constant 0 : i32
    %dma_wait3A_241 = arith.constant 0 : i32
    %dma_wait3A_242 = tpu.memref_slice %arg10[%dma_wait3A_240, %dma_wait3A_241] : memref<10112x64xf32, #tpu.memory_space<vmem_shared>> -> memref<10112x64xf32, #tpu.memory_space<vmem_shared>>
    %dma_wait3A_243 = tpu.memref_slice %arg12[%dma_wait3A_232] : memref<6x!tpu.dma_semaphore, #tpu.memory_space<semaphore_mem>> -> memref<1x!tpu.dma_semaphore, #tpu.memory_space<semaphore_mem>>
    %dma_wait3A_244 = tpu.memref_squeeze %dma_wait3A_243 : memref<1x!tpu.dma_semaphore, #tpu.memory_space<semaphore_mem>> -> memref<!tpu.dma_semaphore, #tpu.memory_space<semaphore_mem>>
    tpu.wait_indirect_dma semaphore(%dma_wait3A_244 : memref<!tpu.dma_semaphore, #tpu.memory_space<semaphore_mem>>) src(%dma_wait3A_236 : memref<128x64xf32, #tpu.memory_space<vmem>>) dst(%dma_wait3A_242 : memref<10112x64xf32, #tpu.memory_space<vmem_shared>>)
    %dma_wait3A_245 = arith.constant 2 : i32
    %dma_wait3A_246 = arith.constant 158 : i32
    %dma_wait3A_247 = arith.constant 2 : i32
    %dma_wait3A_248 = arith.constant 0 : i32
    %dma_wait3A_249 = arith.constant 0 : i32
    %dma_wait3A_250 = tpu.memref_slice %arg9[%dma_wait3A_245, %dma_wait3A_248, %dma_wait3A_249] : memref<6x128x64xf32, #tpu.memory_space<vmem>> -> memref<1x128x64xf32, #tpu.memory_space<vmem>>
    %dma_wait3A_251 = tpu.memref_squeeze %dma_wait3A_250 : memref<1x128x64xf32, #tpu.memory_space<vmem>> -> memref<128x64xf32, #tpu.memory_space<vmem>>
    %dma_wait3A_252 = arith.constant 0 : i32
    %dma_wait3A_253 = tpu.memref_slice %arg8[%dma_wait3A_246, %dma_wait3A_252] : memref<160x128xi32, #tpu.memory_space<vmem>> -> memref<1x128xi32, #tpu.memory_space<vmem>>
    %dma_wait3A_254 = tpu.memref_squeeze %dma_wait3A_253 : memref<1x128xi32, #tpu.memory_space<vmem>> -> memref<128xi32, #tpu.memory_space<vmem>>
    %dma_wait3A_255 = arith.constant 0 : i32
    %dma_wait3A_256 = arith.constant 0 : i32
    %dma_wait3A_257 = tpu.memref_slice %arg10[%dma_wait3A_255, %dma_wait3A_256] : memref<10112x64xf32, #tpu.memory_space<vmem_shared>> -> memref<10112x64xf32, #tpu.memory_space<vmem_shared>>
    %dma_wait3A_258 = tpu.memref_slice %arg12[%dma_wait3A_247] : memref<6x!tpu.dma_semaphore, #tpu.memory_space<semaphore_mem>> -> memref<1x!tpu.dma_semaphore, #tpu.memory_space<semaphore_mem>>
    %dma_wait3A_259 = tpu.memref_squeeze %dma_wait3A_258 : memref<1x!tpu.dma_semaphore, #tpu.memory_space<semaphore_mem>> -> memref<!tpu.dma_semaphore, #tpu.memory_space<semaphore_mem>>
    tpu.wait_indirect_dma semaphore(%dma_wait3A_259 : memref<!tpu.dma_semaphore, #tpu.memory_space<semaphore_mem>>) src(%dma_wait3A_251 : memref<128x64xf32, #tpu.memory_space<vmem>>) dst(%dma_wait3A_257 : memref<10112x64xf32, #tpu.memory_space<vmem_shared>>)
    %dma_wait3A_260 = arith.constant 3 : i32
    %dma_wait3A_261 = arith.constant 159 : i32
    %dma_wait3A_262 = arith.constant 3 : i32
    %dma_wait3A_263 = arith.constant 0 : i32
    %dma_wait3A_264 = arith.constant 0 : i32
    %dma_wait3A_265 = tpu.memref_slice %arg9[%dma_wait3A_260, %dma_wait3A_263, %dma_wait3A_264] : memref<6x128x64xf32, #tpu.memory_space<vmem>> -> memref<1x128x64xf32, #tpu.memory_space<vmem>>
    %dma_wait3A_266 = tpu.memref_squeeze %dma_wait3A_265 : memref<1x128x64xf32, #tpu.memory_space<vmem>> -> memref<128x64xf32, #tpu.memory_space<vmem>>
    %dma_wait3A_267 = arith.constant 0 : i32
    %dma_wait3A_268 = tpu.memref_slice %arg8[%dma_wait3A_261, %dma_wait3A_267] : memref<160x128xi32, #tpu.memory_space<vmem>> -> memref<1x128xi32, #tpu.memory_space<vmem>>
    %dma_wait3A_269 = tpu.memref_squeeze %dma_wait3A_268 : memref<1x128xi32, #tpu.memory_space<vmem>> -> memref<128xi32, #tpu.memory_space<vmem>>
    %dma_wait3A_270 = arith.constant 0 : i32
    %dma_wait3A_271 = arith.constant 0 : i32
    %dma_wait3A_272 = tpu.memref_slice %arg10[%dma_wait3A_270, %dma_wait3A_271] : memref<10112x64xf32, #tpu.memory_space<vmem_shared>> -> memref<10112x64xf32, #tpu.memory_space<vmem_shared>>
    %dma_wait3A_273 = tpu.memref_slice %arg12[%dma_wait3A_262] : memref<6x!tpu.dma_semaphore, #tpu.memory_space<semaphore_mem>> -> memref<1x!tpu.dma_semaphore, #tpu.memory_space<semaphore_mem>>
    %dma_wait3A_274 = tpu.memref_squeeze %dma_wait3A_273 : memref<1x!tpu.dma_semaphore, #tpu.memory_space<semaphore_mem>> -> memref<!tpu.dma_semaphore, #tpu.memory_space<semaphore_mem>>
    tpu.wait_indirect_dma semaphore(%dma_wait3A_274 : memref<!tpu.dma_semaphore, #tpu.memory_space<semaphore_mem>>) src(%dma_wait3A_266 : memref<128x64xf32, #tpu.memory_space<vmem>>) dst(%dma_wait3A_272 : memref<10112x64xf32, #tpu.memory_space<vmem_shared>>)
    %barrier3A_275 = arith.constant 0 : index
    tpu.barrier barrier_id(%barrier3A_275)
    %mul3A_276 = arith.constant 632 : i32
    %mul3A_277 = arith.muli %arg1, %mul3A_276 : i32
    %mul3A_278 = arith.constant 632 : i32
    %mul3A_279 = arith.muli %arg1, %mul3A_278 : i32
    "tpu.region"() ({
      %run_scoped3A = tpu.sem_alloc : memref<!tpu.dma_semaphore, #tpu.memory_space<semaphore_mem>>
      %dma_start3A_280 = arith.constant 0 : i32
      %dma_start3A_281 = tpu.memref_slice %arg6[%arg0, %mul3A_279, %dma_start3A_280] : memref<2x10112x64xf32, #tpu.memory_space<hbm>> -> memref<1x632x64xf32, #tpu.memory_space<hbm>>
      %dma_start3A_282 = tpu.memref_squeeze %dma_start3A_281 : memref<1x632x64xf32, #tpu.memory_space<hbm>> -> memref<632x64xf32, #tpu.memory_space<hbm>>
      %dma_start3A_283 = arith.constant 0 : i32
      %dma_start3A_284 = tpu.memref_slice %arg10[%mul3A_277, %dma_start3A_283] : memref<10112x64xf32, #tpu.memory_space<vmem_shared>> -> memref<632x64xf32, #tpu.memory_space<vmem_shared>>
      tpu.enqueue_dma source(%dma_start3A_284 : memref<632x64xf32, #tpu.memory_space<vmem_shared>>) target(%dma_start3A_282 : memref<632x64xf32, #tpu.memory_space<hbm>>) target_semaphore(%run_scoped3A : memref<!tpu.dma_semaphore, #tpu.memory_space<semaphore_mem>>)
      %dma_wait3A_285 = arith.constant 0 : i32
      %dma_wait3A_286 = tpu.memref_slice %arg6[%arg0, %mul3A_279, %dma_wait3A_285] : memref<2x10112x64xf32, #tpu.memory_space<hbm>> -> memref<1x632x64xf32, #tpu.memory_space<hbm>>
      %dma_wait3A_287 = tpu.memref_squeeze %dma_wait3A_286 : memref<1x632x64xf32, #tpu.memory_space<hbm>> -> memref<632x64xf32, #tpu.memory_space<hbm>>
      %dma_wait3A_288 = arith.constant 0 : i32
      %dma_wait3A_289 = tpu.memref_slice %arg10[%mul3A_277, %dma_wait3A_288] : memref<10112x64xf32, #tpu.memory_space<vmem_shared>> -> memref<632x64xf32, #tpu.memory_space<vmem_shared>>
      tpu.wait_dma2 semaphore(%run_scoped3A : memref<!tpu.dma_semaphore, #tpu.memory_space<semaphore_mem>>) src(%dma_wait3A_289 : memref<632x64xf32, #tpu.memory_space<vmem_shared>>) dst(%dma_wait3A_287 : memref<632x64xf32, #tpu.memory_space<hbm>>)
      tpu.yield
    }) : () -> ()
    return
  }
}

#map = affine_map<(d0, d1) -> (0, 0, 0)>
#map1 = affine_map<(d0, d1) -> (0, 0)>
module attributes {stable_mosaic.version = 14 : i64} {
  func.func @_deg_body(%arg0: i32, %arg1: i32, %arg2: memref<32x80x128xi32, #tpu.memory_space<hbm>>, %arg3: memref<128x16xf32, #tpu.memory_space<hbm>>, %arg4: memref<632x16xf32, #tpu.memory_space<hbm>>, %arg5: memref<2x10112x16xf32, #tpu.memory_space<hbm>>, %arg6: memref<80x128xi32, #tpu.memory_space<vmem>>, %arg7: memref<128x16xf32, #tpu.memory_space<vmem>>, %arg8: memref<10112x16xf32, #tpu.memory_space<vmem_shared>>, %arg9: memref<!tpu.dma_semaphore, #tpu.memory_space<semaphore_mem>>) attributes {dimension_semantics = [#tpu.dimension_semantics<core_parallel>, #tpu.dimension_semantics<subcore_parallel>], iteration_bounds = array<i64: 2, 16>, scalar_prefetch = 0 : i64, scratch_operands = 4 : i64, tpu.core_type = #tpu.core_type<sc_vector_subcore>, window_params = [{transform_indices = #map}, {transform_indices = #map1}, {transform_indices = #map1}, {transform_indices = #map}]} {
    %mul3A = arith.constant 16 : i32
    %mul3A_0 = arith.muli %arg0, %mul3A : i32
    %add3A = arith.addi %mul3A_0, %arg1 : i32
    "tpu.region"() ({
      %run_scoped3A = tpu.sem_alloc : memref<!tpu.dma_semaphore, #tpu.memory_space<semaphore_mem>>
      %dma_start3A = arith.constant 0 : i32
      %dma_start3A_12 = arith.constant 0 : i32
      %dma_start3A_13 = tpu.memref_slice %arg2[%add3A, %dma_start3A, %dma_start3A_12] : memref<32x80x128xi32, #tpu.memory_space<hbm>> -> memref<1x80x128xi32, #tpu.memory_space<hbm>>
      %dma_start3A_14 = tpu.memref_squeeze %dma_start3A_13 : memref<1x80x128xi32, #tpu.memory_space<hbm>> -> memref<80x128xi32, #tpu.memory_space<hbm>>
      %dma_start3A_15 = arith.constant 0 : i32
      %dma_start3A_16 = arith.constant 0 : i32
      %dma_start3A_17 = tpu.memref_slice %arg2[%add3A, %dma_start3A_15, %dma_start3A_16] : memref<32x80x128xi32, #tpu.memory_space<hbm>> -> memref<1x80x128xi32, #tpu.memory_space<hbm>>
      %dma_start3A_18 = tpu.memref_squeeze %dma_start3A_17 : memref<1x80x128xi32, #tpu.memory_space<hbm>> -> memref<80x128xi32, #tpu.memory_space<hbm>>
      tpu.enqueue_dma source(%dma_start3A_18 : memref<80x128xi32, #tpu.memory_space<hbm>>) target(%arg6 : memref<80x128xi32, #tpu.memory_space<vmem>>) target_semaphore(%run_scoped3A : memref<!tpu.dma_semaphore, #tpu.memory_space<semaphore_mem>>)
      %dma_wait3A = arith.constant 0 : i32
      %dma_wait3A_19 = arith.constant 0 : i32
      %dma_wait3A_20 = tpu.memref_slice %arg2[%add3A, %dma_wait3A, %dma_wait3A_19] : memref<32x80x128xi32, #tpu.memory_space<hbm>> -> memref<1x80x128xi32, #tpu.memory_space<hbm>>
      %dma_wait3A_21 = tpu.memref_squeeze %dma_wait3A_20 : memref<1x80x128xi32, #tpu.memory_space<hbm>> -> memref<80x128xi32, #tpu.memory_space<hbm>>
      %dma_wait3A_22 = arith.constant 0 : i32
      %dma_wait3A_23 = arith.constant 0 : i32
      %dma_wait3A_24 = tpu.memref_slice %arg2[%add3A, %dma_wait3A_22, %dma_wait3A_23] : memref<32x80x128xi32, #tpu.memory_space<hbm>> -> memref<1x80x128xi32, #tpu.memory_space<hbm>>
      %dma_wait3A_25 = tpu.memref_squeeze %dma_wait3A_24 : memref<1x80x128xi32, #tpu.memory_space<hbm>> -> memref<80x128xi32, #tpu.memory_space<hbm>>
      tpu.wait_dma2 semaphore(%run_scoped3A : memref<!tpu.dma_semaphore, #tpu.memory_space<semaphore_mem>>) src(%dma_wait3A_25 : memref<80x128xi32, #tpu.memory_space<hbm>>) dst(%arg6 : memref<80x128xi32, #tpu.memory_space<vmem>>)
      tpu.yield
    }) : () -> ()
    "tpu.region"() ({
      %run_scoped3A = tpu.sem_alloc : memref<!tpu.dma_semaphore, #tpu.memory_space<semaphore_mem>>
      tpu.enqueue_dma source(%arg3 : memref<128x16xf32, #tpu.memory_space<hbm>>) target(%arg7 : memref<128x16xf32, #tpu.memory_space<vmem>>) target_semaphore(%run_scoped3A : memref<!tpu.dma_semaphore, #tpu.memory_space<semaphore_mem>>)
      tpu.wait_dma2 semaphore(%run_scoped3A : memref<!tpu.dma_semaphore, #tpu.memory_space<semaphore_mem>>) src(%arg3 : memref<128x16xf32, #tpu.memory_space<hbm>>) dst(%arg7 : memref<128x16xf32, #tpu.memory_space<vmem>>)
      tpu.yield
    }) : () -> ()
    %mul3A_1 = arith.constant 632 : i32
    %mul3A_2 = arith.muli %arg1, %mul3A_1 : i32
    "tpu.region"() ({
      %run_scoped3A = tpu.sem_alloc : memref<!tpu.dma_semaphore, #tpu.memory_space<semaphore_mem>>
      %dma_start3A = arith.constant 0 : i32
      %dma_start3A_12 = tpu.memref_slice %arg8[%mul3A_2, %dma_start3A] : memref<10112x16xf32, #tpu.memory_space<vmem_shared>> -> memref<632x16xf32, #tpu.memory_space<vmem_shared>>
      tpu.enqueue_dma source(%arg4 : memref<632x16xf32, #tpu.memory_space<hbm>>) target(%dma_start3A_12 : memref<632x16xf32, #tpu.memory_space<vmem_shared>>) target_semaphore(%run_scoped3A : memref<!tpu.dma_semaphore, #tpu.memory_space<semaphore_mem>>)
      %dma_wait3A = arith.constant 0 : i32
      %dma_wait3A_13 = tpu.memref_slice %arg8[%mul3A_2, %dma_wait3A] : memref<10112x16xf32, #tpu.memory_space<vmem_shared>> -> memref<632x16xf32, #tpu.memory_space<vmem_shared>>
      tpu.wait_dma2 semaphore(%run_scoped3A : memref<!tpu.dma_semaphore, #tpu.memory_space<semaphore_mem>>) src(%arg4 : memref<632x16xf32, #tpu.memory_space<hbm>>) dst(%dma_wait3A_13 : memref<632x16xf32, #tpu.memory_space<vmem_shared>>)
      tpu.yield
    }) : () -> ()
    %barrier3A = arith.constant 0 : index
    tpu.barrier barrier_id(%barrier3A)
    %scan3A = arith.constant 0 : i32
    %scan3A_3 = arith.constant 10 : i32
    %scan3A_4 = arith.addi %scan3A, %scan3A_3 : i32
    %scan3A_5 = arith.constant 1 : i32
    scf.for %scan3A_12 = %scan3A to %scan3A_4 step %scan3A_5  : i32 {
      %mul3A_13 = arith.constant 1 : i32
      %mul3A_14 = arith.muli %scan3A_12, %mul3A_13 : i32
      %add3A_15 = arith.constant 0 : i32
      %add3A_16 = arith.addi %add3A_15, %mul3A_14 : i32
      %mul3A_17 = arith.constant 8 : i32
      %mul3A_18 = arith.muli %add3A_16, %mul3A_17 : i32
      %add3A_19 = arith.constant 0 : i32
      %add3A_20 = arith.addi %mul3A_18, %add3A_19 : i32
      %dma_start3A = arith.constant 0 : i32
      %dma_start3A_21 = tpu.memref_slice %arg6[%add3A_20, %dma_start3A] : memref<80x128xi32, #tpu.memory_space<vmem>> -> memref<1x128xi32, #tpu.memory_space<vmem>>
      %dma_start3A_22 = tpu.memref_squeeze %dma_start3A_21 : memref<1x128xi32, #tpu.memory_space<vmem>> -> memref<128xi32, #tpu.memory_space<vmem>>
      %dma_start3A_23 = arith.constant 0 : i32
      %dma_start3A_24 = arith.constant 0 : i32
      %dma_start3A_25 = tpu.memref_slice %arg8[%dma_start3A_23, %dma_start3A_24] : memref<10112x16xf32, #tpu.memory_space<vmem_shared>> -> memref<10112x16xf32, #tpu.memory_space<vmem_shared>>
      tpu.enqueue_indirect_dma source(%arg7 : memref<128x16xf32, #tpu.memory_space<vmem>>) target(%dma_start3A_25 : memref<10112x16xf32, #tpu.memory_space<vmem_shared>>) offsets(%dma_start3A_22 : memref<128xi32, #tpu.memory_space<vmem>>) semaphore(%arg9 : memref<!tpu.dma_semaphore, #tpu.memory_space<semaphore_mem>>) {add = true}
      %add3A_26 = arith.constant 1 : i32
      %add3A_27 = arith.addi %mul3A_18, %add3A_26 : i32
      %dma_start3A_28 = arith.constant 0 : i32
      %dma_start3A_29 = tpu.memref_slice %arg6[%add3A_27, %dma_start3A_28] : memref<80x128xi32, #tpu.memory_space<vmem>> -> memref<1x128xi32, #tpu.memory_space<vmem>>
      %dma_start3A_30 = tpu.memref_squeeze %dma_start3A_29 : memref<1x128xi32, #tpu.memory_space<vmem>> -> memref<128xi32, #tpu.memory_space<vmem>>
      %dma_start3A_31 = arith.constant 0 : i32
      %dma_start3A_32 = arith.constant 0 : i32
      %dma_start3A_33 = tpu.memref_slice %arg8[%dma_start3A_31, %dma_start3A_32] : memref<10112x16xf32, #tpu.memory_space<vmem_shared>> -> memref<10112x16xf32, #tpu.memory_space<vmem_shared>>
      tpu.enqueue_indirect_dma source(%arg7 : memref<128x16xf32, #tpu.memory_space<vmem>>) target(%dma_start3A_33 : memref<10112x16xf32, #tpu.memory_space<vmem_shared>>) offsets(%dma_start3A_30 : memref<128xi32, #tpu.memory_space<vmem>>) semaphore(%arg9 : memref<!tpu.dma_semaphore, #tpu.memory_space<semaphore_mem>>) {add = true}
      %add3A_34 = arith.constant 2 : i32
      %add3A_35 = arith.addi %mul3A_18, %add3A_34 : i32
      %dma_start3A_36 = arith.constant 0 : i32
      %dma_start3A_37 = tpu.memref_slice %arg6[%add3A_35, %dma_start3A_36] : memref<80x128xi32, #tpu.memory_space<vmem>> -> memref<1x128xi32, #tpu.memory_space<vmem>>
      %dma_start3A_38 = tpu.memref_squeeze %dma_start3A_37 : memref<1x128xi32, #tpu.memory_space<vmem>> -> memref<128xi32, #tpu.memory_space<vmem>>
      %dma_start3A_39 = arith.constant 0 : i32
      %dma_start3A_40 = arith.constant 0 : i32
      %dma_start3A_41 = tpu.memref_slice %arg8[%dma_start3A_39, %dma_start3A_40] : memref<10112x16xf32, #tpu.memory_space<vmem_shared>> -> memref<10112x16xf32, #tpu.memory_space<vmem_shared>>
      tpu.enqueue_indirect_dma source(%arg7 : memref<128x16xf32, #tpu.memory_space<vmem>>) target(%dma_start3A_41 : memref<10112x16xf32, #tpu.memory_space<vmem_shared>>) offsets(%dma_start3A_38 : memref<128xi32, #tpu.memory_space<vmem>>) semaphore(%arg9 : memref<!tpu.dma_semaphore, #tpu.memory_space<semaphore_mem>>) {add = true}
      %add3A_42 = arith.constant 3 : i32
      %add3A_43 = arith.addi %mul3A_18, %add3A_42 : i32
      %dma_start3A_44 = arith.constant 0 : i32
      %dma_start3A_45 = tpu.memref_slice %arg6[%add3A_43, %dma_start3A_44] : memref<80x128xi32, #tpu.memory_space<vmem>> -> memref<1x128xi32, #tpu.memory_space<vmem>>
      %dma_start3A_46 = tpu.memref_squeeze %dma_start3A_45 : memref<1x128xi32, #tpu.memory_space<vmem>> -> memref<128xi32, #tpu.memory_space<vmem>>
      %dma_start3A_47 = arith.constant 0 : i32
      %dma_start3A_48 = arith.constant 0 : i32
      %dma_start3A_49 = tpu.memref_slice %arg8[%dma_start3A_47, %dma_start3A_48] : memref<10112x16xf32, #tpu.memory_space<vmem_shared>> -> memref<10112x16xf32, #tpu.memory_space<vmem_shared>>
      tpu.enqueue_indirect_dma source(%arg7 : memref<128x16xf32, #tpu.memory_space<vmem>>) target(%dma_start3A_49 : memref<10112x16xf32, #tpu.memory_space<vmem_shared>>) offsets(%dma_start3A_46 : memref<128xi32, #tpu.memory_space<vmem>>) semaphore(%arg9 : memref<!tpu.dma_semaphore, #tpu.memory_space<semaphore_mem>>) {add = true}
      %add3A_50 = arith.constant 4 : i32
      %add3A_51 = arith.addi %mul3A_18, %add3A_50 : i32
      %dma_start3A_52 = arith.constant 0 : i32
      %dma_start3A_53 = tpu.memref_slice %arg6[%add3A_51, %dma_start3A_52] : memref<80x128xi32, #tpu.memory_space<vmem>> -> memref<1x128xi32, #tpu.memory_space<vmem>>
      %dma_start3A_54 = tpu.memref_squeeze %dma_start3A_53 : memref<1x128xi32, #tpu.memory_space<vmem>> -> memref<128xi32, #tpu.memory_space<vmem>>
      %dma_start3A_55 = arith.constant 0 : i32
      %dma_start3A_56 = arith.constant 0 : i32
      %dma_start3A_57 = tpu.memref_slice %arg8[%dma_start3A_55, %dma_start3A_56] : memref<10112x16xf32, #tpu.memory_space<vmem_shared>> -> memref<10112x16xf32, #tpu.memory_space<vmem_shared>>
      tpu.enqueue_indirect_dma source(%arg7 : memref<128x16xf32, #tpu.memory_space<vmem>>) target(%dma_start3A_57 : memref<10112x16xf32, #tpu.memory_space<vmem_shared>>) offsets(%dma_start3A_54 : memref<128xi32, #tpu.memory_space<vmem>>) semaphore(%arg9 : memref<!tpu.dma_semaphore, #tpu.memory_space<semaphore_mem>>) {add = true}
      %add3A_58 = arith.constant 5 : i32
      %add3A_59 = arith.addi %mul3A_18, %add3A_58 : i32
      %dma_start3A_60 = arith.constant 0 : i32
      %dma_start3A_61 = tpu.memref_slice %arg6[%add3A_59, %dma_start3A_60] : memref<80x128xi32, #tpu.memory_space<vmem>> -> memref<1x128xi32, #tpu.memory_space<vmem>>
      %dma_start3A_62 = tpu.memref_squeeze %dma_start3A_61 : memref<1x128xi32, #tpu.memory_space<vmem>> -> memref<128xi32, #tpu.memory_space<vmem>>
      %dma_start3A_63 = arith.constant 0 : i32
      %dma_start3A_64 = arith.constant 0 : i32
      %dma_start3A_65 = tpu.memref_slice %arg8[%dma_start3A_63, %dma_start3A_64] : memref<10112x16xf32, #tpu.memory_space<vmem_shared>> -> memref<10112x16xf32, #tpu.memory_space<vmem_shared>>
      tpu.enqueue_indirect_dma source(%arg7 : memref<128x16xf32, #tpu.memory_space<vmem>>) target(%dma_start3A_65 : memref<10112x16xf32, #tpu.memory_space<vmem_shared>>) offsets(%dma_start3A_62 : memref<128xi32, #tpu.memory_space<vmem>>) semaphore(%arg9 : memref<!tpu.dma_semaphore, #tpu.memory_space<semaphore_mem>>) {add = true}
      %add3A_66 = arith.constant 6 : i32
      %add3A_67 = arith.addi %mul3A_18, %add3A_66 : i32
      %dma_start3A_68 = arith.constant 0 : i32
      %dma_start3A_69 = tpu.memref_slice %arg6[%add3A_67, %dma_start3A_68] : memref<80x128xi32, #tpu.memory_space<vmem>> -> memref<1x128xi32, #tpu.memory_space<vmem>>
      %dma_start3A_70 = tpu.memref_squeeze %dma_start3A_69 : memref<1x128xi32, #tpu.memory_space<vmem>> -> memref<128xi32, #tpu.memory_space<vmem>>
      %dma_start3A_71 = arith.constant 0 : i32
      %dma_start3A_72 = arith.constant 0 : i32
      %dma_start3A_73 = tpu.memref_slice %arg8[%dma_start3A_71, %dma_start3A_72] : memref<10112x16xf32, #tpu.memory_space<vmem_shared>> -> memref<10112x16xf32, #tpu.memory_space<vmem_shared>>
      tpu.enqueue_indirect_dma source(%arg7 : memref<128x16xf32, #tpu.memory_space<vmem>>) target(%dma_start3A_73 : memref<10112x16xf32, #tpu.memory_space<vmem_shared>>) offsets(%dma_start3A_70 : memref<128xi32, #tpu.memory_space<vmem>>) semaphore(%arg9 : memref<!tpu.dma_semaphore, #tpu.memory_space<semaphore_mem>>) {add = true}
      %add3A_74 = arith.constant 7 : i32
      %add3A_75 = arith.addi %mul3A_18, %add3A_74 : i32
      %dma_start3A_76 = arith.constant 0 : i32
      %dma_start3A_77 = tpu.memref_slice %arg6[%add3A_75, %dma_start3A_76] : memref<80x128xi32, #tpu.memory_space<vmem>> -> memref<1x128xi32, #tpu.memory_space<vmem>>
      %dma_start3A_78 = tpu.memref_squeeze %dma_start3A_77 : memref<1x128xi32, #tpu.memory_space<vmem>> -> memref<128xi32, #tpu.memory_space<vmem>>
      %dma_start3A_79 = arith.constant 0 : i32
      %dma_start3A_80 = arith.constant 0 : i32
      %dma_start3A_81 = tpu.memref_slice %arg8[%dma_start3A_79, %dma_start3A_80] : memref<10112x16xf32, #tpu.memory_space<vmem_shared>> -> memref<10112x16xf32, #tpu.memory_space<vmem_shared>>
      tpu.enqueue_indirect_dma source(%arg7 : memref<128x16xf32, #tpu.memory_space<vmem>>) target(%dma_start3A_81 : memref<10112x16xf32, #tpu.memory_space<vmem_shared>>) offsets(%dma_start3A_78 : memref<128xi32, #tpu.memory_space<vmem>>) semaphore(%arg9 : memref<!tpu.dma_semaphore, #tpu.memory_space<semaphore_mem>>) {add = true}
      %dma_wait3A = arith.constant 0 : i32
      %dma_wait3A_82 = tpu.memref_slice %arg6[%add3A_20, %dma_wait3A] : memref<80x128xi32, #tpu.memory_space<vmem>> -> memref<1x128xi32, #tpu.memory_space<vmem>>
      %dma_wait3A_83 = tpu.memref_squeeze %dma_wait3A_82 : memref<1x128xi32, #tpu.memory_space<vmem>> -> memref<128xi32, #tpu.memory_space<vmem>>
      %dma_wait3A_84 = arith.constant 0 : i32
      %dma_wait3A_85 = arith.constant 0 : i32
      %dma_wait3A_86 = tpu.memref_slice %arg8[%dma_wait3A_84, %dma_wait3A_85] : memref<10112x16xf32, #tpu.memory_space<vmem_shared>> -> memref<10112x16xf32, #tpu.memory_space<vmem_shared>>
      tpu.wait_indirect_dma semaphore(%arg9 : memref<!tpu.dma_semaphore, #tpu.memory_space<semaphore_mem>>) src(%arg7 : memref<128x16xf32, #tpu.memory_space<vmem>>) dst(%dma_wait3A_86 : memref<10112x16xf32, #tpu.memory_space<vmem_shared>>)
      %dma_wait3A_87 = arith.constant 0 : i32
      %dma_wait3A_88 = tpu.memref_slice %arg6[%add3A_27, %dma_wait3A_87] : memref<80x128xi32, #tpu.memory_space<vmem>> -> memref<1x128xi32, #tpu.memory_space<vmem>>
      %dma_wait3A_89 = tpu.memref_squeeze %dma_wait3A_88 : memref<1x128xi32, #tpu.memory_space<vmem>> -> memref<128xi32, #tpu.memory_space<vmem>>
      %dma_wait3A_90 = arith.constant 0 : i32
      %dma_wait3A_91 = arith.constant 0 : i32
      %dma_wait3A_92 = tpu.memref_slice %arg8[%dma_wait3A_90, %dma_wait3A_91] : memref<10112x16xf32, #tpu.memory_space<vmem_shared>> -> memref<10112x16xf32, #tpu.memory_space<vmem_shared>>
      tpu.wait_indirect_dma semaphore(%arg9 : memref<!tpu.dma_semaphore, #tpu.memory_space<semaphore_mem>>) src(%arg7 : memref<128x16xf32, #tpu.memory_space<vmem>>) dst(%dma_wait3A_92 : memref<10112x16xf32, #tpu.memory_space<vmem_shared>>)
      %dma_wait3A_93 = arith.constant 0 : i32
      %dma_wait3A_94 = tpu.memref_slice %arg6[%add3A_35, %dma_wait3A_93] : memref<80x128xi32, #tpu.memory_space<vmem>> -> memref<1x128xi32, #tpu.memory_space<vmem>>
      %dma_wait3A_95 = tpu.memref_squeeze %dma_wait3A_94 : memref<1x128xi32, #tpu.memory_space<vmem>> -> memref<128xi32, #tpu.memory_space<vmem>>
      %dma_wait3A_96 = arith.constant 0 : i32
      %dma_wait3A_97 = arith.constant 0 : i32
      %dma_wait3A_98 = tpu.memref_slice %arg8[%dma_wait3A_96, %dma_wait3A_97] : memref<10112x16xf32, #tpu.memory_space<vmem_shared>> -> memref<10112x16xf32, #tpu.memory_space<vmem_shared>>
      tpu.wait_indirect_dma semaphore(%arg9 : memref<!tpu.dma_semaphore, #tpu.memory_space<semaphore_mem>>) src(%arg7 : memref<128x16xf32, #tpu.memory_space<vmem>>) dst(%dma_wait3A_98 : memref<10112x16xf32, #tpu.memory_space<vmem_shared>>)
      %dma_wait3A_99 = arith.constant 0 : i32
      %dma_wait3A_100 = tpu.memref_slice %arg6[%add3A_43, %dma_wait3A_99] : memref<80x128xi32, #tpu.memory_space<vmem>> -> memref<1x128xi32, #tpu.memory_space<vmem>>
      %dma_wait3A_101 = tpu.memref_squeeze %dma_wait3A_100 : memref<1x128xi32, #tpu.memory_space<vmem>> -> memref<128xi32, #tpu.memory_space<vmem>>
      %dma_wait3A_102 = arith.constant 0 : i32
      %dma_wait3A_103 = arith.constant 0 : i32
      %dma_wait3A_104 = tpu.memref_slice %arg8[%dma_wait3A_102, %dma_wait3A_103] : memref<10112x16xf32, #tpu.memory_space<vmem_shared>> -> memref<10112x16xf32, #tpu.memory_space<vmem_shared>>
      tpu.wait_indirect_dma semaphore(%arg9 : memref<!tpu.dma_semaphore, #tpu.memory_space<semaphore_mem>>) src(%arg7 : memref<128x16xf32, #tpu.memory_space<vmem>>) dst(%dma_wait3A_104 : memref<10112x16xf32, #tpu.memory_space<vmem_shared>>)
      %dma_wait3A_105 = arith.constant 0 : i32
      %dma_wait3A_106 = tpu.memref_slice %arg6[%add3A_51, %dma_wait3A_105] : memref<80x128xi32, #tpu.memory_space<vmem>> -> memref<1x128xi32, #tpu.memory_space<vmem>>
      %dma_wait3A_107 = tpu.memref_squeeze %dma_wait3A_106 : memref<1x128xi32, #tpu.memory_space<vmem>> -> memref<128xi32, #tpu.memory_space<vmem>>
      %dma_wait3A_108 = arith.constant 0 : i32
      %dma_wait3A_109 = arith.constant 0 : i32
      %dma_wait3A_110 = tpu.memref_slice %arg8[%dma_wait3A_108, %dma_wait3A_109] : memref<10112x16xf32, #tpu.memory_space<vmem_shared>> -> memref<10112x16xf32, #tpu.memory_space<vmem_shared>>
      tpu.wait_indirect_dma semaphore(%arg9 : memref<!tpu.dma_semaphore, #tpu.memory_space<semaphore_mem>>) src(%arg7 : memref<128x16xf32, #tpu.memory_space<vmem>>) dst(%dma_wait3A_110 : memref<10112x16xf32, #tpu.memory_space<vmem_shared>>)
      %dma_wait3A_111 = arith.constant 0 : i32
      %dma_wait3A_112 = tpu.memref_slice %arg6[%add3A_59, %dma_wait3A_111] : memref<80x128xi32, #tpu.memory_space<vmem>> -> memref<1x128xi32, #tpu.memory_space<vmem>>
      %dma_wait3A_113 = tpu.memref_squeeze %dma_wait3A_112 : memref<1x128xi32, #tpu.memory_space<vmem>> -> memref<128xi32, #tpu.memory_space<vmem>>
      %dma_wait3A_114 = arith.constant 0 : i32
      %dma_wait3A_115 = arith.constant 0 : i32
      %dma_wait3A_116 = tpu.memref_slice %arg8[%dma_wait3A_114, %dma_wait3A_115] : memref<10112x16xf32, #tpu.memory_space<vmem_shared>> -> memref<10112x16xf32, #tpu.memory_space<vmem_shared>>
      tpu.wait_indirect_dma semaphore(%arg9 : memref<!tpu.dma_semaphore, #tpu.memory_space<semaphore_mem>>) src(%arg7 : memref<128x16xf32, #tpu.memory_space<vmem>>) dst(%dma_wait3A_116 : memref<10112x16xf32, #tpu.memory_space<vmem_shared>>)
      %dma_wait3A_117 = arith.constant 0 : i32
      %dma_wait3A_118 = tpu.memref_slice %arg6[%add3A_67, %dma_wait3A_117] : memref<80x128xi32, #tpu.memory_space<vmem>> -> memref<1x128xi32, #tpu.memory_space<vmem>>
      %dma_wait3A_119 = tpu.memref_squeeze %dma_wait3A_118 : memref<1x128xi32, #tpu.memory_space<vmem>> -> memref<128xi32, #tpu.memory_space<vmem>>
      %dma_wait3A_120 = arith.constant 0 : i32
      %dma_wait3A_121 = arith.constant 0 : i32
      %dma_wait3A_122 = tpu.memref_slice %arg8[%dma_wait3A_120, %dma_wait3A_121] : memref<10112x16xf32, #tpu.memory_space<vmem_shared>> -> memref<10112x16xf32, #tpu.memory_space<vmem_shared>>
      tpu.wait_indirect_dma semaphore(%arg9 : memref<!tpu.dma_semaphore, #tpu.memory_space<semaphore_mem>>) src(%arg7 : memref<128x16xf32, #tpu.memory_space<vmem>>) dst(%dma_wait3A_122 : memref<10112x16xf32, #tpu.memory_space<vmem_shared>>)
      %dma_wait3A_123 = arith.constant 0 : i32
      %dma_wait3A_124 = tpu.memref_slice %arg6[%add3A_75, %dma_wait3A_123] : memref<80x128xi32, #tpu.memory_space<vmem>> -> memref<1x128xi32, #tpu.memory_space<vmem>>
      %dma_wait3A_125 = tpu.memref_squeeze %dma_wait3A_124 : memref<1x128xi32, #tpu.memory_space<vmem>> -> memref<128xi32, #tpu.memory_space<vmem>>
      %dma_wait3A_126 = arith.constant 0 : i32
      %dma_wait3A_127 = arith.constant 0 : i32
      %dma_wait3A_128 = tpu.memref_slice %arg8[%dma_wait3A_126, %dma_wait3A_127] : memref<10112x16xf32, #tpu.memory_space<vmem_shared>> -> memref<10112x16xf32, #tpu.memory_space<vmem_shared>>
      tpu.wait_indirect_dma semaphore(%arg9 : memref<!tpu.dma_semaphore, #tpu.memory_space<semaphore_mem>>) src(%arg7 : memref<128x16xf32, #tpu.memory_space<vmem>>) dst(%dma_wait3A_128 : memref<10112x16xf32, #tpu.memory_space<vmem_shared>>)
    }
    %scan3A_6 = arith.constant 10 : i32
    %barrier3A_7 = arith.constant 0 : index
    tpu.barrier barrier_id(%barrier3A_7)
    %mul3A_8 = arith.constant 632 : i32
    %mul3A_9 = arith.muli %arg1, %mul3A_8 : i32
    %mul3A_10 = arith.constant 632 : i32
    %mul3A_11 = arith.muli %arg1, %mul3A_10 : i32
    "tpu.region"() ({
      %run_scoped3A = tpu.sem_alloc : memref<!tpu.dma_semaphore, #tpu.memory_space<semaphore_mem>>
      %dma_start3A = arith.constant 0 : i32
      %dma_start3A_12 = tpu.memref_slice %arg5[%arg0, %mul3A_11, %dma_start3A] : memref<2x10112x16xf32, #tpu.memory_space<hbm>> -> memref<1x632x16xf32, #tpu.memory_space<hbm>>
      %dma_start3A_13 = tpu.memref_squeeze %dma_start3A_12 : memref<1x632x16xf32, #tpu.memory_space<hbm>> -> memref<632x16xf32, #tpu.memory_space<hbm>>
      %dma_start3A_14 = arith.constant 0 : i32
      %dma_start3A_15 = tpu.memref_slice %arg8[%mul3A_9, %dma_start3A_14] : memref<10112x16xf32, #tpu.memory_space<vmem_shared>> -> memref<632x16xf32, #tpu.memory_space<vmem_shared>>
      tpu.enqueue_dma source(%dma_start3A_15 : memref<632x16xf32, #tpu.memory_space<vmem_shared>>) target(%dma_start3A_13 : memref<632x16xf32, #tpu.memory_space<hbm>>) target_semaphore(%run_scoped3A : memref<!tpu.dma_semaphore, #tpu.memory_space<semaphore_mem>>)
      %dma_wait3A = arith.constant 0 : i32
      %dma_wait3A_16 = tpu.memref_slice %arg5[%arg0, %mul3A_11, %dma_wait3A] : memref<2x10112x16xf32, #tpu.memory_space<hbm>> -> memref<1x632x16xf32, #tpu.memory_space<hbm>>
      %dma_wait3A_17 = tpu.memref_squeeze %dma_wait3A_16 : memref<1x632x16xf32, #tpu.memory_space<hbm>> -> memref<632x16xf32, #tpu.memory_space<hbm>>
      %dma_wait3A_18 = arith.constant 0 : i32
      %dma_wait3A_19 = tpu.memref_slice %arg8[%mul3A_9, %dma_wait3A_18] : memref<10112x16xf32, #tpu.memory_space<vmem_shared>> -> memref<632x16xf32, #tpu.memory_space<vmem_shared>>
      tpu.wait_dma2 semaphore(%run_scoped3A : memref<!tpu.dma_semaphore, #tpu.memory_space<semaphore_mem>>) src(%dma_wait3A_19 : memref<632x16xf32, #tpu.memory_space<vmem_shared>>) dst(%dma_wait3A_17 : memref<632x16xf32, #tpu.memory_space<hbm>>)
      tpu.yield
    }) : () -> ()
    return
  }
}

#map = affine_map<(d0, d1) -> (0, 0, 0)>
#map1 = affine_map<(d0, d1) -> (0, 0)>
module attributes {stable_mosaic.version = 14 : i64} {
  func.func @_agg_body(%arg0: i32, %arg1: i32, %arg2: memref<2x10000x64xf32, #tpu.memory_space<hbm>>, %arg3: memref<16x160x128xi32, #tpu.memory_space<hbm>>, %arg4: memref<16x160x128xi32, #tpu.memory_space<hbm>>, %arg5: memref<632x64xf32, #tpu.memory_space<hbm>>, %arg6: memref<2x10112x64xf32, #tpu.memory_space<hbm>>, %arg7: memref<160x128xi32, #tpu.memory_space<vmem>>, %arg8: memref<160x128xi32, #tpu.memory_space<vmem>>, %arg9: memref<6x128x64xf32, #tpu.memory_space<vmem>>, %arg10: memref<10112x64xf32, #tpu.memory_space<vmem_shared>>, %arg11: memref<6x!tpu.dma_semaphore, #tpu.memory_space<semaphore_mem>>, %arg12: memref<6x!tpu.dma_semaphore, #tpu.memory_space<semaphore_mem>>) attributes {dimension_semantics = [#tpu.dimension_semantics<core_parallel>, #tpu.dimension_semantics<subcore_parallel>], iteration_bounds = array<i64: 2, 16>, scalar_prefetch = 0 : i64, scratch_operands = 6 : i64, tpu.core_type = #tpu.core_type<sc_vector_subcore>, window_params = [{transform_indices = #map}, {transform_indices = #map}, {transform_indices = #map}, {transform_indices = #map1}, {transform_indices = #map}]} {
    "tpu.region"() ({
      %run_scoped3A = tpu.sem_alloc : memref<!tpu.dma_semaphore, #tpu.memory_space<semaphore_mem>>
      %dma_start3A_280 = arith.constant 0 : i32
      %dma_start3A_281 = arith.constant 0 : i32
      %dma_start3A_282 = tpu.memref_slice %arg3[%arg1, %dma_start3A_280, %dma_start3A_281] : memref<16x160x128xi32, #tpu.memory_space<hbm>> -> memref<1x160x128xi32, #tpu.memory_space<hbm>>
      %dma_start3A_283 = tpu.memref_squeeze %dma_start3A_282 : memref<1x160x128xi32, #tpu.memory_space<hbm>> -> memref<160x128xi32, #tpu.memory_space<hbm>>
      %dma_start3A_284 = arith.constant 0 : i32
      %dma_start3A_285 = arith.constant 0 : i32
      %dma_start3A_286 = tpu.memref_slice %arg3[%arg1, %dma_start3A_284, %dma_start3A_285] : memref<16x160x128xi32, #tpu.memory_space<hbm>> -> memref<1x160x128xi32, #tpu.memory_space<hbm>>
      %dma_start3A_287 = tpu.memref_squeeze %dma_start3A_286 : memref<1x160x128xi32, #tpu.memory_space<hbm>> -> memref<160x128xi32, #tpu.memory_space<hbm>>
      tpu.enqueue_dma source(%dma_start3A_287 : memref<160x128xi32, #tpu.memory_space<hbm>>) target(%arg7 : memref<160x128xi32, #tpu.memory_space<vmem>>) target_semaphore(%run_scoped3A : memref<!tpu.dma_semaphore, #tpu.memory_space<semaphore_mem>>)
      %dma_wait3A_288 = arith.constant 0 : i32
      %dma_wait3A_289 = arith.constant 0 : i32
      %dma_wait3A_290 = tpu.memref_slice %arg3[%arg1, %dma_wait3A_288, %dma_wait3A_289] : memref<16x160x128xi32, #tpu.memory_space<hbm>> -> memref<1x160x128xi32, #tpu.memory_space<hbm>>
      %dma_wait3A_291 = tpu.memref_squeeze %dma_wait3A_290 : memref<1x160x128xi32, #tpu.memory_space<hbm>> -> memref<160x128xi32, #tpu.memory_space<hbm>>
      %dma_wait3A_292 = arith.constant 0 : i32
      %dma_wait3A_293 = arith.constant 0 : i32
      %dma_wait3A_294 = tpu.memref_slice %arg3[%arg1, %dma_wait3A_292, %dma_wait3A_293] : memref<16x160x128xi32, #tpu.memory_space<hbm>> -> memref<1x160x128xi32, #tpu.memory_space<hbm>>
      %dma_wait3A_295 = tpu.memref_squeeze %dma_wait3A_294 : memref<1x160x128xi32, #tpu.memory_space<hbm>> -> memref<160x128xi32, #tpu.memory_space<hbm>>
      tpu.wait_dma2 semaphore(%run_scoped3A : memref<!tpu.dma_semaphore, #tpu.memory_space<semaphore_mem>>) src(%dma_wait3A_295 : memref<160x128xi32, #tpu.memory_space<hbm>>) dst(%arg7 : memref<160x128xi32, #tpu.memory_space<vmem>>)
      tpu.yield
    }) : () -> ()
    "tpu.region"() ({
      %run_scoped3A = tpu.sem_alloc : memref<!tpu.dma_semaphore, #tpu.memory_space<semaphore_mem>>
      %dma_start3A_280 = arith.constant 0 : i32
      %dma_start3A_281 = arith.constant 0 : i32
      %dma_start3A_282 = tpu.memref_slice %arg4[%arg1, %dma_start3A_280, %dma_start3A_281] : memref<16x160x128xi32, #tpu.memory_space<hbm>> -> memref<1x160x128xi32, #tpu.memory_space<hbm>>
      %dma_start3A_283 = tpu.memref_squeeze %dma_start3A_282 : memref<1x160x128xi32, #tpu.memory_space<hbm>> -> memref<160x128xi32, #tpu.memory_space<hbm>>
      %dma_start3A_284 = arith.constant 0 : i32
      %dma_start3A_285 = arith.constant 0 : i32
      %dma_start3A_286 = tpu.memref_slice %arg4[%arg1, %dma_start3A_284, %dma_start3A_285] : memref<16x160x128xi32, #tpu.memory_space<hbm>> -> memref<1x160x128xi32, #tpu.memory_space<hbm>>
      %dma_start3A_287 = tpu.memref_squeeze %dma_start3A_286 : memref<1x160x128xi32, #tpu.memory_space<hbm>> -> memref<160x128xi32, #tpu.memory_space<hbm>>
      tpu.enqueue_dma source(%dma_start3A_287 : memref<160x128xi32, #tpu.memory_space<hbm>>) target(%arg8 : memref<160x128xi32, #tpu.memory_space<vmem>>) target_semaphore(%run_scoped3A : memref<!tpu.dma_semaphore, #tpu.memory_space<semaphore_mem>>)
      %dma_wait3A_288 = arith.constant 0 : i32
      %dma_wait3A_289 = arith.constant 0 : i32
      %dma_wait3A_290 = tpu.memref_slice %arg4[%arg1, %dma_wait3A_288, %dma_wait3A_289] : memref<16x160x128xi32, #tpu.memory_space<hbm>> -> memref<1x160x128xi32, #tpu.memory_space<hbm>>
      %dma_wait3A_291 = tpu.memref_squeeze %dma_wait3A_290 : memref<1x160x128xi32, #tpu.memory_space<hbm>> -> memref<160x128xi32, #tpu.memory_space<hbm>>
      %dma_wait3A_292 = arith.constant 0 : i32
      %dma_wait3A_293 = arith.constant 0 : i32
      %dma_wait3A_294 = tpu.memref_slice %arg4[%arg1, %dma_wait3A_292, %dma_wait3A_293] : memref<16x160x128xi32, #tpu.memory_space<hbm>> -> memref<1x160x128xi32, #tpu.memory_space<hbm>>
      %dma_wait3A_295 = tpu.memref_squeeze %dma_wait3A_294 : memref<1x160x128xi32, #tpu.memory_space<hbm>> -> memref<160x128xi32, #tpu.memory_space<hbm>>
      tpu.wait_dma2 semaphore(%run_scoped3A : memref<!tpu.dma_semaphore, #tpu.memory_space<semaphore_mem>>) src(%dma_wait3A_295 : memref<160x128xi32, #tpu.memory_space<hbm>>) dst(%arg8 : memref<160x128xi32, #tpu.memory_space<vmem>>)
      tpu.yield
    }) : () -> ()
    %mul3A = arith.constant 632 : i32
    %mul3A_0 = arith.muli %arg1, %mul3A : i32
    "tpu.region"() ({
      %run_scoped3A = tpu.sem_alloc : memref<!tpu.dma_semaphore, #tpu.memory_space<semaphore_mem>>
      %dma_start3A_280 = arith.constant 0 : i32
      %dma_start3A_281 = tpu.memref_slice %arg10[%mul3A_0, %dma_start3A_280] : memref<10112x64xf32, #tpu.memory_space<vmem_shared>> -> memref<632x64xf32, #tpu.memory_space<vmem_shared>>
      tpu.enqueue_dma source(%arg5 : memref<632x64xf32, #tpu.memory_space<hbm>>) target(%dma_start3A_281 : memref<632x64xf32, #tpu.memory_space<vmem_shared>>) target_semaphore(%run_scoped3A : memref<!tpu.dma_semaphore, #tpu.memory_space<semaphore_mem>>)
      %dma_wait3A_282 = arith.constant 0 : i32
      %dma_wait3A_283 = tpu.memref_slice %arg10[%mul3A_0, %dma_wait3A_282] : memref<10112x64xf32, #tpu.memory_space<vmem_shared>> -> memref<632x64xf32, #tpu.memory_space<vmem_shared>>
      tpu.wait_dma2 semaphore(%run_scoped3A : memref<!tpu.dma_semaphore, #tpu.memory_space<semaphore_mem>>) src(%arg5 : memref<632x64xf32, #tpu.memory_space<hbm>>) dst(%dma_wait3A_283 : memref<632x64xf32, #tpu.memory_space<vmem_shared>>)
      tpu.yield
    }) : () -> ()
    %barrier3A = arith.constant 0 : index
    tpu.barrier barrier_id(%barrier3A)
    %scan3A = arith.constant 0 : i32
    %scan3A_1 = arith.constant 26 : i32
    %scan3A_2 = arith.addi %scan3A, %scan3A_1 : i32
    %scan3A_3 = arith.constant 1 : i32
    scf.for %scan3A_280 = %scan3A to %scan3A_2 step %scan3A_3  : i32 {
      %mul3A_281 = arith.constant 1 : i32
      %mul3A_282 = arith.muli %scan3A_280, %mul3A_281 : i32
      %add3A = arith.constant 0 : i32
      %add3A_283 = arith.addi %add3A, %mul3A_282 : i32
      %mul3A_284 = arith.constant 6 : i32
      %mul3A_285 = arith.muli %add3A_283, %mul3A_284 : i32
      %add3A_286 = arith.constant 0 : i32
      %add3A_287 = arith.addi %mul3A_285, %add3A_286 : i32
      %dma_start3A_288 = arith.constant 0 : i32
      %dma_start3A_289 = arith.constant 0 : i32
      %dma_start3A_290 = arith.constant 0 : i32
      %dma_start3A_291 = arith.constant 0 : i32
      %dma_start3A_292 = tpu.memref_slice %arg9[%dma_start3A_288, %dma_start3A_290, %dma_start3A_291] : memref<6x128x64xf32, #tpu.memory_space<vmem>> -> memref<1x128x64xf32, #tpu.memory_space<vmem>>
      %dma_start3A_293 = tpu.memref_squeeze %dma_start3A_292 : memref<1x128x64xf32, #tpu.memory_space<vmem>> -> memref<128x64xf32, #tpu.memory_space<vmem>>
      %dma_start3A_294 = arith.constant 0 : i32
      %dma_start3A_295 = tpu.memref_slice %arg7[%add3A_287, %dma_start3A_294] : memref<160x128xi32, #tpu.memory_space<vmem>> -> memref<1x128xi32, #tpu.memory_space<vmem>>
      %dma_start3A_296 = tpu.memref_squeeze %dma_start3A_295 : memref<1x128xi32, #tpu.memory_space<vmem>> -> memref<128xi32, #tpu.memory_space<vmem>>
      %dma_start3A_297 = arith.constant 0 : i32
      %dma_start3A_298 = arith.constant 0 : i32
      %dma_start3A_299 = tpu.memref_slice %arg2[%arg0, %dma_start3A_297, %dma_start3A_298] : memref<2x10000x64xf32, #tpu.memory_space<hbm>> -> memref<1x10000x64xf32, #tpu.memory_space<hbm>>
      %dma_start3A_300 = tpu.memref_squeeze %dma_start3A_299 : memref<1x10000x64xf32, #tpu.memory_space<hbm>> -> memref<10000x64xf32, #tpu.memory_space<hbm>>
      %dma_start3A_301 = arith.constant 0 : i32
      %dma_start3A_302 = arith.constant 0 : i32
      %dma_start3A_303 = tpu.memref_slice %dma_start3A_300[%dma_start3A_301, %dma_start3A_302] : memref<10000x64xf32, #tpu.memory_space<hbm>> -> memref<10000x64xf32, #tpu.memory_space<hbm>>
      %dma_start3A_304 = tpu.memref_slice %arg11[%dma_start3A_289] : memref<6x!tpu.dma_semaphore, #tpu.memory_space<semaphore_mem>> -> memref<1x!tpu.dma_semaphore, #tpu.memory_space<semaphore_mem>>
      %dma_start3A_305 = tpu.memref_squeeze %dma_start3A_304 : memref<1x!tpu.dma_semaphore, #tpu.memory_space<semaphore_mem>> -> memref<!tpu.dma_semaphore, #tpu.memory_space<semaphore_mem>>
      tpu.enqueue_indirect_dma source(%dma_start3A_303 : memref<10000x64xf32, #tpu.memory_space<hbm>>) target(%dma_start3A_293 : memref<128x64xf32, #tpu.memory_space<vmem>>) offsets(%dma_start3A_296 : memref<128xi32, #tpu.memory_space<vmem>>) semaphore(%dma_start3A_305 : memref<!tpu.dma_semaphore, #tpu.memory_space<semaphore_mem>>)
      %add3A_306 = arith.constant 1 : i32
      %add3A_307 = arith.addi %mul3A_285, %add3A_306 : i32
      %dma_start3A_308 = arith.constant 1 : i32
      %dma_start3A_309 = arith.constant 1 : i32
      %dma_start3A_310 = arith.constant 0 : i32
      %dma_start3A_311 = arith.constant 0 : i32
      %dma_start3A_312 = tpu.memref_slice %arg9[%dma_start3A_308, %dma_start3A_310, %dma_start3A_311] : memref<6x128x64xf32, #tpu.memory_space<vmem>> -> memref<1x128x64xf32, #tpu.memory_space<vmem>>
      %dma_start3A_313 = tpu.memref_squeeze %dma_start3A_312 : memref<1x128x64xf32, #tpu.memory_space<vmem>> -> memref<128x64xf32, #tpu.memory_space<vmem>>
      %dma_start3A_314 = arith.constant 0 : i32
      %dma_start3A_315 = tpu.memref_slice %arg7[%add3A_307, %dma_start3A_314] : memref<160x128xi32, #tpu.memory_space<vmem>> -> memref<1x128xi32, #tpu.memory_space<vmem>>
      %dma_start3A_316 = tpu.memref_squeeze %dma_start3A_315 : memref<1x128xi32, #tpu.memory_space<vmem>> -> memref<128xi32, #tpu.memory_space<vmem>>
      %dma_start3A_317 = arith.constant 0 : i32
      %dma_start3A_318 = arith.constant 0 : i32
      %dma_start3A_319 = tpu.memref_slice %arg2[%arg0, %dma_start3A_317, %dma_start3A_318] : memref<2x10000x64xf32, #tpu.memory_space<hbm>> -> memref<1x10000x64xf32, #tpu.memory_space<hbm>>
      %dma_start3A_320 = tpu.memref_squeeze %dma_start3A_319 : memref<1x10000x64xf32, #tpu.memory_space<hbm>> -> memref<10000x64xf32, #tpu.memory_space<hbm>>
      %dma_start3A_321 = arith.constant 0 : i32
      %dma_start3A_322 = arith.constant 0 : i32
      %dma_start3A_323 = tpu.memref_slice %dma_start3A_320[%dma_start3A_321, %dma_start3A_322] : memref<10000x64xf32, #tpu.memory_space<hbm>> -> memref<10000x64xf32, #tpu.memory_space<hbm>>
      %dma_start3A_324 = tpu.memref_slice %arg11[%dma_start3A_309] : memref<6x!tpu.dma_semaphore, #tpu.memory_space<semaphore_mem>> -> memref<1x!tpu.dma_semaphore, #tpu.memory_space<semaphore_mem>>
      %dma_start3A_325 = tpu.memref_squeeze %dma_start3A_324 : memref<1x!tpu.dma_semaphore, #tpu.memory_space<semaphore_mem>> -> memref<!tpu.dma_semaphore, #tpu.memory_space<semaphore_mem>>
      tpu.enqueue_indirect_dma source(%dma_start3A_323 : memref<10000x64xf32, #tpu.memory_space<hbm>>) target(%dma_start3A_313 : memref<128x64xf32, #tpu.memory_space<vmem>>) offsets(%dma_start3A_316 : memref<128xi32, #tpu.memory_space<vmem>>) semaphore(%dma_start3A_325 : memref<!tpu.dma_semaphore, #tpu.memory_space<semaphore_mem>>)
      %add3A_326 = arith.constant 2 : i32
      %add3A_327 = arith.addi %mul3A_285, %add3A_326 : i32
      %dma_start3A_328 = arith.constant 2 : i32
      %dma_start3A_329 = arith.constant 2 : i32
      %dma_start3A_330 = arith.constant 0 : i32
      %dma_start3A_331 = arith.constant 0 : i32
      %dma_start3A_332 = tpu.memref_slice %arg9[%dma_start3A_328, %dma_start3A_330, %dma_start3A_331] : memref<6x128x64xf32, #tpu.memory_space<vmem>> -> memref<1x128x64xf32, #tpu.memory_space<vmem>>
      %dma_start3A_333 = tpu.memref_squeeze %dma_start3A_332 : memref<1x128x64xf32, #tpu.memory_space<vmem>> -> memref<128x64xf32, #tpu.memory_space<vmem>>
      %dma_start3A_334 = arith.constant 0 : i32
      %dma_start3A_335 = tpu.memref_slice %arg7[%add3A_327, %dma_start3A_334] : memref<160x128xi32, #tpu.memory_space<vmem>> -> memref<1x128xi32, #tpu.memory_space<vmem>>
      %dma_start3A_336 = tpu.memref_squeeze %dma_start3A_335 : memref<1x128xi32, #tpu.memory_space<vmem>> -> memref<128xi32, #tpu.memory_space<vmem>>
      %dma_start3A_337 = arith.constant 0 : i32
      %dma_start3A_338 = arith.constant 0 : i32
      %dma_start3A_339 = tpu.memref_slice %arg2[%arg0, %dma_start3A_337, %dma_start3A_338] : memref<2x10000x64xf32, #tpu.memory_space<hbm>> -> memref<1x10000x64xf32, #tpu.memory_space<hbm>>
      %dma_start3A_340 = tpu.memref_squeeze %dma_start3A_339 : memref<1x10000x64xf32, #tpu.memory_space<hbm>> -> memref<10000x64xf32, #tpu.memory_space<hbm>>
      %dma_start3A_341 = arith.constant 0 : i32
      %dma_start3A_342 = arith.constant 0 : i32
      %dma_start3A_343 = tpu.memref_slice %dma_start3A_340[%dma_start3A_341, %dma_start3A_342] : memref<10000x64xf32, #tpu.memory_space<hbm>> -> memref<10000x64xf32, #tpu.memory_space<hbm>>
      %dma_start3A_344 = tpu.memref_slice %arg11[%dma_start3A_329] : memref<6x!tpu.dma_semaphore, #tpu.memory_space<semaphore_mem>> -> memref<1x!tpu.dma_semaphore, #tpu.memory_space<semaphore_mem>>
      %dma_start3A_345 = tpu.memref_squeeze %dma_start3A_344 : memref<1x!tpu.dma_semaphore, #tpu.memory_space<semaphore_mem>> -> memref<!tpu.dma_semaphore, #tpu.memory_space<semaphore_mem>>
      tpu.enqueue_indirect_dma source(%dma_start3A_343 : memref<10000x64xf32, #tpu.memory_space<hbm>>) target(%dma_start3A_333 : memref<128x64xf32, #tpu.memory_space<vmem>>) offsets(%dma_start3A_336 : memref<128xi32, #tpu.memory_space<vmem>>) semaphore(%dma_start3A_345 : memref<!tpu.dma_semaphore, #tpu.memory_space<semaphore_mem>>)
      %add3A_346 = arith.constant 3 : i32
      %add3A_347 = arith.addi %mul3A_285, %add3A_346 : i32
      %dma_start3A_348 = arith.constant 3 : i32
      %dma_start3A_349 = arith.constant 3 : i32
      %dma_start3A_350 = arith.constant 0 : i32
      %dma_start3A_351 = arith.constant 0 : i32
      %dma_start3A_352 = tpu.memref_slice %arg9[%dma_start3A_348, %dma_start3A_350, %dma_start3A_351] : memref<6x128x64xf32, #tpu.memory_space<vmem>> -> memref<1x128x64xf32, #tpu.memory_space<vmem>>
      %dma_start3A_353 = tpu.memref_squeeze %dma_start3A_352 : memref<1x128x64xf32, #tpu.memory_space<vmem>> -> memref<128x64xf32, #tpu.memory_space<vmem>>
      %dma_start3A_354 = arith.constant 0 : i32
      %dma_start3A_355 = tpu.memref_slice %arg7[%add3A_347, %dma_start3A_354] : memref<160x128xi32, #tpu.memory_space<vmem>> -> memref<1x128xi32, #tpu.memory_space<vmem>>
      %dma_start3A_356 = tpu.memref_squeeze %dma_start3A_355 : memref<1x128xi32, #tpu.memory_space<vmem>> -> memref<128xi32, #tpu.memory_space<vmem>>
      %dma_start3A_357 = arith.constant 0 : i32
      %dma_start3A_358 = arith.constant 0 : i32
      %dma_start3A_359 = tpu.memref_slice %arg2[%arg0, %dma_start3A_357, %dma_start3A_358] : memref<2x10000x64xf32, #tpu.memory_space<hbm>> -> memref<1x10000x64xf32, #tpu.memory_space<hbm>>
      %dma_start3A_360 = tpu.memref_squeeze %dma_start3A_359 : memref<1x10000x64xf32, #tpu.memory_space<hbm>> -> memref<10000x64xf32, #tpu.memory_space<hbm>>
      %dma_start3A_361 = arith.constant 0 : i32
      %dma_start3A_362 = arith.constant 0 : i32
      %dma_start3A_363 = tpu.memref_slice %dma_start3A_360[%dma_start3A_361, %dma_start3A_362] : memref<10000x64xf32, #tpu.memory_space<hbm>> -> memref<10000x64xf32, #tpu.memory_space<hbm>>
      %dma_start3A_364 = tpu.memref_slice %arg11[%dma_start3A_349] : memref<6x!tpu.dma_semaphore, #tpu.memory_space<semaphore_mem>> -> memref<1x!tpu.dma_semaphore, #tpu.memory_space<semaphore_mem>>
      %dma_start3A_365 = tpu.memref_squeeze %dma_start3A_364 : memref<1x!tpu.dma_semaphore, #tpu.memory_space<semaphore_mem>> -> memref<!tpu.dma_semaphore, #tpu.memory_space<semaphore_mem>>
      tpu.enqueue_indirect_dma source(%dma_start3A_363 : memref<10000x64xf32, #tpu.memory_space<hbm>>) target(%dma_start3A_353 : memref<128x64xf32, #tpu.memory_space<vmem>>) offsets(%dma_start3A_356 : memref<128xi32, #tpu.memory_space<vmem>>) semaphore(%dma_start3A_365 : memref<!tpu.dma_semaphore, #tpu.memory_space<semaphore_mem>>)
      %add3A_366 = arith.constant 4 : i32
      %add3A_367 = arith.addi %mul3A_285, %add3A_366 : i32
      %dma_start3A_368 = arith.constant 4 : i32
      %dma_start3A_369 = arith.constant 4 : i32
      %dma_start3A_370 = arith.constant 0 : i32
      %dma_start3A_371 = arith.constant 0 : i32
      %dma_start3A_372 = tpu.memref_slice %arg9[%dma_start3A_368, %dma_start3A_370, %dma_start3A_371] : memref<6x128x64xf32, #tpu.memory_space<vmem>> -> memref<1x128x64xf32, #tpu.memory_space<vmem>>
      %dma_start3A_373 = tpu.memref_squeeze %dma_start3A_372 : memref<1x128x64xf32, #tpu.memory_space<vmem>> -> memref<128x64xf32, #tpu.memory_space<vmem>>
      %dma_start3A_374 = arith.constant 0 : i32
      %dma_start3A_375 = tpu.memref_slice %arg7[%add3A_367, %dma_start3A_374] : memref<160x128xi32, #tpu.memory_space<vmem>> -> memref<1x128xi32, #tpu.memory_space<vmem>>
      %dma_start3A_376 = tpu.memref_squeeze %dma_start3A_375 : memref<1x128xi32, #tpu.memory_space<vmem>> -> memref<128xi32, #tpu.memory_space<vmem>>
      %dma_start3A_377 = arith.constant 0 : i32
      %dma_start3A_378 = arith.constant 0 : i32
      %dma_start3A_379 = tpu.memref_slice %arg2[%arg0, %dma_start3A_377, %dma_start3A_378] : memref<2x10000x64xf32, #tpu.memory_space<hbm>> -> memref<1x10000x64xf32, #tpu.memory_space<hbm>>
      %dma_start3A_380 = tpu.memref_squeeze %dma_start3A_379 : memref<1x10000x64xf32, #tpu.memory_space<hbm>> -> memref<10000x64xf32, #tpu.memory_space<hbm>>
      %dma_start3A_381 = arith.constant 0 : i32
      %dma_start3A_382 = arith.constant 0 : i32
      %dma_start3A_383 = tpu.memref_slice %dma_start3A_380[%dma_start3A_381, %dma_start3A_382] : memref<10000x64xf32, #tpu.memory_space<hbm>> -> memref<10000x64xf32, #tpu.memory_space<hbm>>
      %dma_start3A_384 = tpu.memref_slice %arg11[%dma_start3A_369] : memref<6x!tpu.dma_semaphore, #tpu.memory_space<semaphore_mem>> -> memref<1x!tpu.dma_semaphore, #tpu.memory_space<semaphore_mem>>
      %dma_start3A_385 = tpu.memref_squeeze %dma_start3A_384 : memref<1x!tpu.dma_semaphore, #tpu.memory_space<semaphore_mem>> -> memref<!tpu.dma_semaphore, #tpu.memory_space<semaphore_mem>>
      tpu.enqueue_indirect_dma source(%dma_start3A_383 : memref<10000x64xf32, #tpu.memory_space<hbm>>) target(%dma_start3A_373 : memref<128x64xf32, #tpu.memory_space<vmem>>) offsets(%dma_start3A_376 : memref<128xi32, #tpu.memory_space<vmem>>) semaphore(%dma_start3A_385 : memref<!tpu.dma_semaphore, #tpu.memory_space<semaphore_mem>>)
      %add3A_386 = arith.constant 5 : i32
      %add3A_387 = arith.addi %mul3A_285, %add3A_386 : i32
      %dma_start3A_388 = arith.constant 5 : i32
      %dma_start3A_389 = arith.constant 5 : i32
      %dma_start3A_390 = arith.constant 0 : i32
      %dma_start3A_391 = arith.constant 0 : i32
      %dma_start3A_392 = tpu.memref_slice %arg9[%dma_start3A_388, %dma_start3A_390, %dma_start3A_391] : memref<6x128x64xf32, #tpu.memory_space<vmem>> -> memref<1x128x64xf32, #tpu.memory_space<vmem>>
      %dma_start3A_393 = tpu.memref_squeeze %dma_start3A_392 : memref<1x128x64xf32, #tpu.memory_space<vmem>> -> memref<128x64xf32, #tpu.memory_space<vmem>>
      %dma_start3A_394 = arith.constant 0 : i32
      %dma_start3A_395 = tpu.memref_slice %arg7[%add3A_387, %dma_start3A_394] : memref<160x128xi32, #tpu.memory_space<vmem>> -> memref<1x128xi32, #tpu.memory_space<vmem>>
      %dma_start3A_396 = tpu.memref_squeeze %dma_start3A_395 : memref<1x128xi32, #tpu.memory_space<vmem>> -> memref<128xi32, #tpu.memory_space<vmem>>
      %dma_start3A_397 = arith.constant 0 : i32
      %dma_start3A_398 = arith.constant 0 : i32
      %dma_start3A_399 = tpu.memref_slice %arg2[%arg0, %dma_start3A_397, %dma_start3A_398] : memref<2x10000x64xf32, #tpu.memory_space<hbm>> -> memref<1x10000x64xf32, #tpu.memory_space<hbm>>
      %dma_start3A_400 = tpu.memref_squeeze %dma_start3A_399 : memref<1x10000x64xf32, #tpu.memory_space<hbm>> -> memref<10000x64xf32, #tpu.memory_space<hbm>>
      %dma_start3A_401 = arith.constant 0 : i32
      %dma_start3A_402 = arith.constant 0 : i32
      %dma_start3A_403 = tpu.memref_slice %dma_start3A_400[%dma_start3A_401, %dma_start3A_402] : memref<10000x64xf32, #tpu.memory_space<hbm>> -> memref<10000x64xf32, #tpu.memory_space<hbm>>
      %dma_start3A_404 = tpu.memref_slice %arg11[%dma_start3A_389] : memref<6x!tpu.dma_semaphore, #tpu.memory_space<semaphore_mem>> -> memref<1x!tpu.dma_semaphore, #tpu.memory_space<semaphore_mem>>
      %dma_start3A_405 = tpu.memref_squeeze %dma_start3A_404 : memref<1x!tpu.dma_semaphore, #tpu.memory_space<semaphore_mem>> -> memref<!tpu.dma_semaphore, #tpu.memory_space<semaphore_mem>>
      tpu.enqueue_indirect_dma source(%dma_start3A_403 : memref<10000x64xf32, #tpu.memory_space<hbm>>) target(%dma_start3A_393 : memref<128x64xf32, #tpu.memory_space<vmem>>) offsets(%dma_start3A_396 : memref<128xi32, #tpu.memory_space<vmem>>) semaphore(%dma_start3A_405 : memref<!tpu.dma_semaphore, #tpu.memory_space<semaphore_mem>>)
      %dma_wait3A_406 = arith.constant 0 : i32
      %dma_wait3A_407 = arith.constant 0 : i32
      %dma_wait3A_408 = arith.constant 0 : i32
      %dma_wait3A_409 = arith.constant 0 : i32
      %dma_wait3A_410 = tpu.memref_slice %arg9[%dma_wait3A_406, %dma_wait3A_408, %dma_wait3A_409] : memref<6x128x64xf32, #tpu.memory_space<vmem>> -> memref<1x128x64xf32, #tpu.memory_space<vmem>>
      %dma_wait3A_411 = tpu.memref_squeeze %dma_wait3A_410 : memref<1x128x64xf32, #tpu.memory_space<vmem>> -> memref<128x64xf32, #tpu.memory_space<vmem>>
      %dma_wait3A_412 = arith.constant 0 : i32
      %dma_wait3A_413 = tpu.memref_slice %arg7[%add3A_287, %dma_wait3A_412] : memref<160x128xi32, #tpu.memory_space<vmem>> -> memref<1x128xi32, #tpu.memory_space<vmem>>
      %dma_wait3A_414 = tpu.memref_squeeze %dma_wait3A_413 : memref<1x128xi32, #tpu.memory_space<vmem>> -> memref<128xi32, #tpu.memory_space<vmem>>
      %dma_wait3A_415 = arith.constant 0 : i32
      %dma_wait3A_416 = arith.constant 0 : i32
      %dma_wait3A_417 = tpu.memref_slice %arg2[%arg0, %dma_wait3A_415, %dma_wait3A_416] : memref<2x10000x64xf32, #tpu.memory_space<hbm>> -> memref<1x10000x64xf32, #tpu.memory_space<hbm>>
      %dma_wait3A_418 = tpu.memref_squeeze %dma_wait3A_417 : memref<1x10000x64xf32, #tpu.memory_space<hbm>> -> memref<10000x64xf32, #tpu.memory_space<hbm>>
      %dma_wait3A_419 = arith.constant 0 : i32
      %dma_wait3A_420 = arith.constant 0 : i32
      %dma_wait3A_421 = tpu.memref_slice %dma_wait3A_418[%dma_wait3A_419, %dma_wait3A_420] : memref<10000x64xf32, #tpu.memory_space<hbm>> -> memref<10000x64xf32, #tpu.memory_space<hbm>>
      %dma_wait3A_422 = tpu.memref_slice %arg11[%dma_wait3A_407] : memref<6x!tpu.dma_semaphore, #tpu.memory_space<semaphore_mem>> -> memref<1x!tpu.dma_semaphore, #tpu.memory_space<semaphore_mem>>
      %dma_wait3A_423 = tpu.memref_squeeze %dma_wait3A_422 : memref<1x!tpu.dma_semaphore, #tpu.memory_space<semaphore_mem>> -> memref<!tpu.dma_semaphore, #tpu.memory_space<semaphore_mem>>
      tpu.wait_indirect_dma semaphore(%dma_wait3A_423 : memref<!tpu.dma_semaphore, #tpu.memory_space<semaphore_mem>>) src(%dma_wait3A_421 : memref<10000x64xf32, #tpu.memory_space<hbm>>) dst(%dma_wait3A_411 : memref<128x64xf32, #tpu.memory_space<vmem>>)
      %add3A_424 = arith.constant 0 : i32
      %add3A_425 = arith.addi %mul3A_285, %add3A_424 : i32
      %dma_start3A_426 = arith.constant 0 : i32
      %dma_start3A_427 = arith.constant 0 : i32
      %dma_start3A_428 = arith.constant 0 : i32
      %dma_start3A_429 = arith.constant 0 : i32
      %dma_start3A_430 = tpu.memref_slice %arg9[%dma_start3A_426, %dma_start3A_428, %dma_start3A_429] : memref<6x128x64xf32, #tpu.memory_space<vmem>> -> memref<1x128x64xf32, #tpu.memory_space<vmem>>
      %dma_start3A_431 = tpu.memref_squeeze %dma_start3A_430 : memref<1x128x64xf32, #tpu.memory_space<vmem>> -> memref<128x64xf32, #tpu.memory_space<vmem>>
      %dma_start3A_432 = arith.constant 0 : i32
      %dma_start3A_433 = tpu.memref_slice %arg8[%add3A_425, %dma_start3A_432] : memref<160x128xi32, #tpu.memory_space<vmem>> -> memref<1x128xi32, #tpu.memory_space<vmem>>
      %dma_start3A_434 = tpu.memref_squeeze %dma_start3A_433 : memref<1x128xi32, #tpu.memory_space<vmem>> -> memref<128xi32, #tpu.memory_space<vmem>>
      %dma_start3A_435 = arith.constant 0 : i32
      %dma_start3A_436 = arith.constant 0 : i32
      %dma_start3A_437 = tpu.memref_slice %arg10[%dma_start3A_435, %dma_start3A_436] : memref<10112x64xf32, #tpu.memory_space<vmem_shared>> -> memref<10112x64xf32, #tpu.memory_space<vmem_shared>>
      %dma_start3A_438 = tpu.memref_slice %arg12[%dma_start3A_427] : memref<6x!tpu.dma_semaphore, #tpu.memory_space<semaphore_mem>> -> memref<1x!tpu.dma_semaphore, #tpu.memory_space<semaphore_mem>>
      %dma_start3A_439 = tpu.memref_squeeze %dma_start3A_438 : memref<1x!tpu.dma_semaphore, #tpu.memory_space<semaphore_mem>> -> memref<!tpu.dma_semaphore, #tpu.memory_space<semaphore_mem>>
      tpu.enqueue_indirect_dma source(%dma_start3A_431 : memref<128x64xf32, #tpu.memory_space<vmem>>) target(%dma_start3A_437 : memref<10112x64xf32, #tpu.memory_space<vmem_shared>>) offsets(%dma_start3A_434 : memref<128xi32, #tpu.memory_space<vmem>>) semaphore(%dma_start3A_439 : memref<!tpu.dma_semaphore, #tpu.memory_space<semaphore_mem>>) {add = true}
      %dma_wait3A_440 = arith.constant 1 : i32
      %dma_wait3A_441 = arith.constant 1 : i32
      %dma_wait3A_442 = arith.constant 0 : i32
      %dma_wait3A_443 = arith.constant 0 : i32
      %dma_wait3A_444 = tpu.memref_slice %arg9[%dma_wait3A_440, %dma_wait3A_442, %dma_wait3A_443] : memref<6x128x64xf32, #tpu.memory_space<vmem>> -> memref<1x128x64xf32, #tpu.memory_space<vmem>>
      %dma_wait3A_445 = tpu.memref_squeeze %dma_wait3A_444 : memref<1x128x64xf32, #tpu.memory_space<vmem>> -> memref<128x64xf32, #tpu.memory_space<vmem>>
      %dma_wait3A_446 = arith.constant 0 : i32
      %dma_wait3A_447 = tpu.memref_slice %arg7[%add3A_307, %dma_wait3A_446] : memref<160x128xi32, #tpu.memory_space<vmem>> -> memref<1x128xi32, #tpu.memory_space<vmem>>
      %dma_wait3A_448 = tpu.memref_squeeze %dma_wait3A_447 : memref<1x128xi32, #tpu.memory_space<vmem>> -> memref<128xi32, #tpu.memory_space<vmem>>
      %dma_wait3A_449 = arith.constant 0 : i32
      %dma_wait3A_450 = arith.constant 0 : i32
      %dma_wait3A_451 = tpu.memref_slice %arg2[%arg0, %dma_wait3A_449, %dma_wait3A_450] : memref<2x10000x64xf32, #tpu.memory_space<hbm>> -> memref<1x10000x64xf32, #tpu.memory_space<hbm>>
      %dma_wait3A_452 = tpu.memref_squeeze %dma_wait3A_451 : memref<1x10000x64xf32, #tpu.memory_space<hbm>> -> memref<10000x64xf32, #tpu.memory_space<hbm>>
      %dma_wait3A_453 = arith.constant 0 : i32
      %dma_wait3A_454 = arith.constant 0 : i32
      %dma_wait3A_455 = tpu.memref_slice %dma_wait3A_452[%dma_wait3A_453, %dma_wait3A_454] : memref<10000x64xf32, #tpu.memory_space<hbm>> -> memref<10000x64xf32, #tpu.memory_space<hbm>>
      %dma_wait3A_456 = tpu.memref_slice %arg11[%dma_wait3A_441] : memref<6x!tpu.dma_semaphore, #tpu.memory_space<semaphore_mem>> -> memref<1x!tpu.dma_semaphore, #tpu.memory_space<semaphore_mem>>
      %dma_wait3A_457 = tpu.memref_squeeze %dma_wait3A_456 : memref<1x!tpu.dma_semaphore, #tpu.memory_space<semaphore_mem>> -> memref<!tpu.dma_semaphore, #tpu.memory_space<semaphore_mem>>
      tpu.wait_indirect_dma semaphore(%dma_wait3A_457 : memref<!tpu.dma_semaphore, #tpu.memory_space<semaphore_mem>>) src(%dma_wait3A_455 : memref<10000x64xf32, #tpu.memory_space<hbm>>) dst(%dma_wait3A_445 : memref<128x64xf32, #tpu.memory_space<vmem>>)
      %add3A_458 = arith.constant 1 : i32
      %add3A_459 = arith.addi %mul3A_285, %add3A_458 : i32
      %dma_start3A_460 = arith.constant 1 : i32
      %dma_start3A_461 = arith.constant 1 : i32
      %dma_start3A_462 = arith.constant 0 : i32
      %dma_start3A_463 = arith.constant 0 : i32
      %dma_start3A_464 = tpu.memref_slice %arg9[%dma_start3A_460, %dma_start3A_462, %dma_start3A_463] : memref<6x128x64xf32, #tpu.memory_space<vmem>> -> memref<1x128x64xf32, #tpu.memory_space<vmem>>
      %dma_start3A_465 = tpu.memref_squeeze %dma_start3A_464 : memref<1x128x64xf32, #tpu.memory_space<vmem>> -> memref<128x64xf32, #tpu.memory_space<vmem>>
      %dma_start3A_466 = arith.constant 0 : i32
      %dma_start3A_467 = tpu.memref_slice %arg8[%add3A_459, %dma_start3A_466] : memref<160x128xi32, #tpu.memory_space<vmem>> -> memref<1x128xi32, #tpu.memory_space<vmem>>
      %dma_start3A_468 = tpu.memref_squeeze %dma_start3A_467 : memref<1x128xi32, #tpu.memory_space<vmem>> -> memref<128xi32, #tpu.memory_space<vmem>>
      %dma_start3A_469 = arith.constant 0 : i32
      %dma_start3A_470 = arith.constant 0 : i32
      %dma_start3A_471 = tpu.memref_slice %arg10[%dma_start3A_469, %dma_start3A_470] : memref<10112x64xf32, #tpu.memory_space<vmem_shared>> -> memref<10112x64xf32, #tpu.memory_space<vmem_shared>>
      %dma_start3A_472 = tpu.memref_slice %arg12[%dma_start3A_461] : memref<6x!tpu.dma_semaphore, #tpu.memory_space<semaphore_mem>> -> memref<1x!tpu.dma_semaphore, #tpu.memory_space<semaphore_mem>>
      %dma_start3A_473 = tpu.memref_squeeze %dma_start3A_472 : memref<1x!tpu.dma_semaphore, #tpu.memory_space<semaphore_mem>> -> memref<!tpu.dma_semaphore, #tpu.memory_space<semaphore_mem>>
      tpu.enqueue_indirect_dma source(%dma_start3A_465 : memref<128x64xf32, #tpu.memory_space<vmem>>) target(%dma_start3A_471 : memref<10112x64xf32, #tpu.memory_space<vmem_shared>>) offsets(%dma_start3A_468 : memref<128xi32, #tpu.memory_space<vmem>>) semaphore(%dma_start3A_473 : memref<!tpu.dma_semaphore, #tpu.memory_space<semaphore_mem>>) {add = true}
      %dma_wait3A_474 = arith.constant 2 : i32
      %dma_wait3A_475 = arith.constant 2 : i32
      %dma_wait3A_476 = arith.constant 0 : i32
      %dma_wait3A_477 = arith.constant 0 : i32
      %dma_wait3A_478 = tpu.memref_slice %arg9[%dma_wait3A_474, %dma_wait3A_476, %dma_wait3A_477] : memref<6x128x64xf32, #tpu.memory_space<vmem>> -> memref<1x128x64xf32, #tpu.memory_space<vmem>>
      %dma_wait3A_479 = tpu.memref_squeeze %dma_wait3A_478 : memref<1x128x64xf32, #tpu.memory_space<vmem>> -> memref<128x64xf32, #tpu.memory_space<vmem>>
      %dma_wait3A_480 = arith.constant 0 : i32
      %dma_wait3A_481 = tpu.memref_slice %arg7[%add3A_327, %dma_wait3A_480] : memref<160x128xi32, #tpu.memory_space<vmem>> -> memref<1x128xi32, #tpu.memory_space<vmem>>
      %dma_wait3A_482 = tpu.memref_squeeze %dma_wait3A_481 : memref<1x128xi32, #tpu.memory_space<vmem>> -> memref<128xi32, #tpu.memory_space<vmem>>
      %dma_wait3A_483 = arith.constant 0 : i32
      %dma_wait3A_484 = arith.constant 0 : i32
      %dma_wait3A_485 = tpu.memref_slice %arg2[%arg0, %dma_wait3A_483, %dma_wait3A_484] : memref<2x10000x64xf32, #tpu.memory_space<hbm>> -> memref<1x10000x64xf32, #tpu.memory_space<hbm>>
      %dma_wait3A_486 = tpu.memref_squeeze %dma_wait3A_485 : memref<1x10000x64xf32, #tpu.memory_space<hbm>> -> memref<10000x64xf32, #tpu.memory_space<hbm>>
      %dma_wait3A_487 = arith.constant 0 : i32
      %dma_wait3A_488 = arith.constant 0 : i32
      %dma_wait3A_489 = tpu.memref_slice %dma_wait3A_486[%dma_wait3A_487, %dma_wait3A_488] : memref<10000x64xf32, #tpu.memory_space<hbm>> -> memref<10000x64xf32, #tpu.memory_space<hbm>>
      %dma_wait3A_490 = tpu.memref_slice %arg11[%dma_wait3A_475] : memref<6x!tpu.dma_semaphore, #tpu.memory_space<semaphore_mem>> -> memref<1x!tpu.dma_semaphore, #tpu.memory_space<semaphore_mem>>
      %dma_wait3A_491 = tpu.memref_squeeze %dma_wait3A_490 : memref<1x!tpu.dma_semaphore, #tpu.memory_space<semaphore_mem>> -> memref<!tpu.dma_semaphore, #tpu.memory_space<semaphore_mem>>
      tpu.wait_indirect_dma semaphore(%dma_wait3A_491 : memref<!tpu.dma_semaphore, #tpu.memory_space<semaphore_mem>>) src(%dma_wait3A_489 : memref<10000x64xf32, #tpu.memory_space<hbm>>) dst(%dma_wait3A_479 : memref<128x64xf32, #tpu.memory_space<vmem>>)
      %add3A_492 = arith.constant 2 : i32
      %add3A_493 = arith.addi %mul3A_285, %add3A_492 : i32
      %dma_start3A_494 = arith.constant 2 : i32
      %dma_start3A_495 = arith.constant 2 : i32
      %dma_start3A_496 = arith.constant 0 : i32
      %dma_start3A_497 = arith.constant 0 : i32
      %dma_start3A_498 = tpu.memref_slice %arg9[%dma_start3A_494, %dma_start3A_496, %dma_start3A_497] : memref<6x128x64xf32, #tpu.memory_space<vmem>> -> memref<1x128x64xf32, #tpu.memory_space<vmem>>
      %dma_start3A_499 = tpu.memref_squeeze %dma_start3A_498 : memref<1x128x64xf32, #tpu.memory_space<vmem>> -> memref<128x64xf32, #tpu.memory_space<vmem>>
      %dma_start3A_500 = arith.constant 0 : i32
      %dma_start3A_501 = tpu.memref_slice %arg8[%add3A_493, %dma_start3A_500] : memref<160x128xi32, #tpu.memory_space<vmem>> -> memref<1x128xi32, #tpu.memory_space<vmem>>
      %dma_start3A_502 = tpu.memref_squeeze %dma_start3A_501 : memref<1x128xi32, #tpu.memory_space<vmem>> -> memref<128xi32, #tpu.memory_space<vmem>>
      %dma_start3A_503 = arith.constant 0 : i32
      %dma_start3A_504 = arith.constant 0 : i32
      %dma_start3A_505 = tpu.memref_slice %arg10[%dma_start3A_503, %dma_start3A_504] : memref<10112x64xf32, #tpu.memory_space<vmem_shared>> -> memref<10112x64xf32, #tpu.memory_space<vmem_shared>>
      %dma_start3A_506 = tpu.memref_slice %arg12[%dma_start3A_495] : memref<6x!tpu.dma_semaphore, #tpu.memory_space<semaphore_mem>> -> memref<1x!tpu.dma_semaphore, #tpu.memory_space<semaphore_mem>>
      %dma_start3A_507 = tpu.memref_squeeze %dma_start3A_506 : memref<1x!tpu.dma_semaphore, #tpu.memory_space<semaphore_mem>> -> memref<!tpu.dma_semaphore, #tpu.memory_space<semaphore_mem>>
      tpu.enqueue_indirect_dma source(%dma_start3A_499 : memref<128x64xf32, #tpu.memory_space<vmem>>) target(%dma_start3A_505 : memref<10112x64xf32, #tpu.memory_space<vmem_shared>>) offsets(%dma_start3A_502 : memref<128xi32, #tpu.memory_space<vmem>>) semaphore(%dma_start3A_507 : memref<!tpu.dma_semaphore, #tpu.memory_space<semaphore_mem>>) {add = true}
      %dma_wait3A_508 = arith.constant 3 : i32
      %dma_wait3A_509 = arith.constant 3 : i32
      %dma_wait3A_510 = arith.constant 0 : i32
      %dma_wait3A_511 = arith.constant 0 : i32
      %dma_wait3A_512 = tpu.memref_slice %arg9[%dma_wait3A_508, %dma_wait3A_510, %dma_wait3A_511] : memref<6x128x64xf32, #tpu.memory_space<vmem>> -> memref<1x128x64xf32, #tpu.memory_space<vmem>>
      %dma_wait3A_513 = tpu.memref_squeeze %dma_wait3A_512 : memref<1x128x64xf32, #tpu.memory_space<vmem>> -> memref<128x64xf32, #tpu.memory_space<vmem>>
      %dma_wait3A_514 = arith.constant 0 : i32
      %dma_wait3A_515 = tpu.memref_slice %arg7[%add3A_347, %dma_wait3A_514] : memref<160x128xi32, #tpu.memory_space<vmem>> -> memref<1x128xi32, #tpu.memory_space<vmem>>
      %dma_wait3A_516 = tpu.memref_squeeze %dma_wait3A_515 : memref<1x128xi32, #tpu.memory_space<vmem>> -> memref<128xi32, #tpu.memory_space<vmem>>
      %dma_wait3A_517 = arith.constant 0 : i32
      %dma_wait3A_518 = arith.constant 0 : i32
      %dma_wait3A_519 = tpu.memref_slice %arg2[%arg0, %dma_wait3A_517, %dma_wait3A_518] : memref<2x10000x64xf32, #tpu.memory_space<hbm>> -> memref<1x10000x64xf32, #tpu.memory_space<hbm>>
      %dma_wait3A_520 = tpu.memref_squeeze %dma_wait3A_519 : memref<1x10000x64xf32, #tpu.memory_space<hbm>> -> memref<10000x64xf32, #tpu.memory_space<hbm>>
      %dma_wait3A_521 = arith.constant 0 : i32
      %dma_wait3A_522 = arith.constant 0 : i32
      %dma_wait3A_523 = tpu.memref_slice %dma_wait3A_520[%dma_wait3A_521, %dma_wait3A_522] : memref<10000x64xf32, #tpu.memory_space<hbm>> -> memref<10000x64xf32, #tpu.memory_space<hbm>>
      %dma_wait3A_524 = tpu.memref_slice %arg11[%dma_wait3A_509] : memref<6x!tpu.dma_semaphore, #tpu.memory_space<semaphore_mem>> -> memref<1x!tpu.dma_semaphore, #tpu.memory_space<semaphore_mem>>
      %dma_wait3A_525 = tpu.memref_squeeze %dma_wait3A_524 : memref<1x!tpu.dma_semaphore, #tpu.memory_space<semaphore_mem>> -> memref<!tpu.dma_semaphore, #tpu.memory_space<semaphore_mem>>
      tpu.wait_indirect_dma semaphore(%dma_wait3A_525 : memref<!tpu.dma_semaphore, #tpu.memory_space<semaphore_mem>>) src(%dma_wait3A_523 : memref<10000x64xf32, #tpu.memory_space<hbm>>) dst(%dma_wait3A_513 : memref<128x64xf32, #tpu.memory_space<vmem>>)
      %add3A_526 = arith.constant 3 : i32
      %add3A_527 = arith.addi %mul3A_285, %add3A_526 : i32
      %dma_start3A_528 = arith.constant 3 : i32
      %dma_start3A_529 = arith.constant 3 : i32
      %dma_start3A_530 = arith.constant 0 : i32
      %dma_start3A_531 = arith.constant 0 : i32
      %dma_start3A_532 = tpu.memref_slice %arg9[%dma_start3A_528, %dma_start3A_530, %dma_start3A_531] : memref<6x128x64xf32, #tpu.memory_space<vmem>> -> memref<1x128x64xf32, #tpu.memory_space<vmem>>
      %dma_start3A_533 = tpu.memref_squeeze %dma_start3A_532 : memref<1x128x64xf32, #tpu.memory_space<vmem>> -> memref<128x64xf32, #tpu.memory_space<vmem>>
      %dma_start3A_534 = arith.constant 0 : i32
      %dma_start3A_535 = tpu.memref_slice %arg8[%add3A_527, %dma_start3A_534] : memref<160x128xi32, #tpu.memory_space<vmem>> -> memref<1x128xi32, #tpu.memory_space<vmem>>
      %dma_start3A_536 = tpu.memref_squeeze %dma_start3A_535 : memref<1x128xi32, #tpu.memory_space<vmem>> -> memref<128xi32, #tpu.memory_space<vmem>>
      %dma_start3A_537 = arith.constant 0 : i32
      %dma_start3A_538 = arith.constant 0 : i32
      %dma_start3A_539 = tpu.memref_slice %arg10[%dma_start3A_537, %dma_start3A_538] : memref<10112x64xf32, #tpu.memory_space<vmem_shared>> -> memref<10112x64xf32, #tpu.memory_space<vmem_shared>>
      %dma_start3A_540 = tpu.memref_slice %arg12[%dma_start3A_529] : memref<6x!tpu.dma_semaphore, #tpu.memory_space<semaphore_mem>> -> memref<1x!tpu.dma_semaphore, #tpu.memory_space<semaphore_mem>>
      %dma_start3A_541 = tpu.memref_squeeze %dma_start3A_540 : memref<1x!tpu.dma_semaphore, #tpu.memory_space<semaphore_mem>> -> memref<!tpu.dma_semaphore, #tpu.memory_space<semaphore_mem>>
      tpu.enqueue_indirect_dma source(%dma_start3A_533 : memref<128x64xf32, #tpu.memory_space<vmem>>) target(%dma_start3A_539 : memref<10112x64xf32, #tpu.memory_space<vmem_shared>>) offsets(%dma_start3A_536 : memref<128xi32, #tpu.memory_space<vmem>>) semaphore(%dma_start3A_541 : memref<!tpu.dma_semaphore, #tpu.memory_space<semaphore_mem>>) {add = true}
      %dma_wait3A_542 = arith.constant 4 : i32
      %dma_wait3A_543 = arith.constant 4 : i32
      %dma_wait3A_544 = arith.constant 0 : i32
      %dma_wait3A_545 = arith.constant 0 : i32
      %dma_wait3A_546 = tpu.memref_slice %arg9[%dma_wait3A_542, %dma_wait3A_544, %dma_wait3A_545] : memref<6x128x64xf32, #tpu.memory_space<vmem>> -> memref<1x128x64xf32, #tpu.memory_space<vmem>>
      %dma_wait3A_547 = tpu.memref_squeeze %dma_wait3A_546 : memref<1x128x64xf32, #tpu.memory_space<vmem>> -> memref<128x64xf32, #tpu.memory_space<vmem>>
      %dma_wait3A_548 = arith.constant 0 : i32
      %dma_wait3A_549 = tpu.memref_slice %arg7[%add3A_367, %dma_wait3A_548] : memref<160x128xi32, #tpu.memory_space<vmem>> -> memref<1x128xi32, #tpu.memory_space<vmem>>
      %dma_wait3A_550 = tpu.memref_squeeze %dma_wait3A_549 : memref<1x128xi32, #tpu.memory_space<vmem>> -> memref<128xi32, #tpu.memory_space<vmem>>
      %dma_wait3A_551 = arith.constant 0 : i32
      %dma_wait3A_552 = arith.constant 0 : i32
      %dma_wait3A_553 = tpu.memref_slice %arg2[%arg0, %dma_wait3A_551, %dma_wait3A_552] : memref<2x10000x64xf32, #tpu.memory_space<hbm>> -> memref<1x10000x64xf32, #tpu.memory_space<hbm>>
      %dma_wait3A_554 = tpu.memref_squeeze %dma_wait3A_553 : memref<1x10000x64xf32, #tpu.memory_space<hbm>> -> memref<10000x64xf32, #tpu.memory_space<hbm>>
      %dma_wait3A_555 = arith.constant 0 : i32
      %dma_wait3A_556 = arith.constant 0 : i32
      %dma_wait3A_557 = tpu.memref_slice %dma_wait3A_554[%dma_wait3A_555, %dma_wait3A_556] : memref<10000x64xf32, #tpu.memory_space<hbm>> -> memref<10000x64xf32, #tpu.memory_space<hbm>>
      %dma_wait3A_558 = tpu.memref_slice %arg11[%dma_wait3A_543] : memref<6x!tpu.dma_semaphore, #tpu.memory_space<semaphore_mem>> -> memref<1x!tpu.dma_semaphore, #tpu.memory_space<semaphore_mem>>
      %dma_wait3A_559 = tpu.memref_squeeze %dma_wait3A_558 : memref<1x!tpu.dma_semaphore, #tpu.memory_space<semaphore_mem>> -> memref<!tpu.dma_semaphore, #tpu.memory_space<semaphore_mem>>
      tpu.wait_indirect_dma semaphore(%dma_wait3A_559 : memref<!tpu.dma_semaphore, #tpu.memory_space<semaphore_mem>>) src(%dma_wait3A_557 : memref<10000x64xf32, #tpu.memory_space<hbm>>) dst(%dma_wait3A_547 : memref<128x64xf32, #tpu.memory_space<vmem>>)
      %add3A_560 = arith.constant 4 : i32
      %add3A_561 = arith.addi %mul3A_285, %add3A_560 : i32
      %dma_start3A_562 = arith.constant 4 : i32
      %dma_start3A_563 = arith.constant 4 : i32
      %dma_start3A_564 = arith.constant 0 : i32
      %dma_start3A_565 = arith.constant 0 : i32
      %dma_start3A_566 = tpu.memref_slice %arg9[%dma_start3A_562, %dma_start3A_564, %dma_start3A_565] : memref<6x128x64xf32, #tpu.memory_space<vmem>> -> memref<1x128x64xf32, #tpu.memory_space<vmem>>
      %dma_start3A_567 = tpu.memref_squeeze %dma_start3A_566 : memref<1x128x64xf32, #tpu.memory_space<vmem>> -> memref<128x64xf32, #tpu.memory_space<vmem>>
      %dma_start3A_568 = arith.constant 0 : i32
      %dma_start3A_569 = tpu.memref_slice %arg8[%add3A_561, %dma_start3A_568] : memref<160x128xi32, #tpu.memory_space<vmem>> -> memref<1x128xi32, #tpu.memory_space<vmem>>
      %dma_start3A_570 = tpu.memref_squeeze %dma_start3A_569 : memref<1x128xi32, #tpu.memory_space<vmem>> -> memref<128xi32, #tpu.memory_space<vmem>>
      %dma_start3A_571 = arith.constant 0 : i32
      %dma_start3A_572 = arith.constant 0 : i32
      %dma_start3A_573 = tpu.memref_slice %arg10[%dma_start3A_571, %dma_start3A_572] : memref<10112x64xf32, #tpu.memory_space<vmem_shared>> -> memref<10112x64xf32, #tpu.memory_space<vmem_shared>>
      %dma_start3A_574 = tpu.memref_slice %arg12[%dma_start3A_563] : memref<6x!tpu.dma_semaphore, #tpu.memory_space<semaphore_mem>> -> memref<1x!tpu.dma_semaphore, #tpu.memory_space<semaphore_mem>>
      %dma_start3A_575 = tpu.memref_squeeze %dma_start3A_574 : memref<1x!tpu.dma_semaphore, #tpu.memory_space<semaphore_mem>> -> memref<!tpu.dma_semaphore, #tpu.memory_space<semaphore_mem>>
      tpu.enqueue_indirect_dma source(%dma_start3A_567 : memref<128x64xf32, #tpu.memory_space<vmem>>) target(%dma_start3A_573 : memref<10112x64xf32, #tpu.memory_space<vmem_shared>>) offsets(%dma_start3A_570 : memref<128xi32, #tpu.memory_space<vmem>>) semaphore(%dma_start3A_575 : memref<!tpu.dma_semaphore, #tpu.memory_space<semaphore_mem>>) {add = true}
      %dma_wait3A_576 = arith.constant 5 : i32
      %dma_wait3A_577 = arith.constant 5 : i32
      %dma_wait3A_578 = arith.constant 0 : i32
      %dma_wait3A_579 = arith.constant 0 : i32
      %dma_wait3A_580 = tpu.memref_slice %arg9[%dma_wait3A_576, %dma_wait3A_578, %dma_wait3A_579] : memref<6x128x64xf32, #tpu.memory_space<vmem>> -> memref<1x128x64xf32, #tpu.memory_space<vmem>>
      %dma_wait3A_581 = tpu.memref_squeeze %dma_wait3A_580 : memref<1x128x64xf32, #tpu.memory_space<vmem>> -> memref<128x64xf32, #tpu.memory_space<vmem>>
      %dma_wait3A_582 = arith.constant 0 : i32
      %dma_wait3A_583 = tpu.memref_slice %arg7[%add3A_387, %dma_wait3A_582] : memref<160x128xi32, #tpu.memory_space<vmem>> -> memref<1x128xi32, #tpu.memory_space<vmem>>
      %dma_wait3A_584 = tpu.memref_squeeze %dma_wait3A_583 : memref<1x128xi32, #tpu.memory_space<vmem>> -> memref<128xi32, #tpu.memory_space<vmem>>
      %dma_wait3A_585 = arith.constant 0 : i32
      %dma_wait3A_586 = arith.constant 0 : i32
      %dma_wait3A_587 = tpu.memref_slice %arg2[%arg0, %dma_wait3A_585, %dma_wait3A_586] : memref<2x10000x64xf32, #tpu.memory_space<hbm>> -> memref<1x10000x64xf32, #tpu.memory_space<hbm>>
      %dma_wait3A_588 = tpu.memref_squeeze %dma_wait3A_587 : memref<1x10000x64xf32, #tpu.memory_space<hbm>> -> memref<10000x64xf32, #tpu.memory_space<hbm>>
      %dma_wait3A_589 = arith.constant 0 : i32
      %dma_wait3A_590 = arith.constant 0 : i32
      %dma_wait3A_591 = tpu.memref_slice %dma_wait3A_588[%dma_wait3A_589, %dma_wait3A_590] : memref<10000x64xf32, #tpu.memory_space<hbm>> -> memref<10000x64xf32, #tpu.memory_space<hbm>>
      %dma_wait3A_592 = tpu.memref_slice %arg11[%dma_wait3A_577] : memref<6x!tpu.dma_semaphore, #tpu.memory_space<semaphore_mem>> -> memref<1x!tpu.dma_semaphore, #tpu.memory_space<semaphore_mem>>
      %dma_wait3A_593 = tpu.memref_squeeze %dma_wait3A_592 : memref<1x!tpu.dma_semaphore, #tpu.memory_space<semaphore_mem>> -> memref<!tpu.dma_semaphore, #tpu.memory_space<semaphore_mem>>
      tpu.wait_indirect_dma semaphore(%dma_wait3A_593 : memref<!tpu.dma_semaphore, #tpu.memory_space<semaphore_mem>>) src(%dma_wait3A_591 : memref<10000x64xf32, #tpu.memory_space<hbm>>) dst(%dma_wait3A_581 : memref<128x64xf32, #tpu.memory_space<vmem>>)
      %add3A_594 = arith.constant 5 : i32
      %add3A_595 = arith.addi %mul3A_285, %add3A_594 : i32
      %dma_start3A_596 = arith.constant 5 : i32
      %dma_start3A_597 = arith.constant 5 : i32
      %dma_start3A_598 = arith.constant 0 : i32
      %dma_start3A_599 = arith.constant 0 : i32
      %dma_start3A_600 = tpu.memref_slice %arg9[%dma_start3A_596, %dma_start3A_598, %dma_start3A_599] : memref<6x128x64xf32, #tpu.memory_space<vmem>> -> memref<1x128x64xf32, #tpu.memory_space<vmem>>
      %dma_start3A_601 = tpu.memref_squeeze %dma_start3A_600 : memref<1x128x64xf32, #tpu.memory_space<vmem>> -> memref<128x64xf32, #tpu.memory_space<vmem>>
      %dma_start3A_602 = arith.constant 0 : i32
      %dma_start3A_603 = tpu.memref_slice %arg8[%add3A_595, %dma_start3A_602] : memref<160x128xi32, #tpu.memory_space<vmem>> -> memref<1x128xi32, #tpu.memory_space<vmem>>
      %dma_start3A_604 = tpu.memref_squeeze %dma_start3A_603 : memref<1x128xi32, #tpu.memory_space<vmem>> -> memref<128xi32, #tpu.memory_space<vmem>>
      %dma_start3A_605 = arith.constant 0 : i32
      %dma_start3A_606 = arith.constant 0 : i32
      %dma_start3A_607 = tpu.memref_slice %arg10[%dma_start3A_605, %dma_start3A_606] : memref<10112x64xf32, #tpu.memory_space<vmem_shared>> -> memref<10112x64xf32, #tpu.memory_space<vmem_shared>>
      %dma_start3A_608 = tpu.memref_slice %arg12[%dma_start3A_597] : memref<6x!tpu.dma_semaphore, #tpu.memory_space<semaphore_mem>> -> memref<1x!tpu.dma_semaphore, #tpu.memory_space<semaphore_mem>>
      %dma_start3A_609 = tpu.memref_squeeze %dma_start3A_608 : memref<1x!tpu.dma_semaphore, #tpu.memory_space<semaphore_mem>> -> memref<!tpu.dma_semaphore, #tpu.memory_space<semaphore_mem>>
      tpu.enqueue_indirect_dma source(%dma_start3A_601 : memref<128x64xf32, #tpu.memory_space<vmem>>) target(%dma_start3A_607 : memref<10112x64xf32, #tpu.memory_space<vmem_shared>>) offsets(%dma_start3A_604 : memref<128xi32, #tpu.memory_space<vmem>>) semaphore(%dma_start3A_609 : memref<!tpu.dma_semaphore, #tpu.memory_space<semaphore_mem>>) {add = true}
      %dma_wait3A_610 = arith.constant 0 : i32
      %dma_wait3A_611 = arith.constant 0 : i32
      %dma_wait3A_612 = arith.constant 0 : i32
      %dma_wait3A_613 = arith.constant 0 : i32
      %dma_wait3A_614 = tpu.memref_slice %arg9[%dma_wait3A_610, %dma_wait3A_612, %dma_wait3A_613] : memref<6x128x64xf32, #tpu.memory_space<vmem>> -> memref<1x128x64xf32, #tpu.memory_space<vmem>>
      %dma_wait3A_615 = tpu.memref_squeeze %dma_wait3A_614 : memref<1x128x64xf32, #tpu.memory_space<vmem>> -> memref<128x64xf32, #tpu.memory_space<vmem>>
      %dma_wait3A_616 = arith.constant 0 : i32
      %dma_wait3A_617 = tpu.memref_slice %arg8[%add3A_425, %dma_wait3A_616] : memref<160x128xi32, #tpu.memory_space<vmem>> -> memref<1x128xi32, #tpu.memory_space<vmem>>
      %dma_wait3A_618 = tpu.memref_squeeze %dma_wait3A_617 : memref<1x128xi32, #tpu.memory_space<vmem>> -> memref<128xi32, #tpu.memory_space<vmem>>
      %dma_wait3A_619 = arith.constant 0 : i32
      %dma_wait3A_620 = arith.constant 0 : i32
      %dma_wait3A_621 = tpu.memref_slice %arg10[%dma_wait3A_619, %dma_wait3A_620] : memref<10112x64xf32, #tpu.memory_space<vmem_shared>> -> memref<10112x64xf32, #tpu.memory_space<vmem_shared>>
      %dma_wait3A_622 = tpu.memref_slice %arg12[%dma_wait3A_611] : memref<6x!tpu.dma_semaphore, #tpu.memory_space<semaphore_mem>> -> memref<1x!tpu.dma_semaphore, #tpu.memory_space<semaphore_mem>>
      %dma_wait3A_623 = tpu.memref_squeeze %dma_wait3A_622 : memref<1x!tpu.dma_semaphore, #tpu.memory_space<semaphore_mem>> -> memref<!tpu.dma_semaphore, #tpu.memory_space<semaphore_mem>>
      tpu.wait_indirect_dma semaphore(%dma_wait3A_623 : memref<!tpu.dma_semaphore, #tpu.memory_space<semaphore_mem>>) src(%dma_wait3A_615 : memref<128x64xf32, #tpu.memory_space<vmem>>) dst(%dma_wait3A_621 : memref<10112x64xf32, #tpu.memory_space<vmem_shared>>)
      %dma_wait3A_624 = arith.constant 1 : i32
      %dma_wait3A_625 = arith.constant 1 : i32
      %dma_wait3A_626 = arith.constant 0 : i32
      %dma_wait3A_627 = arith.constant 0 : i32
      %dma_wait3A_628 = tpu.memref_slice %arg9[%dma_wait3A_624, %dma_wait3A_626, %dma_wait3A_627] : memref<6x128x64xf32, #tpu.memory_space<vmem>> -> memref<1x128x64xf32, #tpu.memory_space<vmem>>
      %dma_wait3A_629 = tpu.memref_squeeze %dma_wait3A_628 : memref<1x128x64xf32, #tpu.memory_space<vmem>> -> memref<128x64xf32, #tpu.memory_space<vmem>>
      %dma_wait3A_630 = arith.constant 0 : i32
      %dma_wait3A_631 = tpu.memref_slice %arg8[%add3A_459, %dma_wait3A_630] : memref<160x128xi32, #tpu.memory_space<vmem>> -> memref<1x128xi32, #tpu.memory_space<vmem>>
      %dma_wait3A_632 = tpu.memref_squeeze %dma_wait3A_631 : memref<1x128xi32, #tpu.memory_space<vmem>> -> memref<128xi32, #tpu.memory_space<vmem>>
      %dma_wait3A_633 = arith.constant 0 : i32
      %dma_wait3A_634 = arith.constant 0 : i32
      %dma_wait3A_635 = tpu.memref_slice %arg10[%dma_wait3A_633, %dma_wait3A_634] : memref<10112x64xf32, #tpu.memory_space<vmem_shared>> -> memref<10112x64xf32, #tpu.memory_space<vmem_shared>>
      %dma_wait3A_636 = tpu.memref_slice %arg12[%dma_wait3A_625] : memref<6x!tpu.dma_semaphore, #tpu.memory_space<semaphore_mem>> -> memref<1x!tpu.dma_semaphore, #tpu.memory_space<semaphore_mem>>
      %dma_wait3A_637 = tpu.memref_squeeze %dma_wait3A_636 : memref<1x!tpu.dma_semaphore, #tpu.memory_space<semaphore_mem>> -> memref<!tpu.dma_semaphore, #tpu.memory_space<semaphore_mem>>
      tpu.wait_indirect_dma semaphore(%dma_wait3A_637 : memref<!tpu.dma_semaphore, #tpu.memory_space<semaphore_mem>>) src(%dma_wait3A_629 : memref<128x64xf32, #tpu.memory_space<vmem>>) dst(%dma_wait3A_635 : memref<10112x64xf32, #tpu.memory_space<vmem_shared>>)
      %dma_wait3A_638 = arith.constant 2 : i32
      %dma_wait3A_639 = arith.constant 2 : i32
      %dma_wait3A_640 = arith.constant 0 : i32
      %dma_wait3A_641 = arith.constant 0 : i32
      %dma_wait3A_642 = tpu.memref_slice %arg9[%dma_wait3A_638, %dma_wait3A_640, %dma_wait3A_641] : memref<6x128x64xf32, #tpu.memory_space<vmem>> -> memref<1x128x64xf32, #tpu.memory_space<vmem>>
      %dma_wait3A_643 = tpu.memref_squeeze %dma_wait3A_642 : memref<1x128x64xf32, #tpu.memory_space<vmem>> -> memref<128x64xf32, #tpu.memory_space<vmem>>
      %dma_wait3A_644 = arith.constant 0 : i32
      %dma_wait3A_645 = tpu.memref_slice %arg8[%add3A_493, %dma_wait3A_644] : memref<160x128xi32, #tpu.memory_space<vmem>> -> memref<1x128xi32, #tpu.memory_space<vmem>>
      %dma_wait3A_646 = tpu.memref_squeeze %dma_wait3A_645 : memref<1x128xi32, #tpu.memory_space<vmem>> -> memref<128xi32, #tpu.memory_space<vmem>>
      %dma_wait3A_647 = arith.constant 0 : i32
      %dma_wait3A_648 = arith.constant 0 : i32
      %dma_wait3A_649 = tpu.memref_slice %arg10[%dma_wait3A_647, %dma_wait3A_648] : memref<10112x64xf32, #tpu.memory_space<vmem_shared>> -> memref<10112x64xf32, #tpu.memory_space<vmem_shared>>
      %dma_wait3A_650 = tpu.memref_slice %arg12[%dma_wait3A_639] : memref<6x!tpu.dma_semaphore, #tpu.memory_space<semaphore_mem>> -> memref<1x!tpu.dma_semaphore, #tpu.memory_space<semaphore_mem>>
      %dma_wait3A_651 = tpu.memref_squeeze %dma_wait3A_650 : memref<1x!tpu.dma_semaphore, #tpu.memory_space<semaphore_mem>> -> memref<!tpu.dma_semaphore, #tpu.memory_space<semaphore_mem>>
      tpu.wait_indirect_dma semaphore(%dma_wait3A_651 : memref<!tpu.dma_semaphore, #tpu.memory_space<semaphore_mem>>) src(%dma_wait3A_643 : memref<128x64xf32, #tpu.memory_space<vmem>>) dst(%dma_wait3A_649 : memref<10112x64xf32, #tpu.memory_space<vmem_shared>>)
      %dma_wait3A_652 = arith.constant 3 : i32
      %dma_wait3A_653 = arith.constant 3 : i32
      %dma_wait3A_654 = arith.constant 0 : i32
      %dma_wait3A_655 = arith.constant 0 : i32
      %dma_wait3A_656 = tpu.memref_slice %arg9[%dma_wait3A_652, %dma_wait3A_654, %dma_wait3A_655] : memref<6x128x64xf32, #tpu.memory_space<vmem>> -> memref<1x128x64xf32, #tpu.memory_space<vmem>>
      %dma_wait3A_657 = tpu.memref_squeeze %dma_wait3A_656 : memref<1x128x64xf32, #tpu.memory_space<vmem>> -> memref<128x64xf32, #tpu.memory_space<vmem>>
      %dma_wait3A_658 = arith.constant 0 : i32
      %dma_wait3A_659 = tpu.memref_slice %arg8[%add3A_527, %dma_wait3A_658] : memref<160x128xi32, #tpu.memory_space<vmem>> -> memref<1x128xi32, #tpu.memory_space<vmem>>
      %dma_wait3A_660 = tpu.memref_squeeze %dma_wait3A_659 : memref<1x128xi32, #tpu.memory_space<vmem>> -> memref<128xi32, #tpu.memory_space<vmem>>
      %dma_wait3A_661 = arith.constant 0 : i32
      %dma_wait3A_662 = arith.constant 0 : i32
      %dma_wait3A_663 = tpu.memref_slice %arg10[%dma_wait3A_661, %dma_wait3A_662] : memref<10112x64xf32, #tpu.memory_space<vmem_shared>> -> memref<10112x64xf32, #tpu.memory_space<vmem_shared>>
      %dma_wait3A_664 = tpu.memref_slice %arg12[%dma_wait3A_653] : memref<6x!tpu.dma_semaphore, #tpu.memory_space<semaphore_mem>> -> memref<1x!tpu.dma_semaphore, #tpu.memory_space<semaphore_mem>>
      %dma_wait3A_665 = tpu.memref_squeeze %dma_wait3A_664 : memref<1x!tpu.dma_semaphore, #tpu.memory_space<semaphore_mem>> -> memref<!tpu.dma_semaphore, #tpu.memory_space<semaphore_mem>>
      tpu.wait_indirect_dma semaphore(%dma_wait3A_665 : memref<!tpu.dma_semaphore, #tpu.memory_space<semaphore_mem>>) src(%dma_wait3A_657 : memref<128x64xf32, #tpu.memory_space<vmem>>) dst(%dma_wait3A_663 : memref<10112x64xf32, #tpu.memory_space<vmem_shared>>)
      %dma_wait3A_666 = arith.constant 4 : i32
      %dma_wait3A_667 = arith.constant 4 : i32
      %dma_wait3A_668 = arith.constant 0 : i32
      %dma_wait3A_669 = arith.constant 0 : i32
      %dma_wait3A_670 = tpu.memref_slice %arg9[%dma_wait3A_666, %dma_wait3A_668, %dma_wait3A_669] : memref<6x128x64xf32, #tpu.memory_space<vmem>> -> memref<1x128x64xf32, #tpu.memory_space<vmem>>
      %dma_wait3A_671 = tpu.memref_squeeze %dma_wait3A_670 : memref<1x128x64xf32, #tpu.memory_space<vmem>> -> memref<128x64xf32, #tpu.memory_space<vmem>>
      %dma_wait3A_672 = arith.constant 0 : i32
      %dma_wait3A_673 = tpu.memref_slice %arg8[%add3A_561, %dma_wait3A_672] : memref<160x128xi32, #tpu.memory_space<vmem>> -> memref<1x128xi32, #tpu.memory_space<vmem>>
      %dma_wait3A_674 = tpu.memref_squeeze %dma_wait3A_673 : memref<1x128xi32, #tpu.memory_space<vmem>> -> memref<128xi32, #tpu.memory_space<vmem>>
      %dma_wait3A_675 = arith.constant 0 : i32
      %dma_wait3A_676 = arith.constant 0 : i32
      %dma_wait3A_677 = tpu.memref_slice %arg10[%dma_wait3A_675, %dma_wait3A_676] : memref<10112x64xf32, #tpu.memory_space<vmem_shared>> -> memref<10112x64xf32, #tpu.memory_space<vmem_shared>>
      %dma_wait3A_678 = tpu.memref_slice %arg12[%dma_wait3A_667] : memref<6x!tpu.dma_semaphore, #tpu.memory_space<semaphore_mem>> -> memref<1x!tpu.dma_semaphore, #tpu.memory_space<semaphore_mem>>
      %dma_wait3A_679 = tpu.memref_squeeze %dma_wait3A_678 : memref<1x!tpu.dma_semaphore, #tpu.memory_space<semaphore_mem>> -> memref<!tpu.dma_semaphore, #tpu.memory_space<semaphore_mem>>
      tpu.wait_indirect_dma semaphore(%dma_wait3A_679 : memref<!tpu.dma_semaphore, #tpu.memory_space<semaphore_mem>>) src(%dma_wait3A_671 : memref<128x64xf32, #tpu.memory_space<vmem>>) dst(%dma_wait3A_677 : memref<10112x64xf32, #tpu.memory_space<vmem_shared>>)
      %dma_wait3A_680 = arith.constant 5 : i32
      %dma_wait3A_681 = arith.constant 5 : i32
      %dma_wait3A_682 = arith.constant 0 : i32
      %dma_wait3A_683 = arith.constant 0 : i32
      %dma_wait3A_684 = tpu.memref_slice %arg9[%dma_wait3A_680, %dma_wait3A_682, %dma_wait3A_683] : memref<6x128x64xf32, #tpu.memory_space<vmem>> -> memref<1x128x64xf32, #tpu.memory_space<vmem>>
      %dma_wait3A_685 = tpu.memref_squeeze %dma_wait3A_684 : memref<1x128x64xf32, #tpu.memory_space<vmem>> -> memref<128x64xf32, #tpu.memory_space<vmem>>
      %dma_wait3A_686 = arith.constant 0 : i32
      %dma_wait3A_687 = tpu.memref_slice %arg8[%add3A_595, %dma_wait3A_686] : memref<160x128xi32, #tpu.memory_space<vmem>> -> memref<1x128xi32, #tpu.memory_space<vmem>>
      %dma_wait3A_688 = tpu.memref_squeeze %dma_wait3A_687 : memref<1x128xi32, #tpu.memory_space<vmem>> -> memref<128xi32, #tpu.memory_space<vmem>>
      %dma_wait3A_689 = arith.constant 0 : i32
      %dma_wait3A_690 = arith.constant 0 : i32
      %dma_wait3A_691 = tpu.memref_slice %arg10[%dma_wait3A_689, %dma_wait3A_690] : memref<10112x64xf32, #tpu.memory_space<vmem_shared>> -> memref<10112x64xf32, #tpu.memory_space<vmem_shared>>
      %dma_wait3A_692 = tpu.memref_slice %arg12[%dma_wait3A_681] : memref<6x!tpu.dma_semaphore, #tpu.memory_space<semaphore_mem>> -> memref<1x!tpu.dma_semaphore, #tpu.memory_space<semaphore_mem>>
      %dma_wait3A_693 = tpu.memref_squeeze %dma_wait3A_692 : memref<1x!tpu.dma_semaphore, #tpu.memory_space<semaphore_mem>> -> memref<!tpu.dma_semaphore, #tpu.memory_space<semaphore_mem>>
      tpu.wait_indirect_dma semaphore(%dma_wait3A_693 : memref<!tpu.dma_semaphore, #tpu.memory_space<semaphore_mem>>) src(%dma_wait3A_685 : memref<128x64xf32, #tpu.memory_space<vmem>>) dst(%dma_wait3A_691 : memref<10112x64xf32, #tpu.memory_space<vmem_shared>>)
    }
    %scan3A_4 = arith.constant 26 : i32
    %dma_start3A = arith.constant 156 : i32
    %dma_start3A_5 = arith.constant 0 : i32
    %dma_start3A_6 = arith.constant 0 : i32
    %dma_start3A_7 = arith.constant 0 : i32
    %dma_start3A_8 = arith.constant 0 : i32
    %dma_start3A_9 = tpu.memref_slice %arg9[%dma_start3A_5, %dma_start3A_7, %dma_start3A_8] : memref<6x128x64xf32, #tpu.memory_space<vmem>> -> memref<1x128x64xf32, #tpu.memory_space<vmem>>
    %dma_start3A_10 = tpu.memref_squeeze %dma_start3A_9 : memref<1x128x64xf32, #tpu.memory_space<vmem>> -> memref<128x64xf32, #tpu.memory_space<vmem>>
    %dma_start3A_11 = arith.constant 0 : i32
    %dma_start3A_12 = tpu.memref_slice %arg7[%dma_start3A, %dma_start3A_11] : memref<160x128xi32, #tpu.memory_space<vmem>> -> memref<1x128xi32, #tpu.memory_space<vmem>>
    %dma_start3A_13 = tpu.memref_squeeze %dma_start3A_12 : memref<1x128xi32, #tpu.memory_space<vmem>> -> memref<128xi32, #tpu.memory_space<vmem>>
    %dma_start3A_14 = arith.constant 0 : i32
    %dma_start3A_15 = arith.constant 0 : i32
    %dma_start3A_16 = tpu.memref_slice %arg2[%arg0, %dma_start3A_14, %dma_start3A_15] : memref<2x10000x64xf32, #tpu.memory_space<hbm>> -> memref<1x10000x64xf32, #tpu.memory_space<hbm>>
    %dma_start3A_17 = tpu.memref_squeeze %dma_start3A_16 : memref<1x10000x64xf32, #tpu.memory_space<hbm>> -> memref<10000x64xf32, #tpu.memory_space<hbm>>
    %dma_start3A_18 = arith.constant 0 : i32
    %dma_start3A_19 = arith.constant 0 : i32
    %dma_start3A_20 = tpu.memref_slice %dma_start3A_17[%dma_start3A_18, %dma_start3A_19] : memref<10000x64xf32, #tpu.memory_space<hbm>> -> memref<10000x64xf32, #tpu.memory_space<hbm>>
    %dma_start3A_21 = tpu.memref_slice %arg11[%dma_start3A_6] : memref<6x!tpu.dma_semaphore, #tpu.memory_space<semaphore_mem>> -> memref<1x!tpu.dma_semaphore, #tpu.memory_space<semaphore_mem>>
    %dma_start3A_22 = tpu.memref_squeeze %dma_start3A_21 : memref<1x!tpu.dma_semaphore, #tpu.memory_space<semaphore_mem>> -> memref<!tpu.dma_semaphore, #tpu.memory_space<semaphore_mem>>
    tpu.enqueue_indirect_dma source(%dma_start3A_20 : memref<10000x64xf32, #tpu.memory_space<hbm>>) target(%dma_start3A_10 : memref<128x64xf32, #tpu.memory_space<vmem>>) offsets(%dma_start3A_13 : memref<128xi32, #tpu.memory_space<vmem>>) semaphore(%dma_start3A_22 : memref<!tpu.dma_semaphore, #tpu.memory_space<semaphore_mem>>)
    %dma_start3A_23 = arith.constant 157 : i32
    %dma_start3A_24 = arith.constant 1 : i32
    %dma_start3A_25 = arith.constant 1 : i32
    %dma_start3A_26 = arith.constant 0 : i32
    %dma_start3A_27 = arith.constant 0 : i32
    %dma_start3A_28 = tpu.memref_slice %arg9[%dma_start3A_24, %dma_start3A_26, %dma_start3A_27] : memref<6x128x64xf32, #tpu.memory_space<vmem>> -> memref<1x128x64xf32, #tpu.memory_space<vmem>>
    %dma_start3A_29 = tpu.memref_squeeze %dma_start3A_28 : memref<1x128x64xf32, #tpu.memory_space<vmem>> -> memref<128x64xf32, #tpu.memory_space<vmem>>
    %dma_start3A_30 = arith.constant 0 : i32
    %dma_start3A_31 = tpu.memref_slice %arg7[%dma_start3A_23, %dma_start3A_30] : memref<160x128xi32, #tpu.memory_space<vmem>> -> memref<1x128xi32, #tpu.memory_space<vmem>>
    %dma_start3A_32 = tpu.memref_squeeze %dma_start3A_31 : memref<1x128xi32, #tpu.memory_space<vmem>> -> memref<128xi32, #tpu.memory_space<vmem>>
    %dma_start3A_33 = arith.constant 0 : i32
    %dma_start3A_34 = arith.constant 0 : i32
    %dma_start3A_35 = tpu.memref_slice %arg2[%arg0, %dma_start3A_33, %dma_start3A_34] : memref<2x10000x64xf32, #tpu.memory_space<hbm>> -> memref<1x10000x64xf32, #tpu.memory_space<hbm>>
    %dma_start3A_36 = tpu.memref_squeeze %dma_start3A_35 : memref<1x10000x64xf32, #tpu.memory_space<hbm>> -> memref<10000x64xf32, #tpu.memory_space<hbm>>
    %dma_start3A_37 = arith.constant 0 : i32
    %dma_start3A_38 = arith.constant 0 : i32
    %dma_start3A_39 = tpu.memref_slice %dma_start3A_36[%dma_start3A_37, %dma_start3A_38] : memref<10000x64xf32, #tpu.memory_space<hbm>> -> memref<10000x64xf32, #tpu.memory_space<hbm>>
    %dma_start3A_40 = tpu.memref_slice %arg11[%dma_start3A_25] : memref<6x!tpu.dma_semaphore, #tpu.memory_space<semaphore_mem>> -> memref<1x!tpu.dma_semaphore, #tpu.memory_space<semaphore_mem>>
    %dma_start3A_41 = tpu.memref_squeeze %dma_start3A_40 : memref<1x!tpu.dma_semaphore, #tpu.memory_space<semaphore_mem>> -> memref<!tpu.dma_semaphore, #tpu.memory_space<semaphore_mem>>
    tpu.enqueue_indirect_dma source(%dma_start3A_39 : memref<10000x64xf32, #tpu.memory_space<hbm>>) target(%dma_start3A_29 : memref<128x64xf32, #tpu.memory_space<vmem>>) offsets(%dma_start3A_32 : memref<128xi32, #tpu.memory_space<vmem>>) semaphore(%dma_start3A_41 : memref<!tpu.dma_semaphore, #tpu.memory_space<semaphore_mem>>)
    %dma_start3A_42 = arith.constant 158 : i32
    %dma_start3A_43 = arith.constant 2 : i32
    %dma_start3A_44 = arith.constant 2 : i32
    %dma_start3A_45 = arith.constant 0 : i32
    %dma_start3A_46 = arith.constant 0 : i32
    %dma_start3A_47 = tpu.memref_slice %arg9[%dma_start3A_43, %dma_start3A_45, %dma_start3A_46] : memref<6x128x64xf32, #tpu.memory_space<vmem>> -> memref<1x128x64xf32, #tpu.memory_space<vmem>>
    %dma_start3A_48 = tpu.memref_squeeze %dma_start3A_47 : memref<1x128x64xf32, #tpu.memory_space<vmem>> -> memref<128x64xf32, #tpu.memory_space<vmem>>
    %dma_start3A_49 = arith.constant 0 : i32
    %dma_start3A_50 = tpu.memref_slice %arg7[%dma_start3A_42, %dma_start3A_49] : memref<160x128xi32, #tpu.memory_space<vmem>> -> memref<1x128xi32, #tpu.memory_space<vmem>>
    %dma_start3A_51 = tpu.memref_squeeze %dma_start3A_50 : memref<1x128xi32, #tpu.memory_space<vmem>> -> memref<128xi32, #tpu.memory_space<vmem>>
    %dma_start3A_52 = arith.constant 0 : i32
    %dma_start3A_53 = arith.constant 0 : i32
    %dma_start3A_54 = tpu.memref_slice %arg2[%arg0, %dma_start3A_52, %dma_start3A_53] : memref<2x10000x64xf32, #tpu.memory_space<hbm>> -> memref<1x10000x64xf32, #tpu.memory_space<hbm>>
    %dma_start3A_55 = tpu.memref_squeeze %dma_start3A_54 : memref<1x10000x64xf32, #tpu.memory_space<hbm>> -> memref<10000x64xf32, #tpu.memory_space<hbm>>
    %dma_start3A_56 = arith.constant 0 : i32
    %dma_start3A_57 = arith.constant 0 : i32
    %dma_start3A_58 = tpu.memref_slice %dma_start3A_55[%dma_start3A_56, %dma_start3A_57] : memref<10000x64xf32, #tpu.memory_space<hbm>> -> memref<10000x64xf32, #tpu.memory_space<hbm>>
    %dma_start3A_59 = tpu.memref_slice %arg11[%dma_start3A_44] : memref<6x!tpu.dma_semaphore, #tpu.memory_space<semaphore_mem>> -> memref<1x!tpu.dma_semaphore, #tpu.memory_space<semaphore_mem>>
    %dma_start3A_60 = tpu.memref_squeeze %dma_start3A_59 : memref<1x!tpu.dma_semaphore, #tpu.memory_space<semaphore_mem>> -> memref<!tpu.dma_semaphore, #tpu.memory_space<semaphore_mem>>
    tpu.enqueue_indirect_dma source(%dma_start3A_58 : memref<10000x64xf32, #tpu.memory_space<hbm>>) target(%dma_start3A_48 : memref<128x64xf32, #tpu.memory_space<vmem>>) offsets(%dma_start3A_51 : memref<128xi32, #tpu.memory_space<vmem>>) semaphore(%dma_start3A_60 : memref<!tpu.dma_semaphore, #tpu.memory_space<semaphore_mem>>)
    %dma_start3A_61 = arith.constant 159 : i32
    %dma_start3A_62 = arith.constant 3 : i32
    %dma_start3A_63 = arith.constant 3 : i32
    %dma_start3A_64 = arith.constant 0 : i32
    %dma_start3A_65 = arith.constant 0 : i32
    %dma_start3A_66 = tpu.memref_slice %arg9[%dma_start3A_62, %dma_start3A_64, %dma_start3A_65] : memref<6x128x64xf32, #tpu.memory_space<vmem>> -> memref<1x128x64xf32, #tpu.memory_space<vmem>>
    %dma_start3A_67 = tpu.memref_squeeze %dma_start3A_66 : memref<1x128x64xf32, #tpu.memory_space<vmem>> -> memref<128x64xf32, #tpu.memory_space<vmem>>
    %dma_start3A_68 = arith.constant 0 : i32
    %dma_start3A_69 = tpu.memref_slice %arg7[%dma_start3A_61, %dma_start3A_68] : memref<160x128xi32, #tpu.memory_space<vmem>> -> memref<1x128xi32, #tpu.memory_space<vmem>>
    %dma_start3A_70 = tpu.memref_squeeze %dma_start3A_69 : memref<1x128xi32, #tpu.memory_space<vmem>> -> memref<128xi32, #tpu.memory_space<vmem>>
    %dma_start3A_71 = arith.constant 0 : i32
    %dma_start3A_72 = arith.constant 0 : i32
    %dma_start3A_73 = tpu.memref_slice %arg2[%arg0, %dma_start3A_71, %dma_start3A_72] : memref<2x10000x64xf32, #tpu.memory_space<hbm>> -> memref<1x10000x64xf32, #tpu.memory_space<hbm>>
    %dma_start3A_74 = tpu.memref_squeeze %dma_start3A_73 : memref<1x10000x64xf32, #tpu.memory_space<hbm>> -> memref<10000x64xf32, #tpu.memory_space<hbm>>
    %dma_start3A_75 = arith.constant 0 : i32
    %dma_start3A_76 = arith.constant 0 : i32
    %dma_start3A_77 = tpu.memref_slice %dma_start3A_74[%dma_start3A_75, %dma_start3A_76] : memref<10000x64xf32, #tpu.memory_space<hbm>> -> memref<10000x64xf32, #tpu.memory_space<hbm>>
    %dma_start3A_78 = tpu.memref_slice %arg11[%dma_start3A_63] : memref<6x!tpu.dma_semaphore, #tpu.memory_space<semaphore_mem>> -> memref<1x!tpu.dma_semaphore, #tpu.memory_space<semaphore_mem>>
    %dma_start3A_79 = tpu.memref_squeeze %dma_start3A_78 : memref<1x!tpu.dma_semaphore, #tpu.memory_space<semaphore_mem>> -> memref<!tpu.dma_semaphore, #tpu.memory_space<semaphore_mem>>
    tpu.enqueue_indirect_dma source(%dma_start3A_77 : memref<10000x64xf32, #tpu.memory_space<hbm>>) target(%dma_start3A_67 : memref<128x64xf32, #tpu.memory_space<vmem>>) offsets(%dma_start3A_70 : memref<128xi32, #tpu.memory_space<vmem>>) semaphore(%dma_start3A_79 : memref<!tpu.dma_semaphore, #tpu.memory_space<semaphore_mem>>)
    %dma_wait3A = arith.constant 156 : i32
    %dma_wait3A_80 = arith.constant 0 : i32
    %dma_wait3A_81 = arith.constant 0 : i32
    %dma_wait3A_82 = arith.constant 0 : i32
    %dma_wait3A_83 = arith.constant 0 : i32
    %dma_wait3A_84 = tpu.memref_slice %arg9[%dma_wait3A_80, %dma_wait3A_82, %dma_wait3A_83] : memref<6x128x64xf32, #tpu.memory_space<vmem>> -> memref<1x128x64xf32, #tpu.memory_space<vmem>>
    %dma_wait3A_85 = tpu.memref_squeeze %dma_wait3A_84 : memref<1x128x64xf32, #tpu.memory_space<vmem>> -> memref<128x64xf32, #tpu.memory_space<vmem>>
    %dma_wait3A_86 = arith.constant 0 : i32
    %dma_wait3A_87 = tpu.memref_slice %arg7[%dma_wait3A, %dma_wait3A_86] : memref<160x128xi32, #tpu.memory_space<vmem>> -> memref<1x128xi32, #tpu.memory_space<vmem>>
    %dma_wait3A_88 = tpu.memref_squeeze %dma_wait3A_87 : memref<1x128xi32, #tpu.memory_space<vmem>> -> memref<128xi32, #tpu.memory_space<vmem>>
    %dma_wait3A_89 = arith.constant 0 : i32
    %dma_wait3A_90 = arith.constant 0 : i32
    %dma_wait3A_91 = tpu.memref_slice %arg2[%arg0, %dma_wait3A_89, %dma_wait3A_90] : memref<2x10000x64xf32, #tpu.memory_space<hbm>> -> memref<1x10000x64xf32, #tpu.memory_space<hbm>>
    %dma_wait3A_92 = tpu.memref_squeeze %dma_wait3A_91 : memref<1x10000x64xf32, #tpu.memory_space<hbm>> -> memref<10000x64xf32, #tpu.memory_space<hbm>>
    %dma_wait3A_93 = arith.constant 0 : i32
    %dma_wait3A_94 = arith.constant 0 : i32
    %dma_wait3A_95 = tpu.memref_slice %dma_wait3A_92[%dma_wait3A_93, %dma_wait3A_94] : memref<10000x64xf32, #tpu.memory_space<hbm>> -> memref<10000x64xf32, #tpu.memory_space<hbm>>
    %dma_wait3A_96 = tpu.memref_slice %arg11[%dma_wait3A_81] : memref<6x!tpu.dma_semaphore, #tpu.memory_space<semaphore_mem>> -> memref<1x!tpu.dma_semaphore, #tpu.memory_space<semaphore_mem>>
    %dma_wait3A_97 = tpu.memref_squeeze %dma_wait3A_96 : memref<1x!tpu.dma_semaphore, #tpu.memory_space<semaphore_mem>> -> memref<!tpu.dma_semaphore, #tpu.memory_space<semaphore_mem>>
    tpu.wait_indirect_dma semaphore(%dma_wait3A_97 : memref<!tpu.dma_semaphore, #tpu.memory_space<semaphore_mem>>) src(%dma_wait3A_95 : memref<10000x64xf32, #tpu.memory_space<hbm>>) dst(%dma_wait3A_85 : memref<128x64xf32, #tpu.memory_space<vmem>>)
    %dma_start3A_98 = arith.constant 0 : i32
    %dma_start3A_99 = arith.constant 156 : i32
    %dma_start3A_100 = arith.constant 0 : i32
    %dma_start3A_101 = arith.constant 0 : i32
    %dma_start3A_102 = arith.constant 0 : i32
    %dma_start3A_103 = tpu.memref_slice %arg9[%dma_start3A_98, %dma_start3A_101, %dma_start3A_102] : memref<6x128x64xf32, #tpu.memory_space<vmem>> -> memref<1x128x64xf32, #tpu.memory_space<vmem>>
    %dma_start3A_104 = tpu.memref_squeeze %dma_start3A_103 : memref<1x128x64xf32, #tpu.memory_space<vmem>> -> memref<128x64xf32, #tpu.memory_space<vmem>>
    %dma_start3A_105 = arith.constant 0 : i32
    %dma_start3A_106 = tpu.memref_slice %arg8[%dma_start3A_99, %dma_start3A_105] : memref<160x128xi32, #tpu.memory_space<vmem>> -> memref<1x128xi32, #tpu.memory_space<vmem>>
    %dma_start3A_107 = tpu.memref_squeeze %dma_start3A_106 : memref<1x128xi32, #tpu.memory_space<vmem>> -> memref<128xi32, #tpu.memory_space<vmem>>
    %dma_start3A_108 = arith.constant 0 : i32
    %dma_start3A_109 = arith.constant 0 : i32
    %dma_start3A_110 = tpu.memref_slice %arg10[%dma_start3A_108, %dma_start3A_109] : memref<10112x64xf32, #tpu.memory_space<vmem_shared>> -> memref<10112x64xf32, #tpu.memory_space<vmem_shared>>
    %dma_start3A_111 = tpu.memref_slice %arg12[%dma_start3A_100] : memref<6x!tpu.dma_semaphore, #tpu.memory_space<semaphore_mem>> -> memref<1x!tpu.dma_semaphore, #tpu.memory_space<semaphore_mem>>
    %dma_start3A_112 = tpu.memref_squeeze %dma_start3A_111 : memref<1x!tpu.dma_semaphore, #tpu.memory_space<semaphore_mem>> -> memref<!tpu.dma_semaphore, #tpu.memory_space<semaphore_mem>>
    tpu.enqueue_indirect_dma source(%dma_start3A_104 : memref<128x64xf32, #tpu.memory_space<vmem>>) target(%dma_start3A_110 : memref<10112x64xf32, #tpu.memory_space<vmem_shared>>) offsets(%dma_start3A_107 : memref<128xi32, #tpu.memory_space<vmem>>) semaphore(%dma_start3A_112 : memref<!tpu.dma_semaphore, #tpu.memory_space<semaphore_mem>>) {add = true}
    %dma_wait3A_113 = arith.constant 157 : i32
    %dma_wait3A_114 = arith.constant 1 : i32
    %dma_wait3A_115 = arith.constant 1 : i32
    %dma_wait3A_116 = arith.constant 0 : i32
    %dma_wait3A_117 = arith.constant 0 : i32
    %dma_wait3A_118 = tpu.memref_slice %arg9[%dma_wait3A_114, %dma_wait3A_116, %dma_wait3A_117] : memref<6x128x64xf32, #tpu.memory_space<vmem>> -> memref<1x128x64xf32, #tpu.memory_space<vmem>>
    %dma_wait3A_119 = tpu.memref_squeeze %dma_wait3A_118 : memref<1x128x64xf32, #tpu.memory_space<vmem>> -> memref<128x64xf32, #tpu.memory_space<vmem>>
    %dma_wait3A_120 = arith.constant 0 : i32
    %dma_wait3A_121 = tpu.memref_slice %arg7[%dma_wait3A_113, %dma_wait3A_120] : memref<160x128xi32, #tpu.memory_space<vmem>> -> memref<1x128xi32, #tpu.memory_space<vmem>>
    %dma_wait3A_122 = tpu.memref_squeeze %dma_wait3A_121 : memref<1x128xi32, #tpu.memory_space<vmem>> -> memref<128xi32, #tpu.memory_space<vmem>>
    %dma_wait3A_123 = arith.constant 0 : i32
    %dma_wait3A_124 = arith.constant 0 : i32
    %dma_wait3A_125 = tpu.memref_slice %arg2[%arg0, %dma_wait3A_123, %dma_wait3A_124] : memref<2x10000x64xf32, #tpu.memory_space<hbm>> -> memref<1x10000x64xf32, #tpu.memory_space<hbm>>
    %dma_wait3A_126 = tpu.memref_squeeze %dma_wait3A_125 : memref<1x10000x64xf32, #tpu.memory_space<hbm>> -> memref<10000x64xf32, #tpu.memory_space<hbm>>
    %dma_wait3A_127 = arith.constant 0 : i32
    %dma_wait3A_128 = arith.constant 0 : i32
    %dma_wait3A_129 = tpu.memref_slice %dma_wait3A_126[%dma_wait3A_127, %dma_wait3A_128] : memref<10000x64xf32, #tpu.memory_space<hbm>> -> memref<10000x64xf32, #tpu.memory_space<hbm>>
    %dma_wait3A_130 = tpu.memref_slice %arg11[%dma_wait3A_115] : memref<6x!tpu.dma_semaphore, #tpu.memory_space<semaphore_mem>> -> memref<1x!tpu.dma_semaphore, #tpu.memory_space<semaphore_mem>>
    %dma_wait3A_131 = tpu.memref_squeeze %dma_wait3A_130 : memref<1x!tpu.dma_semaphore, #tpu.memory_space<semaphore_mem>> -> memref<!tpu.dma_semaphore, #tpu.memory_space<semaphore_mem>>
    tpu.wait_indirect_dma semaphore(%dma_wait3A_131 : memref<!tpu.dma_semaphore, #tpu.memory_space<semaphore_mem>>) src(%dma_wait3A_129 : memref<10000x64xf32, #tpu.memory_space<hbm>>) dst(%dma_wait3A_119 : memref<128x64xf32, #tpu.memory_space<vmem>>)
    %dma_start3A_132 = arith.constant 1 : i32
    %dma_start3A_133 = arith.constant 157 : i32
    %dma_start3A_134 = arith.constant 1 : i32
    %dma_start3A_135 = arith.constant 0 : i32
    %dma_start3A_136 = arith.constant 0 : i32
    %dma_start3A_137 = tpu.memref_slice %arg9[%dma_start3A_132, %dma_start3A_135, %dma_start3A_136] : memref<6x128x64xf32, #tpu.memory_space<vmem>> -> memref<1x128x64xf32, #tpu.memory_space<vmem>>
    %dma_start3A_138 = tpu.memref_squeeze %dma_start3A_137 : memref<1x128x64xf32, #tpu.memory_space<vmem>> -> memref<128x64xf32, #tpu.memory_space<vmem>>
    %dma_start3A_139 = arith.constant 0 : i32
    %dma_start3A_140 = tpu.memref_slice %arg8[%dma_start3A_133, %dma_start3A_139] : memref<160x128xi32, #tpu.memory_space<vmem>> -> memref<1x128xi32, #tpu.memory_space<vmem>>
    %dma_start3A_141 = tpu.memref_squeeze %dma_start3A_140 : memref<1x128xi32, #tpu.memory_space<vmem>> -> memref<128xi32, #tpu.memory_space<vmem>>
    %dma_start3A_142 = arith.constant 0 : i32
    %dma_start3A_143 = arith.constant 0 : i32
    %dma_start3A_144 = tpu.memref_slice %arg10[%dma_start3A_142, %dma_start3A_143] : memref<10112x64xf32, #tpu.memory_space<vmem_shared>> -> memref<10112x64xf32, #tpu.memory_space<vmem_shared>>
    %dma_start3A_145 = tpu.memref_slice %arg12[%dma_start3A_134] : memref<6x!tpu.dma_semaphore, #tpu.memory_space<semaphore_mem>> -> memref<1x!tpu.dma_semaphore, #tpu.memory_space<semaphore_mem>>
    %dma_start3A_146 = tpu.memref_squeeze %dma_start3A_145 : memref<1x!tpu.dma_semaphore, #tpu.memory_space<semaphore_mem>> -> memref<!tpu.dma_semaphore, #tpu.memory_space<semaphore_mem>>
    tpu.enqueue_indirect_dma source(%dma_start3A_138 : memref<128x64xf32, #tpu.memory_space<vmem>>) target(%dma_start3A_144 : memref<10112x64xf32, #tpu.memory_space<vmem_shared>>) offsets(%dma_start3A_141 : memref<128xi32, #tpu.memory_space<vmem>>) semaphore(%dma_start3A_146 : memref<!tpu.dma_semaphore, #tpu.memory_space<semaphore_mem>>) {add = true}
    %dma_wait3A_147 = arith.constant 158 : i32
    %dma_wait3A_148 = arith.constant 2 : i32
    %dma_wait3A_149 = arith.constant 2 : i32
    %dma_wait3A_150 = arith.constant 0 : i32
    %dma_wait3A_151 = arith.constant 0 : i32
    %dma_wait3A_152 = tpu.memref_slice %arg9[%dma_wait3A_148, %dma_wait3A_150, %dma_wait3A_151] : memref<6x128x64xf32, #tpu.memory_space<vmem>> -> memref<1x128x64xf32, #tpu.memory_space<vmem>>
    %dma_wait3A_153 = tpu.memref_squeeze %dma_wait3A_152 : memref<1x128x64xf32, #tpu.memory_space<vmem>> -> memref<128x64xf32, #tpu.memory_space<vmem>>
    %dma_wait3A_154 = arith.constant 0 : i32
    %dma_wait3A_155 = tpu.memref_slice %arg7[%dma_wait3A_147, %dma_wait3A_154] : memref<160x128xi32, #tpu.memory_space<vmem>> -> memref<1x128xi32, #tpu.memory_space<vmem>>
    %dma_wait3A_156 = tpu.memref_squeeze %dma_wait3A_155 : memref<1x128xi32, #tpu.memory_space<vmem>> -> memref<128xi32, #tpu.memory_space<vmem>>
    %dma_wait3A_157 = arith.constant 0 : i32
    %dma_wait3A_158 = arith.constant 0 : i32
    %dma_wait3A_159 = tpu.memref_slice %arg2[%arg0, %dma_wait3A_157, %dma_wait3A_158] : memref<2x10000x64xf32, #tpu.memory_space<hbm>> -> memref<1x10000x64xf32, #tpu.memory_space<hbm>>
    %dma_wait3A_160 = tpu.memref_squeeze %dma_wait3A_159 : memref<1x10000x64xf32, #tpu.memory_space<hbm>> -> memref<10000x64xf32, #tpu.memory_space<hbm>>
    %dma_wait3A_161 = arith.constant 0 : i32
    %dma_wait3A_162 = arith.constant 0 : i32
    %dma_wait3A_163 = tpu.memref_slice %dma_wait3A_160[%dma_wait3A_161, %dma_wait3A_162] : memref<10000x64xf32, #tpu.memory_space<hbm>> -> memref<10000x64xf32, #tpu.memory_space<hbm>>
    %dma_wait3A_164 = tpu.memref_slice %arg11[%dma_wait3A_149] : memref<6x!tpu.dma_semaphore, #tpu.memory_space<semaphore_mem>> -> memref<1x!tpu.dma_semaphore, #tpu.memory_space<semaphore_mem>>
    %dma_wait3A_165 = tpu.memref_squeeze %dma_wait3A_164 : memref<1x!tpu.dma_semaphore, #tpu.memory_space<semaphore_mem>> -> memref<!tpu.dma_semaphore, #tpu.memory_space<semaphore_mem>>
    tpu.wait_indirect_dma semaphore(%dma_wait3A_165 : memref<!tpu.dma_semaphore, #tpu.memory_space<semaphore_mem>>) src(%dma_wait3A_163 : memref<10000x64xf32, #tpu.memory_space<hbm>>) dst(%dma_wait3A_153 : memref<128x64xf32, #tpu.memory_space<vmem>>)
    %dma_start3A_166 = arith.constant 2 : i32
    %dma_start3A_167 = arith.constant 158 : i32
    %dma_start3A_168 = arith.constant 2 : i32
    %dma_start3A_169 = arith.constant 0 : i32
    %dma_start3A_170 = arith.constant 0 : i32
    %dma_start3A_171 = tpu.memref_slice %arg9[%dma_start3A_166, %dma_start3A_169, %dma_start3A_170] : memref<6x128x64xf32, #tpu.memory_space<vmem>> -> memref<1x128x64xf32, #tpu.memory_space<vmem>>
    %dma_start3A_172 = tpu.memref_squeeze %dma_start3A_171 : memref<1x128x64xf32, #tpu.memory_space<vmem>> -> memref<128x64xf32, #tpu.memory_space<vmem>>
    %dma_start3A_173 = arith.constant 0 : i32
    %dma_start3A_174 = tpu.memref_slice %arg8[%dma_start3A_167, %dma_start3A_173] : memref<160x128xi32, #tpu.memory_space<vmem>> -> memref<1x128xi32, #tpu.memory_space<vmem>>
    %dma_start3A_175 = tpu.memref_squeeze %dma_start3A_174 : memref<1x128xi32, #tpu.memory_space<vmem>> -> memref<128xi32, #tpu.memory_space<vmem>>
    %dma_start3A_176 = arith.constant 0 : i32
    %dma_start3A_177 = arith.constant 0 : i32
    %dma_start3A_178 = tpu.memref_slice %arg10[%dma_start3A_176, %dma_start3A_177] : memref<10112x64xf32, #tpu.memory_space<vmem_shared>> -> memref<10112x64xf32, #tpu.memory_space<vmem_shared>>
    %dma_start3A_179 = tpu.memref_slice %arg12[%dma_start3A_168] : memref<6x!tpu.dma_semaphore, #tpu.memory_space<semaphore_mem>> -> memref<1x!tpu.dma_semaphore, #tpu.memory_space<semaphore_mem>>
    %dma_start3A_180 = tpu.memref_squeeze %dma_start3A_179 : memref<1x!tpu.dma_semaphore, #tpu.memory_space<semaphore_mem>> -> memref<!tpu.dma_semaphore, #tpu.memory_space<semaphore_mem>>
    tpu.enqueue_indirect_dma source(%dma_start3A_172 : memref<128x64xf32, #tpu.memory_space<vmem>>) target(%dma_start3A_178 : memref<10112x64xf32, #tpu.memory_space<vmem_shared>>) offsets(%dma_start3A_175 : memref<128xi32, #tpu.memory_space<vmem>>) semaphore(%dma_start3A_180 : memref<!tpu.dma_semaphore, #tpu.memory_space<semaphore_mem>>) {add = true}
    %dma_wait3A_181 = arith.constant 159 : i32
    %dma_wait3A_182 = arith.constant 3 : i32
    %dma_wait3A_183 = arith.constant 3 : i32
    %dma_wait3A_184 = arith.constant 0 : i32
    %dma_wait3A_185 = arith.constant 0 : i32
    %dma_wait3A_186 = tpu.memref_slice %arg9[%dma_wait3A_182, %dma_wait3A_184, %dma_wait3A_185] : memref<6x128x64xf32, #tpu.memory_space<vmem>> -> memref<1x128x64xf32, #tpu.memory_space<vmem>>
    %dma_wait3A_187 = tpu.memref_squeeze %dma_wait3A_186 : memref<1x128x64xf32, #tpu.memory_space<vmem>> -> memref<128x64xf32, #tpu.memory_space<vmem>>
    %dma_wait3A_188 = arith.constant 0 : i32
    %dma_wait3A_189 = tpu.memref_slice %arg7[%dma_wait3A_181, %dma_wait3A_188] : memref<160x128xi32, #tpu.memory_space<vmem>> -> memref<1x128xi32, #tpu.memory_space<vmem>>
    %dma_wait3A_190 = tpu.memref_squeeze %dma_wait3A_189 : memref<1x128xi32, #tpu.memory_space<vmem>> -> memref<128xi32, #tpu.memory_space<vmem>>
    %dma_wait3A_191 = arith.constant 0 : i32
    %dma_wait3A_192 = arith.constant 0 : i32
    %dma_wait3A_193 = tpu.memref_slice %arg2[%arg0, %dma_wait3A_191, %dma_wait3A_192] : memref<2x10000x64xf32, #tpu.memory_space<hbm>> -> memref<1x10000x64xf32, #tpu.memory_space<hbm>>
    %dma_wait3A_194 = tpu.memref_squeeze %dma_wait3A_193 : memref<1x10000x64xf32, #tpu.memory_space<hbm>> -> memref<10000x64xf32, #tpu.memory_space<hbm>>
    %dma_wait3A_195 = arith.constant 0 : i32
    %dma_wait3A_196 = arith.constant 0 : i32
    %dma_wait3A_197 = tpu.memref_slice %dma_wait3A_194[%dma_wait3A_195, %dma_wait3A_196] : memref<10000x64xf32, #tpu.memory_space<hbm>> -> memref<10000x64xf32, #tpu.memory_space<hbm>>
    %dma_wait3A_198 = tpu.memref_slice %arg11[%dma_wait3A_183] : memref<6x!tpu.dma_semaphore, #tpu.memory_space<semaphore_mem>> -> memref<1x!tpu.dma_semaphore, #tpu.memory_space<semaphore_mem>>
    %dma_wait3A_199 = tpu.memref_squeeze %dma_wait3A_198 : memref<1x!tpu.dma_semaphore, #tpu.memory_space<semaphore_mem>> -> memref<!tpu.dma_semaphore, #tpu.memory_space<semaphore_mem>>
    tpu.wait_indirect_dma semaphore(%dma_wait3A_199 : memref<!tpu.dma_semaphore, #tpu.memory_space<semaphore_mem>>) src(%dma_wait3A_197 : memref<10000x64xf32, #tpu.memory_space<hbm>>) dst(%dma_wait3A_187 : memref<128x64xf32, #tpu.memory_space<vmem>>)
    %dma_start3A_200 = arith.constant 3 : i32
    %dma_start3A_201 = arith.constant 159 : i32
    %dma_start3A_202 = arith.constant 3 : i32
    %dma_start3A_203 = arith.constant 0 : i32
    %dma_start3A_204 = arith.constant 0 : i32
    %dma_start3A_205 = tpu.memref_slice %arg9[%dma_start3A_200, %dma_start3A_203, %dma_start3A_204] : memref<6x128x64xf32, #tpu.memory_space<vmem>> -> memref<1x128x64xf32, #tpu.memory_space<vmem>>
    %dma_start3A_206 = tpu.memref_squeeze %dma_start3A_205 : memref<1x128x64xf32, #tpu.memory_space<vmem>> -> memref<128x64xf32, #tpu.memory_space<vmem>>
    %dma_start3A_207 = arith.constant 0 : i32
    %dma_start3A_208 = tpu.memref_slice %arg8[%dma_start3A_201, %dma_start3A_207] : memref<160x128xi32, #tpu.memory_space<vmem>> -> memref<1x128xi32, #tpu.memory_space<vmem>>
    %dma_start3A_209 = tpu.memref_squeeze %dma_start3A_208 : memref<1x128xi32, #tpu.memory_space<vmem>> -> memref<128xi32, #tpu.memory_space<vmem>>
    %dma_start3A_210 = arith.constant 0 : i32
    %dma_start3A_211 = arith.constant 0 : i32
    %dma_start3A_212 = tpu.memref_slice %arg10[%dma_start3A_210, %dma_start3A_211] : memref<10112x64xf32, #tpu.memory_space<vmem_shared>> -> memref<10112x64xf32, #tpu.memory_space<vmem_shared>>
    %dma_start3A_213 = tpu.memref_slice %arg12[%dma_start3A_202] : memref<6x!tpu.dma_semaphore, #tpu.memory_space<semaphore_mem>> -> memref<1x!tpu.dma_semaphore, #tpu.memory_space<semaphore_mem>>
    %dma_start3A_214 = tpu.memref_squeeze %dma_start3A_213 : memref<1x!tpu.dma_semaphore, #tpu.memory_space<semaphore_mem>> -> memref<!tpu.dma_semaphore, #tpu.memory_space<semaphore_mem>>
    tpu.enqueue_indirect_dma source(%dma_start3A_206 : memref<128x64xf32, #tpu.memory_space<vmem>>) target(%dma_start3A_212 : memref<10112x64xf32, #tpu.memory_space<vmem_shared>>) offsets(%dma_start3A_209 : memref<128xi32, #tpu.memory_space<vmem>>) semaphore(%dma_start3A_214 : memref<!tpu.dma_semaphore, #tpu.memory_space<semaphore_mem>>) {add = true}
    %dma_wait3A_215 = arith.constant 0 : i32
    %dma_wait3A_216 = arith.constant 156 : i32
    %dma_wait3A_217 = arith.constant 0 : i32
    %dma_wait3A_218 = arith.constant 0 : i32
    %dma_wait3A_219 = arith.constant 0 : i32
    %dma_wait3A_220 = tpu.memref_slice %arg9[%dma_wait3A_215, %dma_wait3A_218, %dma_wait3A_219] : memref<6x128x64xf32, #tpu.memory_space<vmem>> -> memref<1x128x64xf32, #tpu.memory_space<vmem>>
    %dma_wait3A_221 = tpu.memref_squeeze %dma_wait3A_220 : memref<1x128x64xf32, #tpu.memory_space<vmem>> -> memref<128x64xf32, #tpu.memory_space<vmem>>
    %dma_wait3A_222 = arith.constant 0 : i32
    %dma_wait3A_223 = tpu.memref_slice %arg8[%dma_wait3A_216, %dma_wait3A_222] : memref<160x128xi32, #tpu.memory_space<vmem>> -> memref<1x128xi32, #tpu.memory_space<vmem>>
    %dma_wait3A_224 = tpu.memref_squeeze %dma_wait3A_223 : memref<1x128xi32, #tpu.memory_space<vmem>> -> memref<128xi32, #tpu.memory_space<vmem>>
    %dma_wait3A_225 = arith.constant 0 : i32
    %dma_wait3A_226 = arith.constant 0 : i32
    %dma_wait3A_227 = tpu.memref_slice %arg10[%dma_wait3A_225, %dma_wait3A_226] : memref<10112x64xf32, #tpu.memory_space<vmem_shared>> -> memref<10112x64xf32, #tpu.memory_space<vmem_shared>>
    %dma_wait3A_228 = tpu.memref_slice %arg12[%dma_wait3A_217] : memref<6x!tpu.dma_semaphore, #tpu.memory_space<semaphore_mem>> -> memref<1x!tpu.dma_semaphore, #tpu.memory_space<semaphore_mem>>
    %dma_wait3A_229 = tpu.memref_squeeze %dma_wait3A_228 : memref<1x!tpu.dma_semaphore, #tpu.memory_space<semaphore_mem>> -> memref<!tpu.dma_semaphore, #tpu.memory_space<semaphore_mem>>
    tpu.wait_indirect_dma semaphore(%dma_wait3A_229 : memref<!tpu.dma_semaphore, #tpu.memory_space<semaphore_mem>>) src(%dma_wait3A_221 : memref<128x64xf32, #tpu.memory_space<vmem>>) dst(%dma_wait3A_227 : memref<10112x64xf32, #tpu.memory_space<vmem_shared>>)
    %dma_wait3A_230 = arith.constant 1 : i32
    %dma_wait3A_231 = arith.constant 157 : i32
    %dma_wait3A_232 = arith.constant 1 : i32
    %dma_wait3A_233 = arith.constant 0 : i32
    %dma_wait3A_234 = arith.constant 0 : i32
    %dma_wait3A_235 = tpu.memref_slice %arg9[%dma_wait3A_230, %dma_wait3A_233, %dma_wait3A_234] : memref<6x128x64xf32, #tpu.memory_space<vmem>> -> memref<1x128x64xf32, #tpu.memory_space<vmem>>
    %dma_wait3A_236 = tpu.memref_squeeze %dma_wait3A_235 : memref<1x128x64xf32, #tpu.memory_space<vmem>> -> memref<128x64xf32, #tpu.memory_space<vmem>>
    %dma_wait3A_237 = arith.constant 0 : i32
    %dma_wait3A_238 = tpu.memref_slice %arg8[%dma_wait3A_231, %dma_wait3A_237] : memref<160x128xi32, #tpu.memory_space<vmem>> -> memref<1x128xi32, #tpu.memory_space<vmem>>
    %dma_wait3A_239 = tpu.memref_squeeze %dma_wait3A_238 : memref<1x128xi32, #tpu.memory_space<vmem>> -> memref<128xi32, #tpu.memory_space<vmem>>
    %dma_wait3A_240 = arith.constant 0 : i32
    %dma_wait3A_241 = arith.constant 0 : i32
    %dma_wait3A_242 = tpu.memref_slice %arg10[%dma_wait3A_240, %dma_wait3A_241] : memref<10112x64xf32, #tpu.memory_space<vmem_shared>> -> memref<10112x64xf32, #tpu.memory_space<vmem_shared>>
    %dma_wait3A_243 = tpu.memref_slice %arg12[%dma_wait3A_232] : memref<6x!tpu.dma_semaphore, #tpu.memory_space<semaphore_mem>> -> memref<1x!tpu.dma_semaphore, #tpu.memory_space<semaphore_mem>>
    %dma_wait3A_244 = tpu.memref_squeeze %dma_wait3A_243 : memref<1x!tpu.dma_semaphore, #tpu.memory_space<semaphore_mem>> -> memref<!tpu.dma_semaphore, #tpu.memory_space<semaphore_mem>>
    tpu.wait_indirect_dma semaphore(%dma_wait3A_244 : memref<!tpu.dma_semaphore, #tpu.memory_space<semaphore_mem>>) src(%dma_wait3A_236 : memref<128x64xf32, #tpu.memory_space<vmem>>) dst(%dma_wait3A_242 : memref<10112x64xf32, #tpu.memory_space<vmem_shared>>)
    %dma_wait3A_245 = arith.constant 2 : i32
    %dma_wait3A_246 = arith.constant 158 : i32
    %dma_wait3A_247 = arith.constant 2 : i32
    %dma_wait3A_248 = arith.constant 0 : i32
    %dma_wait3A_249 = arith.constant 0 : i32
    %dma_wait3A_250 = tpu.memref_slice %arg9[%dma_wait3A_245, %dma_wait3A_248, %dma_wait3A_249] : memref<6x128x64xf32, #tpu.memory_space<vmem>> -> memref<1x128x64xf32, #tpu.memory_space<vmem>>
    %dma_wait3A_251 = tpu.memref_squeeze %dma_wait3A_250 : memref<1x128x64xf32, #tpu.memory_space<vmem>> -> memref<128x64xf32, #tpu.memory_space<vmem>>
    %dma_wait3A_252 = arith.constant 0 : i32
    %dma_wait3A_253 = tpu.memref_slice %arg8[%dma_wait3A_246, %dma_wait3A_252] : memref<160x128xi32, #tpu.memory_space<vmem>> -> memref<1x128xi32, #tpu.memory_space<vmem>>
    %dma_wait3A_254 = tpu.memref_squeeze %dma_wait3A_253 : memref<1x128xi32, #tpu.memory_space<vmem>> -> memref<128xi32, #tpu.memory_space<vmem>>
    %dma_wait3A_255 = arith.constant 0 : i32
    %dma_wait3A_256 = arith.constant 0 : i32
    %dma_wait3A_257 = tpu.memref_slice %arg10[%dma_wait3A_255, %dma_wait3A_256] : memref<10112x64xf32, #tpu.memory_space<vmem_shared>> -> memref<10112x64xf32, #tpu.memory_space<vmem_shared>>
    %dma_wait3A_258 = tpu.memref_slice %arg12[%dma_wait3A_247] : memref<6x!tpu.dma_semaphore, #tpu.memory_space<semaphore_mem>> -> memref<1x!tpu.dma_semaphore, #tpu.memory_space<semaphore_mem>>
    %dma_wait3A_259 = tpu.memref_squeeze %dma_wait3A_258 : memref<1x!tpu.dma_semaphore, #tpu.memory_space<semaphore_mem>> -> memref<!tpu.dma_semaphore, #tpu.memory_space<semaphore_mem>>
    tpu.wait_indirect_dma semaphore(%dma_wait3A_259 : memref<!tpu.dma_semaphore, #tpu.memory_space<semaphore_mem>>) src(%dma_wait3A_251 : memref<128x64xf32, #tpu.memory_space<vmem>>) dst(%dma_wait3A_257 : memref<10112x64xf32, #tpu.memory_space<vmem_shared>>)
    %dma_wait3A_260 = arith.constant 3 : i32
    %dma_wait3A_261 = arith.constant 159 : i32
    %dma_wait3A_262 = arith.constant 3 : i32
    %dma_wait3A_263 = arith.constant 0 : i32
    %dma_wait3A_264 = arith.constant 0 : i32
    %dma_wait3A_265 = tpu.memref_slice %arg9[%dma_wait3A_260, %dma_wait3A_263, %dma_wait3A_264] : memref<6x128x64xf32, #tpu.memory_space<vmem>> -> memref<1x128x64xf32, #tpu.memory_space<vmem>>
    %dma_wait3A_266 = tpu.memref_squeeze %dma_wait3A_265 : memref<1x128x64xf32, #tpu.memory_space<vmem>> -> memref<128x64xf32, #tpu.memory_space<vmem>>
    %dma_wait3A_267 = arith.constant 0 : i32
    %dma_wait3A_268 = tpu.memref_slice %arg8[%dma_wait3A_261, %dma_wait3A_267] : memref<160x128xi32, #tpu.memory_space<vmem>> -> memref<1x128xi32, #tpu.memory_space<vmem>>
    %dma_wait3A_269 = tpu.memref_squeeze %dma_wait3A_268 : memref<1x128xi32, #tpu.memory_space<vmem>> -> memref<128xi32, #tpu.memory_space<vmem>>
    %dma_wait3A_270 = arith.constant 0 : i32
    %dma_wait3A_271 = arith.constant 0 : i32
    %dma_wait3A_272 = tpu.memref_slice %arg10[%dma_wait3A_270, %dma_wait3A_271] : memref<10112x64xf32, #tpu.memory_space<vmem_shared>> -> memref<10112x64xf32, #tpu.memory_space<vmem_shared>>
    %dma_wait3A_273 = tpu.memref_slice %arg12[%dma_wait3A_262] : memref<6x!tpu.dma_semaphore, #tpu.memory_space<semaphore_mem>> -> memref<1x!tpu.dma_semaphore, #tpu.memory_space<semaphore_mem>>
    %dma_wait3A_274 = tpu.memref_squeeze %dma_wait3A_273 : memref<1x!tpu.dma_semaphore, #tpu.memory_space<semaphore_mem>> -> memref<!tpu.dma_semaphore, #tpu.memory_space<semaphore_mem>>
    tpu.wait_indirect_dma semaphore(%dma_wait3A_274 : memref<!tpu.dma_semaphore, #tpu.memory_space<semaphore_mem>>) src(%dma_wait3A_266 : memref<128x64xf32, #tpu.memory_space<vmem>>) dst(%dma_wait3A_272 : memref<10112x64xf32, #tpu.memory_space<vmem_shared>>)
    %barrier3A_275 = arith.constant 0 : index
    tpu.barrier barrier_id(%barrier3A_275)
    %mul3A_276 = arith.constant 632 : i32
    %mul3A_277 = arith.muli %arg1, %mul3A_276 : i32
    %mul3A_278 = arith.constant 632 : i32
    %mul3A_279 = arith.muli %arg1, %mul3A_278 : i32
    "tpu.region"() ({
      %run_scoped3A = tpu.sem_alloc : memref<!tpu.dma_semaphore, #tpu.memory_space<semaphore_mem>>
      %dma_start3A_280 = arith.constant 0 : i32
      %dma_start3A_281 = tpu.memref_slice %arg6[%arg0, %mul3A_279, %dma_start3A_280] : memref<2x10112x64xf32, #tpu.memory_space<hbm>> -> memref<1x632x64xf32, #tpu.memory_space<hbm>>
      %dma_start3A_282 = tpu.memref_squeeze %dma_start3A_281 : memref<1x632x64xf32, #tpu.memory_space<hbm>> -> memref<632x64xf32, #tpu.memory_space<hbm>>
      %dma_start3A_283 = arith.constant 0 : i32
      %dma_start3A_284 = tpu.memref_slice %arg10[%mul3A_277, %dma_start3A_283] : memref<10112x64xf32, #tpu.memory_space<vmem_shared>> -> memref<632x64xf32, #tpu.memory_space<vmem_shared>>
      tpu.enqueue_dma source(%dma_start3A_284 : memref<632x64xf32, #tpu.memory_space<vmem_shared>>) target(%dma_start3A_282 : memref<632x64xf32, #tpu.memory_space<hbm>>) target_semaphore(%run_scoped3A : memref<!tpu.dma_semaphore, #tpu.memory_space<semaphore_mem>>)
      %dma_wait3A_285 = arith.constant 0 : i32
      %dma_wait3A_286 = tpu.memref_slice %arg6[%arg0, %mul3A_279, %dma_wait3A_285] : memref<2x10112x64xf32, #tpu.memory_space<hbm>> -> memref<1x632x64xf32, #tpu.memory_space<hbm>>
      %dma_wait3A_287 = tpu.memref_squeeze %dma_wait3A_286 : memref<1x632x64xf32, #tpu.memory_space<hbm>> -> memref<632x64xf32, #tpu.memory_space<hbm>>
      %dma_wait3A_288 = arith.constant 0 : i32
      %dma_wait3A_289 = tpu.memref_slice %arg10[%mul3A_277, %dma_wait3A_288] : memref<10112x64xf32, #tpu.memory_space<vmem_shared>> -> memref<632x64xf32, #tpu.memory_space<vmem_shared>>
      tpu.wait_dma2 semaphore(%run_scoped3A : memref<!tpu.dma_semaphore, #tpu.memory_space<semaphore_mem>>) src(%dma_wait3A_289 : memref<632x64xf32, #tpu.memory_space<vmem_shared>>) dst(%dma_wait3A_287 : memref<632x64xf32, #tpu.memory_space<hbm>>)
      tpu.yield
    }) : () -> ()
    return
  }
}

#map = affine_map<(d0, d1) -> (0, 0, 0)>
#map1 = affine_map<(d0, d1) -> (0, 0)>
module attributes {stable_mosaic.version = 14 : i64} {
  func.func @_agg_body(%arg0: i32, %arg1: i32, %arg2: memref<2x10000x64xf32, #tpu.memory_space<hbm>>, %arg3: memref<16x160x128xi32, #tpu.memory_space<hbm>>, %arg4: memref<16x160x128xi32, #tpu.memory_space<hbm>>, %arg5: memref<632x64xf32, #tpu.memory_space<hbm>>, %arg6: memref<2x10112x64xf32, #tpu.memory_space<hbm>>, %arg7: memref<160x128xi32, #tpu.memory_space<vmem>>, %arg8: memref<160x128xi32, #tpu.memory_space<vmem>>, %arg9: memref<6x128x64xf32, #tpu.memory_space<vmem>>, %arg10: memref<10112x64xf32, #tpu.memory_space<vmem_shared>>, %arg11: memref<6x!tpu.dma_semaphore, #tpu.memory_space<semaphore_mem>>, %arg12: memref<6x!tpu.dma_semaphore, #tpu.memory_space<semaphore_mem>>) attributes {dimension_semantics = [#tpu.dimension_semantics<core_parallel>, #tpu.dimension_semantics<subcore_parallel>], iteration_bounds = array<i64: 2, 16>, scalar_prefetch = 0 : i64, scratch_operands = 6 : i64, tpu.core_type = #tpu.core_type<sc_vector_subcore>, window_params = [{transform_indices = #map}, {transform_indices = #map}, {transform_indices = #map}, {transform_indices = #map1}, {transform_indices = #map}]} {
    "tpu.region"() ({
      %run_scoped3A = tpu.sem_alloc : memref<!tpu.dma_semaphore, #tpu.memory_space<semaphore_mem>>
      %dma_start3A_280 = arith.constant 0 : i32
      %dma_start3A_281 = arith.constant 0 : i32
      %dma_start3A_282 = tpu.memref_slice %arg3[%arg1, %dma_start3A_280, %dma_start3A_281] : memref<16x160x128xi32, #tpu.memory_space<hbm>> -> memref<1x160x128xi32, #tpu.memory_space<hbm>>
      %dma_start3A_283 = tpu.memref_squeeze %dma_start3A_282 : memref<1x160x128xi32, #tpu.memory_space<hbm>> -> memref<160x128xi32, #tpu.memory_space<hbm>>
      %dma_start3A_284 = arith.constant 0 : i32
      %dma_start3A_285 = arith.constant 0 : i32
      %dma_start3A_286 = tpu.memref_slice %arg3[%arg1, %dma_start3A_284, %dma_start3A_285] : memref<16x160x128xi32, #tpu.memory_space<hbm>> -> memref<1x160x128xi32, #tpu.memory_space<hbm>>
      %dma_start3A_287 = tpu.memref_squeeze %dma_start3A_286 : memref<1x160x128xi32, #tpu.memory_space<hbm>> -> memref<160x128xi32, #tpu.memory_space<hbm>>
      tpu.enqueue_dma source(%dma_start3A_287 : memref<160x128xi32, #tpu.memory_space<hbm>>) target(%arg7 : memref<160x128xi32, #tpu.memory_space<vmem>>) target_semaphore(%run_scoped3A : memref<!tpu.dma_semaphore, #tpu.memory_space<semaphore_mem>>)
      %dma_wait3A_288 = arith.constant 0 : i32
      %dma_wait3A_289 = arith.constant 0 : i32
      %dma_wait3A_290 = tpu.memref_slice %arg3[%arg1, %dma_wait3A_288, %dma_wait3A_289] : memref<16x160x128xi32, #tpu.memory_space<hbm>> -> memref<1x160x128xi32, #tpu.memory_space<hbm>>
      %dma_wait3A_291 = tpu.memref_squeeze %dma_wait3A_290 : memref<1x160x128xi32, #tpu.memory_space<hbm>> -> memref<160x128xi32, #tpu.memory_space<hbm>>
      %dma_wait3A_292 = arith.constant 0 : i32
      %dma_wait3A_293 = arith.constant 0 : i32
      %dma_wait3A_294 = tpu.memref_slice %arg3[%arg1, %dma_wait3A_292, %dma_wait3A_293] : memref<16x160x128xi32, #tpu.memory_space<hbm>> -> memref<1x160x128xi32, #tpu.memory_space<hbm>>
      %dma_wait3A_295 = tpu.memref_squeeze %dma_wait3A_294 : memref<1x160x128xi32, #tpu.memory_space<hbm>> -> memref<160x128xi32, #tpu.memory_space<hbm>>
      tpu.wait_dma2 semaphore(%run_scoped3A : memref<!tpu.dma_semaphore, #tpu.memory_space<semaphore_mem>>) src(%dma_wait3A_295 : memref<160x128xi32, #tpu.memory_space<hbm>>) dst(%arg7 : memref<160x128xi32, #tpu.memory_space<vmem>>)
      tpu.yield
    }) : () -> ()
    "tpu.region"() ({
      %run_scoped3A = tpu.sem_alloc : memref<!tpu.dma_semaphore, #tpu.memory_space<semaphore_mem>>
      %dma_start3A_280 = arith.constant 0 : i32
      %dma_start3A_281 = arith.constant 0 : i32
      %dma_start3A_282 = tpu.memref_slice %arg4[%arg1, %dma_start3A_280, %dma_start3A_281] : memref<16x160x128xi32, #tpu.memory_space<hbm>> -> memref<1x160x128xi32, #tpu.memory_space<hbm>>
      %dma_start3A_283 = tpu.memref_squeeze %dma_start3A_282 : memref<1x160x128xi32, #tpu.memory_space<hbm>> -> memref<160x128xi32, #tpu.memory_space<hbm>>
      %dma_start3A_284 = arith.constant 0 : i32
      %dma_start3A_285 = arith.constant 0 : i32
      %dma_start3A_286 = tpu.memref_slice %arg4[%arg1, %dma_start3A_284, %dma_start3A_285] : memref<16x160x128xi32, #tpu.memory_space<hbm>> -> memref<1x160x128xi32, #tpu.memory_space<hbm>>
      %dma_start3A_287 = tpu.memref_squeeze %dma_start3A_286 : memref<1x160x128xi32, #tpu.memory_space<hbm>> -> memref<160x128xi32, #tpu.memory_space<hbm>>
      tpu.enqueue_dma source(%dma_start3A_287 : memref<160x128xi32, #tpu.memory_space<hbm>>) target(%arg8 : memref<160x128xi32, #tpu.memory_space<vmem>>) target_semaphore(%run_scoped3A : memref<!tpu.dma_semaphore, #tpu.memory_space<semaphore_mem>>)
      %dma_wait3A_288 = arith.constant 0 : i32
      %dma_wait3A_289 = arith.constant 0 : i32
      %dma_wait3A_290 = tpu.memref_slice %arg4[%arg1, %dma_wait3A_288, %dma_wait3A_289] : memref<16x160x128xi32, #tpu.memory_space<hbm>> -> memref<1x160x128xi32, #tpu.memory_space<hbm>>
      %dma_wait3A_291 = tpu.memref_squeeze %dma_wait3A_290 : memref<1x160x128xi32, #tpu.memory_space<hbm>> -> memref<160x128xi32, #tpu.memory_space<hbm>>
      %dma_wait3A_292 = arith.constant 0 : i32
      %dma_wait3A_293 = arith.constant 0 : i32
      %dma_wait3A_294 = tpu.memref_slice %arg4[%arg1, %dma_wait3A_292, %dma_wait3A_293] : memref<16x160x128xi32, #tpu.memory_space<hbm>> -> memref<1x160x128xi32, #tpu.memory_space<hbm>>
      %dma_wait3A_295 = tpu.memref_squeeze %dma_wait3A_294 : memref<1x160x128xi32, #tpu.memory_space<hbm>> -> memref<160x128xi32, #tpu.memory_space<hbm>>
      tpu.wait_dma2 semaphore(%run_scoped3A : memref<!tpu.dma_semaphore, #tpu.memory_space<semaphore_mem>>) src(%dma_wait3A_295 : memref<160x128xi32, #tpu.memory_space<hbm>>) dst(%arg8 : memref<160x128xi32, #tpu.memory_space<vmem>>)
      tpu.yield
    }) : () -> ()
    %mul3A = arith.constant 632 : i32
    %mul3A_0 = arith.muli %arg1, %mul3A : i32
    "tpu.region"() ({
      %run_scoped3A = tpu.sem_alloc : memref<!tpu.dma_semaphore, #tpu.memory_space<semaphore_mem>>
      %dma_start3A_280 = arith.constant 0 : i32
      %dma_start3A_281 = tpu.memref_slice %arg10[%mul3A_0, %dma_start3A_280] : memref<10112x64xf32, #tpu.memory_space<vmem_shared>> -> memref<632x64xf32, #tpu.memory_space<vmem_shared>>
      tpu.enqueue_dma source(%arg5 : memref<632x64xf32, #tpu.memory_space<hbm>>) target(%dma_start3A_281 : memref<632x64xf32, #tpu.memory_space<vmem_shared>>) target_semaphore(%run_scoped3A : memref<!tpu.dma_semaphore, #tpu.memory_space<semaphore_mem>>)
      %dma_wait3A_282 = arith.constant 0 : i32
      %dma_wait3A_283 = tpu.memref_slice %arg10[%mul3A_0, %dma_wait3A_282] : memref<10112x64xf32, #tpu.memory_space<vmem_shared>> -> memref<632x64xf32, #tpu.memory_space<vmem_shared>>
      tpu.wait_dma2 semaphore(%run_scoped3A : memref<!tpu.dma_semaphore, #tpu.memory_space<semaphore_mem>>) src(%arg5 : memref<632x64xf32, #tpu.memory_space<hbm>>) dst(%dma_wait3A_283 : memref<632x64xf32, #tpu.memory_space<vmem_shared>>)
      tpu.yield
    }) : () -> ()
    %barrier3A = arith.constant 0 : index
    tpu.barrier barrier_id(%barrier3A)
    %scan3A = arith.constant 0 : i32
    %scan3A_1 = arith.constant 26 : i32
    %scan3A_2 = arith.addi %scan3A, %scan3A_1 : i32
    %scan3A_3 = arith.constant 1 : i32
    scf.for %scan3A_280 = %scan3A to %scan3A_2 step %scan3A_3  : i32 {
      %mul3A_281 = arith.constant 1 : i32
      %mul3A_282 = arith.muli %scan3A_280, %mul3A_281 : i32
      %add3A = arith.constant 0 : i32
      %add3A_283 = arith.addi %add3A, %mul3A_282 : i32
      %mul3A_284 = arith.constant 6 : i32
      %mul3A_285 = arith.muli %add3A_283, %mul3A_284 : i32
      %add3A_286 = arith.constant 0 : i32
      %add3A_287 = arith.addi %mul3A_285, %add3A_286 : i32
      %dma_start3A_288 = arith.constant 0 : i32
      %dma_start3A_289 = arith.constant 0 : i32
      %dma_start3A_290 = arith.constant 0 : i32
      %dma_start3A_291 = arith.constant 0 : i32
      %dma_start3A_292 = tpu.memref_slice %arg9[%dma_start3A_288, %dma_start3A_290, %dma_start3A_291] : memref<6x128x64xf32, #tpu.memory_space<vmem>> -> memref<1x128x64xf32, #tpu.memory_space<vmem>>
      %dma_start3A_293 = tpu.memref_squeeze %dma_start3A_292 : memref<1x128x64xf32, #tpu.memory_space<vmem>> -> memref<128x64xf32, #tpu.memory_space<vmem>>
      %dma_start3A_294 = arith.constant 0 : i32
      %dma_start3A_295 = tpu.memref_slice %arg7[%add3A_287, %dma_start3A_294] : memref<160x128xi32, #tpu.memory_space<vmem>> -> memref<1x128xi32, #tpu.memory_space<vmem>>
      %dma_start3A_296 = tpu.memref_squeeze %dma_start3A_295 : memref<1x128xi32, #tpu.memory_space<vmem>> -> memref<128xi32, #tpu.memory_space<vmem>>
      %dma_start3A_297 = arith.constant 0 : i32
      %dma_start3A_298 = arith.constant 0 : i32
      %dma_start3A_299 = tpu.memref_slice %arg2[%arg0, %dma_start3A_297, %dma_start3A_298] : memref<2x10000x64xf32, #tpu.memory_space<hbm>> -> memref<1x10000x64xf32, #tpu.memory_space<hbm>>
      %dma_start3A_300 = tpu.memref_squeeze %dma_start3A_299 : memref<1x10000x64xf32, #tpu.memory_space<hbm>> -> memref<10000x64xf32, #tpu.memory_space<hbm>>
      %dma_start3A_301 = arith.constant 0 : i32
      %dma_start3A_302 = arith.constant 0 : i32
      %dma_start3A_303 = tpu.memref_slice %dma_start3A_300[%dma_start3A_301, %dma_start3A_302] : memref<10000x64xf32, #tpu.memory_space<hbm>> -> memref<10000x64xf32, #tpu.memory_space<hbm>>
      %dma_start3A_304 = tpu.memref_slice %arg11[%dma_start3A_289] : memref<6x!tpu.dma_semaphore, #tpu.memory_space<semaphore_mem>> -> memref<1x!tpu.dma_semaphore, #tpu.memory_space<semaphore_mem>>
      %dma_start3A_305 = tpu.memref_squeeze %dma_start3A_304 : memref<1x!tpu.dma_semaphore, #tpu.memory_space<semaphore_mem>> -> memref<!tpu.dma_semaphore, #tpu.memory_space<semaphore_mem>>
      tpu.enqueue_indirect_dma source(%dma_start3A_303 : memref<10000x64xf32, #tpu.memory_space<hbm>>) target(%dma_start3A_293 : memref<128x64xf32, #tpu.memory_space<vmem>>) offsets(%dma_start3A_296 : memref<128xi32, #tpu.memory_space<vmem>>) semaphore(%dma_start3A_305 : memref<!tpu.dma_semaphore, #tpu.memory_space<semaphore_mem>>)
      %add3A_306 = arith.constant 1 : i32
      %add3A_307 = arith.addi %mul3A_285, %add3A_306 : i32
      %dma_start3A_308 = arith.constant 1 : i32
      %dma_start3A_309 = arith.constant 1 : i32
      %dma_start3A_310 = arith.constant 0 : i32
      %dma_start3A_311 = arith.constant 0 : i32
      %dma_start3A_312 = tpu.memref_slice %arg9[%dma_start3A_308, %dma_start3A_310, %dma_start3A_311] : memref<6x128x64xf32, #tpu.memory_space<vmem>> -> memref<1x128x64xf32, #tpu.memory_space<vmem>>
      %dma_start3A_313 = tpu.memref_squeeze %dma_start3A_312 : memref<1x128x64xf32, #tpu.memory_space<vmem>> -> memref<128x64xf32, #tpu.memory_space<vmem>>
      %dma_start3A_314 = arith.constant 0 : i32
      %dma_start3A_315 = tpu.memref_slice %arg7[%add3A_307, %dma_start3A_314] : memref<160x128xi32, #tpu.memory_space<vmem>> -> memref<1x128xi32, #tpu.memory_space<vmem>>
      %dma_start3A_316 = tpu.memref_squeeze %dma_start3A_315 : memref<1x128xi32, #tpu.memory_space<vmem>> -> memref<128xi32, #tpu.memory_space<vmem>>
      %dma_start3A_317 = arith.constant 0 : i32
      %dma_start3A_318 = arith.constant 0 : i32
      %dma_start3A_319 = tpu.memref_slice %arg2[%arg0, %dma_start3A_317, %dma_start3A_318] : memref<2x10000x64xf32, #tpu.memory_space<hbm>> -> memref<1x10000x64xf32, #tpu.memory_space<hbm>>
      %dma_start3A_320 = tpu.memref_squeeze %dma_start3A_319 : memref<1x10000x64xf32, #tpu.memory_space<hbm>> -> memref<10000x64xf32, #tpu.memory_space<hbm>>
      %dma_start3A_321 = arith.constant 0 : i32
      %dma_start3A_322 = arith.constant 0 : i32
      %dma_start3A_323 = tpu.memref_slice %dma_start3A_320[%dma_start3A_321, %dma_start3A_322] : memref<10000x64xf32, #tpu.memory_space<hbm>> -> memref<10000x64xf32, #tpu.memory_space<hbm>>
      %dma_start3A_324 = tpu.memref_slice %arg11[%dma_start3A_309] : memref<6x!tpu.dma_semaphore, #tpu.memory_space<semaphore_mem>> -> memref<1x!tpu.dma_semaphore, #tpu.memory_space<semaphore_mem>>
      %dma_start3A_325 = tpu.memref_squeeze %dma_start3A_324 : memref<1x!tpu.dma_semaphore, #tpu.memory_space<semaphore_mem>> -> memref<!tpu.dma_semaphore, #tpu.memory_space<semaphore_mem>>
      tpu.enqueue_indirect_dma source(%dma_start3A_323 : memref<10000x64xf32, #tpu.memory_space<hbm>>) target(%dma_start3A_313 : memref<128x64xf32, #tpu.memory_space<vmem>>) offsets(%dma_start3A_316 : memref<128xi32, #tpu.memory_space<vmem>>) semaphore(%dma_start3A_325 : memref<!tpu.dma_semaphore, #tpu.memory_space<semaphore_mem>>)
      %add3A_326 = arith.constant 2 : i32
      %add3A_327 = arith.addi %mul3A_285, %add3A_326 : i32
      %dma_start3A_328 = arith.constant 2 : i32
      %dma_start3A_329 = arith.constant 2 : i32
      %dma_start3A_330 = arith.constant 0 : i32
      %dma_start3A_331 = arith.constant 0 : i32
      %dma_start3A_332 = tpu.memref_slice %arg9[%dma_start3A_328, %dma_start3A_330, %dma_start3A_331] : memref<6x128x64xf32, #tpu.memory_space<vmem>> -> memref<1x128x64xf32, #tpu.memory_space<vmem>>
      %dma_start3A_333 = tpu.memref_squeeze %dma_start3A_332 : memref<1x128x64xf32, #tpu.memory_space<vmem>> -> memref<128x64xf32, #tpu.memory_space<vmem>>
      %dma_start3A_334 = arith.constant 0 : i32
      %dma_start3A_335 = tpu.memref_slice %arg7[%add3A_327, %dma_start3A_334] : memref<160x128xi32, #tpu.memory_space<vmem>> -> memref<1x128xi32, #tpu.memory_space<vmem>>
      %dma_start3A_336 = tpu.memref_squeeze %dma_start3A_335 : memref<1x128xi32, #tpu.memory_space<vmem>> -> memref<128xi32, #tpu.memory_space<vmem>>
      %dma_start3A_337 = arith.constant 0 : i32
      %dma_start3A_338 = arith.constant 0 : i32
      %dma_start3A_339 = tpu.memref_slice %arg2[%arg0, %dma_start3A_337, %dma_start3A_338] : memref<2x10000x64xf32, #tpu.memory_space<hbm>> -> memref<1x10000x64xf32, #tpu.memory_space<hbm>>
      %dma_start3A_340 = tpu.memref_squeeze %dma_start3A_339 : memref<1x10000x64xf32, #tpu.memory_space<hbm>> -> memref<10000x64xf32, #tpu.memory_space<hbm>>
      %dma_start3A_341 = arith.constant 0 : i32
      %dma_start3A_342 = arith.constant 0 : i32
      %dma_start3A_343 = tpu.memref_slice %dma_start3A_340[%dma_start3A_341, %dma_start3A_342] : memref<10000x64xf32, #tpu.memory_space<hbm>> -> memref<10000x64xf32, #tpu.memory_space<hbm>>
      %dma_start3A_344 = tpu.memref_slice %arg11[%dma_start3A_329] : memref<6x!tpu.dma_semaphore, #tpu.memory_space<semaphore_mem>> -> memref<1x!tpu.dma_semaphore, #tpu.memory_space<semaphore_mem>>
      %dma_start3A_345 = tpu.memref_squeeze %dma_start3A_344 : memref<1x!tpu.dma_semaphore, #tpu.memory_space<semaphore_mem>> -> memref<!tpu.dma_semaphore, #tpu.memory_space<semaphore_mem>>
      tpu.enqueue_indirect_dma source(%dma_start3A_343 : memref<10000x64xf32, #tpu.memory_space<hbm>>) target(%dma_start3A_333 : memref<128x64xf32, #tpu.memory_space<vmem>>) offsets(%dma_start3A_336 : memref<128xi32, #tpu.memory_space<vmem>>) semaphore(%dma_start3A_345 : memref<!tpu.dma_semaphore, #tpu.memory_space<semaphore_mem>>)
      %add3A_346 = arith.constant 3 : i32
      %add3A_347 = arith.addi %mul3A_285, %add3A_346 : i32
      %dma_start3A_348 = arith.constant 3 : i32
      %dma_start3A_349 = arith.constant 3 : i32
      %dma_start3A_350 = arith.constant 0 : i32
      %dma_start3A_351 = arith.constant 0 : i32
      %dma_start3A_352 = tpu.memref_slice %arg9[%dma_start3A_348, %dma_start3A_350, %dma_start3A_351] : memref<6x128x64xf32, #tpu.memory_space<vmem>> -> memref<1x128x64xf32, #tpu.memory_space<vmem>>
      %dma_start3A_353 = tpu.memref_squeeze %dma_start3A_352 : memref<1x128x64xf32, #tpu.memory_space<vmem>> -> memref<128x64xf32, #tpu.memory_space<vmem>>
      %dma_start3A_354 = arith.constant 0 : i32
      %dma_start3A_355 = tpu.memref_slice %arg7[%add3A_347, %dma_start3A_354] : memref<160x128xi32, #tpu.memory_space<vmem>> -> memref<1x128xi32, #tpu.memory_space<vmem>>
      %dma_start3A_356 = tpu.memref_squeeze %dma_start3A_355 : memref<1x128xi32, #tpu.memory_space<vmem>> -> memref<128xi32, #tpu.memory_space<vmem>>
      %dma_start3A_357 = arith.constant 0 : i32
      %dma_start3A_358 = arith.constant 0 : i32
      %dma_start3A_359 = tpu.memref_slice %arg2[%arg0, %dma_start3A_357, %dma_start3A_358] : memref<2x10000x64xf32, #tpu.memory_space<hbm>> -> memref<1x10000x64xf32, #tpu.memory_space<hbm>>
      %dma_start3A_360 = tpu.memref_squeeze %dma_start3A_359 : memref<1x10000x64xf32, #tpu.memory_space<hbm>> -> memref<10000x64xf32, #tpu.memory_space<hbm>>
      %dma_start3A_361 = arith.constant 0 : i32
      %dma_start3A_362 = arith.constant 0 : i32
      %dma_start3A_363 = tpu.memref_slice %dma_start3A_360[%dma_start3A_361, %dma_start3A_362] : memref<10000x64xf32, #tpu.memory_space<hbm>> -> memref<10000x64xf32, #tpu.memory_space<hbm>>
      %dma_start3A_364 = tpu.memref_slice %arg11[%dma_start3A_349] : memref<6x!tpu.dma_semaphore, #tpu.memory_space<semaphore_mem>> -> memref<1x!tpu.dma_semaphore, #tpu.memory_space<semaphore_mem>>
      %dma_start3A_365 = tpu.memref_squeeze %dma_start3A_364 : memref<1x!tpu.dma_semaphore, #tpu.memory_space<semaphore_mem>> -> memref<!tpu.dma_semaphore, #tpu.memory_space<semaphore_mem>>
      tpu.enqueue_indirect_dma source(%dma_start3A_363 : memref<10000x64xf32, #tpu.memory_space<hbm>>) target(%dma_start3A_353 : memref<128x64xf32, #tpu.memory_space<vmem>>) offsets(%dma_start3A_356 : memref<128xi32, #tpu.memory_space<vmem>>) semaphore(%dma_start3A_365 : memref<!tpu.dma_semaphore, #tpu.memory_space<semaphore_mem>>)
      %add3A_366 = arith.constant 4 : i32
      %add3A_367 = arith.addi %mul3A_285, %add3A_366 : i32
      %dma_start3A_368 = arith.constant 4 : i32
      %dma_start3A_369 = arith.constant 4 : i32
      %dma_start3A_370 = arith.constant 0 : i32
      %dma_start3A_371 = arith.constant 0 : i32
      %dma_start3A_372 = tpu.memref_slice %arg9[%dma_start3A_368, %dma_start3A_370, %dma_start3A_371] : memref<6x128x64xf32, #tpu.memory_space<vmem>> -> memref<1x128x64xf32, #tpu.memory_space<vmem>>
      %dma_start3A_373 = tpu.memref_squeeze %dma_start3A_372 : memref<1x128x64xf32, #tpu.memory_space<vmem>> -> memref<128x64xf32, #tpu.memory_space<vmem>>
      %dma_start3A_374 = arith.constant 0 : i32
      %dma_start3A_375 = tpu.memref_slice %arg7[%add3A_367, %dma_start3A_374] : memref<160x128xi32, #tpu.memory_space<vmem>> -> memref<1x128xi32, #tpu.memory_space<vmem>>
      %dma_start3A_376 = tpu.memref_squeeze %dma_start3A_375 : memref<1x128xi32, #tpu.memory_space<vmem>> -> memref<128xi32, #tpu.memory_space<vmem>>
      %dma_start3A_377 = arith.constant 0 : i32
      %dma_start3A_378 = arith.constant 0 : i32
      %dma_start3A_379 = tpu.memref_slice %arg2[%arg0, %dma_start3A_377, %dma_start3A_378] : memref<2x10000x64xf32, #tpu.memory_space<hbm>> -> memref<1x10000x64xf32, #tpu.memory_space<hbm>>
      %dma_start3A_380 = tpu.memref_squeeze %dma_start3A_379 : memref<1x10000x64xf32, #tpu.memory_space<hbm>> -> memref<10000x64xf32, #tpu.memory_space<hbm>>
      %dma_start3A_381 = arith.constant 0 : i32
      %dma_start3A_382 = arith.constant 0 : i32
      %dma_start3A_383 = tpu.memref_slice %dma_start3A_380[%dma_start3A_381, %dma_start3A_382] : memref<10000x64xf32, #tpu.memory_space<hbm>> -> memref<10000x64xf32, #tpu.memory_space<hbm>>
      %dma_start3A_384 = tpu.memref_slice %arg11[%dma_start3A_369] : memref<6x!tpu.dma_semaphore, #tpu.memory_space<semaphore_mem>> -> memref<1x!tpu.dma_semaphore, #tpu.memory_space<semaphore_mem>>
      %dma_start3A_385 = tpu.memref_squeeze %dma_start3A_384 : memref<1x!tpu.dma_semaphore, #tpu.memory_space<semaphore_mem>> -> memref<!tpu.dma_semaphore, #tpu.memory_space<semaphore_mem>>
      tpu.enqueue_indirect_dma source(%dma_start3A_383 : memref<10000x64xf32, #tpu.memory_space<hbm>>) target(%dma_start3A_373 : memref<128x64xf32, #tpu.memory_space<vmem>>) offsets(%dma_start3A_376 : memref<128xi32, #tpu.memory_space<vmem>>) semaphore(%dma_start3A_385 : memref<!tpu.dma_semaphore, #tpu.memory_space<semaphore_mem>>)
      %add3A_386 = arith.constant 5 : i32
      %add3A_387 = arith.addi %mul3A_285, %add3A_386 : i32
      %dma_start3A_388 = arith.constant 5 : i32
      %dma_start3A_389 = arith.constant 5 : i32
      %dma_start3A_390 = arith.constant 0 : i32
      %dma_start3A_391 = arith.constant 0 : i32
      %dma_start3A_392 = tpu.memref_slice %arg9[%dma_start3A_388, %dma_start3A_390, %dma_start3A_391] : memref<6x128x64xf32, #tpu.memory_space<vmem>> -> memref<1x128x64xf32, #tpu.memory_space<vmem>>
      %dma_start3A_393 = tpu.memref_squeeze %dma_start3A_392 : memref<1x128x64xf32, #tpu.memory_space<vmem>> -> memref<128x64xf32, #tpu.memory_space<vmem>>
      %dma_start3A_394 = arith.constant 0 : i32
      %dma_start3A_395 = tpu.memref_slice %arg7[%add3A_387, %dma_start3A_394] : memref<160x128xi32, #tpu.memory_space<vmem>> -> memref<1x128xi32, #tpu.memory_space<vmem>>
      %dma_start3A_396 = tpu.memref_squeeze %dma_start3A_395 : memref<1x128xi32, #tpu.memory_space<vmem>> -> memref<128xi32, #tpu.memory_space<vmem>>
      %dma_start3A_397 = arith.constant 0 : i32
      %dma_start3A_398 = arith.constant 0 : i32
      %dma_start3A_399 = tpu.memref_slice %arg2[%arg0, %dma_start3A_397, %dma_start3A_398] : memref<2x10000x64xf32, #tpu.memory_space<hbm>> -> memref<1x10000x64xf32, #tpu.memory_space<hbm>>
      %dma_start3A_400 = tpu.memref_squeeze %dma_start3A_399 : memref<1x10000x64xf32, #tpu.memory_space<hbm>> -> memref<10000x64xf32, #tpu.memory_space<hbm>>
      %dma_start3A_401 = arith.constant 0 : i32
      %dma_start3A_402 = arith.constant 0 : i32
      %dma_start3A_403 = tpu.memref_slice %dma_start3A_400[%dma_start3A_401, %dma_start3A_402] : memref<10000x64xf32, #tpu.memory_space<hbm>> -> memref<10000x64xf32, #tpu.memory_space<hbm>>
      %dma_start3A_404 = tpu.memref_slice %arg11[%dma_start3A_389] : memref<6x!tpu.dma_semaphore, #tpu.memory_space<semaphore_mem>> -> memref<1x!tpu.dma_semaphore, #tpu.memory_space<semaphore_mem>>
      %dma_start3A_405 = tpu.memref_squeeze %dma_start3A_404 : memref<1x!tpu.dma_semaphore, #tpu.memory_space<semaphore_mem>> -> memref<!tpu.dma_semaphore, #tpu.memory_space<semaphore_mem>>
      tpu.enqueue_indirect_dma source(%dma_start3A_403 : memref<10000x64xf32, #tpu.memory_space<hbm>>) target(%dma_start3A_393 : memref<128x64xf32, #tpu.memory_space<vmem>>) offsets(%dma_start3A_396 : memref<128xi32, #tpu.memory_space<vmem>>) semaphore(%dma_start3A_405 : memref<!tpu.dma_semaphore, #tpu.memory_space<semaphore_mem>>)
      %dma_wait3A_406 = arith.constant 0 : i32
      %dma_wait3A_407 = arith.constant 0 : i32
      %dma_wait3A_408 = arith.constant 0 : i32
      %dma_wait3A_409 = arith.constant 0 : i32
      %dma_wait3A_410 = tpu.memref_slice %arg9[%dma_wait3A_406, %dma_wait3A_408, %dma_wait3A_409] : memref<6x128x64xf32, #tpu.memory_space<vmem>> -> memref<1x128x64xf32, #tpu.memory_space<vmem>>
      %dma_wait3A_411 = tpu.memref_squeeze %dma_wait3A_410 : memref<1x128x64xf32, #tpu.memory_space<vmem>> -> memref<128x64xf32, #tpu.memory_space<vmem>>
      %dma_wait3A_412 = arith.constant 0 : i32
      %dma_wait3A_413 = tpu.memref_slice %arg7[%add3A_287, %dma_wait3A_412] : memref<160x128xi32, #tpu.memory_space<vmem>> -> memref<1x128xi32, #tpu.memory_space<vmem>>
      %dma_wait3A_414 = tpu.memref_squeeze %dma_wait3A_413 : memref<1x128xi32, #tpu.memory_space<vmem>> -> memref<128xi32, #tpu.memory_space<vmem>>
      %dma_wait3A_415 = arith.constant 0 : i32
      %dma_wait3A_416 = arith.constant 0 : i32
      %dma_wait3A_417 = tpu.memref_slice %arg2[%arg0, %dma_wait3A_415, %dma_wait3A_416] : memref<2x10000x64xf32, #tpu.memory_space<hbm>> -> memref<1x10000x64xf32, #tpu.memory_space<hbm>>
      %dma_wait3A_418 = tpu.memref_squeeze %dma_wait3A_417 : memref<1x10000x64xf32, #tpu.memory_space<hbm>> -> memref<10000x64xf32, #tpu.memory_space<hbm>>
      %dma_wait3A_419 = arith.constant 0 : i32
      %dma_wait3A_420 = arith.constant 0 : i32
      %dma_wait3A_421 = tpu.memref_slice %dma_wait3A_418[%dma_wait3A_419, %dma_wait3A_420] : memref<10000x64xf32, #tpu.memory_space<hbm>> -> memref<10000x64xf32, #tpu.memory_space<hbm>>
      %dma_wait3A_422 = tpu.memref_slice %arg11[%dma_wait3A_407] : memref<6x!tpu.dma_semaphore, #tpu.memory_space<semaphore_mem>> -> memref<1x!tpu.dma_semaphore, #tpu.memory_space<semaphore_mem>>
      %dma_wait3A_423 = tpu.memref_squeeze %dma_wait3A_422 : memref<1x!tpu.dma_semaphore, #tpu.memory_space<semaphore_mem>> -> memref<!tpu.dma_semaphore, #tpu.memory_space<semaphore_mem>>
      tpu.wait_indirect_dma semaphore(%dma_wait3A_423 : memref<!tpu.dma_semaphore, #tpu.memory_space<semaphore_mem>>) src(%dma_wait3A_421 : memref<10000x64xf32, #tpu.memory_space<hbm>>) dst(%dma_wait3A_411 : memref<128x64xf32, #tpu.memory_space<vmem>>)
      %add3A_424 = arith.constant 0 : i32
      %add3A_425 = arith.addi %mul3A_285, %add3A_424 : i32
      %dma_start3A_426 = arith.constant 0 : i32
      %dma_start3A_427 = arith.constant 0 : i32
      %dma_start3A_428 = arith.constant 0 : i32
      %dma_start3A_429 = arith.constant 0 : i32
      %dma_start3A_430 = tpu.memref_slice %arg9[%dma_start3A_426, %dma_start3A_428, %dma_start3A_429] : memref<6x128x64xf32, #tpu.memory_space<vmem>> -> memref<1x128x64xf32, #tpu.memory_space<vmem>>
      %dma_start3A_431 = tpu.memref_squeeze %dma_start3A_430 : memref<1x128x64xf32, #tpu.memory_space<vmem>> -> memref<128x64xf32, #tpu.memory_space<vmem>>
      %dma_start3A_432 = arith.constant 0 : i32
      %dma_start3A_433 = tpu.memref_slice %arg8[%add3A_425, %dma_start3A_432] : memref<160x128xi32, #tpu.memory_space<vmem>> -> memref<1x128xi32, #tpu.memory_space<vmem>>
      %dma_start3A_434 = tpu.memref_squeeze %dma_start3A_433 : memref<1x128xi32, #tpu.memory_space<vmem>> -> memref<128xi32, #tpu.memory_space<vmem>>
      %dma_start3A_435 = arith.constant 0 : i32
      %dma_start3A_436 = arith.constant 0 : i32
      %dma_start3A_437 = tpu.memref_slice %arg10[%dma_start3A_435, %dma_start3A_436] : memref<10112x64xf32, #tpu.memory_space<vmem_shared>> -> memref<10112x64xf32, #tpu.memory_space<vmem_shared>>
      %dma_start3A_438 = tpu.memref_slice %arg12[%dma_start3A_427] : memref<6x!tpu.dma_semaphore, #tpu.memory_space<semaphore_mem>> -> memref<1x!tpu.dma_semaphore, #tpu.memory_space<semaphore_mem>>
      %dma_start3A_439 = tpu.memref_squeeze %dma_start3A_438 : memref<1x!tpu.dma_semaphore, #tpu.memory_space<semaphore_mem>> -> memref<!tpu.dma_semaphore, #tpu.memory_space<semaphore_mem>>
      tpu.enqueue_indirect_dma source(%dma_start3A_431 : memref<128x64xf32, #tpu.memory_space<vmem>>) target(%dma_start3A_437 : memref<10112x64xf32, #tpu.memory_space<vmem_shared>>) offsets(%dma_start3A_434 : memref<128xi32, #tpu.memory_space<vmem>>) semaphore(%dma_start3A_439 : memref<!tpu.dma_semaphore, #tpu.memory_space<semaphore_mem>>) {add = true}
      %dma_wait3A_440 = arith.constant 1 : i32
      %dma_wait3A_441 = arith.constant 1 : i32
      %dma_wait3A_442 = arith.constant 0 : i32
      %dma_wait3A_443 = arith.constant 0 : i32
      %dma_wait3A_444 = tpu.memref_slice %arg9[%dma_wait3A_440, %dma_wait3A_442, %dma_wait3A_443] : memref<6x128x64xf32, #tpu.memory_space<vmem>> -> memref<1x128x64xf32, #tpu.memory_space<vmem>>
      %dma_wait3A_445 = tpu.memref_squeeze %dma_wait3A_444 : memref<1x128x64xf32, #tpu.memory_space<vmem>> -> memref<128x64xf32, #tpu.memory_space<vmem>>
      %dma_wait3A_446 = arith.constant 0 : i32
      %dma_wait3A_447 = tpu.memref_slice %arg7[%add3A_307, %dma_wait3A_446] : memref<160x128xi32, #tpu.memory_space<vmem>> -> memref<1x128xi32, #tpu.memory_space<vmem>>
      %dma_wait3A_448 = tpu.memref_squeeze %dma_wait3A_447 : memref<1x128xi32, #tpu.memory_space<vmem>> -> memref<128xi32, #tpu.memory_space<vmem>>
      %dma_wait3A_449 = arith.constant 0 : i32
      %dma_wait3A_450 = arith.constant 0 : i32
      %dma_wait3A_451 = tpu.memref_slice %arg2[%arg0, %dma_wait3A_449, %dma_wait3A_450] : memref<2x10000x64xf32, #tpu.memory_space<hbm>> -> memref<1x10000x64xf32, #tpu.memory_space<hbm>>
      %dma_wait3A_452 = tpu.memref_squeeze %dma_wait3A_451 : memref<1x10000x64xf32, #tpu.memory_space<hbm>> -> memref<10000x64xf32, #tpu.memory_space<hbm>>
      %dma_wait3A_453 = arith.constant 0 : i32
      %dma_wait3A_454 = arith.constant 0 : i32
      %dma_wait3A_455 = tpu.memref_slice %dma_wait3A_452[%dma_wait3A_453, %dma_wait3A_454] : memref<10000x64xf32, #tpu.memory_space<hbm>> -> memref<10000x64xf32, #tpu.memory_space<hbm>>
      %dma_wait3A_456 = tpu.memref_slice %arg11[%dma_wait3A_441] : memref<6x!tpu.dma_semaphore, #tpu.memory_space<semaphore_mem>> -> memref<1x!tpu.dma_semaphore, #tpu.memory_space<semaphore_mem>>
      %dma_wait3A_457 = tpu.memref_squeeze %dma_wait3A_456 : memref<1x!tpu.dma_semaphore, #tpu.memory_space<semaphore_mem>> -> memref<!tpu.dma_semaphore, #tpu.memory_space<semaphore_mem>>
      tpu.wait_indirect_dma semaphore(%dma_wait3A_457 : memref<!tpu.dma_semaphore, #tpu.memory_space<semaphore_mem>>) src(%dma_wait3A_455 : memref<10000x64xf32, #tpu.memory_space<hbm>>) dst(%dma_wait3A_445 : memref<128x64xf32, #tpu.memory_space<vmem>>)
      %add3A_458 = arith.constant 1 : i32
      %add3A_459 = arith.addi %mul3A_285, %add3A_458 : i32
      %dma_start3A_460 = arith.constant 1 : i32
      %dma_start3A_461 = arith.constant 1 : i32
      %dma_start3A_462 = arith.constant 0 : i32
      %dma_start3A_463 = arith.constant 0 : i32
      %dma_start3A_464 = tpu.memref_slice %arg9[%dma_start3A_460, %dma_start3A_462, %dma_start3A_463] : memref<6x128x64xf32, #tpu.memory_space<vmem>> -> memref<1x128x64xf32, #tpu.memory_space<vmem>>
      %dma_start3A_465 = tpu.memref_squeeze %dma_start3A_464 : memref<1x128x64xf32, #tpu.memory_space<vmem>> -> memref<128x64xf32, #tpu.memory_space<vmem>>
      %dma_start3A_466 = arith.constant 0 : i32
      %dma_start3A_467 = tpu.memref_slice %arg8[%add3A_459, %dma_start3A_466] : memref<160x128xi32, #tpu.memory_space<vmem>> -> memref<1x128xi32, #tpu.memory_space<vmem>>
      %dma_start3A_468 = tpu.memref_squeeze %dma_start3A_467 : memref<1x128xi32, #tpu.memory_space<vmem>> -> memref<128xi32, #tpu.memory_space<vmem>>
      %dma_start3A_469 = arith.constant 0 : i32
      %dma_start3A_470 = arith.constant 0 : i32
      %dma_start3A_471 = tpu.memref_slice %arg10[%dma_start3A_469, %dma_start3A_470] : memref<10112x64xf32, #tpu.memory_space<vmem_shared>> -> memref<10112x64xf32, #tpu.memory_space<vmem_shared>>
      %dma_start3A_472 = tpu.memref_slice %arg12[%dma_start3A_461] : memref<6x!tpu.dma_semaphore, #tpu.memory_space<semaphore_mem>> -> memref<1x!tpu.dma_semaphore, #tpu.memory_space<semaphore_mem>>
      %dma_start3A_473 = tpu.memref_squeeze %dma_start3A_472 : memref<1x!tpu.dma_semaphore, #tpu.memory_space<semaphore_mem>> -> memref<!tpu.dma_semaphore, #tpu.memory_space<semaphore_mem>>
      tpu.enqueue_indirect_dma source(%dma_start3A_465 : memref<128x64xf32, #tpu.memory_space<vmem>>) target(%dma_start3A_471 : memref<10112x64xf32, #tpu.memory_space<vmem_shared>>) offsets(%dma_start3A_468 : memref<128xi32, #tpu.memory_space<vmem>>) semaphore(%dma_start3A_473 : memref<!tpu.dma_semaphore, #tpu.memory_space<semaphore_mem>>) {add = true}
      %dma_wait3A_474 = arith.constant 2 : i32
      %dma_wait3A_475 = arith.constant 2 : i32
      %dma_wait3A_476 = arith.constant 0 : i32
      %dma_wait3A_477 = arith.constant 0 : i32
      %dma_wait3A_478 = tpu.memref_slice %arg9[%dma_wait3A_474, %dma_wait3A_476, %dma_wait3A_477] : memref<6x128x64xf32, #tpu.memory_space<vmem>> -> memref<1x128x64xf32, #tpu.memory_space<vmem>>
      %dma_wait3A_479 = tpu.memref_squeeze %dma_wait3A_478 : memref<1x128x64xf32, #tpu.memory_space<vmem>> -> memref<128x64xf32, #tpu.memory_space<vmem>>
      %dma_wait3A_480 = arith.constant 0 : i32
      %dma_wait3A_481 = tpu.memref_slice %arg7[%add3A_327, %dma_wait3A_480] : memref<160x128xi32, #tpu.memory_space<vmem>> -> memref<1x128xi32, #tpu.memory_space<vmem>>
      %dma_wait3A_482 = tpu.memref_squeeze %dma_wait3A_481 : memref<1x128xi32, #tpu.memory_space<vmem>> -> memref<128xi32, #tpu.memory_space<vmem>>
      %dma_wait3A_483 = arith.constant 0 : i32
      %dma_wait3A_484 = arith.constant 0 : i32
      %dma_wait3A_485 = tpu.memref_slice %arg2[%arg0, %dma_wait3A_483, %dma_wait3A_484] : memref<2x10000x64xf32, #tpu.memory_space<hbm>> -> memref<1x10000x64xf32, #tpu.memory_space<hbm>>
      %dma_wait3A_486 = tpu.memref_squeeze %dma_wait3A_485 : memref<1x10000x64xf32, #tpu.memory_space<hbm>> -> memref<10000x64xf32, #tpu.memory_space<hbm>>
      %dma_wait3A_487 = arith.constant 0 : i32
      %dma_wait3A_488 = arith.constant 0 : i32
      %dma_wait3A_489 = tpu.memref_slice %dma_wait3A_486[%dma_wait3A_487, %dma_wait3A_488] : memref<10000x64xf32, #tpu.memory_space<hbm>> -> memref<10000x64xf32, #tpu.memory_space<hbm>>
      %dma_wait3A_490 = tpu.memref_slice %arg11[%dma_wait3A_475] : memref<6x!tpu.dma_semaphore, #tpu.memory_space<semaphore_mem>> -> memref<1x!tpu.dma_semaphore, #tpu.memory_space<semaphore_mem>>
      %dma_wait3A_491 = tpu.memref_squeeze %dma_wait3A_490 : memref<1x!tpu.dma_semaphore, #tpu.memory_space<semaphore_mem>> -> memref<!tpu.dma_semaphore, #tpu.memory_space<semaphore_mem>>
      tpu.wait_indirect_dma semaphore(%dma_wait3A_491 : memref<!tpu.dma_semaphore, #tpu.memory_space<semaphore_mem>>) src(%dma_wait3A_489 : memref<10000x64xf32, #tpu.memory_space<hbm>>) dst(%dma_wait3A_479 : memref<128x64xf32, #tpu.memory_space<vmem>>)
      %add3A_492 = arith.constant 2 : i32
      %add3A_493 = arith.addi %mul3A_285, %add3A_492 : i32
      %dma_start3A_494 = arith.constant 2 : i32
      %dma_start3A_495 = arith.constant 2 : i32
      %dma_start3A_496 = arith.constant 0 : i32
      %dma_start3A_497 = arith.constant 0 : i32
      %dma_start3A_498 = tpu.memref_slice %arg9[%dma_start3A_494, %dma_start3A_496, %dma_start3A_497] : memref<6x128x64xf32, #tpu.memory_space<vmem>> -> memref<1x128x64xf32, #tpu.memory_space<vmem>>
      %dma_start3A_499 = tpu.memref_squeeze %dma_start3A_498 : memref<1x128x64xf32, #tpu.memory_space<vmem>> -> memref<128x64xf32, #tpu.memory_space<vmem>>
      %dma_start3A_500 = arith.constant 0 : i32
      %dma_start3A_501 = tpu.memref_slice %arg8[%add3A_493, %dma_start3A_500] : memref<160x128xi32, #tpu.memory_space<vmem>> -> memref<1x128xi32, #tpu.memory_space<vmem>>
      %dma_start3A_502 = tpu.memref_squeeze %dma_start3A_501 : memref<1x128xi32, #tpu.memory_space<vmem>> -> memref<128xi32, #tpu.memory_space<vmem>>
      %dma_start3A_503 = arith.constant 0 : i32
      %dma_start3A_504 = arith.constant 0 : i32
      %dma_start3A_505 = tpu.memref_slice %arg10[%dma_start3A_503, %dma_start3A_504] : memref<10112x64xf32, #tpu.memory_space<vmem_shared>> -> memref<10112x64xf32, #tpu.memory_space<vmem_shared>>
      %dma_start3A_506 = tpu.memref_slice %arg12[%dma_start3A_495] : memref<6x!tpu.dma_semaphore, #tpu.memory_space<semaphore_mem>> -> memref<1x!tpu.dma_semaphore, #tpu.memory_space<semaphore_mem>>
      %dma_start3A_507 = tpu.memref_squeeze %dma_start3A_506 : memref<1x!tpu.dma_semaphore, #tpu.memory_space<semaphore_mem>> -> memref<!tpu.dma_semaphore, #tpu.memory_space<semaphore_mem>>
      tpu.enqueue_indirect_dma source(%dma_start3A_499 : memref<128x64xf32, #tpu.memory_space<vmem>>) target(%dma_start3A_505 : memref<10112x64xf32, #tpu.memory_space<vmem_shared>>) offsets(%dma_start3A_502 : memref<128xi32, #tpu.memory_space<vmem>>) semaphore(%dma_start3A_507 : memref<!tpu.dma_semaphore, #tpu.memory_space<semaphore_mem>>) {add = true}
      %dma_wait3A_508 = arith.constant 3 : i32
      %dma_wait3A_509 = arith.constant 3 : i32
      %dma_wait3A_510 = arith.constant 0 : i32
      %dma_wait3A_511 = arith.constant 0 : i32
      %dma_wait3A_512 = tpu.memref_slice %arg9[%dma_wait3A_508, %dma_wait3A_510, %dma_wait3A_511] : memref<6x128x64xf32, #tpu.memory_space<vmem>> -> memref<1x128x64xf32, #tpu.memory_space<vmem>>
      %dma_wait3A_513 = tpu.memref_squeeze %dma_wait3A_512 : memref<1x128x64xf32, #tpu.memory_space<vmem>> -> memref<128x64xf32, #tpu.memory_space<vmem>>
      %dma_wait3A_514 = arith.constant 0 : i32
      %dma_wait3A_515 = tpu.memref_slice %arg7[%add3A_347, %dma_wait3A_514] : memref<160x128xi32, #tpu.memory_space<vmem>> -> memref<1x128xi32, #tpu.memory_space<vmem>>
      %dma_wait3A_516 = tpu.memref_squeeze %dma_wait3A_515 : memref<1x128xi32, #tpu.memory_space<vmem>> -> memref<128xi32, #tpu.memory_space<vmem>>
      %dma_wait3A_517 = arith.constant 0 : i32
      %dma_wait3A_518 = arith.constant 0 : i32
      %dma_wait3A_519 = tpu.memref_slice %arg2[%arg0, %dma_wait3A_517, %dma_wait3A_518] : memref<2x10000x64xf32, #tpu.memory_space<hbm>> -> memref<1x10000x64xf32, #tpu.memory_space<hbm>>
      %dma_wait3A_520 = tpu.memref_squeeze %dma_wait3A_519 : memref<1x10000x64xf32, #tpu.memory_space<hbm>> -> memref<10000x64xf32, #tpu.memory_space<hbm>>
      %dma_wait3A_521 = arith.constant 0 : i32
      %dma_wait3A_522 = arith.constant 0 : i32
      %dma_wait3A_523 = tpu.memref_slice %dma_wait3A_520[%dma_wait3A_521, %dma_wait3A_522] : memref<10000x64xf32, #tpu.memory_space<hbm>> -> memref<10000x64xf32, #tpu.memory_space<hbm>>
      %dma_wait3A_524 = tpu.memref_slice %arg11[%dma_wait3A_509] : memref<6x!tpu.dma_semaphore, #tpu.memory_space<semaphore_mem>> -> memref<1x!tpu.dma_semaphore, #tpu.memory_space<semaphore_mem>>
      %dma_wait3A_525 = tpu.memref_squeeze %dma_wait3A_524 : memref<1x!tpu.dma_semaphore, #tpu.memory_space<semaphore_mem>> -> memref<!tpu.dma_semaphore, #tpu.memory_space<semaphore_mem>>
      tpu.wait_indirect_dma semaphore(%dma_wait3A_525 : memref<!tpu.dma_semaphore, #tpu.memory_space<semaphore_mem>>) src(%dma_wait3A_523 : memref<10000x64xf32, #tpu.memory_space<hbm>>) dst(%dma_wait3A_513 : memref<128x64xf32, #tpu.memory_space<vmem>>)
      %add3A_526 = arith.constant 3 : i32
      %add3A_527 = arith.addi %mul3A_285, %add3A_526 : i32
      %dma_start3A_528 = arith.constant 3 : i32
      %dma_start3A_529 = arith.constant 3 : i32
      %dma_start3A_530 = arith.constant 0 : i32
      %dma_start3A_531 = arith.constant 0 : i32
      %dma_start3A_532 = tpu.memref_slice %arg9[%dma_start3A_528, %dma_start3A_530, %dma_start3A_531] : memref<6x128x64xf32, #tpu.memory_space<vmem>> -> memref<1x128x64xf32, #tpu.memory_space<vmem>>
      %dma_start3A_533 = tpu.memref_squeeze %dma_start3A_532 : memref<1x128x64xf32, #tpu.memory_space<vmem>> -> memref<128x64xf32, #tpu.memory_space<vmem>>
      %dma_start3A_534 = arith.constant 0 : i32
      %dma_start3A_535 = tpu.memref_slice %arg8[%add3A_527, %dma_start3A_534] : memref<160x128xi32, #tpu.memory_space<vmem>> -> memref<1x128xi32, #tpu.memory_space<vmem>>
      %dma_start3A_536 = tpu.memref_squeeze %dma_start3A_535 : memref<1x128xi32, #tpu.memory_space<vmem>> -> memref<128xi32, #tpu.memory_space<vmem>>
      %dma_start3A_537 = arith.constant 0 : i32
      %dma_start3A_538 = arith.constant 0 : i32
      %dma_start3A_539 = tpu.memref_slice %arg10[%dma_start3A_537, %dma_start3A_538] : memref<10112x64xf32, #tpu.memory_space<vmem_shared>> -> memref<10112x64xf32, #tpu.memory_space<vmem_shared>>
      %dma_start3A_540 = tpu.memref_slice %arg12[%dma_start3A_529] : memref<6x!tpu.dma_semaphore, #tpu.memory_space<semaphore_mem>> -> memref<1x!tpu.dma_semaphore, #tpu.memory_space<semaphore_mem>>
      %dma_start3A_541 = tpu.memref_squeeze %dma_start3A_540 : memref<1x!tpu.dma_semaphore, #tpu.memory_space<semaphore_mem>> -> memref<!tpu.dma_semaphore, #tpu.memory_space<semaphore_mem>>
      tpu.enqueue_indirect_dma source(%dma_start3A_533 : memref<128x64xf32, #tpu.memory_space<vmem>>) target(%dma_start3A_539 : memref<10112x64xf32, #tpu.memory_space<vmem_shared>>) offsets(%dma_start3A_536 : memref<128xi32, #tpu.memory_space<vmem>>) semaphore(%dma_start3A_541 : memref<!tpu.dma_semaphore, #tpu.memory_space<semaphore_mem>>) {add = true}
      %dma_wait3A_542 = arith.constant 4 : i32
      %dma_wait3A_543 = arith.constant 4 : i32
      %dma_wait3A_544 = arith.constant 0 : i32
      %dma_wait3A_545 = arith.constant 0 : i32
      %dma_wait3A_546 = tpu.memref_slice %arg9[%dma_wait3A_542, %dma_wait3A_544, %dma_wait3A_545] : memref<6x128x64xf32, #tpu.memory_space<vmem>> -> memref<1x128x64xf32, #tpu.memory_space<vmem>>
      %dma_wait3A_547 = tpu.memref_squeeze %dma_wait3A_546 : memref<1x128x64xf32, #tpu.memory_space<vmem>> -> memref<128x64xf32, #tpu.memory_space<vmem>>
      %dma_wait3A_548 = arith.constant 0 : i32
      %dma_wait3A_549 = tpu.memref_slice %arg7[%add3A_367, %dma_wait3A_548] : memref<160x128xi32, #tpu.memory_space<vmem>> -> memref<1x128xi32, #tpu.memory_space<vmem>>
      %dma_wait3A_550 = tpu.memref_squeeze %dma_wait3A_549 : memref<1x128xi32, #tpu.memory_space<vmem>> -> memref<128xi32, #tpu.memory_space<vmem>>
      %dma_wait3A_551 = arith.constant 0 : i32
      %dma_wait3A_552 = arith.constant 0 : i32
      %dma_wait3A_553 = tpu.memref_slice %arg2[%arg0, %dma_wait3A_551, %dma_wait3A_552] : memref<2x10000x64xf32, #tpu.memory_space<hbm>> -> memref<1x10000x64xf32, #tpu.memory_space<hbm>>
      %dma_wait3A_554 = tpu.memref_squeeze %dma_wait3A_553 : memref<1x10000x64xf32, #tpu.memory_space<hbm>> -> memref<10000x64xf32, #tpu.memory_space<hbm>>
      %dma_wait3A_555 = arith.constant 0 : i32
      %dma_wait3A_556 = arith.constant 0 : i32
      %dma_wait3A_557 = tpu.memref_slice %dma_wait3A_554[%dma_wait3A_555, %dma_wait3A_556] : memref<10000x64xf32, #tpu.memory_space<hbm>> -> memref<10000x64xf32, #tpu.memory_space<hbm>>
      %dma_wait3A_558 = tpu.memref_slice %arg11[%dma_wait3A_543] : memref<6x!tpu.dma_semaphore, #tpu.memory_space<semaphore_mem>> -> memref<1x!tpu.dma_semaphore, #tpu.memory_space<semaphore_mem>>
      %dma_wait3A_559 = tpu.memref_squeeze %dma_wait3A_558 : memref<1x!tpu.dma_semaphore, #tpu.memory_space<semaphore_mem>> -> memref<!tpu.dma_semaphore, #tpu.memory_space<semaphore_mem>>
      tpu.wait_indirect_dma semaphore(%dma_wait3A_559 : memref<!tpu.dma_semaphore, #tpu.memory_space<semaphore_mem>>) src(%dma_wait3A_557 : memref<10000x64xf32, #tpu.memory_space<hbm>>) dst(%dma_wait3A_547 : memref<128x64xf32, #tpu.memory_space<vmem>>)
      %add3A_560 = arith.constant 4 : i32
      %add3A_561 = arith.addi %mul3A_285, %add3A_560 : i32
      %dma_start3A_562 = arith.constant 4 : i32
      %dma_start3A_563 = arith.constant 4 : i32
      %dma_start3A_564 = arith.constant 0 : i32
      %dma_start3A_565 = arith.constant 0 : i32
      %dma_start3A_566 = tpu.memref_slice %arg9[%dma_start3A_562, %dma_start3A_564, %dma_start3A_565] : memref<6x128x64xf32, #tpu.memory_space<vmem>> -> memref<1x128x64xf32, #tpu.memory_space<vmem>>
      %dma_start3A_567 = tpu.memref_squeeze %dma_start3A_566 : memref<1x128x64xf32, #tpu.memory_space<vmem>> -> memref<128x64xf32, #tpu.memory_space<vmem>>
      %dma_start3A_568 = arith.constant 0 : i32
      %dma_start3A_569 = tpu.memref_slice %arg8[%add3A_561, %dma_start3A_568] : memref<160x128xi32, #tpu.memory_space<vmem>> -> memref<1x128xi32, #tpu.memory_space<vmem>>
      %dma_start3A_570 = tpu.memref_squeeze %dma_start3A_569 : memref<1x128xi32, #tpu.memory_space<vmem>> -> memref<128xi32, #tpu.memory_space<vmem>>
      %dma_start3A_571 = arith.constant 0 : i32
      %dma_start3A_572 = arith.constant 0 : i32
      %dma_start3A_573 = tpu.memref_slice %arg10[%dma_start3A_571, %dma_start3A_572] : memref<10112x64xf32, #tpu.memory_space<vmem_shared>> -> memref<10112x64xf32, #tpu.memory_space<vmem_shared>>
      %dma_start3A_574 = tpu.memref_slice %arg12[%dma_start3A_563] : memref<6x!tpu.dma_semaphore, #tpu.memory_space<semaphore_mem>> -> memref<1x!tpu.dma_semaphore, #tpu.memory_space<semaphore_mem>>
      %dma_start3A_575 = tpu.memref_squeeze %dma_start3A_574 : memref<1x!tpu.dma_semaphore, #tpu.memory_space<semaphore_mem>> -> memref<!tpu.dma_semaphore, #tpu.memory_space<semaphore_mem>>
      tpu.enqueue_indirect_dma source(%dma_start3A_567 : memref<128x64xf32, #tpu.memory_space<vmem>>) target(%dma_start3A_573 : memref<10112x64xf32, #tpu.memory_space<vmem_shared>>) offsets(%dma_start3A_570 : memref<128xi32, #tpu.memory_space<vmem>>) semaphore(%dma_start3A_575 : memref<!tpu.dma_semaphore, #tpu.memory_space<semaphore_mem>>) {add = true}
      %dma_wait3A_576 = arith.constant 5 : i32
      %dma_wait3A_577 = arith.constant 5 : i32
      %dma_wait3A_578 = arith.constant 0 : i32
      %dma_wait3A_579 = arith.constant 0 : i32
      %dma_wait3A_580 = tpu.memref_slice %arg9[%dma_wait3A_576, %dma_wait3A_578, %dma_wait3A_579] : memref<6x128x64xf32, #tpu.memory_space<vmem>> -> memref<1x128x64xf32, #tpu.memory_space<vmem>>
      %dma_wait3A_581 = tpu.memref_squeeze %dma_wait3A_580 : memref<1x128x64xf32, #tpu.memory_space<vmem>> -> memref<128x64xf32, #tpu.memory_space<vmem>>
      %dma_wait3A_582 = arith.constant 0 : i32
      %dma_wait3A_583 = tpu.memref_slice %arg7[%add3A_387, %dma_wait3A_582] : memref<160x128xi32, #tpu.memory_space<vmem>> -> memref<1x128xi32, #tpu.memory_space<vmem>>
      %dma_wait3A_584 = tpu.memref_squeeze %dma_wait3A_583 : memref<1x128xi32, #tpu.memory_space<vmem>> -> memref<128xi32, #tpu.memory_space<vmem>>
      %dma_wait3A_585 = arith.constant 0 : i32
      %dma_wait3A_586 = arith.constant 0 : i32
      %dma_wait3A_587 = tpu.memref_slice %arg2[%arg0, %dma_wait3A_585, %dma_wait3A_586] : memref<2x10000x64xf32, #tpu.memory_space<hbm>> -> memref<1x10000x64xf32, #tpu.memory_space<hbm>>
      %dma_wait3A_588 = tpu.memref_squeeze %dma_wait3A_587 : memref<1x10000x64xf32, #tpu.memory_space<hbm>> -> memref<10000x64xf32, #tpu.memory_space<hbm>>
      %dma_wait3A_589 = arith.constant 0 : i32
      %dma_wait3A_590 = arith.constant 0 : i32
      %dma_wait3A_591 = tpu.memref_slice %dma_wait3A_588[%dma_wait3A_589, %dma_wait3A_590] : memref<10000x64xf32, #tpu.memory_space<hbm>> -> memref<10000x64xf32, #tpu.memory_space<hbm>>
      %dma_wait3A_592 = tpu.memref_slice %arg11[%dma_wait3A_577] : memref<6x!tpu.dma_semaphore, #tpu.memory_space<semaphore_mem>> -> memref<1x!tpu.dma_semaphore, #tpu.memory_space<semaphore_mem>>
      %dma_wait3A_593 = tpu.memref_squeeze %dma_wait3A_592 : memref<1x!tpu.dma_semaphore, #tpu.memory_space<semaphore_mem>> -> memref<!tpu.dma_semaphore, #tpu.memory_space<semaphore_mem>>
      tpu.wait_indirect_dma semaphore(%dma_wait3A_593 : memref<!tpu.dma_semaphore, #tpu.memory_space<semaphore_mem>>) src(%dma_wait3A_591 : memref<10000x64xf32, #tpu.memory_space<hbm>>) dst(%dma_wait3A_581 : memref<128x64xf32, #tpu.memory_space<vmem>>)
      %add3A_594 = arith.constant 5 : i32
      %add3A_595 = arith.addi %mul3A_285, %add3A_594 : i32
      %dma_start3A_596 = arith.constant 5 : i32
      %dma_start3A_597 = arith.constant 5 : i32
      %dma_start3A_598 = arith.constant 0 : i32
      %dma_start3A_599 = arith.constant 0 : i32
      %dma_start3A_600 = tpu.memref_slice %arg9[%dma_start3A_596, %dma_start3A_598, %dma_start3A_599] : memref<6x128x64xf32, #tpu.memory_space<vmem>> -> memref<1x128x64xf32, #tpu.memory_space<vmem>>
      %dma_start3A_601 = tpu.memref_squeeze %dma_start3A_600 : memref<1x128x64xf32, #tpu.memory_space<vmem>> -> memref<128x64xf32, #tpu.memory_space<vmem>>
      %dma_start3A_602 = arith.constant 0 : i32
      %dma_start3A_603 = tpu.memref_slice %arg8[%add3A_595, %dma_start3A_602] : memref<160x128xi32, #tpu.memory_space<vmem>> -> memref<1x128xi32, #tpu.memory_space<vmem>>
      %dma_start3A_604 = tpu.memref_squeeze %dma_start3A_603 : memref<1x128xi32, #tpu.memory_space<vmem>> -> memref<128xi32, #tpu.memory_space<vmem>>
      %dma_start3A_605 = arith.constant 0 : i32
      %dma_start3A_606 = arith.constant 0 : i32
      %dma_start3A_607 = tpu.memref_slice %arg10[%dma_start3A_605, %dma_start3A_606] : memref<10112x64xf32, #tpu.memory_space<vmem_shared>> -> memref<10112x64xf32, #tpu.memory_space<vmem_shared>>
      %dma_start3A_608 = tpu.memref_slice %arg12[%dma_start3A_597] : memref<6x!tpu.dma_semaphore, #tpu.memory_space<semaphore_mem>> -> memref<1x!tpu.dma_semaphore, #tpu.memory_space<semaphore_mem>>
      %dma_start3A_609 = tpu.memref_squeeze %dma_start3A_608 : memref<1x!tpu.dma_semaphore, #tpu.memory_space<semaphore_mem>> -> memref<!tpu.dma_semaphore, #tpu.memory_space<semaphore_mem>>
      tpu.enqueue_indirect_dma source(%dma_start3A_601 : memref<128x64xf32, #tpu.memory_space<vmem>>) target(%dma_start3A_607 : memref<10112x64xf32, #tpu.memory_space<vmem_shared>>) offsets(%dma_start3A_604 : memref<128xi32, #tpu.memory_space<vmem>>) semaphore(%dma_start3A_609 : memref<!tpu.dma_semaphore, #tpu.memory_space<semaphore_mem>>) {add = true}
      %dma_wait3A_610 = arith.constant 0 : i32
      %dma_wait3A_611 = arith.constant 0 : i32
      %dma_wait3A_612 = arith.constant 0 : i32
      %dma_wait3A_613 = arith.constant 0 : i32
      %dma_wait3A_614 = tpu.memref_slice %arg9[%dma_wait3A_610, %dma_wait3A_612, %dma_wait3A_613] : memref<6x128x64xf32, #tpu.memory_space<vmem>> -> memref<1x128x64xf32, #tpu.memory_space<vmem>>
      %dma_wait3A_615 = tpu.memref_squeeze %dma_wait3A_614 : memref<1x128x64xf32, #tpu.memory_space<vmem>> -> memref<128x64xf32, #tpu.memory_space<vmem>>
      %dma_wait3A_616 = arith.constant 0 : i32
      %dma_wait3A_617 = tpu.memref_slice %arg8[%add3A_425, %dma_wait3A_616] : memref<160x128xi32, #tpu.memory_space<vmem>> -> memref<1x128xi32, #tpu.memory_space<vmem>>
      %dma_wait3A_618 = tpu.memref_squeeze %dma_wait3A_617 : memref<1x128xi32, #tpu.memory_space<vmem>> -> memref<128xi32, #tpu.memory_space<vmem>>
      %dma_wait3A_619 = arith.constant 0 : i32
      %dma_wait3A_620 = arith.constant 0 : i32
      %dma_wait3A_621 = tpu.memref_slice %arg10[%dma_wait3A_619, %dma_wait3A_620] : memref<10112x64xf32, #tpu.memory_space<vmem_shared>> -> memref<10112x64xf32, #tpu.memory_space<vmem_shared>>
      %dma_wait3A_622 = tpu.memref_slice %arg12[%dma_wait3A_611] : memref<6x!tpu.dma_semaphore, #tpu.memory_space<semaphore_mem>> -> memref<1x!tpu.dma_semaphore, #tpu.memory_space<semaphore_mem>>
      %dma_wait3A_623 = tpu.memref_squeeze %dma_wait3A_622 : memref<1x!tpu.dma_semaphore, #tpu.memory_space<semaphore_mem>> -> memref<!tpu.dma_semaphore, #tpu.memory_space<semaphore_mem>>
      tpu.wait_indirect_dma semaphore(%dma_wait3A_623 : memref<!tpu.dma_semaphore, #tpu.memory_space<semaphore_mem>>) src(%dma_wait3A_615 : memref<128x64xf32, #tpu.memory_space<vmem>>) dst(%dma_wait3A_621 : memref<10112x64xf32, #tpu.memory_space<vmem_shared>>)
      %dma_wait3A_624 = arith.constant 1 : i32
      %dma_wait3A_625 = arith.constant 1 : i32
      %dma_wait3A_626 = arith.constant 0 : i32
      %dma_wait3A_627 = arith.constant 0 : i32
      %dma_wait3A_628 = tpu.memref_slice %arg9[%dma_wait3A_624, %dma_wait3A_626, %dma_wait3A_627] : memref<6x128x64xf32, #tpu.memory_space<vmem>> -> memref<1x128x64xf32, #tpu.memory_space<vmem>>
      %dma_wait3A_629 = tpu.memref_squeeze %dma_wait3A_628 : memref<1x128x64xf32, #tpu.memory_space<vmem>> -> memref<128x64xf32, #tpu.memory_space<vmem>>
      %dma_wait3A_630 = arith.constant 0 : i32
      %dma_wait3A_631 = tpu.memref_slice %arg8[%add3A_459, %dma_wait3A_630] : memref<160x128xi32, #tpu.memory_space<vmem>> -> memref<1x128xi32, #tpu.memory_space<vmem>>
      %dma_wait3A_632 = tpu.memref_squeeze %dma_wait3A_631 : memref<1x128xi32, #tpu.memory_space<vmem>> -> memref<128xi32, #tpu.memory_space<vmem>>
      %dma_wait3A_633 = arith.constant 0 : i32
      %dma_wait3A_634 = arith.constant 0 : i32
      %dma_wait3A_635 = tpu.memref_slice %arg10[%dma_wait3A_633, %dma_wait3A_634] : memref<10112x64xf32, #tpu.memory_space<vmem_shared>> -> memref<10112x64xf32, #tpu.memory_space<vmem_shared>>
      %dma_wait3A_636 = tpu.memref_slice %arg12[%dma_wait3A_625] : memref<6x!tpu.dma_semaphore, #tpu.memory_space<semaphore_mem>> -> memref<1x!tpu.dma_semaphore, #tpu.memory_space<semaphore_mem>>
      %dma_wait3A_637 = tpu.memref_squeeze %dma_wait3A_636 : memref<1x!tpu.dma_semaphore, #tpu.memory_space<semaphore_mem>> -> memref<!tpu.dma_semaphore, #tpu.memory_space<semaphore_mem>>
      tpu.wait_indirect_dma semaphore(%dma_wait3A_637 : memref<!tpu.dma_semaphore, #tpu.memory_space<semaphore_mem>>) src(%dma_wait3A_629 : memref<128x64xf32, #tpu.memory_space<vmem>>) dst(%dma_wait3A_635 : memref<10112x64xf32, #tpu.memory_space<vmem_shared>>)
      %dma_wait3A_638 = arith.constant 2 : i32
      %dma_wait3A_639 = arith.constant 2 : i32
      %dma_wait3A_640 = arith.constant 0 : i32
      %dma_wait3A_641 = arith.constant 0 : i32
      %dma_wait3A_642 = tpu.memref_slice %arg9[%dma_wait3A_638, %dma_wait3A_640, %dma_wait3A_641] : memref<6x128x64xf32, #tpu.memory_space<vmem>> -> memref<1x128x64xf32, #tpu.memory_space<vmem>>
      %dma_wait3A_643 = tpu.memref_squeeze %dma_wait3A_642 : memref<1x128x64xf32, #tpu.memory_space<vmem>> -> memref<128x64xf32, #tpu.memory_space<vmem>>
      %dma_wait3A_644 = arith.constant 0 : i32
      %dma_wait3A_645 = tpu.memref_slice %arg8[%add3A_493, %dma_wait3A_644] : memref<160x128xi32, #tpu.memory_space<vmem>> -> memref<1x128xi32, #tpu.memory_space<vmem>>
      %dma_wait3A_646 = tpu.memref_squeeze %dma_wait3A_645 : memref<1x128xi32, #tpu.memory_space<vmem>> -> memref<128xi32, #tpu.memory_space<vmem>>
      %dma_wait3A_647 = arith.constant 0 : i32
      %dma_wait3A_648 = arith.constant 0 : i32
      %dma_wait3A_649 = tpu.memref_slice %arg10[%dma_wait3A_647, %dma_wait3A_648] : memref<10112x64xf32, #tpu.memory_space<vmem_shared>> -> memref<10112x64xf32, #tpu.memory_space<vmem_shared>>
      %dma_wait3A_650 = tpu.memref_slice %arg12[%dma_wait3A_639] : memref<6x!tpu.dma_semaphore, #tpu.memory_space<semaphore_mem>> -> memref<1x!tpu.dma_semaphore, #tpu.memory_space<semaphore_mem>>
      %dma_wait3A_651 = tpu.memref_squeeze %dma_wait3A_650 : memref<1x!tpu.dma_semaphore, #tpu.memory_space<semaphore_mem>> -> memref<!tpu.dma_semaphore, #tpu.memory_space<semaphore_mem>>
      tpu.wait_indirect_dma semaphore(%dma_wait3A_651 : memref<!tpu.dma_semaphore, #tpu.memory_space<semaphore_mem>>) src(%dma_wait3A_643 : memref<128x64xf32, #tpu.memory_space<vmem>>) dst(%dma_wait3A_649 : memref<10112x64xf32, #tpu.memory_space<vmem_shared>>)
      %dma_wait3A_652 = arith.constant 3 : i32
      %dma_wait3A_653 = arith.constant 3 : i32
      %dma_wait3A_654 = arith.constant 0 : i32
      %dma_wait3A_655 = arith.constant 0 : i32
      %dma_wait3A_656 = tpu.memref_slice %arg9[%dma_wait3A_652, %dma_wait3A_654, %dma_wait3A_655] : memref<6x128x64xf32, #tpu.memory_space<vmem>> -> memref<1x128x64xf32, #tpu.memory_space<vmem>>
      %dma_wait3A_657 = tpu.memref_squeeze %dma_wait3A_656 : memref<1x128x64xf32, #tpu.memory_space<vmem>> -> memref<128x64xf32, #tpu.memory_space<vmem>>
      %dma_wait3A_658 = arith.constant 0 : i32
      %dma_wait3A_659 = tpu.memref_slice %arg8[%add3A_527, %dma_wait3A_658] : memref<160x128xi32, #tpu.memory_space<vmem>> -> memref<1x128xi32, #tpu.memory_space<vmem>>
      %dma_wait3A_660 = tpu.memref_squeeze %dma_wait3A_659 : memref<1x128xi32, #tpu.memory_space<vmem>> -> memref<128xi32, #tpu.memory_space<vmem>>
      %dma_wait3A_661 = arith.constant 0 : i32
      %dma_wait3A_662 = arith.constant 0 : i32
      %dma_wait3A_663 = tpu.memref_slice %arg10[%dma_wait3A_661, %dma_wait3A_662] : memref<10112x64xf32, #tpu.memory_space<vmem_shared>> -> memref<10112x64xf32, #tpu.memory_space<vmem_shared>>
      %dma_wait3A_664 = tpu.memref_slice %arg12[%dma_wait3A_653] : memref<6x!tpu.dma_semaphore, #tpu.memory_space<semaphore_mem>> -> memref<1x!tpu.dma_semaphore, #tpu.memory_space<semaphore_mem>>
      %dma_wait3A_665 = tpu.memref_squeeze %dma_wait3A_664 : memref<1x!tpu.dma_semaphore, #tpu.memory_space<semaphore_mem>> -> memref<!tpu.dma_semaphore, #tpu.memory_space<semaphore_mem>>
      tpu.wait_indirect_dma semaphore(%dma_wait3A_665 : memref<!tpu.dma_semaphore, #tpu.memory_space<semaphore_mem>>) src(%dma_wait3A_657 : memref<128x64xf32, #tpu.memory_space<vmem>>) dst(%dma_wait3A_663 : memref<10112x64xf32, #tpu.memory_space<vmem_shared>>)
      %dma_wait3A_666 = arith.constant 4 : i32
      %dma_wait3A_667 = arith.constant 4 : i32
      %dma_wait3A_668 = arith.constant 0 : i32
      %dma_wait3A_669 = arith.constant 0 : i32
      %dma_wait3A_670 = tpu.memref_slice %arg9[%dma_wait3A_666, %dma_wait3A_668, %dma_wait3A_669] : memref<6x128x64xf32, #tpu.memory_space<vmem>> -> memref<1x128x64xf32, #tpu.memory_space<vmem>>
      %dma_wait3A_671 = tpu.memref_squeeze %dma_wait3A_670 : memref<1x128x64xf32, #tpu.memory_space<vmem>> -> memref<128x64xf32, #tpu.memory_space<vmem>>
      %dma_wait3A_672 = arith.constant 0 : i32
      %dma_wait3A_673 = tpu.memref_slice %arg8[%add3A_561, %dma_wait3A_672] : memref<160x128xi32, #tpu.memory_space<vmem>> -> memref<1x128xi32, #tpu.memory_space<vmem>>
      %dma_wait3A_674 = tpu.memref_squeeze %dma_wait3A_673 : memref<1x128xi32, #tpu.memory_space<vmem>> -> memref<128xi32, #tpu.memory_space<vmem>>
      %dma_wait3A_675 = arith.constant 0 : i32
      %dma_wait3A_676 = arith.constant 0 : i32
      %dma_wait3A_677 = tpu.memref_slice %arg10[%dma_wait3A_675, %dma_wait3A_676] : memref<10112x64xf32, #tpu.memory_space<vmem_shared>> -> memref<10112x64xf32, #tpu.memory_space<vmem_shared>>
      %dma_wait3A_678 = tpu.memref_slice %arg12[%dma_wait3A_667] : memref<6x!tpu.dma_semaphore, #tpu.memory_space<semaphore_mem>> -> memref<1x!tpu.dma_semaphore, #tpu.memory_space<semaphore_mem>>
      %dma_wait3A_679 = tpu.memref_squeeze %dma_wait3A_678 : memref<1x!tpu.dma_semaphore, #tpu.memory_space<semaphore_mem>> -> memref<!tpu.dma_semaphore, #tpu.memory_space<semaphore_mem>>
      tpu.wait_indirect_dma semaphore(%dma_wait3A_679 : memref<!tpu.dma_semaphore, #tpu.memory_space<semaphore_mem>>) src(%dma_wait3A_671 : memref<128x64xf32, #tpu.memory_space<vmem>>) dst(%dma_wait3A_677 : memref<10112x64xf32, #tpu.memory_space<vmem_shared>>)
      %dma_wait3A_680 = arith.constant 5 : i32
      %dma_wait3A_681 = arith.constant 5 : i32
      %dma_wait3A_682 = arith.constant 0 : i32
      %dma_wait3A_683 = arith.constant 0 : i32
      %dma_wait3A_684 = tpu.memref_slice %arg9[%dma_wait3A_680, %dma_wait3A_682, %dma_wait3A_683] : memref<6x128x64xf32, #tpu.memory_space<vmem>> -> memref<1x128x64xf32, #tpu.memory_space<vmem>>
      %dma_wait3A_685 = tpu.memref_squeeze %dma_wait3A_684 : memref<1x128x64xf32, #tpu.memory_space<vmem>> -> memref<128x64xf32, #tpu.memory_space<vmem>>
      %dma_wait3A_686 = arith.constant 0 : i32
      %dma_wait3A_687 = tpu.memref_slice %arg8[%add3A_595, %dma_wait3A_686] : memref<160x128xi32, #tpu.memory_space<vmem>> -> memref<1x128xi32, #tpu.memory_space<vmem>>
      %dma_wait3A_688 = tpu.memref_squeeze %dma_wait3A_687 : memref<1x128xi32, #tpu.memory_space<vmem>> -> memref<128xi32, #tpu.memory_space<vmem>>
      %dma_wait3A_689 = arith.constant 0 : i32
      %dma_wait3A_690 = arith.constant 0 : i32
      %dma_wait3A_691 = tpu.memref_slice %arg10[%dma_wait3A_689, %dma_wait3A_690] : memref<10112x64xf32, #tpu.memory_space<vmem_shared>> -> memref<10112x64xf32, #tpu.memory_space<vmem_shared>>
      %dma_wait3A_692 = tpu.memref_slice %arg12[%dma_wait3A_681] : memref<6x!tpu.dma_semaphore, #tpu.memory_space<semaphore_mem>> -> memref<1x!tpu.dma_semaphore, #tpu.memory_space<semaphore_mem>>
      %dma_wait3A_693 = tpu.memref_squeeze %dma_wait3A_692 : memref<1x!tpu.dma_semaphore, #tpu.memory_space<semaphore_mem>> -> memref<!tpu.dma_semaphore, #tpu.memory_space<semaphore_mem>>
      tpu.wait_indirect_dma semaphore(%dma_wait3A_693 : memref<!tpu.dma_semaphore, #tpu.memory_space<semaphore_mem>>) src(%dma_wait3A_685 : memref<128x64xf32, #tpu.memory_space<vmem>>) dst(%dma_wait3A_691 : memref<10112x64xf32, #tpu.memory_space<vmem_shared>>)
    }
    %scan3A_4 = arith.constant 26 : i32
    %dma_start3A = arith.constant 156 : i32
    %dma_start3A_5 = arith.constant 0 : i32
    %dma_start3A_6 = arith.constant 0 : i32
    %dma_start3A_7 = arith.constant 0 : i32
    %dma_start3A_8 = arith.constant 0 : i32
    %dma_start3A_9 = tpu.memref_slice %arg9[%dma_start3A_5, %dma_start3A_7, %dma_start3A_8] : memref<6x128x64xf32, #tpu.memory_space<vmem>> -> memref<1x128x64xf32, #tpu.memory_space<vmem>>
    %dma_start3A_10 = tpu.memref_squeeze %dma_start3A_9 : memref<1x128x64xf32, #tpu.memory_space<vmem>> -> memref<128x64xf32, #tpu.memory_space<vmem>>
    %dma_start3A_11 = arith.constant 0 : i32
    %dma_start3A_12 = tpu.memref_slice %arg7[%dma_start3A, %dma_start3A_11] : memref<160x128xi32, #tpu.memory_space<vmem>> -> memref<1x128xi32, #tpu.memory_space<vmem>>
    %dma_start3A_13 = tpu.memref_squeeze %dma_start3A_12 : memref<1x128xi32, #tpu.memory_space<vmem>> -> memref<128xi32, #tpu.memory_space<vmem>>
    %dma_start3A_14 = arith.constant 0 : i32
    %dma_start3A_15 = arith.constant 0 : i32
    %dma_start3A_16 = tpu.memref_slice %arg2[%arg0, %dma_start3A_14, %dma_start3A_15] : memref<2x10000x64xf32, #tpu.memory_space<hbm>> -> memref<1x10000x64xf32, #tpu.memory_space<hbm>>
    %dma_start3A_17 = tpu.memref_squeeze %dma_start3A_16 : memref<1x10000x64xf32, #tpu.memory_space<hbm>> -> memref<10000x64xf32, #tpu.memory_space<hbm>>
    %dma_start3A_18 = arith.constant 0 : i32
    %dma_start3A_19 = arith.constant 0 : i32
    %dma_start3A_20 = tpu.memref_slice %dma_start3A_17[%dma_start3A_18, %dma_start3A_19] : memref<10000x64xf32, #tpu.memory_space<hbm>> -> memref<10000x64xf32, #tpu.memory_space<hbm>>
    %dma_start3A_21 = tpu.memref_slice %arg11[%dma_start3A_6] : memref<6x!tpu.dma_semaphore, #tpu.memory_space<semaphore_mem>> -> memref<1x!tpu.dma_semaphore, #tpu.memory_space<semaphore_mem>>
    %dma_start3A_22 = tpu.memref_squeeze %dma_start3A_21 : memref<1x!tpu.dma_semaphore, #tpu.memory_space<semaphore_mem>> -> memref<!tpu.dma_semaphore, #tpu.memory_space<semaphore_mem>>
    tpu.enqueue_indirect_dma source(%dma_start3A_20 : memref<10000x64xf32, #tpu.memory_space<hbm>>) target(%dma_start3A_10 : memref<128x64xf32, #tpu.memory_space<vmem>>) offsets(%dma_start3A_13 : memref<128xi32, #tpu.memory_space<vmem>>) semaphore(%dma_start3A_22 : memref<!tpu.dma_semaphore, #tpu.memory_space<semaphore_mem>>)
    %dma_start3A_23 = arith.constant 157 : i32
    %dma_start3A_24 = arith.constant 1 : i32
    %dma_start3A_25 = arith.constant 1 : i32
    %dma_start3A_26 = arith.constant 0 : i32
    %dma_start3A_27 = arith.constant 0 : i32
    %dma_start3A_28 = tpu.memref_slice %arg9[%dma_start3A_24, %dma_start3A_26, %dma_start3A_27] : memref<6x128x64xf32, #tpu.memory_space<vmem>> -> memref<1x128x64xf32, #tpu.memory_space<vmem>>
    %dma_start3A_29 = tpu.memref_squeeze %dma_start3A_28 : memref<1x128x64xf32, #tpu.memory_space<vmem>> -> memref<128x64xf32, #tpu.memory_space<vmem>>
    %dma_start3A_30 = arith.constant 0 : i32
    %dma_start3A_31 = tpu.memref_slice %arg7[%dma_start3A_23, %dma_start3A_30] : memref<160x128xi32, #tpu.memory_space<vmem>> -> memref<1x128xi32, #tpu.memory_space<vmem>>
    %dma_start3A_32 = tpu.memref_squeeze %dma_start3A_31 : memref<1x128xi32, #tpu.memory_space<vmem>> -> memref<128xi32, #tpu.memory_space<vmem>>
    %dma_start3A_33 = arith.constant 0 : i32
    %dma_start3A_34 = arith.constant 0 : i32
    %dma_start3A_35 = tpu.memref_slice %arg2[%arg0, %dma_start3A_33, %dma_start3A_34] : memref<2x10000x64xf32, #tpu.memory_space<hbm>> -> memref<1x10000x64xf32, #tpu.memory_space<hbm>>
    %dma_start3A_36 = tpu.memref_squeeze %dma_start3A_35 : memref<1x10000x64xf32, #tpu.memory_space<hbm>> -> memref<10000x64xf32, #tpu.memory_space<hbm>>
    %dma_start3A_37 = arith.constant 0 : i32
    %dma_start3A_38 = arith.constant 0 : i32
    %dma_start3A_39 = tpu.memref_slice %dma_start3A_36[%dma_start3A_37, %dma_start3A_38] : memref<10000x64xf32, #tpu.memory_space<hbm>> -> memref<10000x64xf32, #tpu.memory_space<hbm>>
    %dma_start3A_40 = tpu.memref_slice %arg11[%dma_start3A_25] : memref<6x!tpu.dma_semaphore, #tpu.memory_space<semaphore_mem>> -> memref<1x!tpu.dma_semaphore, #tpu.memory_space<semaphore_mem>>
    %dma_start3A_41 = tpu.memref_squeeze %dma_start3A_40 : memref<1x!tpu.dma_semaphore, #tpu.memory_space<semaphore_mem>> -> memref<!tpu.dma_semaphore, #tpu.memory_space<semaphore_mem>>
    tpu.enqueue_indirect_dma source(%dma_start3A_39 : memref<10000x64xf32, #tpu.memory_space<hbm>>) target(%dma_start3A_29 : memref<128x64xf32, #tpu.memory_space<vmem>>) offsets(%dma_start3A_32 : memref<128xi32, #tpu.memory_space<vmem>>) semaphore(%dma_start3A_41 : memref<!tpu.dma_semaphore, #tpu.memory_space<semaphore_mem>>)
    %dma_start3A_42 = arith.constant 158 : i32
    %dma_start3A_43 = arith.constant 2 : i32
    %dma_start3A_44 = arith.constant 2 : i32
    %dma_start3A_45 = arith.constant 0 : i32
    %dma_start3A_46 = arith.constant 0 : i32
    %dma_start3A_47 = tpu.memref_slice %arg9[%dma_start3A_43, %dma_start3A_45, %dma_start3A_46] : memref<6x128x64xf32, #tpu.memory_space<vmem>> -> memref<1x128x64xf32, #tpu.memory_space<vmem>>
    %dma_start3A_48 = tpu.memref_squeeze %dma_start3A_47 : memref<1x128x64xf32, #tpu.memory_space<vmem>> -> memref<128x64xf32, #tpu.memory_space<vmem>>
    %dma_start3A_49 = arith.constant 0 : i32
    %dma_start3A_50 = tpu.memref_slice %arg7[%dma_start3A_42, %dma_start3A_49] : memref<160x128xi32, #tpu.memory_space<vmem>> -> memref<1x128xi32, #tpu.memory_space<vmem>>
    %dma_start3A_51 = tpu.memref_squeeze %dma_start3A_50 : memref<1x128xi32, #tpu.memory_space<vmem>> -> memref<128xi32, #tpu.memory_space<vmem>>
    %dma_start3A_52 = arith.constant 0 : i32
    %dma_start3A_53 = arith.constant 0 : i32
    %dma_start3A_54 = tpu.memref_slice %arg2[%arg0, %dma_start3A_52, %dma_start3A_53] : memref<2x10000x64xf32, #tpu.memory_space<hbm>> -> memref<1x10000x64xf32, #tpu.memory_space<hbm>>
    %dma_start3A_55 = tpu.memref_squeeze %dma_start3A_54 : memref<1x10000x64xf32, #tpu.memory_space<hbm>> -> memref<10000x64xf32, #tpu.memory_space<hbm>>
    %dma_start3A_56 = arith.constant 0 : i32
    %dma_start3A_57 = arith.constant 0 : i32
    %dma_start3A_58 = tpu.memref_slice %dma_start3A_55[%dma_start3A_56, %dma_start3A_57] : memref<10000x64xf32, #tpu.memory_space<hbm>> -> memref<10000x64xf32, #tpu.memory_space<hbm>>
    %dma_start3A_59 = tpu.memref_slice %arg11[%dma_start3A_44] : memref<6x!tpu.dma_semaphore, #tpu.memory_space<semaphore_mem>> -> memref<1x!tpu.dma_semaphore, #tpu.memory_space<semaphore_mem>>
    %dma_start3A_60 = tpu.memref_squeeze %dma_start3A_59 : memref<1x!tpu.dma_semaphore, #tpu.memory_space<semaphore_mem>> -> memref<!tpu.dma_semaphore, #tpu.memory_space<semaphore_mem>>
    tpu.enqueue_indirect_dma source(%dma_start3A_58 : memref<10000x64xf32, #tpu.memory_space<hbm>>) target(%dma_start3A_48 : memref<128x64xf32, #tpu.memory_space<vmem>>) offsets(%dma_start3A_51 : memref<128xi32, #tpu.memory_space<vmem>>) semaphore(%dma_start3A_60 : memref<!tpu.dma_semaphore, #tpu.memory_space<semaphore_mem>>)
    %dma_start3A_61 = arith.constant 159 : i32
    %dma_start3A_62 = arith.constant 3 : i32
    %dma_start3A_63 = arith.constant 3 : i32
    %dma_start3A_64 = arith.constant 0 : i32
    %dma_start3A_65 = arith.constant 0 : i32
    %dma_start3A_66 = tpu.memref_slice %arg9[%dma_start3A_62, %dma_start3A_64, %dma_start3A_65] : memref<6x128x64xf32, #tpu.memory_space<vmem>> -> memref<1x128x64xf32, #tpu.memory_space<vmem>>
    %dma_start3A_67 = tpu.memref_squeeze %dma_start3A_66 : memref<1x128x64xf32, #tpu.memory_space<vmem>> -> memref<128x64xf32, #tpu.memory_space<vmem>>
    %dma_start3A_68 = arith.constant 0 : i32
    %dma_start3A_69 = tpu.memref_slice %arg7[%dma_start3A_61, %dma_start3A_68] : memref<160x128xi32, #tpu.memory_space<vmem>> -> memref<1x128xi32, #tpu.memory_space<vmem>>
    %dma_start3A_70 = tpu.memref_squeeze %dma_start3A_69 : memref<1x128xi32, #tpu.memory_space<vmem>> -> memref<128xi32, #tpu.memory_space<vmem>>
    %dma_start3A_71 = arith.constant 0 : i32
    %dma_start3A_72 = arith.constant 0 : i32
    %dma_start3A_73 = tpu.memref_slice %arg2[%arg0, %dma_start3A_71, %dma_start3A_72] : memref<2x10000x64xf32, #tpu.memory_space<hbm>> -> memref<1x10000x64xf32, #tpu.memory_space<hbm>>
    %dma_start3A_74 = tpu.memref_squeeze %dma_start3A_73 : memref<1x10000x64xf32, #tpu.memory_space<hbm>> -> memref<10000x64xf32, #tpu.memory_space<hbm>>
    %dma_start3A_75 = arith.constant 0 : i32
    %dma_start3A_76 = arith.constant 0 : i32
    %dma_start3A_77 = tpu.memref_slice %dma_start3A_74[%dma_start3A_75, %dma_start3A_76] : memref<10000x64xf32, #tpu.memory_space<hbm>> -> memref<10000x64xf32, #tpu.memory_space<hbm>>
    %dma_start3A_78 = tpu.memref_slice %arg11[%dma_start3A_63] : memref<6x!tpu.dma_semaphore, #tpu.memory_space<semaphore_mem>> -> memref<1x!tpu.dma_semaphore, #tpu.memory_space<semaphore_mem>>
    %dma_start3A_79 = tpu.memref_squeeze %dma_start3A_78 : memref<1x!tpu.dma_semaphore, #tpu.memory_space<semaphore_mem>> -> memref<!tpu.dma_semaphore, #tpu.memory_space<semaphore_mem>>
    tpu.enqueue_indirect_dma source(%dma_start3A_77 : memref<10000x64xf32, #tpu.memory_space<hbm>>) target(%dma_start3A_67 : memref<128x64xf32, #tpu.memory_space<vmem>>) offsets(%dma_start3A_70 : memref<128xi32, #tpu.memory_space<vmem>>) semaphore(%dma_start3A_79 : memref<!tpu.dma_semaphore, #tpu.memory_space<semaphore_mem>>)
    %dma_wait3A = arith.constant 156 : i32
    %dma_wait3A_80 = arith.constant 0 : i32
    %dma_wait3A_81 = arith.constant 0 : i32
    %dma_wait3A_82 = arith.constant 0 : i32
    %dma_wait3A_83 = arith.constant 0 : i32
    %dma_wait3A_84 = tpu.memref_slice %arg9[%dma_wait3A_80, %dma_wait3A_82, %dma_wait3A_83] : memref<6x128x64xf32, #tpu.memory_space<vmem>> -> memref<1x128x64xf32, #tpu.memory_space<vmem>>
    %dma_wait3A_85 = tpu.memref_squeeze %dma_wait3A_84 : memref<1x128x64xf32, #tpu.memory_space<vmem>> -> memref<128x64xf32, #tpu.memory_space<vmem>>
    %dma_wait3A_86 = arith.constant 0 : i32
    %dma_wait3A_87 = tpu.memref_slice %arg7[%dma_wait3A, %dma_wait3A_86] : memref<160x128xi32, #tpu.memory_space<vmem>> -> memref<1x128xi32, #tpu.memory_space<vmem>>
    %dma_wait3A_88 = tpu.memref_squeeze %dma_wait3A_87 : memref<1x128xi32, #tpu.memory_space<vmem>> -> memref<128xi32, #tpu.memory_space<vmem>>
    %dma_wait3A_89 = arith.constant 0 : i32
    %dma_wait3A_90 = arith.constant 0 : i32
    %dma_wait3A_91 = tpu.memref_slice %arg2[%arg0, %dma_wait3A_89, %dma_wait3A_90] : memref<2x10000x64xf32, #tpu.memory_space<hbm>> -> memref<1x10000x64xf32, #tpu.memory_space<hbm>>
    %dma_wait3A_92 = tpu.memref_squeeze %dma_wait3A_91 : memref<1x10000x64xf32, #tpu.memory_space<hbm>> -> memref<10000x64xf32, #tpu.memory_space<hbm>>
    %dma_wait3A_93 = arith.constant 0 : i32
    %dma_wait3A_94 = arith.constant 0 : i32
    %dma_wait3A_95 = tpu.memref_slice %dma_wait3A_92[%dma_wait3A_93, %dma_wait3A_94] : memref<10000x64xf32, #tpu.memory_space<hbm>> -> memref<10000x64xf32, #tpu.memory_space<hbm>>
    %dma_wait3A_96 = tpu.memref_slice %arg11[%dma_wait3A_81] : memref<6x!tpu.dma_semaphore, #tpu.memory_space<semaphore_mem>> -> memref<1x!tpu.dma_semaphore, #tpu.memory_space<semaphore_mem>>
    %dma_wait3A_97 = tpu.memref_squeeze %dma_wait3A_96 : memref<1x!tpu.dma_semaphore, #tpu.memory_space<semaphore_mem>> -> memref<!tpu.dma_semaphore, #tpu.memory_space<semaphore_mem>>
    tpu.wait_indirect_dma semaphore(%dma_wait3A_97 : memref<!tpu.dma_semaphore, #tpu.memory_space<semaphore_mem>>) src(%dma_wait3A_95 : memref<10000x64xf32, #tpu.memory_space<hbm>>) dst(%dma_wait3A_85 : memref<128x64xf32, #tpu.memory_space<vmem>>)
    %dma_start3A_98 = arith.constant 0 : i32
    %dma_start3A_99 = arith.constant 156 : i32
    %dma_start3A_100 = arith.constant 0 : i32
    %dma_start3A_101 = arith.constant 0 : i32
    %dma_start3A_102 = arith.constant 0 : i32
    %dma_start3A_103 = tpu.memref_slice %arg9[%dma_start3A_98, %dma_start3A_101, %dma_start3A_102] : memref<6x128x64xf32, #tpu.memory_space<vmem>> -> memref<1x128x64xf32, #tpu.memory_space<vmem>>
    %dma_start3A_104 = tpu.memref_squeeze %dma_start3A_103 : memref<1x128x64xf32, #tpu.memory_space<vmem>> -> memref<128x64xf32, #tpu.memory_space<vmem>>
    %dma_start3A_105 = arith.constant 0 : i32
    %dma_start3A_106 = tpu.memref_slice %arg8[%dma_start3A_99, %dma_start3A_105] : memref<160x128xi32, #tpu.memory_space<vmem>> -> memref<1x128xi32, #tpu.memory_space<vmem>>
    %dma_start3A_107 = tpu.memref_squeeze %dma_start3A_106 : memref<1x128xi32, #tpu.memory_space<vmem>> -> memref<128xi32, #tpu.memory_space<vmem>>
    %dma_start3A_108 = arith.constant 0 : i32
    %dma_start3A_109 = arith.constant 0 : i32
    %dma_start3A_110 = tpu.memref_slice %arg10[%dma_start3A_108, %dma_start3A_109] : memref<10112x64xf32, #tpu.memory_space<vmem_shared>> -> memref<10112x64xf32, #tpu.memory_space<vmem_shared>>
    %dma_start3A_111 = tpu.memref_slice %arg12[%dma_start3A_100] : memref<6x!tpu.dma_semaphore, #tpu.memory_space<semaphore_mem>> -> memref<1x!tpu.dma_semaphore, #tpu.memory_space<semaphore_mem>>
    %dma_start3A_112 = tpu.memref_squeeze %dma_start3A_111 : memref<1x!tpu.dma_semaphore, #tpu.memory_space<semaphore_mem>> -> memref<!tpu.dma_semaphore, #tpu.memory_space<semaphore_mem>>
    tpu.enqueue_indirect_dma source(%dma_start3A_104 : memref<128x64xf32, #tpu.memory_space<vmem>>) target(%dma_start3A_110 : memref<10112x64xf32, #tpu.memory_space<vmem_shared>>) offsets(%dma_start3A_107 : memref<128xi32, #tpu.memory_space<vmem>>) semaphore(%dma_start3A_112 : memref<!tpu.dma_semaphore, #tpu.memory_space<semaphore_mem>>) {add = true}
    %dma_wait3A_113 = arith.constant 157 : i32
    %dma_wait3A_114 = arith.constant 1 : i32
    %dma_wait3A_115 = arith.constant 1 : i32
    %dma_wait3A_116 = arith.constant 0 : i32
    %dma_wait3A_117 = arith.constant 0 : i32
    %dma_wait3A_118 = tpu.memref_slice %arg9[%dma_wait3A_114, %dma_wait3A_116, %dma_wait3A_117] : memref<6x128x64xf32, #tpu.memory_space<vmem>> -> memref<1x128x64xf32, #tpu.memory_space<vmem>>
    %dma_wait3A_119 = tpu.memref_squeeze %dma_wait3A_118 : memref<1x128x64xf32, #tpu.memory_space<vmem>> -> memref<128x64xf32, #tpu.memory_space<vmem>>
    %dma_wait3A_120 = arith.constant 0 : i32
    %dma_wait3A_121 = tpu.memref_slice %arg7[%dma_wait3A_113, %dma_wait3A_120] : memref<160x128xi32, #tpu.memory_space<vmem>> -> memref<1x128xi32, #tpu.memory_space<vmem>>
    %dma_wait3A_122 = tpu.memref_squeeze %dma_wait3A_121 : memref<1x128xi32, #tpu.memory_space<vmem>> -> memref<128xi32, #tpu.memory_space<vmem>>
    %dma_wait3A_123 = arith.constant 0 : i32
    %dma_wait3A_124 = arith.constant 0 : i32
    %dma_wait3A_125 = tpu.memref_slice %arg2[%arg0, %dma_wait3A_123, %dma_wait3A_124] : memref<2x10000x64xf32, #tpu.memory_space<hbm>> -> memref<1x10000x64xf32, #tpu.memory_space<hbm>>
    %dma_wait3A_126 = tpu.memref_squeeze %dma_wait3A_125 : memref<1x10000x64xf32, #tpu.memory_space<hbm>> -> memref<10000x64xf32, #tpu.memory_space<hbm>>
    %dma_wait3A_127 = arith.constant 0 : i32
    %dma_wait3A_128 = arith.constant 0 : i32
    %dma_wait3A_129 = tpu.memref_slice %dma_wait3A_126[%dma_wait3A_127, %dma_wait3A_128] : memref<10000x64xf32, #tpu.memory_space<hbm>> -> memref<10000x64xf32, #tpu.memory_space<hbm>>
    %dma_wait3A_130 = tpu.memref_slice %arg11[%dma_wait3A_115] : memref<6x!tpu.dma_semaphore, #tpu.memory_space<semaphore_mem>> -> memref<1x!tpu.dma_semaphore, #tpu.memory_space<semaphore_mem>>
    %dma_wait3A_131 = tpu.memref_squeeze %dma_wait3A_130 : memref<1x!tpu.dma_semaphore, #tpu.memory_space<semaphore_mem>> -> memref<!tpu.dma_semaphore, #tpu.memory_space<semaphore_mem>>
    tpu.wait_indirect_dma semaphore(%dma_wait3A_131 : memref<!tpu.dma_semaphore, #tpu.memory_space<semaphore_mem>>) src(%dma_wait3A_129 : memref<10000x64xf32, #tpu.memory_space<hbm>>) dst(%dma_wait3A_119 : memref<128x64xf32, #tpu.memory_space<vmem>>)
    %dma_start3A_132 = arith.constant 1 : i32
    %dma_start3A_133 = arith.constant 157 : i32
    %dma_start3A_134 = arith.constant 1 : i32
    %dma_start3A_135 = arith.constant 0 : i32
    %dma_start3A_136 = arith.constant 0 : i32
    %dma_start3A_137 = tpu.memref_slice %arg9[%dma_start3A_132, %dma_start3A_135, %dma_start3A_136] : memref<6x128x64xf32, #tpu.memory_space<vmem>> -> memref<1x128x64xf32, #tpu.memory_space<vmem>>
    %dma_start3A_138 = tpu.memref_squeeze %dma_start3A_137 : memref<1x128x64xf32, #tpu.memory_space<vmem>> -> memref<128x64xf32, #tpu.memory_space<vmem>>
    %dma_start3A_139 = arith.constant 0 : i32
    %dma_start3A_140 = tpu.memref_slice %arg8[%dma_start3A_133, %dma_start3A_139] : memref<160x128xi32, #tpu.memory_space<vmem>> -> memref<1x128xi32, #tpu.memory_space<vmem>>
    %dma_start3A_141 = tpu.memref_squeeze %dma_start3A_140 : memref<1x128xi32, #tpu.memory_space<vmem>> -> memref<128xi32, #tpu.memory_space<vmem>>
    %dma_start3A_142 = arith.constant 0 : i32
    %dma_start3A_143 = arith.constant 0 : i32
    %dma_start3A_144 = tpu.memref_slice %arg10[%dma_start3A_142, %dma_start3A_143] : memref<10112x64xf32, #tpu.memory_space<vmem_shared>> -> memref<10112x64xf32, #tpu.memory_space<vmem_shared>>
    %dma_start3A_145 = tpu.memref_slice %arg12[%dma_start3A_134] : memref<6x!tpu.dma_semaphore, #tpu.memory_space<semaphore_mem>> -> memref<1x!tpu.dma_semaphore, #tpu.memory_space<semaphore_mem>>
    %dma_start3A_146 = tpu.memref_squeeze %dma_start3A_145 : memref<1x!tpu.dma_semaphore, #tpu.memory_space<semaphore_mem>> -> memref<!tpu.dma_semaphore, #tpu.memory_space<semaphore_mem>>
    tpu.enqueue_indirect_dma source(%dma_start3A_138 : memref<128x64xf32, #tpu.memory_space<vmem>>) target(%dma_start3A_144 : memref<10112x64xf32, #tpu.memory_space<vmem_shared>>) offsets(%dma_start3A_141 : memref<128xi32, #tpu.memory_space<vmem>>) semaphore(%dma_start3A_146 : memref<!tpu.dma_semaphore, #tpu.memory_space<semaphore_mem>>) {add = true}
    %dma_wait3A_147 = arith.constant 158 : i32
    %dma_wait3A_148 = arith.constant 2 : i32
    %dma_wait3A_149 = arith.constant 2 : i32
    %dma_wait3A_150 = arith.constant 0 : i32
    %dma_wait3A_151 = arith.constant 0 : i32
    %dma_wait3A_152 = tpu.memref_slice %arg9[%dma_wait3A_148, %dma_wait3A_150, %dma_wait3A_151] : memref<6x128x64xf32, #tpu.memory_space<vmem>> -> memref<1x128x64xf32, #tpu.memory_space<vmem>>
    %dma_wait3A_153 = tpu.memref_squeeze %dma_wait3A_152 : memref<1x128x64xf32, #tpu.memory_space<vmem>> -> memref<128x64xf32, #tpu.memory_space<vmem>>
    %dma_wait3A_154 = arith.constant 0 : i32
    %dma_wait3A_155 = tpu.memref_slice %arg7[%dma_wait3A_147, %dma_wait3A_154] : memref<160x128xi32, #tpu.memory_space<vmem>> -> memref<1x128xi32, #tpu.memory_space<vmem>>
    %dma_wait3A_156 = tpu.memref_squeeze %dma_wait3A_155 : memref<1x128xi32, #tpu.memory_space<vmem>> -> memref<128xi32, #tpu.memory_space<vmem>>
    %dma_wait3A_157 = arith.constant 0 : i32
    %dma_wait3A_158 = arith.constant 0 : i32
    %dma_wait3A_159 = tpu.memref_slice %arg2[%arg0, %dma_wait3A_157, %dma_wait3A_158] : memref<2x10000x64xf32, #tpu.memory_space<hbm>> -> memref<1x10000x64xf32, #tpu.memory_space<hbm>>
    %dma_wait3A_160 = tpu.memref_squeeze %dma_wait3A_159 : memref<1x10000x64xf32, #tpu.memory_space<hbm>> -> memref<10000x64xf32, #tpu.memory_space<hbm>>
    %dma_wait3A_161 = arith.constant 0 : i32
    %dma_wait3A_162 = arith.constant 0 : i32
    %dma_wait3A_163 = tpu.memref_slice %dma_wait3A_160[%dma_wait3A_161, %dma_wait3A_162] : memref<10000x64xf32, #tpu.memory_space<hbm>> -> memref<10000x64xf32, #tpu.memory_space<hbm>>
    %dma_wait3A_164 = tpu.memref_slice %arg11[%dma_wait3A_149] : memref<6x!tpu.dma_semaphore, #tpu.memory_space<semaphore_mem>> -> memref<1x!tpu.dma_semaphore, #tpu.memory_space<semaphore_mem>>
    %dma_wait3A_165 = tpu.memref_squeeze %dma_wait3A_164 : memref<1x!tpu.dma_semaphore, #tpu.memory_space<semaphore_mem>> -> memref<!tpu.dma_semaphore, #tpu.memory_space<semaphore_mem>>
    tpu.wait_indirect_dma semaphore(%dma_wait3A_165 : memref<!tpu.dma_semaphore, #tpu.memory_space<semaphore_mem>>) src(%dma_wait3A_163 : memref<10000x64xf32, #tpu.memory_space<hbm>>) dst(%dma_wait3A_153 : memref<128x64xf32, #tpu.memory_space<vmem>>)
    %dma_start3A_166 = arith.constant 2 : i32
    %dma_start3A_167 = arith.constant 158 : i32
    %dma_start3A_168 = arith.constant 2 : i32
    %dma_start3A_169 = arith.constant 0 : i32
    %dma_start3A_170 = arith.constant 0 : i32
    %dma_start3A_171 = tpu.memref_slice %arg9[%dma_start3A_166, %dma_start3A_169, %dma_start3A_170] : memref<6x128x64xf32, #tpu.memory_space<vmem>> -> memref<1x128x64xf32, #tpu.memory_space<vmem>>
    %dma_start3A_172 = tpu.memref_squeeze %dma_start3A_171 : memref<1x128x64xf32, #tpu.memory_space<vmem>> -> memref<128x64xf32, #tpu.memory_space<vmem>>
    %dma_start3A_173 = arith.constant 0 : i32
    %dma_start3A_174 = tpu.memref_slice %arg8[%dma_start3A_167, %dma_start3A_173] : memref<160x128xi32, #tpu.memory_space<vmem>> -> memref<1x128xi32, #tpu.memory_space<vmem>>
    %dma_start3A_175 = tpu.memref_squeeze %dma_start3A_174 : memref<1x128xi32, #tpu.memory_space<vmem>> -> memref<128xi32, #tpu.memory_space<vmem>>
    %dma_start3A_176 = arith.constant 0 : i32
    %dma_start3A_177 = arith.constant 0 : i32
    %dma_start3A_178 = tpu.memref_slice %arg10[%dma_start3A_176, %dma_start3A_177] : memref<10112x64xf32, #tpu.memory_space<vmem_shared>> -> memref<10112x64xf32, #tpu.memory_space<vmem_shared>>
    %dma_start3A_179 = tpu.memref_slice %arg12[%dma_start3A_168] : memref<6x!tpu.dma_semaphore, #tpu.memory_space<semaphore_mem>> -> memref<1x!tpu.dma_semaphore, #tpu.memory_space<semaphore_mem>>
    %dma_start3A_180 = tpu.memref_squeeze %dma_start3A_179 : memref<1x!tpu.dma_semaphore, #tpu.memory_space<semaphore_mem>> -> memref<!tpu.dma_semaphore, #tpu.memory_space<semaphore_mem>>
    tpu.enqueue_indirect_dma source(%dma_start3A_172 : memref<128x64xf32, #tpu.memory_space<vmem>>) target(%dma_start3A_178 : memref<10112x64xf32, #tpu.memory_space<vmem_shared>>) offsets(%dma_start3A_175 : memref<128xi32, #tpu.memory_space<vmem>>) semaphore(%dma_start3A_180 : memref<!tpu.dma_semaphore, #tpu.memory_space<semaphore_mem>>) {add = true}
    %dma_wait3A_181 = arith.constant 159 : i32
    %dma_wait3A_182 = arith.constant 3 : i32
    %dma_wait3A_183 = arith.constant 3 : i32
    %dma_wait3A_184 = arith.constant 0 : i32
    %dma_wait3A_185 = arith.constant 0 : i32
    %dma_wait3A_186 = tpu.memref_slice %arg9[%dma_wait3A_182, %dma_wait3A_184, %dma_wait3A_185] : memref<6x128x64xf32, #tpu.memory_space<vmem>> -> memref<1x128x64xf32, #tpu.memory_space<vmem>>
    %dma_wait3A_187 = tpu.memref_squeeze %dma_wait3A_186 : memref<1x128x64xf32, #tpu.memory_space<vmem>> -> memref<128x64xf32, #tpu.memory_space<vmem>>
    %dma_wait3A_188 = arith.constant 0 : i32
    %dma_wait3A_189 = tpu.memref_slice %arg7[%dma_wait3A_181, %dma_wait3A_188] : memref<160x128xi32, #tpu.memory_space<vmem>> -> memref<1x128xi32, #tpu.memory_space<vmem>>
    %dma_wait3A_190 = tpu.memref_squeeze %dma_wait3A_189 : memref<1x128xi32, #tpu.memory_space<vmem>> -> memref<128xi32, #tpu.memory_space<vmem>>
    %dma_wait3A_191 = arith.constant 0 : i32
    %dma_wait3A_192 = arith.constant 0 : i32
    %dma_wait3A_193 = tpu.memref_slice %arg2[%arg0, %dma_wait3A_191, %dma_wait3A_192] : memref<2x10000x64xf32, #tpu.memory_space<hbm>> -> memref<1x10000x64xf32, #tpu.memory_space<hbm>>
    %dma_wait3A_194 = tpu.memref_squeeze %dma_wait3A_193 : memref<1x10000x64xf32, #tpu.memory_space<hbm>> -> memref<10000x64xf32, #tpu.memory_space<hbm>>
    %dma_wait3A_195 = arith.constant 0 : i32
    %dma_wait3A_196 = arith.constant 0 : i32
    %dma_wait3A_197 = tpu.memref_slice %dma_wait3A_194[%dma_wait3A_195, %dma_wait3A_196] : memref<10000x64xf32, #tpu.memory_space<hbm>> -> memref<10000x64xf32, #tpu.memory_space<hbm>>
    %dma_wait3A_198 = tpu.memref_slice %arg11[%dma_wait3A_183] : memref<6x!tpu.dma_semaphore, #tpu.memory_space<semaphore_mem>> -> memref<1x!tpu.dma_semaphore, #tpu.memory_space<semaphore_mem>>
    %dma_wait3A_199 = tpu.memref_squeeze %dma_wait3A_198 : memref<1x!tpu.dma_semaphore, #tpu.memory_space<semaphore_mem>> -> memref<!tpu.dma_semaphore, #tpu.memory_space<semaphore_mem>>
    tpu.wait_indirect_dma semaphore(%dma_wait3A_199 : memref<!tpu.dma_semaphore, #tpu.memory_space<semaphore_mem>>) src(%dma_wait3A_197 : memref<10000x64xf32, #tpu.memory_space<hbm>>) dst(%dma_wait3A_187 : memref<128x64xf32, #tpu.memory_space<vmem>>)
    %dma_start3A_200 = arith.constant 3 : i32
    %dma_start3A_201 = arith.constant 159 : i32
    %dma_start3A_202 = arith.constant 3 : i32
    %dma_start3A_203 = arith.constant 0 : i32
    %dma_start3A_204 = arith.constant 0 : i32
    %dma_start3A_205 = tpu.memref_slice %arg9[%dma_start3A_200, %dma_start3A_203, %dma_start3A_204] : memref<6x128x64xf32, #tpu.memory_space<vmem>> -> memref<1x128x64xf32, #tpu.memory_space<vmem>>
    %dma_start3A_206 = tpu.memref_squeeze %dma_start3A_205 : memref<1x128x64xf32, #tpu.memory_space<vmem>> -> memref<128x64xf32, #tpu.memory_space<vmem>>
    %dma_start3A_207 = arith.constant 0 : i32
    %dma_start3A_208 = tpu.memref_slice %arg8[%dma_start3A_201, %dma_start3A_207] : memref<160x128xi32, #tpu.memory_space<vmem>> -> memref<1x128xi32, #tpu.memory_space<vmem>>
    %dma_start3A_209 = tpu.memref_squeeze %dma_start3A_208 : memref<1x128xi32, #tpu.memory_space<vmem>> -> memref<128xi32, #tpu.memory_space<vmem>>
    %dma_start3A_210 = arith.constant 0 : i32
    %dma_start3A_211 = arith.constant 0 : i32
    %dma_start3A_212 = tpu.memref_slice %arg10[%dma_start3A_210, %dma_start3A_211] : memref<10112x64xf32, #tpu.memory_space<vmem_shared>> -> memref<10112x64xf32, #tpu.memory_space<vmem_shared>>
    %dma_start3A_213 = tpu.memref_slice %arg12[%dma_start3A_202] : memref<6x!tpu.dma_semaphore, #tpu.memory_space<semaphore_mem>> -> memref<1x!tpu.dma_semaphore, #tpu.memory_space<semaphore_mem>>
    %dma_start3A_214 = tpu.memref_squeeze %dma_start3A_213 : memref<1x!tpu.dma_semaphore, #tpu.memory_space<semaphore_mem>> -> memref<!tpu.dma_semaphore, #tpu.memory_space<semaphore_mem>>
    tpu.enqueue_indirect_dma source(%dma_start3A_206 : memref<128x64xf32, #tpu.memory_space<vmem>>) target(%dma_start3A_212 : memref<10112x64xf32, #tpu.memory_space<vmem_shared>>) offsets(%dma_start3A_209 : memref<128xi32, #tpu.memory_space<vmem>>) semaphore(%dma_start3A_214 : memref<!tpu.dma_semaphore, #tpu.memory_space<semaphore_mem>>) {add = true}
    %dma_wait3A_215 = arith.constant 0 : i32
    %dma_wait3A_216 = arith.constant 156 : i32
    %dma_wait3A_217 = arith.constant 0 : i32
    %dma_wait3A_218 = arith.constant 0 : i32
    %dma_wait3A_219 = arith.constant 0 : i32
    %dma_wait3A_220 = tpu.memref_slice %arg9[%dma_wait3A_215, %dma_wait3A_218, %dma_wait3A_219] : memref<6x128x64xf32, #tpu.memory_space<vmem>> -> memref<1x128x64xf32, #tpu.memory_space<vmem>>
    %dma_wait3A_221 = tpu.memref_squeeze %dma_wait3A_220 : memref<1x128x64xf32, #tpu.memory_space<vmem>> -> memref<128x64xf32, #tpu.memory_space<vmem>>
    %dma_wait3A_222 = arith.constant 0 : i32
    %dma_wait3A_223 = tpu.memref_slice %arg8[%dma_wait3A_216, %dma_wait3A_222] : memref<160x128xi32, #tpu.memory_space<vmem>> -> memref<1x128xi32, #tpu.memory_space<vmem>>
    %dma_wait3A_224 = tpu.memref_squeeze %dma_wait3A_223 : memref<1x128xi32, #tpu.memory_space<vmem>> -> memref<128xi32, #tpu.memory_space<vmem>>
    %dma_wait3A_225 = arith.constant 0 : i32
    %dma_wait3A_226 = arith.constant 0 : i32
    %dma_wait3A_227 = tpu.memref_slice %arg10[%dma_wait3A_225, %dma_wait3A_226] : memref<10112x64xf32, #tpu.memory_space<vmem_shared>> -> memref<10112x64xf32, #tpu.memory_space<vmem_shared>>
    %dma_wait3A_228 = tpu.memref_slice %arg12[%dma_wait3A_217] : memref<6x!tpu.dma_semaphore, #tpu.memory_space<semaphore_mem>> -> memref<1x!tpu.dma_semaphore, #tpu.memory_space<semaphore_mem>>
    %dma_wait3A_229 = tpu.memref_squeeze %dma_wait3A_228 : memref<1x!tpu.dma_semaphore, #tpu.memory_space<semaphore_mem>> -> memref<!tpu.dma_semaphore, #tpu.memory_space<semaphore_mem>>
    tpu.wait_indirect_dma semaphore(%dma_wait3A_229 : memref<!tpu.dma_semaphore, #tpu.memory_space<semaphore_mem>>) src(%dma_wait3A_221 : memref<128x64xf32, #tpu.memory_space<vmem>>) dst(%dma_wait3A_227 : memref<10112x64xf32, #tpu.memory_space<vmem_shared>>)
    %dma_wait3A_230 = arith.constant 1 : i32
    %dma_wait3A_231 = arith.constant 157 : i32
    %dma_wait3A_232 = arith.constant 1 : i32
    %dma_wait3A_233 = arith.constant 0 : i32
    %dma_wait3A_234 = arith.constant 0 : i32
    %dma_wait3A_235 = tpu.memref_slice %arg9[%dma_wait3A_230, %dma_wait3A_233, %dma_wait3A_234] : memref<6x128x64xf32, #tpu.memory_space<vmem>> -> memref<1x128x64xf32, #tpu.memory_space<vmem>>
    %dma_wait3A_236 = tpu.memref_squeeze %dma_wait3A_235 : memref<1x128x64xf32, #tpu.memory_space<vmem>> -> memref<128x64xf32, #tpu.memory_space<vmem>>
    %dma_wait3A_237 = arith.constant 0 : i32
    %dma_wait3A_238 = tpu.memref_slice %arg8[%dma_wait3A_231, %dma_wait3A_237] : memref<160x128xi32, #tpu.memory_space<vmem>> -> memref<1x128xi32, #tpu.memory_space<vmem>>
    %dma_wait3A_239 = tpu.memref_squeeze %dma_wait3A_238 : memref<1x128xi32, #tpu.memory_space<vmem>> -> memref<128xi32, #tpu.memory_space<vmem>>
    %dma_wait3A_240 = arith.constant 0 : i32
    %dma_wait3A_241 = arith.constant 0 : i32
    %dma_wait3A_242 = tpu.memref_slice %arg10[%dma_wait3A_240, %dma_wait3A_241] : memref<10112x64xf32, #tpu.memory_space<vmem_shared>> -> memref<10112x64xf32, #tpu.memory_space<vmem_shared>>
    %dma_wait3A_243 = tpu.memref_slice %arg12[%dma_wait3A_232] : memref<6x!tpu.dma_semaphore, #tpu.memory_space<semaphore_mem>> -> memref<1x!tpu.dma_semaphore, #tpu.memory_space<semaphore_mem>>
    %dma_wait3A_244 = tpu.memref_squeeze %dma_wait3A_243 : memref<1x!tpu.dma_semaphore, #tpu.memory_space<semaphore_mem>> -> memref<!tpu.dma_semaphore, #tpu.memory_space<semaphore_mem>>
    tpu.wait_indirect_dma semaphore(%dma_wait3A_244 : memref<!tpu.dma_semaphore, #tpu.memory_space<semaphore_mem>>) src(%dma_wait3A_236 : memref<128x64xf32, #tpu.memory_space<vmem>>) dst(%dma_wait3A_242 : memref<10112x64xf32, #tpu.memory_space<vmem_shared>>)
    %dma_wait3A_245 = arith.constant 2 : i32
    %dma_wait3A_246 = arith.constant 158 : i32
    %dma_wait3A_247 = arith.constant 2 : i32
    %dma_wait3A_248 = arith.constant 0 : i32
    %dma_wait3A_249 = arith.constant 0 : i32
    %dma_wait3A_250 = tpu.memref_slice %arg9[%dma_wait3A_245, %dma_wait3A_248, %dma_wait3A_249] : memref<6x128x64xf32, #tpu.memory_space<vmem>> -> memref<1x128x64xf32, #tpu.memory_space<vmem>>
    %dma_wait3A_251 = tpu.memref_squeeze %dma_wait3A_250 : memref<1x128x64xf32, #tpu.memory_space<vmem>> -> memref<128x64xf32, #tpu.memory_space<vmem>>
    %dma_wait3A_252 = arith.constant 0 : i32
    %dma_wait3A_253 = tpu.memref_slice %arg8[%dma_wait3A_246, %dma_wait3A_252] : memref<160x128xi32, #tpu.memory_space<vmem>> -> memref<1x128xi32, #tpu.memory_space<vmem>>
    %dma_wait3A_254 = tpu.memref_squeeze %dma_wait3A_253 : memref<1x128xi32, #tpu.memory_space<vmem>> -> memref<128xi32, #tpu.memory_space<vmem>>
    %dma_wait3A_255 = arith.constant 0 : i32
    %dma_wait3A_256 = arith.constant 0 : i32
    %dma_wait3A_257 = tpu.memref_slice %arg10[%dma_wait3A_255, %dma_wait3A_256] : memref<10112x64xf32, #tpu.memory_space<vmem_shared>> -> memref<10112x64xf32, #tpu.memory_space<vmem_shared>>
    %dma_wait3A_258 = tpu.memref_slice %arg12[%dma_wait3A_247] : memref<6x!tpu.dma_semaphore, #tpu.memory_space<semaphore_mem>> -> memref<1x!tpu.dma_semaphore, #tpu.memory_space<semaphore_mem>>
    %dma_wait3A_259 = tpu.memref_squeeze %dma_wait3A_258 : memref<1x!tpu.dma_semaphore, #tpu.memory_space<semaphore_mem>> -> memref<!tpu.dma_semaphore, #tpu.memory_space<semaphore_mem>>
    tpu.wait_indirect_dma semaphore(%dma_wait3A_259 : memref<!tpu.dma_semaphore, #tpu.memory_space<semaphore_mem>>) src(%dma_wait3A_251 : memref<128x64xf32, #tpu.memory_space<vmem>>) dst(%dma_wait3A_257 : memref<10112x64xf32, #tpu.memory_space<vmem_shared>>)
    %dma_wait3A_260 = arith.constant 3 : i32
    %dma_wait3A_261 = arith.constant 159 : i32
    %dma_wait3A_262 = arith.constant 3 : i32
    %dma_wait3A_263 = arith.constant 0 : i32
    %dma_wait3A_264 = arith.constant 0 : i32
    %dma_wait3A_265 = tpu.memref_slice %arg9[%dma_wait3A_260, %dma_wait3A_263, %dma_wait3A_264] : memref<6x128x64xf32, #tpu.memory_space<vmem>> -> memref<1x128x64xf32, #tpu.memory_space<vmem>>
    %dma_wait3A_266 = tpu.memref_squeeze %dma_wait3A_265 : memref<1x128x64xf32, #tpu.memory_space<vmem>> -> memref<128x64xf32, #tpu.memory_space<vmem>>
    %dma_wait3A_267 = arith.constant 0 : i32
    %dma_wait3A_268 = tpu.memref_slice %arg8[%dma_wait3A_261, %dma_wait3A_267] : memref<160x128xi32, #tpu.memory_space<vmem>> -> memref<1x128xi32, #tpu.memory_space<vmem>>
    %dma_wait3A_269 = tpu.memref_squeeze %dma_wait3A_268 : memref<1x128xi32, #tpu.memory_space<vmem>> -> memref<128xi32, #tpu.memory_space<vmem>>
    %dma_wait3A_270 = arith.constant 0 : i32
    %dma_wait3A_271 = arith.constant 0 : i32
    %dma_wait3A_272 = tpu.memref_slice %arg10[%dma_wait3A_270, %dma_wait3A_271] : memref<10112x64xf32, #tpu.memory_space<vmem_shared>> -> memref<10112x64xf32, #tpu.memory_space<vmem_shared>>
    %dma_wait3A_273 = tpu.memref_slice %arg12[%dma_wait3A_262] : memref<6x!tpu.dma_semaphore, #tpu.memory_space<semaphore_mem>> -> memref<1x!tpu.dma_semaphore, #tpu.memory_space<semaphore_mem>>
    %dma_wait3A_274 = tpu.memref_squeeze %dma_wait3A_273 : memref<1x!tpu.dma_semaphore, #tpu.memory_space<semaphore_mem>> -> memref<!tpu.dma_semaphore, #tpu.memory_space<semaphore_mem>>
    tpu.wait_indirect_dma semaphore(%dma_wait3A_274 : memref<!tpu.dma_semaphore, #tpu.memory_space<semaphore_mem>>) src(%dma_wait3A_266 : memref<128x64xf32, #tpu.memory_space<vmem>>) dst(%dma_wait3A_272 : memref<10112x64xf32, #tpu.memory_space<vmem_shared>>)
    %barrier3A_275 = arith.constant 0 : index
    tpu.barrier barrier_id(%barrier3A_275)
    %mul3A_276 = arith.constant 632 : i32
    %mul3A_277 = arith.muli %arg1, %mul3A_276 : i32
    %mul3A_278 = arith.constant 632 : i32
    %mul3A_279 = arith.muli %arg1, %mul3A_278 : i32
    "tpu.region"() ({
      %run_scoped3A = tpu.sem_alloc : memref<!tpu.dma_semaphore, #tpu.memory_space<semaphore_mem>>
      %dma_start3A_280 = arith.constant 0 : i32
      %dma_start3A_281 = tpu.memref_slice %arg6[%arg0, %mul3A_279, %dma_start3A_280] : memref<2x10112x64xf32, #tpu.memory_space<hbm>> -> memref<1x632x64xf32, #tpu.memory_space<hbm>>
      %dma_start3A_282 = tpu.memref_squeeze %dma_start3A_281 : memref<1x632x64xf32, #tpu.memory_space<hbm>> -> memref<632x64xf32, #tpu.memory_space<hbm>>
      %dma_start3A_283 = arith.constant 0 : i32
      %dma_start3A_284 = tpu.memref_slice %arg10[%mul3A_277, %dma_start3A_283] : memref<10112x64xf32, #tpu.memory_space<vmem_shared>> -> memref<632x64xf32, #tpu.memory_space<vmem_shared>>
      tpu.enqueue_dma source(%dma_start3A_284 : memref<632x64xf32, #tpu.memory_space<vmem_shared>>) target(%dma_start3A_282 : memref<632x64xf32, #tpu.memory_space<hbm>>) target_semaphore(%run_scoped3A : memref<!tpu.dma_semaphore, #tpu.memory_space<semaphore_mem>>)
      %dma_wait3A_285 = arith.constant 0 : i32
      %dma_wait3A_286 = tpu.memref_slice %arg6[%arg0, %mul3A_279, %dma_wait3A_285] : memref<2x10112x64xf32, #tpu.memory_space<hbm>> -> memref<1x632x64xf32, #tpu.memory_space<hbm>>
      %dma_wait3A_287 = tpu.memref_squeeze %dma_wait3A_286 : memref<1x632x64xf32, #tpu.memory_space<hbm>> -> memref<632x64xf32, #tpu.memory_space<hbm>>
      %dma_wait3A_288 = arith.constant 0 : i32
      %dma_wait3A_289 = tpu.memref_slice %arg10[%mul3A_277, %dma_wait3A_288] : memref<10112x64xf32, #tpu.memory_space<vmem_shared>> -> memref<632x64xf32, #tpu.memory_space<vmem_shared>>
      tpu.wait_dma2 semaphore(%run_scoped3A : memref<!tpu.dma_semaphore, #tpu.memory_space<semaphore_mem>>) src(%dma_wait3A_289 : memref<632x64xf32, #tpu.memory_space<vmem_shared>>) dst(%dma_wait3A_287 : memref<632x64xf32, #tpu.memory_space<hbm>>)
      tpu.yield
    }) : () -> ()
    return
  }
}

module attributes {stable_mosaic.version = 14 : i64} {
  func.func @_d1_body(%arg0: i32, %arg1: memref<1000x128xf32, #tpu.memory_space<vmem>>, %arg2: memref<128x128xf32, #tpu.memory_space<vmem>>, %arg3: memref<2x1000x16xf32, #tpu.memory_space<vmem>>, %arg4: memref<2x1000x64xf32, #tpu.memory_space<vmem>>, %arg5: memref<1000x1xf32, #tpu.memory_space<vmem>>) attributes {dimension_semantics = [#tpu.dimension_semantics<arbitrary>], iteration_bounds = array<i64: 10>, scalar_prefetch = 0 : i64, scratch_operands = 0 : i64, tpu.core_type = #tpu.core_type<tc>, window_params = [{transform_indices = @transform_0, window_bounds = array<i64: 1000, 128>}, {pipeline_mode = #tpu.pipeline_mode<synchronous>, transform_indices = @transform_1, window_bounds = array<i64: 128, 128>}, {transform_indices = @transform_2, window_bounds = array<i64: 2, 1000, 16>}, {transform_indices = @transform_3, window_bounds = array<i64: 2, 1000, 64>}, {transform_indices = @transform_4, window_bounds = array<i64: 1000, 1>}]} {
    %get3A = arith.constant 0 : index
    %get3A_0 = arith.constant 0 : index
    %get3A_1 = arith.constant 0 : index
    %get3A_2 = vector.load %arg3[%get3A, %get3A_0, %get3A_1] : memref<2x1000x16xf32, #tpu.memory_space<vmem>>, vector<1x1000x1xf32>
    %get3A_3 = vector.shape_cast %get3A_2 : vector<1x1000x1xf32> to vector<1000x1xf32>
    %add3A = arith.constant 1.000000e+00 : f32
    %add3A_4 = vector.broadcast %add3A : f32 to vector<1000x1xf32>
    %add3A_5 = arith.addf %add3A_4, %get3A_3 : vector<1000x1xf32>
    %get3A_6 = arith.constant 1 : index
    %get3A_7 = arith.constant 0 : index
    %get3A_8 = arith.constant 0 : index
    %get3A_9 = vector.load %arg3[%get3A_6, %get3A_7, %get3A_8] : memref<2x1000x16xf32, #tpu.memory_space<vmem>>, vector<1x1000x1xf32>
    %get3A_10 = vector.shape_cast %get3A_9 : vector<1x1000x1xf32> to vector<1000x1xf32>
    %add3A_11 = arith.addf %add3A_5, %get3A_10 : vector<1000x1xf32>
    %rsqrt3A = math.rsqrt %add3A_11 : vector<1000x1xf32>
    %get3A_12 = arith.constant 0 : index
    %get3A_13 = arith.constant 0 : index
    %get3A_14 = vector.load %arg1[%get3A_12, %get3A_13] : memref<1000x128xf32, #tpu.memory_space<vmem>>, vector<1000x128xf32>
    %get3A_15 = arith.constant 0 : index
    %get3A_16 = arith.constant 0 : index
    %get3A_17 = vector.load %arg2[%get3A_15, %get3A_16] : memref<128x128xf32, #tpu.memory_space<vmem>>, vector<128x128xf32>
    %dot_general3A = arith.constant dense<0.000000e+00> : vector<1000x128xf32>
    %dot_general3A_18 = tpu.matmul %get3A_14, %get3A_17, %dot_general3A {dimension_numbers = #tpu.dot_dimension_numbers<[1], [0], [0], [1], [0, 0, 1, 1], [], []>, transpose_lhs_hint = false} : vector<1000x128xf32>, vector<128x128xf32>, vector<1000x128xf32> -> vector<1000x128xf32>
    %mul3A = vector.broadcast %rsqrt3A : vector<1000x1xf32> to vector<1000x128xf32>
    %mul3A_19 = arith.mulf %dot_general3A_18, %mul3A : vector<1000x128xf32>
    %slice3A = vector.extract_strided_slice %mul3A_19 {offsets = [0, 0], sizes = [1000, 64], strides = [1, 1]} : vector<1000x128xf32> to vector<1000x64xf32>
    %swap3A = arith.constant 0 : index
    %swap3A_20 = arith.constant 0 : index
    %swap3A_21 = arith.constant 0 : index
    %swap3A_22 = vector.load %arg4[%swap3A, %swap3A_20, %swap3A_21] : memref<2x1000x64xf32, #tpu.memory_space<vmem>>, vector<1x1000x64xf32>
    %swap3A_23 = vector.shape_cast %swap3A_22 : vector<1x1000x64xf32> to vector<1000x64xf32>
    %swap3A_24 = vector.shape_cast %slice3A : vector<1000x64xf32> to vector<1x1000x64xf32>
    tpu.vector_store %arg4[%swap3A, %swap3A_20, %swap3A_21], %swap3A_24 {strides = array<i32>} : memref<2x1000x64xf32, #tpu.memory_space<vmem>>, vector<1x1000x64xf32>,
    %slice3A_25 = vector.extract_strided_slice %mul3A_19 {offsets = [0, 64], sizes = [1000, 64], strides = [1, 1]} : vector<1000x128xf32> to vector<1000x64xf32>
    %swap3A_26 = arith.constant 1 : index
    %swap3A_27 = arith.constant 0 : index
    %swap3A_28 = arith.constant 0 : index
    %swap3A_29 = vector.load %arg4[%swap3A_26, %swap3A_27, %swap3A_28] : memref<2x1000x64xf32, #tpu.memory_space<vmem>>, vector<1x1000x64xf32>
    %swap3A_30 = vector.shape_cast %swap3A_29 : vector<1x1000x64xf32> to vector<1000x64xf32>
    %swap3A_31 = vector.shape_cast %slice3A_25 : vector<1000x64xf32> to vector<1x1000x64xf32>
    tpu.vector_store %arg4[%swap3A_26, %swap3A_27, %swap3A_28], %swap3A_31 {strides = array<i32>} : memref<2x1000x64xf32, #tpu.memory_space<vmem>>, vector<1x1000x64xf32>,
    %swap3A_32 = arith.constant 0 : index
    %swap3A_33 = arith.constant 0 : index
    %swap3A_34 = vector.load %arg5[%swap3A_32, %swap3A_33] : memref<1000x1xf32, #tpu.memory_space<vmem>>, vector<1000x1xf32>
    tpu.vector_store %arg5[%swap3A_32, %swap3A_33], %rsqrt3A {strides = array<i32>} : memref<1000x1xf32, #tpu.memory_space<vmem>>, vector<1000x1xf32>,
    return
  }
  func.func @transform_0(%arg0: i32) -> (i32, i32) {
    %c0_i32 = arith.constant 0 : i32
    %c0_i32_0 = arith.constant 0 : i32
    return %arg0, %c0_i32 : i32, i32
  }
  func.func @transform_1(%arg0: i32) -> (i32, i32) {
    %c0_i32 = arith.constant 0 : i32
    %c0_i32_0 = arith.constant 0 : i32
    %c0_i32_1 = arith.constant 0 : i32
    return %c0_i32, %c0_i32_0 : i32, i32
  }
  func.func @transform_2(%arg0: i32) -> (i32, i32, i32) {
    %c0_i32 = arith.constant 0 : i32
    %c0_i32_0 = arith.constant 0 : i32
    %c0_i32_1 = arith.constant 0 : i32
    return %c0_i32, %arg0, %c0_i32_0 : i32, i32, i32
  }
  func.func @transform_3(%arg0: i32) -> (i32, i32, i32) {
    %c0_i32 = arith.constant 0 : i32
    %c0_i32_0 = arith.constant 0 : i32
    %c0_i32_1 = arith.constant 0 : i32
    return %c0_i32, %arg0, %c0_i32_0 : i32, i32, i32
  }
  func.func @transform_4(%arg0: i32) -> (i32, i32) {
    %c0_i32 = arith.constant 0 : i32
    %c0_i32_0 = arith.constant 0 : i32
    return %arg0, %c0_i32 : i32, i32
  }
}

module attributes {stable_mosaic.version = 14 : i64} {
  func.func @_dmid_body(%arg0: i32, %arg1: memref<2x1000x64xf32, #tpu.memory_space<vmem>>, %arg2: memref<2x1000x64xf32, #tpu.memory_space<vmem>>, %arg3: memref<1000x1xf32, #tpu.memory_space<vmem>>, %arg4: memref<1x128xf32, #tpu.memory_space<vmem>>, %arg5: memref<128x128xf32, #tpu.memory_space<vmem>>, %arg6: memref<2x1000x64xf32, #tpu.memory_space<vmem>>) attributes {dimension_semantics = [#tpu.dimension_semantics<arbitrary>], iteration_bounds = array<i64: 10>, scalar_prefetch = 0 : i64, scratch_operands = 0 : i64, tpu.core_type = #tpu.core_type<tc>, window_params = [{transform_indices = @transform_0, window_bounds = array<i64: 2, 1000, 64>}, {transform_indices = @transform_1, window_bounds = array<i64: 2, 1000, 64>}, {transform_indices = @transform_2, window_bounds = array<i64: 1000, 1>}, {pipeline_mode = #tpu.pipeline_mode<synchronous>, transform_indices = @transform_3, window_bounds = array<i64: 1, 128>}, {pipeline_mode = #tpu.pipeline_mode<synchronous>, transform_indices = @transform_4, window_bounds = array<i64: 128, 128>}, {transform_indices = @transform_5, window_bounds = array<i64: 2, 1000, 64>}]} {
    %get3A = arith.constant 0 : index
    %get3A_0 = arith.constant 0 : index
    %get3A_1 = vector.load %arg3[%get3A, %get3A_0] : memref<1000x1xf32, #tpu.memory_space<vmem>>, vector<1000x1xf32>
    %get3A_2 = arith.constant 0 : index
    %get3A_3 = arith.constant 0 : index
    %get3A_4 = arith.constant 0 : index
    %get3A_5 = vector.load %arg1[%get3A_2, %get3A_3, %get3A_4] : memref<2x1000x64xf32, #tpu.memory_space<vmem>>, vector<1x1000x64xf32>
    %get3A_6 = vector.shape_cast %get3A_5 : vector<1x1000x64xf32> to vector<1000x64xf32>
    %get3A_7 = arith.constant 0 : index
    %get3A_8 = arith.constant 0 : index
    %get3A_9 = arith.constant 0 : index
    %get3A_10 = vector.load %arg2[%get3A_7, %get3A_8, %get3A_9] : memref<2x1000x64xf32, #tpu.memory_space<vmem>>, vector<1x1000x64xf32>
    %get3A_11 = vector.shape_cast %get3A_10 : vector<1x1000x64xf32> to vector<1000x64xf32>
    %add3A = arith.addf %get3A_6, %get3A_11 : vector<1000x64xf32>
    %get3A_12 = arith.constant 1 : index
    %get3A_13 = arith.constant 0 : index
    %get3A_14 = arith.constant 0 : index
    %get3A_15 = vector.load %arg1[%get3A_12, %get3A_13, %get3A_14] : memref<2x1000x64xf32, #tpu.memory_space<vmem>>, vector<1x1000x64xf32>
    %get3A_16 = vector.shape_cast %get3A_15 : vector<1x1000x64xf32> to vector<1000x64xf32>
    %get3A_17 = arith.constant 1 : index
    %get3A_18 = arith.constant 0 : index
    %get3A_19 = arith.constant 0 : index
    %get3A_20 = vector.load %arg2[%get3A_17, %get3A_18, %get3A_19] : memref<2x1000x64xf32, #tpu.memory_space<vmem>>, vector<1x1000x64xf32>
    %get3A_21 = vector.shape_cast %get3A_20 : vector<1x1000x64xf32> to vector<1000x64xf32>
    %add3A_22 = arith.addf %get3A_16, %get3A_21 : vector<1000x64xf32>
    %concatenate3A = tpu.concatenate %add3A, %add3A_22 in 1 : vector<1000x64xf32>, vector<1000x64xf32> -> vector<1000x128xf32>
    %mul3A = vector.broadcast %get3A_1 : vector<1000x1xf32> to vector<1000x128xf32>
    %mul3A_23 = arith.mulf %mul3A, %concatenate3A : vector<1000x128xf32>
    %get3A_24 = arith.constant 0 : index
    %get3A_25 = arith.constant 0 : index
    %get3A_26 = vector.load %arg4[%get3A_24, %get3A_25] : memref<1x128xf32, #tpu.memory_space<vmem>>, vector<1x128xf32>
    %add3A_27 = vector.broadcast %get3A_26 : vector<1x128xf32> to vector<1000x128xf32>
    %add3A_28 = arith.addf %mul3A_23, %add3A_27 : vector<1000x128xf32>
    %max3A = arith.constant 0.000000e+00 : f32
    %max3A_29 = vector.broadcast %max3A : f32 to vector<1000x128xf32>
    %max3A_30 = arith.maximumf %add3A_28, %max3A_29 : vector<1000x128xf32>
    %get3A_31 = arith.constant 0 : index
    %get3A_32 = arith.constant 0 : index
    %get3A_33 = vector.load %arg5[%get3A_31, %get3A_32] : memref<128x128xf32, #tpu.memory_space<vmem>>, vector<128x128xf32>
    %dot_general3A = arith.constant dense<0.000000e+00> : vector<1000x128xf32>
    %dot_general3A_34 = tpu.matmul %max3A_30, %get3A_33, %dot_general3A {dimension_numbers = #tpu.dot_dimension_numbers<[1], [0], [0], [1], [0, 0, 1, 1], [], []>, transpose_lhs_hint = false} : vector<1000x128xf32>, vector<128x128xf32>, vector<1000x128xf32> -> vector<1000x128xf32>
    %mul3A_35 = vector.broadcast %get3A_1 : vector<1000x1xf32> to vector<1000x128xf32>
    %mul3A_36 = arith.mulf %dot_general3A_34, %mul3A_35 : vector<1000x128xf32>
    %slice3A = vector.extract_strided_slice %mul3A_36 {offsets = [0, 0], sizes = [1000, 64], strides = [1, 1]} : vector<1000x128xf32> to vector<1000x64xf32>
    %swap3A = arith.constant 0 : index
    %swap3A_37 = arith.constant 0 : index
    %swap3A_38 = arith.constant 0 : index
    %swap3A_39 = vector.load %arg6[%swap3A, %swap3A_37, %swap3A_38] : memref<2x1000x64xf32, #tpu.memory_space<vmem>>, vector<1x1000x64xf32>
    %swap3A_40 = vector.shape_cast %swap3A_39 : vector<1x1000x64xf32> to vector<1000x64xf32>
    %swap3A_41 = vector.shape_cast %slice3A : vector<1000x64xf32> to vector<1x1000x64xf32>
    tpu.vector_store %arg6[%swap3A, %swap3A_37, %swap3A_38], %swap3A_41 {strides = array<i32>} : memref<2x1000x64xf32, #tpu.memory_space<vmem>>, vector<1x1000x64xf32>,
    %slice3A_42 = vector.extract_strided_slice %mul3A_36 {offsets = [0, 64], sizes = [1000, 64], strides = [1, 1]} : vector<1000x128xf32> to vector<1000x64xf32>
    %swap3A_43 = arith.constant 1 : index
    %swap3A_44 = arith.constant 0 : index
    %swap3A_45 = arith.constant 0 : index
    %swap3A_46 = vector.load %arg6[%swap3A_43, %swap3A_44, %swap3A_45] : memref<2x1000x64xf32, #tpu.memory_space<vmem>>, vector<1x1000x64xf32>
    %swap3A_47 = vector.shape_cast %swap3A_46 : vector<1x1000x64xf32> to vector<1000x64xf32>
    %swap3A_48 = vector.shape_cast %slice3A_42 : vector<1000x64xf32> to vector<1x1000x64xf32>
    tpu.vector_store %arg6[%swap3A_43, %swap3A_44, %swap3A_45], %swap3A_48 {strides = array<i32>} : memref<2x1000x64xf32, #tpu.memory_space<vmem>>, vector<1x1000x64xf32>,
    return
  }
  func.func @transform_0(%arg0: i32) -> (i32, i32, i32) {
    %c0_i32 = arith.constant 0 : i32
    %c0_i32_0 = arith.constant 0 : i32
    %c0_i32_1 = arith.constant 0 : i32
    return %c0_i32, %arg0, %c0_i32_0 : i32, i32, i32
  }
  func.func @transform_1(%arg0: i32) -> (i32, i32, i32) {
    %c0_i32 = arith.constant 0 : i32
    %c0_i32_0 = arith.constant 0 : i32
    %c0_i32_1 = arith.constant 0 : i32
    return %c0_i32, %arg0, %c0_i32_0 : i32, i32, i32
  }
  func.func @transform_2(%arg0: i32) -> (i32, i32) {
    %c0_i32 = arith.constant 0 : i32
    %c0_i32_0 = arith.constant 0 : i32
    return %arg0, %c0_i32 : i32, i32
  }
  func.func @transform_3(%arg0: i32) -> (i32, i32) {
    %c0_i32 = arith.constant 0 : i32
    %c0_i32_0 = arith.constant 0 : i32
    %c0_i32_1 = arith.constant 0 : i32
    return %c0_i32, %c0_i32_0 : i32, i32
  }
  func.func @transform_4(%arg0: i32) -> (i32, i32) {
    %c0_i32 = arith.constant 0 : i32
    %c0_i32_0 = arith.constant 0 : i32
    %c0_i32_1 = arith.constant 0 : i32
    return %c0_i32, %c0_i32_0 : i32, i32
  }
  func.func @transform_5(%arg0: i32) -> (i32, i32, i32) {
    %c0_i32 = arith.constant 0 : i32
    %c0_i32_0 = arith.constant 0 : i32
    %c0_i32_1 = arith.constant 0 : i32
    return %c0_i32, %arg0, %c0_i32_0 : i32, i32, i32
  }
}

module attributes {stable_mosaic.version = 14 : i64} {
  func.func @_dfin_body(%arg0: i32, %arg1: memref<2x1000x64xf32, #tpu.memory_space<vmem>>, %arg2: memref<2x1000x64xf32, #tpu.memory_space<vmem>>, %arg3: memref<1000x1xf32, #tpu.memory_space<vmem>>, %arg4: memref<1x128xf32, #tpu.memory_space<vmem>>, %arg5: memref<1000x128xf32, #tpu.memory_space<vmem>>) attributes {dimension_semantics = [#tpu.dimension_semantics<arbitrary>], iteration_bounds = array<i64: 10>, scalar_prefetch = 0 : i64, scratch_operands = 0 : i64, tpu.core_type = #tpu.core_type<tc>, window_params = [{transform_indices = @transform_0, window_bounds = array<i64: 2, 1000, 64>}, {transform_indices = @transform_1, window_bounds = array<i64: 2, 1000, 64>}, {transform_indices = @transform_2, window_bounds = array<i64: 1000, 1>}, {pipeline_mode = #tpu.pipeline_mode<synchronous>, transform_indices = @transform_3, window_bounds = array<i64: 1, 128>}, {transform_indices = @transform_4, window_bounds = array<i64: 1000, 128>}]} {
    %get3A = arith.constant 0 : index
    %get3A_0 = arith.constant 0 : index
    %get3A_1 = arith.constant 0 : index
    %get3A_2 = vector.load %arg1[%get3A, %get3A_0, %get3A_1] : memref<2x1000x64xf32, #tpu.memory_space<vmem>>, vector<1x1000x64xf32>
    %get3A_3 = vector.shape_cast %get3A_2 : vector<1x1000x64xf32> to vector<1000x64xf32>
    %get3A_4 = arith.constant 0 : index
    %get3A_5 = arith.constant 0 : index
    %get3A_6 = arith.constant 0 : index
    %get3A_7 = vector.load %arg2[%get3A_4, %get3A_5, %get3A_6] : memref<2x1000x64xf32, #tpu.memory_space<vmem>>, vector<1x1000x64xf32>
    %get3A_8 = vector.shape_cast %get3A_7 : vector<1x1000x64xf32> to vector<1000x64xf32>
    %add3A = arith.addf %get3A_3, %get3A_8 : vector<1000x64xf32>
    %get3A_9 = arith.constant 1 : index
    %get3A_10 = arith.constant 0 : index
    %get3A_11 = arith.constant 0 : index
    %get3A_12 = vector.load %arg1[%get3A_9, %get3A_10, %get3A_11] : memref<2x1000x64xf32, #tpu.memory_space<vmem>>, vector<1x1000x64xf32>
    %get3A_13 = vector.shape_cast %get3A_12 : vector<1x1000x64xf32> to vector<1000x64xf32>
    %get3A_14 = arith.constant 1 : index
    %get3A_15 = arith.constant 0 : index
    %get3A_16 = arith.constant 0 : index
    %get3A_17 = vector.load %arg2[%get3A_14, %get3A_15, %get3A_16] : memref<2x1000x64xf32, #tpu.memory_space<vmem>>, vector<1x1000x64xf32>
    %get3A_18 = vector.shape_cast %get3A_17 : vector<1x1000x64xf32> to vector<1000x64xf32>
    %add3A_19 = arith.addf %get3A_13, %get3A_18 : vector<1000x64xf32>
    %concatenate3A = tpu.concatenate %add3A, %add3A_19 in 1 : vector<1000x64xf32>, vector<1000x64xf32> -> vector<1000x128xf32>
    %get3A_20 = arith.constant 0 : index
    %get3A_21 = arith.constant 0 : index
    %get3A_22 = vector.load %arg3[%get3A_20, %get3A_21] : memref<1000x1xf32, #tpu.memory_space<vmem>>, vector<1000x1xf32>
    %mul3A = vector.broadcast %get3A_22 : vector<1000x1xf32> to vector<1000x128xf32>
    %mul3A_23 = arith.mulf %mul3A, %concatenate3A : vector<1000x128xf32>
    %get3A_24 = arith.constant 0 : index
    %get3A_25 = arith.constant 0 : index
    %get3A_26 = vector.load %arg4[%get3A_24, %get3A_25] : memref<1x128xf32, #tpu.memory_space<vmem>>, vector<1x128xf32>
    %add3A_27 = vector.broadcast %get3A_26 : vector<1x128xf32> to vector<1000x128xf32>
    %add3A_28 = arith.addf %mul3A_23, %add3A_27 : vector<1000x128xf32>
    %swap3A = arith.constant 0 : index
    %swap3A_29 = arith.constant 0 : index
    %swap3A_30 = vector.load %arg5[%swap3A, %swap3A_29] : memref<1000x128xf32, #tpu.memory_space<vmem>>, vector<1000x128xf32>
    tpu.vector_store %arg5[%swap3A, %swap3A_29], %add3A_28 {strides = array<i32>} : memref<1000x128xf32, #tpu.memory_space<vmem>>, vector<1000x128xf32>,
    return
  }
  func.func @transform_0(%arg0: i32) -> (i32, i32, i32) {
    %c0_i32 = arith.constant 0 : i32
    %c0_i32_0 = arith.constant 0 : i32
    %c0_i32_1 = arith.constant 0 : i32
    return %c0_i32, %arg0, %c0_i32_0 : i32, i32, i32
  }
  func.func @transform_1(%arg0: i32) -> (i32, i32, i32) {
    %c0_i32 = arith.constant 0 : i32
    %c0_i32_0 = arith.constant 0 : i32
    %c0_i32_1 = arith.constant 0 : i32
    return %c0_i32, %arg0, %c0_i32_0 : i32, i32, i32
  }
  func.func @transform_2(%arg0: i32) -> (i32, i32) {
    %c0_i32 = arith.constant 0 : i32
    %c0_i32_0 = arith.constant 0 : i32
    return %arg0, %c0_i32 : i32, i32
  }
  func.func @transform_3(%arg0: i32) -> (i32, i32) {
    %c0_i32 = arith.constant 0 : i32
    %c0_i32_0 = arith.constant 0 : i32
    %c0_i32_1 = arith.constant 0 : i32
    return %c0_i32, %c0_i32_0 : i32, i32
  }
  func.func @transform_4(%arg0: i32) -> (i32, i32) {
    %c0_i32 = arith.constant 0 : i32
    %c0_i32_0 = arith.constant 0 : i32
    return %arg0, %c0_i32 : i32, i32
  }
}

</mosaic_0001>

<sc_bundles>
// kernel: kernel.10.cloned.1.call-start
scs
__scs_entry_jumppad:
0x0: {  	(pc) =	sbr.rel $0x88, $3  }
0x1: {  	(tag) =	ssettag $0x0;
	lr =	simm.s32 $0x1  }
0x2: {  	[smem:$0x3F99] =	sst lr;
	_ =	strace $0xD0000000  }
0x3: {  	_ = 	snop  }
0x4: {  	_ = 	snop  }
0x5: {  	_ = 	snop  }
0x6: {  	_ = 	snop  }
0x7: {  	_ = 	snop  }
__scs_overlays_trampoline_lowered:
0x8: {  	[smem:$0x3FA8] =	sst s0  }
0x9: {  	[smem:$0x3FA9] =	sst s1  }
0xa: {  	[smem:$0x3FAA] =	sst s2  }
0xb: {  	[smem:$0x3FAB] =	sst s3  }
0xc: {  	[smem:$0x3FAC] =	sst s4  }
0xd: {  	[smem:$0x3FAD] =	sst s5  }
0xe: {  	[smem:$0x3FAE] =	sst s6  }
0xf: {  	[smem:$0x3FAF] =	sst s7  }
0x10: {  	[smem:$0x3FB0] =	sst s8  }
0x11: {  	[smem:$0x3FB1] =	sst s9;
	s0 =	simm.s32 @!p0 $0x0  }
0x12: {  	s1 =	sld [smem:$0x3F97];
	s0 =	simm.s32 @p0 $0x1  }
0x13: {  	[smem:$0x3FB2] =	sst s0;
	s0 =	simm.s32 @!p1 $0x0  }
0x14: {  	s2 =	sld [smem:$0x3F96];
	s0 =	simm.s32 @p1 $0x1  }
0x15: {  	[smem:$0x3FB3] =	sst s0;
	s0 =	simm.s32 @!p2 $0x0  }
0x16: {  	s3 =	sld [smem:$0x3FDB];
	s0 =	simm.s32 @p2 $0x1  }
0x17: {  	s4 =	simm.s32 $0x1BF5;
	[smem:$0x3FB5] =	sst s0  }
0x18: {  	s0 =	sld [smem:$0x3F98];
	_ =	swait.ge [sflag:s4], $0x0  }
0x19: {  	s7 =	sld [smem:$0x3F99]  }
0x1a: {  	s8 =	sadd.s32 $0xFFFFE003, lr  }
0x1b: {  	s9 =	sadd.s32 $0xFFFFFEF7, lr;
	s5 =	simm.s32 $0xFFFFFFFF;
	p2 =	slt.u32 s8, $0xFFFFF086  }
0x1c: {  	p1 =	slt.u32 s9, $0xF7A;
	s5 =	simm.s32 @!p2 $0x0  }
0x1d: {  	s5 =	simm.s32 @p1 $0x1;
	p0 =	seq.s32 s7, s2  }
0x1e: {  	s7 =	smul.u32 @!p0 $0xF7A, s2;
	p2 =	seq.s32 @!p0 s5, $0x0  }
0x1f: {  	s9 =	smul.u32 $0xF7A, s1;
	s8 =	simm.s32 @!p0 $0x1BF5;
	p2 =	por !p2, p0  }
0x20: {  	[sflag:s8] =	ssyncset.s32 @!p0 $0xFFFFF086;
	s6 =	sadd.s32 @!p0 s3, s7;
	s7 =	simm.s32 @!p0 $0x108  }
0x21: {  	s3 =	sadd.s32 s3, s9;
	s6 =	sadd.s32 @!p0 $0x88, s6;
	s7 =	simm.s32 @p2 $0x1082  }
0x22: {  	[simem:s7], [sflag:s8] =	dma.local @!p0 [hbm:s6], $0xF7A  }
0x23: {  	s9 =	sor.u32 $0xD0000000, s2;
	s6 =	simm.s32 $0x108;
	_ =	swait.ge @!p0 [sflag:s8], $0x0  }
0x24: {  	s3 =	sadd.s32 $0x88, s3;
	s6 =	simm.s32 @!p1 $0x1082;
	[sflag:s4] =	ssyncset.s32 $0xFFFFF086  }
0x25: {  	[simem:s6], [sflag:s4] =	dma.local [hbm:s3], $0xF7A  }
0x26: {  	[smem:$0x3F99] =	sst s1;
	(tag) =	ssettag s2;
	_ =	strace s9  }
0x27: {  	s1 =	sld [smem:$0x3FA9]  }
0x28: {  	s2 =	sld [smem:$0x3FAA]  }
0x29: {  	s4 =	sld [smem:$0x3FAC]  }
0x2a: {  	p0 =	seq.s32 s5, $0x0;
	s5 =	sld [smem:$0x3FAD]  }
0x2b: {  	s6 =	sld [smem:$0x3FAE]  }
0x2c: {  	s7 =	sld [smem:$0x3FAF]  }
0x2d: {  	s3 =	simm.s32 $0x108;
	s8 =	sld [smem:$0x3FB0]  }
0x2e: {  	s3 =	simm.s32 @!p0 $0x1082;
	s9 =	sld [smem:$0x3FB1]  }
0x2f: {  	lr =	sadd.s32 s0, s3;
	s0 =	sld [smem:$0x3FA8]  }
0x30: {  	s3 =	sld [smem:$0x3FAB]  }
0x31: {  	[smem:$0x3FB4] =	sst s10  }
0x32: {  	s10 =	sld [smem:$0x3FB2];
	_ =	sdelay $0x3  }
0x33: {  	p0 =	seq.s32 s10, $0x1;
	s10 =	sld [smem:$0x3FB4];
	_ =	sdelay $0x3  }
0x34: {  	[smem:$0x3FB4] =	sst s10  }
0x35: {  	s10 =	sld [smem:$0x3FB3];
	_ =	sdelay $0x3  }
0x36: {  	p1 =	seq.s32 s10, $0x1;
	s10 =	sld [smem:$0x3FB4];
	_ =	sdelay $0x3  }
0x37: {  	[smem:$0x3FB4] =	sst s10  }
0x38: {  	s10 =	sld [smem:$0x3FB5]  }
0x39: {  	_ = 	snop;
	(pc) =	sbr.ind lr, $3  }
0x3a: {  	_ = 	snop  }
0x3b: {  	_ = 	snop  }
0x3c: {  	p2 =	seq.s32 s10, $0x1;
	s10 =	sld [smem:$0x3FB4]  }
0x3d: {  	_ =	shalt  }
0x3e: {  	_ =	shalt  }
0x3f: {  	_ =	shalt  }
0x40: {  	_ =	shalt  }
0x41: {  	_ =	shalt  }
0x42: {  	_ =	shalt  }
0x43: {  	_ =	shalt  }
0x44: {  	_ =	shalt  }
0x45: {  	_ =	shalt  }
0x46: {  	_ =	shalt  }
0x47: {  	_ =	shalt  }
0x48: {  	_ =	shalt  }
0x49: {  	_ =	shalt  }
0x4a: {  	_ =	shalt  }
0x4b: {  	_ =	shalt  }
0x4c: {  	_ =	shalt  }
0x4d: {  	_ =	shalt  }
0x4e: {  	_ =	shalt  }
0x4f: {  	_ =	shalt  }
0x50: {  	_ =	shalt  }
0x51: {  	_ =	shalt  }
0x52: {  	_ =	shalt  }
0x53: {  	_ =	shalt  }
0x54: {  	_ =	shalt  }
0x55: {  	_ =	shalt  }
0x56: {  	_ =	shalt  }
0x57: {  	_ =	shalt  }
0x58: {  	_ =	shalt  }
0x59: {  	_ =	shalt  }
0x5a: {  	_ =	shalt  }
0x5b: {  	_ =	shalt  }
0x5c: {  	_ =	shalt  }
0x5d: {  	_ =	shalt  }
0x5e: {  	_ =	shalt  }
0x5f: {  	_ =	shalt  }
0x60: {  	_ =	shalt  }
0x61: {  	_ =	shalt  }
0x62: {  	_ =	shalt  }
0x63: {  	_ =	shalt  }
0x64: {  	_ =	shalt  }
0x65: {  	_ =	shalt  }
0x66: {  	_ =	shalt  }
0x67: {  	_ =	shalt  }
0x68: {  	_ =	shalt  }
0x69: {  	_ =	shalt  }
0x6a: {  	_ =	shalt  }
0x6b: {  	_ =	shalt  }
0x6c: {  	_ =	shalt  }
0x6d: {  	_ =	shalt  }
0x6e: {  	_ =	shalt  }
0x6f: {  	_ =	shalt  }
0x70: {  	_ =	shalt  }
0x71: {  	_ =	shalt  }
0x72: {  	_ =	shalt  }
0x73: {  	_ =	shalt  }
0x74: {  	_ =	shalt  }
0x75: {  	_ =	shalt  }
0x76: {  	_ =	shalt  }
0x77: {  	_ =	shalt  }
0x78: {  	_ =	shalt  }
0x79: {  	_ =	shalt  }
0x7a: {  	_ =	shalt  }
0x7b: {  	_ =	shalt  }
0x7c: {  	_ =	shalt  }
0x7d: {  	_ =	shalt  }
0x7e: {  	_ =	shalt  }
0x7f: {  	_ =	shalt  }
0x80: {  	_ =	shalt  }
0x81: {  	_ =	shalt  }
0x82: {  	_ =	shalt  }
0x83: {  	_ =	shalt  }
0x84: {  	_ =	shalt  }
0x85: {  	_ =	shalt  }
0x86: {  	_ =	shalt  }
0x87: {  	_ =	shalt  }
.Lfunc_end0:
.L_simem_size_0:
called_computation_lowered:
.L_overlay_start_0:
0x88: {  	s2 =	sld [smem:$0x3FD9]  }
0x89: {  	s3 =	sld [smem:$0x3FFE];
	_ =	sdelay $0x1  }
0x8a: {  	s1 =	srdreg.scid  }
0x8b: {  	s0 =	sand.u32 $0x1, s1  }
0x8c: {  	s17 =	sshll.u32 s0, $0xA;
	s2 =	sadd.s32 s3, s2  }
0x8d: {  	s2 =	sadd.s32 s2, s17  }
0x8e: {  	[smem:$0x3FC0] =	sst s2  }
0x8f: {  	_ = 	snop  }
0x90: {  	s2 =	sld [smem:$0x3FD0];
	(tm) =	ssettm $0x1  }
0x91: {  	s18 =	sld [smem:$0x3FFB];
	_ =	sdelay $0x3  }
0x92: {  	_ =	strace s18  }
0x93: {  	s3 =	sld [smem:$0x3FFC];
	_ =	sdelay $0x3  }
0x94: {  	_ =	strace s3  }
0x95: {  	s3 =	sld [smem:$0x3FFD];
	_ =	sdelay $0x3  }
0x96: {  	_ =	strace s3  }
0x97: {  	_ =	strace $0x8FFFFFFF  }
0x98: {  	s19 =	sld [smem:$0x3FDB];
	_ =	sdelay $0x1  }
0x99: {  	s4 =	simm.s32 $_scs_section_size  }
0x9a: {  	s5 =	simm.s32 $_size__tile_overlayer_lowered;
	s6 =	simm.s32 $_tile_overlayer_lowered  }
0x9b: {  	s22 =	simm.s32 $0x1BFF;
	s21 =	sshll.u32 s6, $0x1;
	s3 =	sadd.s32 s4, s19  }
0x9c: {  	s7 =	simm.s32 $0x0;
	s20 =	sshll.u32 s5, $0x1;
	s5 =	sadd.s32 s21, s3  }
0x9d: {  	[timem:s7], [sflag:s22] =	dma.local [hbm:s5], s20  }
0x9e: {  	_ =	swait.ge [sflag:s22], s20  }
0x9f: {  	s4 =	ssub.s32 $0x0, s20;
	[sflag:s22] =	ssyncset.done $0x0  }
0xa0: {  	[sflag:s22] =	ssyncadd.s32 s4;
	_ =	sdelay $0x1  }
0xa1: {  	s23 =	simm.s32 $0x1B8B  }
0xa2: {  	_ =	swait.ge [sflag:s23], $0x1  }
0xa3: {  	[sflag:s23] =	ssyncset.done $0x0  }
0xa4: {  	s25 =	simm.s32 $0x1B8E;
	s24 =	sld [smem:$0x3FFE];
	[sflag:s23] =	ssyncadd.s32 $0xFFFFFFFF  }
0xa5: {  	s26 =	simm.s32 $execute0_lowered;
	[smem:$0x3FD2] =	sst s25  }
0xa6: {  	s5 =	sshll.u32 s26, $0x1;
	_ =	strace $0x80000046;
	[dreg:$0x1] =	wrdreg $0xFFFFFFFF  }
0xa7: {  	s28 =	simm.s32 $_size_execute0_lowered;
	s3 =	sadd.s32 s3, s5;
	[dreg:$0x0] =	wrdreg $0x0  }
0xa8: {  	s5 =	sshll.u32 s28, $0x1;
	[dreg:$0x2] =	wrdreg s3  }
0xa9: {  	[dreg:$0x3] =	wrdreg s5  }
0xaa: {  	[dreg:$0x4] =	wrdreg $0xC0  }
0xab: {  	_ =	task [dreg:s7], $0x5FFFF  }
0xac: {  	[dreg:$0x1] =	wrdreg $0xFFFFFFFF  }
0xad: {  	[dreg:$0x0] =	wrdreg $0x60  }
0xae: {  	[dreg:$0x2] =	wrdreg s24  }
0xaf: {  	[dreg:$0x3] =	wrdreg s2  }
0xb0: {  	[dreg:$0x4] =	wrdreg $0x30000  }
0xb1: {  	[dreg:$0x5] =	wrdreg $0x9  }
0xb2: {  	_ =	task.clear_ibuf [dreg:s7], $0x6FFFF;
	_ =	strace $0x90000046  }
0xb3: {  	s29 =	simm.s32 $0x9;
	_ =	strace $0x80000048  }
0xb4: {  	_ =	swait.ge [sflag:s29], $0x1  }
0xb5: {  	[sflag:s29] =	ssyncadd.s32 $0xFFFFFFFF  }
0xb6: {  	_ =	strace $0x90000048  }
0xb7: {  	_ =	sfence  }
0xb8: {  	s30 =	sld [smem:$0x0];
	_ =	sdelay $0x2  }
0xb9: {  	s31 =	sshll.u32 s1, $0xD;
	s1 =	sshrl.u32 s1, $0x2  }
0xba: {  	s3 =	sand.u32 $0x4000, s31;
	s1 =	sadd.s32 s1, s30  }
0xbb: {  	s0 =	sor.u32 s3, s0;
	s1 =	sshll.u32 s1, $0x11  }
0xbc: {  	s0 =	sor.u32 s1, s0  }
0xbd: {  	s0 =	sadd.s32 $0x8F2B, s0  }
0xbe: {  	[sflag:s0] =	ssyncadd.remote.s32 $0x1  }
0xbf: {  	_ =	sfence.sel $0xFFFF  }
0xc0: {  	[dreg:$0x0] =	wrdreg $0xFFFFFFFF;
	(pc) =	sbr.abs _section_cstart, $3  }
0xc1: {  	[dreg:$0x1] =	wrdreg $0xFFFFFFFF  }
0xc2: {  	_ =	task.clear_ibuf [dreg:s7], $0x2FFFF;
	_ =	strace $0x9FFFFFFF  }
0xc3: {  	(tm) =	ssettm $0x7FFFFFFF  }
tec
execute0_lowered:
.L_overlay_start_1:
0x0: {  	(tag) =	ssettag $0x1  }
0x1: {  	s5 =	rddreg [dreg:$0x0]  }
0x2: {  	s7 =	rddreg [dreg:$0x1]  }
0x3: {  	s0 =	srdreg.scid;
	s2 =	rddreg [dreg:$0x2];
	s3 =	simm.s32 $0x0  }
0x4: {  	s13 =	simm.s32 $0x80;
	s4 =	sand.u32 $0x1, s0;
	s0 =	stileid.u32  }
0x5: {  	s14 =	simm.s32 $0x1;
	s15 =	simm.s32 $0x0;
	s8 =	smul.u32 $0x2780, s0  }
0x6: {  	[smem:$0x7FF] =	sst s3;
	s1 =	sshll.u32 s4, $0x4;
	s9 =	smul.u32 $0x27800, s4  }
0x7: {  	s10 =	ssub.s32 $0x2, s4;
	s4 =	sadd.s32 $0x16400, s5;
	s1 =	sor.u32 s0, s1  }
0x8: {  	s31 =	sshll.u32 s0, $0x6;
	s11 =	sshrl.u32 s10, $0x1;
	s6 =	smul.u32 $0x500, s1  }
0x9: {  	s1 =	rddreg [dreg:$0x3];
	_ =	strace $0x80000047;
	s9 =	sadd.s32 s8, s9  }
0xa: {  	s10 =	ssub.s32 s10, s11;
	s12 =	sadd.s32 s8, s2;
	s11 =	sor.u32 $0x1C02, s31  }
0xb: {  	s9 =	sshrl.u32 s9, $0x3;
	s8 =	smax.u32 s10, $0x1;
	s10 =	simm.s32 $0x2800  }
0xc: {  	s12 =	sshrl.u32 s12, $0x3;
	s6 =	sadd.s32 s6, s5;
	s5 =	sadd.s32 $0x16600, s5  }
0xd: {  	s7 =	sadd.s32 s7, s9;
	s9 =	simm.s32 $0x2;
	s6 =	sadd.s32 $0x2400, s6  }
.LBB2_1:
0xe: {  	[tilespmem:s3], [sflag:$0x2] =	stream.linear.gather [hbm4b:s6+s3], $0x2800, $0x38;
	[tilespmem:$0x5780] =	vst v63  }
0xf: {  	_ =	swait.ge [sflag:s9], $0x2800  }
0x10: {  	[sflag:s9] =	ssyncset.done $0x0  }
0x11: {  	[sflag:s9] =	ssyncadd.s32 $0xFFFFD800  }
0x12: {  	[tilespmem:s10], [sflag:$0x2] =	stream.linear.gather [hbm4b:s4+s3], $0x800, $0x38;
	[tilespmem:$0x5780] =	vst v63  }
0x13: {  	_ =	swait.ge [sflag:s9], $0x800  }
0x14: {  	[sflag:s9] =	ssyncset.done $0x0  }
0x15: {  	[sflag:s9] =	ssyncadd.s32 $0xFFFFF800  }
0x16: {  	[spmem:s12], [sflag:s11] =	dma.local [hbm:s5], $0x4F0  }
0x17: {  	_ =	swait.ge [sflag:s9], $0x4F0  }
0x18: {  	[sflag:s9] =	ssyncset.done $0x0  }
0x19: {  	[sflag:s9] =	ssyncadd.s32 $0xFFFFFB10  }
0x1a: {  	s16 =	simm.s32 $0x0;
	[bflag:$0x0] =	sbarrier.arrive $0xFFFF  }
0x1b: {  	[spmem:s2] =	stream.indirect.scatter.add.f32 [tilespmem:s10], [sflag:$0x1], $0x10, s16, s13, $0xb8;
	[tilespmem:$0x5780] =	vst v63  }
0x1c: {  	s24 =	simm.s32 $0x80  }
0x1d: {  	[spmem:s2] =	stream.indirect.scatter.add.f32 [tilespmem:s10], [sflag:$0x1], $0x10, s24, s13, $0xb8;
	[tilespmem:$0x5780] =	vst v63  }
0x1e: {  	s25 =	simm.s32 $0x100  }
0x1f: {  	[spmem:s2] =	stream.indirect.scatter.add.f32 [tilespmem:s10], [sflag:$0x1], $0x10, s25, s13, $0xb8;
	[tilespmem:$0x5780] =	vst v63  }
0x20: {  	s26 =	simm.s32 $0x180  }
0x21: {  	[spmem:s2] =	stream.indirect.scatter.add.f32 [tilespmem:s10], [sflag:$0x1], $0x10, s26, s13, $0xb8;
	[tilespmem:$0x5780] =	vst v63  }
0x22: {  	s28 =	simm.s32 $0x200  }
0x23: {  	[spmem:s2] =	stream.indirect.scatter.add.f32 [tilespmem:s10], [sflag:$0x1], $0x10, s28, s13, $0xb8;
	[tilespmem:$0x5780] =	vst v63  }
0x24: {  	s29 =	simm.s32 $0x280  }
0x25: {  	[spmem:s2] =	stream.indirect.scatter.add.f32 [tilespmem:s10], [sflag:$0x1], $0x10, s29, s13, $0xb8;
	[tilespmem:$0x5780] =	vst v63  }
0x26: {  	s30 =	simm.s32 $0x300  }
0x27: {  	[spmem:s2] =	stream.indirect.scatter.add.f32 [tilespmem:s10], [sflag:$0x1], $0x10, s30, s13, $0xb8;
	[tilespmem:$0x5780] =	vst v63  }
0x28: {  	s31 =	simm.s32 $0x380  }
0x29: {  	[spmem:s2] =	stream.indirect.scatter.add.f32 [tilespmem:s10], [sflag:$0x1], $0x10, s31, s13, $0xb8;
	[tilespmem:$0x5780] =	vst v63  }
0x2a: {  	_ =	swait.ge [sflag:s14], $0x800  }
0x2b: {  	[sflag:s14] =	ssyncset.done $0x0  }
0x2c: {  	[sflag:s14] =	ssyncadd.s32 $0xFFFFF800  }
0x2d: {  	_ =	swait.ge [sflag:s14], $0x800  }
0x2e: {  	[sflag:s14] =	ssyncset.done $0x0  }
0x2f: {  	[sflag:s14] =	ssyncadd.s32 $0xFFFFF800  }
0x30: {  	_ =	swait.ge [sflag:s14], $0x800  }
0x31: {  	[sflag:s14] =	ssyncset.done $0x0  }
0x32: {  	[sflag:s14] =	ssyncadd.s32 $0xFFFFF800  }
0x33: {  	_ =	swait.ge [sflag:s14], $0x800  }
0x34: {  	[sflag:s14] =	ssyncset.done $0x0  }
0x35: {  	[sflag:s14] =	ssyncadd.s32 $0xFFFFF800  }
0x36: {  	_ =	swait.ge [sflag:s14], $0x800  }
0x37: {  	[sflag:s14] =	ssyncset.done $0x0  }
0x38: {  	[sflag:s14] =	ssyncadd.s32 $0xFFFFF800  }
0x39: {  	_ =	swait.ge [sflag:s14], $0x800  }
0x3a: {  	[sflag:s14] =	ssyncset.done $0x0  }
0x3b: {  	[sflag:s14] =	ssyncadd.s32 $0xFFFFF800  }
0x3c: {  	_ =	swait.ge [sflag:s14], $0x800  }
0x3d: {  	[sflag:s14] =	ssyncset.done $0x0  }
0x3e: {  	[sflag:s14] =	ssyncadd.s32 $0xFFFFF800  }
0x3f: {  	_ =	swait.ge [sflag:s14], $0x800  }
0x40: {  	s18 =	simm.s32 $0x2000;
	s16 =	simm.s32 $0x1000;
	[sflag:s14] =	ssyncset.done $0x0  }
.LBB2_2:
0x41: {  	s19 =	sshra.s32 s16, $0x2  }
0x42: {  	[sflag:s14] =	ssyncadd.s32 $0xFFFFF800;
	s16 =	smov.u32 s18;
	s17 =	sadd.s32 $0x1000, s18  }
0x43: {  	[spmem:s2] =	stream.indirect.scatter.add.f32 [tilespmem:s10], [sflag:$0x1], $0x10, s19, s13, $0xb8;
	[tilespmem:$0x5780] =	vst v63  }
0x44: {  	p0 =	sne.s32 s18, $0x9000;
	s18 =	sadd.s32 $0x80, s19  }
0x45: {  	[spmem:s2] =	stream.indirect.scatter.add.f32 [tilespmem:s10], [sflag:$0x1], $0x10, s18, s13, $0xb8;
	[tilespmem:$0x5780] =	vst v63  }
0x46: {  	s18 =	sadd.s32 $0x100, s19  }
0x47: {  	[spmem:s2] =	stream.indirect.scatter.add.f32 [tilespmem:s10], [sflag:$0x1], $0x10, s18, s13, $0xb8;
	[tilespmem:$0x5780] =	vst v63  }
0x48: {  	s18 =	sadd.s32 $0x180, s19  }
0x49: {  	[spmem:s2] =	stream.indirect.scatter.add.f32 [tilespmem:s10], [sflag:$0x1], $0x10, s18, s13, $0xb8;
	[tilespmem:$0x5780] =	vst v63  }
0x4a: {  	s18 =	sadd.s32 $0x200, s19  }
0x4b: {  	[spmem:s2] =	stream.indirect.scatter.add.f32 [tilespmem:s10], [sflag:$0x1], $0x10, s18, s13, $0xb8;
	[tilespmem:$0x5780] =	vst v63  }
0x4c: {  	s18 =	sadd.s32 $0x280, s19  }
0x4d: {  	[spmem:s2] =	stream.indirect.scatter.add.f32 [tilespmem:s10], [sflag:$0x1], $0x10, s18, s13, $0xb8;
	[tilespmem:$0x5780] =	vst v63  }
0x4e: {  	s18 =	sadd.s32 $0x300, s19  }
0x4f: {  	[spmem:s2] =	stream.indirect.scatter.add.f32 [tilespmem:s10], [sflag:$0x1], $0x10, s18, s13, $0xb8;
	[tilespmem:$0x5780] =	vst v63  }
0x50: {  	s18 =	sadd.s32 $0x380, s19  }
0x51: {  	[spmem:s2] =	stream.indirect.scatter.add.f32 [tilespmem:s10], [sflag:$0x1], $0x10, s18, s13, $0xb8;
	[tilespmem:$0x5780] =	vst v63  }
0x52: {  	_ =	swait.ge [sflag:s14], $0x800  }
0x53: {  	[sflag:s14] =	ssyncset.done $0x0  }
0x54: {  	[sflag:s14] =	ssyncadd.s32 $0xFFFFF800  }
0x55: {  	_ =	swait.ge [sflag:s14], $0x800  }
0x56: {  	[sflag:s14] =	ssyncset.done $0x0  }
0x57: {  	[sflag:s14] =	ssyncadd.s32 $0xFFFFF800  }
0x58: {  	_ =	swait.ge [sflag:s14], $0x800  }
0x59: {  	[sflag:s14] =	ssyncset.done $0x0  }
0x5a: {  	[sflag:s14] =	ssyncadd.s32 $0xFFFFF800  }
0x5b: {  	_ =	swait.ge [sflag:s14], $0x800  }
0x5c: {  	[sflag:s14] =	ssyncset.done $0x0  }
0x5d: {  	[sflag:s14] =	ssyncadd.s32 $0xFFFFF800  }
0x5e: {  	_ =	swait.ge [sflag:s14], $0x800  }
0x5f: {  	[sflag:s14] =	ssyncset.done $0x0  }
0x60: {  	[sflag:s14] =	ssyncadd.s32 $0xFFFFF800  }
0x61: {  	_ =	swait.ge [sflag:s14], $0x800  }
0x62: {  	[sflag:s14] =	ssyncset.done $0x0  }
0x63: {  	[sflag:s14] =	ssyncadd.s32 $0xFFFFF800  }
.Ltmp0:
0x64: {  	_ =	swait.ge [sflag:s14], $0x800;
	(pc) =	sbr.rel @p0 .LBB2_2-.Ltmp0, $4  }
0x65: {  	[sflag:s14] =	ssyncset.done $0x0  }
0x66: {  	[sflag:s14] =	ssyncadd.s32 $0xFFFFF800  }
0x67: {  	_ =	swait.ge [sflag:s14], $0x800  }
0x68: {  	s18 =	smov.u32 s17;
	[sflag:s14] =	ssyncset.done $0x0  }
0x69: {  	s16 =	sshra.s32 s16, $0x2;
	[sflag:s14] =	ssyncadd.s32 $0xFFFFF800  }
0x6a: {  	[spmem:s2] =	stream.indirect.scatter.add.f32 [tilespmem:s10], [sflag:$0x1], $0x10, s16, s13, $0xb8;
	[tilespmem:$0x5780] =	vst v63  }
0x6b: {  	s17 =	sadd.s32 $0x80, s16  }
0x6c: {  	[spmem:s2] =	stream.indirect.scatter.add.f32 [tilespmem:s10], [sflag:$0x1], $0x10, s17, s13, $0xb8;
	[tilespmem:$0x5780] =	vst v63  }
0x6d: {  	s26 =	sadd.s32 $0x100, s16  }
0x6e: {  	[spmem:s2] =	stream.indirect.scatter.add.f32 [tilespmem:s10], [sflag:$0x1], $0x10, s26, s13, $0xb8;
	[tilespmem:$0x5780] =	vst v63  }
0x6f: {  	s28 =	sadd.s32 $0x180, s16  }
0x70: {  	[spmem:s2] =	stream.indirect.scatter.add.f32 [tilespmem:s10], [sflag:$0x1], $0x10, s28, s13, $0xb8;
	[tilespmem:$0x5780] =	vst v63  }
0x71: {  	s29 =	sadd.s32 $0x200, s16  }
0x72: {  	[spmem:s2] =	stream.indirect.scatter.add.f32 [tilespmem:s10], [sflag:$0x1], $0x10, s29, s13, $0xb8;
	[tilespmem:$0x5780] =	vst v63  }
0x73: {  	s30 =	sadd.s32 $0x280, s16  }
0x74: {  	[spmem:s2] =	stream.indirect.scatter.add.f32 [tilespmem:s10], [sflag:$0x1], $0x10, s30, s13, $0xb8;
	[tilespmem:$0x5780] =	vst v63  }
0x75: {  	s31 =	sadd.s32 $0x300, s16  }
0x76: {  	[spmem:s2] =	stream.indirect.scatter.add.f32 [tilespmem:s10], [sflag:$0x1], $0x10, s31, s13, $0xb8;
	[tilespmem:$0x5780] =	vst v63  }
0x77: {  	s16 =	sadd.s32 $0x380, s16  }
0x78: {  	[spmem:s2] =	stream.indirect.scatter.add.f32 [tilespmem:s10], [sflag:$0x1], $0x10, s16, s13, $0xb8;
	[tilespmem:$0x5780] =	vst v63  }
0x79: {  	_ =	swait.ge [sflag:s14], $0x800  }
0x7a: {  	[sflag:s14] =	ssyncset.done $0x0  }
0x7b: {  	[sflag:s14] =	ssyncadd.s32 $0xFFFFF800  }
0x7c: {  	_ =	swait.ge [sflag:s14], $0x800  }
0x7d: {  	[sflag:s14] =	ssyncset.done $0x0  }
0x7e: {  	[sflag:s14] =	ssyncadd.s32 $0xFFFFF800  }
0x7f: {  	_ =	swait.ge [sflag:s14], $0x800  }
0x80: {  	[sflag:s14] =	ssyncset.done $0x0  }
0x81: {  	[sflag:s14] =	ssyncadd.s32 $0xFFFFF800  }
0x82: {  	_ =	swait.ge [sflag:s14], $0x800  }
0x83: {  	[sflag:s14] =	ssyncset.done $0x0  }
0x84: {  	[sflag:s14] =	ssyncadd.s32 $0xFFFFF800  }
0x85: {  	_ =	swait.ge [sflag:s14], $0x800  }
0x86: {  	[sflag:s14] =	ssyncset.done $0x0  }
0x87: {  	[sflag:s14] =	ssyncadd.s32 $0xFFFFF800  }
0x88: {  	_ =	swait.ge [sflag:s14], $0x800  }
0x89: {  	[sflag:s14] =	ssyncset.done $0x0  }
0x8a: {  	[sflag:s14] =	ssyncadd.s32 $0xFFFFF800  }
0x8b: {  	_ =	swait.ge [sflag:s14], $0x800  }
0x8c: {  	[sflag:s14] =	ssyncset.done $0x0  }
0x8d: {  	[sflag:s14] =	ssyncadd.s32 $0xFFFFF800  }
0x8e: {  	_ =	swait.ge [sflag:s14], $0x800  }
0x8f: {  	s15 =	sadd.s32 $0x1, s15;
	[sflag:s14] =	ssyncset.done $0x0  }
0x90: {  	p0 =	sne.s32 s15, s8;
	[sflag:s14] =	ssyncadd.s32 $0xFFFFF800  }
.Ltmp1:
0x91: {  	[bflag:$0x0] =	sbarrier.arrive $0xFFFF;
	(pc) =	sbr.rel @p0 .LBB2_1-.Ltmp1, $4  }
0x92: {  	[hbm:s7], [sflag:s11] =	dma.local [spmem:s12], $0x4F0  }
0x93: {  	_ =	swait.ge [sflag:s9], $0x4F0  }
0x94: {  	[sflag:s9] =	ssyncset.done $0x0  }
0x95: {  	[sflag:s9] =	ssyncadd.s32 $0xFFFFFB10  }
0x96: {  	_ =	sfence.sel $0x180000  }
0x97: {  	[bflag:$0x0] =	sbarrier.arrive $0xFFFF  }
0x98: {  	p0 =	sne.s32 s0, $0x0;
	_ =	strace $0x90000047  }
0x99: {  	s0 =	sadd.s32 @!p0 $0x100000, s1;
	[bflag:$0x2] =	sbarrier.arrive $0xFFFF  }
0x9a: {  	[sflag:s0] =	ssyncadd.tile.s32 @!p0 $0x1;
	_ =	shalt  }
.Lfunc_end2:
_tile_overlayer_lowered:
.L_overlay_start_2:
0x9b: {  	(tag) =	ssettag $0x2  }
0x9c: {  	s0 =	rddreg [dreg:$0x0];
	s2 =	stileid.u32  }
0x9d: {  	s1 =	rddreg [dreg:$0x1];
	p0 =	sne.s32 s2, $0x0  }
0x9e: {  	s3 =	rddreg [dreg:$0x2];
	[bflag:$0x3] =	sbarrier.arrive $0xFFFF;
	s2 =	simm.s32 @!p0 $0x1C02  }
0x9f: {  	[timem:s3], [sflag:s2] =	dma.local @!p0 [hbm:s0], s1  }
0xa0: {  	s0 =	simm.s32 @!p0 $0x2  }
0xa1: {  	_ =	swait.ge @!p0 [sflag:s0], s1  }
0xa2: {  	s1 =	ssub.s32 @!p0 $0x0, s1;
	[sflag:s0] =	ssyncset.done @!p0 $0x0  }
0xa3: {  	[sflag:s0] =	ssyncadd.s32 @!p0 s1  }
0xa4: {  	[bflag:$0x3] =	sbarrier.arrive $0xFFFF  }
0xa5: {  	_ =	shalt  }

// kernel: kernel.13.cloned.1.call-start
scs
__scs_entry_jumppad:
0x0: {  	(pc) =	sbr.rel $0x88, $3  }
0x1: {  	(tag) =	ssettag $0x0;
	lr =	simm.s32 $0x1  }
0x2: {  	[smem:$0x3F99] =	sst lr;
	_ =	strace $0xD0000000  }
0x3: {  	_ = 	snop  }
0x4: {  	_ = 	snop  }
0x5: {  	_ = 	snop  }
0x6: {  	_ = 	snop  }
0x7: {  	_ = 	snop  }
__scs_overlays_trampoline_lowered:
0x8: {  	[smem:$0x3FA8] =	sst s0  }
0x9: {  	[smem:$0x3FA9] =	sst s1  }
0xa: {  	[smem:$0x3FAA] =	sst s2  }
0xb: {  	[smem:$0x3FAB] =	sst s3  }
0xc: {  	[smem:$0x3FAC] =	sst s4  }
0xd: {  	[smem:$0x3FAD] =	sst s5  }
0xe: {  	[smem:$0x3FAE] =	sst s6  }
0xf: {  	[smem:$0x3FAF] =	sst s7  }
0x10: {  	[smem:$0x3FB0] =	sst s8  }
0x11: {  	[smem:$0x3FB1] =	sst s9;
	s0 =	simm.s32 @!p0 $0x0  }
0x12: {  	s1 =	sld [smem:$0x3F97];
	s0 =	simm.s32 @p0 $0x1  }
0x13: {  	[smem:$0x3FB2] =	sst s0;
	s0 =	simm.s32 @!p1 $0x0  }
0x14: {  	s2 =	sld [smem:$0x3F96];
	s0 =	simm.s32 @p1 $0x1  }
0x15: {  	[smem:$0x3FB3] =	sst s0;
	s0 =	simm.s32 @!p2 $0x0  }
0x16: {  	s3 =	sld [smem:$0x3FDB];
	s0 =	simm.s32 @p2 $0x1  }
0x17: {  	s4 =	simm.s32 $0x1BF5;
	[smem:$0x3FB5] =	sst s0  }
0x18: {  	s0 =	sld [smem:$0x3F98];
	_ =	swait.ge [sflag:s4], $0x0  }
0x19: {  	s7 =	sld [smem:$0x3F99]  }
0x1a: {  	s8 =	sadd.s32 $0xFFFFE003, lr  }
0x1b: {  	s9 =	sadd.s32 $0xFFFFFEF7, lr;
	s5 =	simm.s32 $0xFFFFFFFF;
	p2 =	slt.u32 s8, $0xFFFFF086  }
0x1c: {  	p1 =	slt.u32 s9, $0xF7A;
	s5 =	simm.s32 @!p2 $0x0  }
0x1d: {  	s5 =	simm.s32 @p1 $0x1;
	p0 =	seq.s32 s7, s2  }
0x1e: {  	s7 =	smul.u32 @!p0 $0xF7A, s2;
	p2 =	seq.s32 @!p0 s5, $0x0  }
0x1f: {  	s9 =	smul.u32 $0xF7A, s1;
	s8 =	simm.s32 @!p0 $0x1BF5;
	p2 =	por !p2, p0  }
0x20: {  	[sflag:s8] =	ssyncset.s32 @!p0 $0xFFFFF086;
	s6 =	sadd.s32 @!p0 s3, s7;
	s7 =	simm.s32 @!p0 $0x108  }
0x21: {  	s3 =	sadd.s32 s3, s9;
	s6 =	sadd.s32 @!p0 $0x88, s6;
	s7 =	simm.s32 @p2 $0x1082  }
0x22: {  	[simem:s7], [sflag:s8] =	dma.local @!p0 [hbm:s6], $0xF7A  }
0x23: {  	s9 =	sor.u32 $0xD0000000, s2;
	s6 =	simm.s32 $0x108;
	_ =	swait.ge @!p0 [sflag:s8], $0x0  }
0x24: {  	s3 =	sadd.s32 $0x88, s3;
	s6 =	simm.s32 @!p1 $0x1082;
	[sflag:s4] =	ssyncset.s32 $0xFFFFF086  }
0x25: {  	[simem:s6], [sflag:s4] =	dma.local [hbm:s3], $0xF7A  }
0x26: {  	[smem:$0x3F99] =	sst s1;
	(tag) =	ssettag s2;
	_ =	strace s9  }
0x27: {  	s1 =	sld [smem:$0x3FA9]  }
0x28: {  	s2 =	sld [smem:$0x3FAA]  }
0x29: {  	s4 =	sld [smem:$0x3FAC]  }
0x2a: {  	p0 =	seq.s32 s5, $0x0;
	s5 =	sld [smem:$0x3FAD]  }
0x2b: {  	s6 =	sld [smem:$0x3FAE]  }
0x2c: {  	s7 =	sld [smem:$0x3FAF]  }
0x2d: {  	s3 =	simm.s32 $0x108;
	s8 =	sld [smem:$0x3FB0]  }
0x2e: {  	s3 =	simm.s32 @!p0 $0x1082;
	s9 =	sld [smem:$0x3FB1]  }
0x2f: {  	lr =	sadd.s32 s0, s3;
	s0 =	sld [smem:$0x3FA8]  }
0x30: {  	s3 =	sld [smem:$0x3FAB]  }
0x31: {  	[smem:$0x3FB4] =	sst s10  }
0x32: {  	s10 =	sld [smem:$0x3FB2];
	_ =	sdelay $0x3  }
0x33: {  	p0 =	seq.s32 s10, $0x1;
	s10 =	sld [smem:$0x3FB4];
	_ =	sdelay $0x3  }
0x34: {  	[smem:$0x3FB4] =	sst s10  }
0x35: {  	s10 =	sld [smem:$0x3FB3];
	_ =	sdelay $0x3  }
0x36: {  	p1 =	seq.s32 s10, $0x1;
	s10 =	sld [smem:$0x3FB4];
	_ =	sdelay $0x3  }
0x37: {  	[smem:$0x3FB4] =	sst s10  }
0x38: {  	s10 =	sld [smem:$0x3FB5]  }
0x39: {  	_ = 	snop;
	(pc) =	sbr.ind lr, $3  }
0x3a: {  	_ = 	snop  }
0x3b: {  	_ = 	snop  }
0x3c: {  	p2 =	seq.s32 s10, $0x1;
	s10 =	sld [smem:$0x3FB4]  }
0x3d: {  	_ =	shalt  }
0x3e: {  	_ =	shalt  }
0x3f: {  	_ =	shalt  }
0x40: {  	_ =	shalt  }
0x41: {  	_ =	shalt  }
0x42: {  	_ =	shalt  }
0x43: {  	_ =	shalt  }
0x44: {  	_ =	shalt  }
0x45: {  	_ =	shalt  }
0x46: {  	_ =	shalt  }
0x47: {  	_ =	shalt  }
0x48: {  	_ =	shalt  }
0x49: {  	_ =	shalt  }
0x4a: {  	_ =	shalt  }
0x4b: {  	_ =	shalt  }
0x4c: {  	_ =	shalt  }
0x4d: {  	_ =	shalt  }
0x4e: {  	_ =	shalt  }
0x4f: {  	_ =	shalt  }
0x50: {  	_ =	shalt  }
0x51: {  	_ =	shalt  }
0x52: {  	_ =	shalt  }
0x53: {  	_ =	shalt  }
0x54: {  	_ =	shalt  }
0x55: {  	_ =	shalt  }
0x56: {  	_ =	shalt  }
0x57: {  	_ =	shalt  }
0x58: {  	_ =	shalt  }
0x59: {  	_ =	shalt  }
0x5a: {  	_ =	shalt  }
0x5b: {  	_ =	shalt  }
0x5c: {  	_ =	shalt  }
0x5d: {  	_ =	shalt  }
0x5e: {  	_ =	shalt  }
0x5f: {  	_ =	shalt  }
0x60: {  	_ =	shalt  }
0x61: {  	_ =	shalt  }
0x62: {  	_ =	shalt  }
0x63: {  	_ =	shalt  }
0x64: {  	_ =	shalt  }
0x65: {  	_ =	shalt  }
0x66: {  	_ =	shalt  }
0x67: {  	_ =	shalt  }
0x68: {  	_ =	shalt  }
0x69: {  	_ =	shalt  }
0x6a: {  	_ =	shalt  }
0x6b: {  	_ =	shalt  }
0x6c: {  	_ =	shalt  }
0x6d: {  	_ =	shalt  }
0x6e: {  	_ =	shalt  }
0x6f: {  	_ =	shalt  }
0x70: {  	_ =	shalt  }
0x71: {  	_ =	shalt  }
0x72: {  	_ =	shalt  }
0x73: {  	_ =	shalt  }
0x74: {  	_ =	shalt  }
0x75: {  	_ =	shalt  }
0x76: {  	_ =	shalt  }
0x77: {  	_ =	shalt  }
0x78: {  	_ =	shalt  }
0x79: {  	_ =	shalt  }
0x7a: {  	_ =	shalt  }
0x7b: {  	_ =	shalt  }
0x7c: {  	_ =	shalt  }
0x7d: {  	_ =	shalt  }
0x7e: {  	_ =	shalt  }
0x7f: {  	_ =	shalt  }
0x80: {  	_ =	shalt  }
0x81: {  	_ =	shalt  }
0x82: {  	_ =	shalt  }
0x83: {  	_ =	shalt  }
0x84: {  	_ =	shalt  }
0x85: {  	_ =	shalt  }
0x86: {  	_ =	shalt  }
0x87: {  	_ =	shalt  }
.Lfunc_end0:
.L_simem_size_0:
called_computation.1_lowered:
.L_overlay_start_0:
0x88: {  	s2 =	sld [smem:$0x3FD9]  }
0x89: {  	s3 =	sld [smem:$0x3FFE];
	_ =	sdelay $0x1  }
0x8a: {  	s1 =	srdreg.scid  }
0x8b: {  	s0 =	sand.u32 $0x1, s1  }
0x8c: {  	s17 =	sshll.u32 s0, $0xA;
	s2 =	sadd.s32 s3, s2  }
0x8d: {  	s2 =	sadd.s32 s2, s17  }
0x8e: {  	[smem:$0x3FC0] =	sst s2  }
0x8f: {  	_ = 	snop  }
0x90: {  	s2 =	sld [smem:$0x3FD0];
	(tm) =	ssettm $0x1  }
0x91: {  	s18 =	sld [smem:$0x3FFB];
	_ =	sdelay $0x3  }
0x92: {  	_ =	strace s18  }
0x93: {  	s3 =	sld [smem:$0x3FFC];
	_ =	sdelay $0x3  }
0x94: {  	_ =	strace s3  }
0x95: {  	s3 =	sld [smem:$0x3FFD];
	_ =	sdelay $0x3  }
0x96: {  	_ =	strace s3  }
0x97: {  	_ =	strace $0x8FFFFFFF  }
0x98: {  	s19 =	sld [smem:$0x3FDB];
	_ =	sdelay $0x1  }
0x99: {  	s4 =	simm.s32 $_scs_section_size  }
0x9a: {  	s5 =	simm.s32 $_size__tile_overlayer_lowered;
	s6 =	simm.s32 $_tile_overlayer_lowered  }
0x9b: {  	s22 =	simm.s32 $0x1BFF;
	s21 =	sshll.u32 s6, $0x1;
	s3 =	sadd.s32 s4, s19  }
0x9c: {  	s7 =	simm.s32 $0x0;
	s20 =	sshll.u32 s5, $0x1;
	s5 =	sadd.s32 s21, s3  }
0x9d: {  	[timem:s7], [sflag:s22] =	dma.local [hbm:s5], s20  }
0x9e: {  	_ =	swait.ge [sflag:s22], s20  }
0x9f: {  	s4 =	ssub.s32 $0x0, s20;
	[sflag:s22] =	ssyncset.done $0x0  }
0xa0: {  	[sflag:s22] =	ssyncadd.s32 s4;
	_ =	sdelay $0x1  }
0xa1: {  	s23 =	simm.s32 $0x1B8B  }
0xa2: {  	_ =	swait.ge [sflag:s23], $0x1  }
0xa3: {  	[sflag:s23] =	ssyncset.done $0x0  }
0xa4: {  	s25 =	simm.s32 $0x1B8E;
	s24 =	sld [smem:$0x3FFE];
	[sflag:s23] =	ssyncadd.s32 $0xFFFFFFFF  }
0xa5: {  	s26 =	simm.s32 $execute0_lowered;
	[smem:$0x3FD2] =	sst s25  }
0xa6: {  	s5 =	sshll.u32 s26, $0x1;
	_ =	strace $0x80000049;
	[dreg:$0x1] =	wrdreg $0xFFFFFFFF  }
0xa7: {  	s28 =	simm.s32 $_size_execute0_lowered;
	s3 =	sadd.s32 s3, s5;
	[dreg:$0x0] =	wrdreg $0x0  }
0xa8: {  	s5 =	sshll.u32 s28, $0x1;
	[dreg:$0x2] =	wrdreg s3  }
0xa9: {  	[dreg:$0x3] =	wrdreg s5  }
0xaa: {  	[dreg:$0x4] =	wrdreg $0xC0  }
0xab: {  	_ =	task [dreg:s7], $0x5FFFF  }
0xac: {  	[dreg:$0x1] =	wrdreg $0xFFFFFFFF  }
0xad: {  	[dreg:$0x0] =	wrdreg $0x60  }
0xae: {  	[dreg:$0x2] =	wrdreg s2  }
0xaf: {  	[dreg:$0x3] =	wrdreg s24  }
0xb0: {  	[dreg:$0x4] =	wrdreg $0x160000  }
0xb1: {  	[dreg:$0x5] =	wrdreg $0x9  }
0xb2: {  	_ =	task.clear_ibuf [dreg:s7], $0x6FFFF;
	_ =	strace $0x90000049  }
0xb3: {  	s29 =	simm.s32 $0x9;
	_ =	strace $0x8000004B  }
0xb4: {  	_ =	swait.ge [sflag:s29], $0x1  }
0xb5: {  	[sflag:s29] =	ssyncadd.s32 $0xFFFFFFFF  }
0xb6: {  	_ =	strace $0x9000004B  }
0xb7: {  	_ =	sfence  }
0xb8: {  	s30 =	sld [smem:$0x0];
	_ =	sdelay $0x2  }
0xb9: {  	s31 =	sshll.u32 s1, $0xD;
	s1 =	sshrl.u32 s1, $0x2  }
0xba: {  	s3 =	sand.u32 $0x4000, s31;
	s1 =	sadd.s32 s1, s30  }
0xbb: {  	s0 =	sor.u32 s3, s0;
	s1 =	sshll.u32 s1, $0x11  }
0xbc: {  	s0 =	sor.u32 s1, s0  }
0xbd: {  	s0 =	sadd.s32 $0x8F2B, s0  }
0xbe: {  	[sflag:s0] =	ssyncadd.remote.s32 $0x1  }
0xbf: {  	_ =	sfence.sel $0xFFFF  }
0xc0: {  	[dreg:$0x0] =	wrdreg $0xFFFFFFFF;
	(pc) =	sbr.abs _section_cstart, $3  }
0xc1: {  	[dreg:$0x1] =	wrdreg $0xFFFFFFFF  }
0xc2: {  	_ =	task.clear_ibuf [dreg:s7], $0x2FFFF;
	_ =	strace $0x9FFFFFFF  }
0xc3: {  	(tm) =	ssettm $0x7FFFFFFF  }
tec
execute0_lowered:
.L_overlay_start_1:
0x0: {  	(tag) =	ssettag $0x1  }
0x1: {  	s0 =	rddreg [dreg:$0x0]  }
0x2: {  	s1 =	rddreg [dreg:$0x1]  }
0x3: {  	s2 =	rddreg [dreg:$0x2]  }
0x4: {  	s11 =	stileid.u32;
	s4 =	srdreg.scid;
	s6 =	simm.s32 $0x0  }
0x5: {  	s10 =	simm.s32 $0xD;
	s14 =	simm.s32 $0x80;
	s15 =	simm.s32 $0xA000  }
0x6: {  	s16 =	simm.s32 $0xC000;
	s17 =	simm.s32 $0xE000;
	s18 =	simm.s32 $0x10000  }
0x7: {  	s19 =	simm.s32 $0x12000;
	s20 =	simm.s32 $0x14000;
	s28 =	simm.s32 $0x7  }
0x8: {  	s29 =	simm.s32 $0x8;
	s30 =	simm.s32 $0x9;
	s3 =	smul.u32 $0xA00, s11  }
0x9: {  	s31 =	simm.s32 $0xA;
	s4 =	sand.u32 $0x1, s4;
	s5 =	smul.u32 $0x9E00, s11  }
0xa: {  	[smem:$0x7FF] =	sst s6;
	s8 =	sadd.s32 $0x64600, s1;
	s26 =	sshll.u32 s11, $0x6  }
0xb: {  	s11 =	simm.s32 $0x0;
	s21 =	smul.u32 $0x9E000, s4;
	_ =	strace $0x8000004A  }
0xc: {  	s7 =	ssub.s32 $0x2, s4;
	[dreg:$0x4] =	wrdreg s8;
	s4 =	smul.u32 $0x13880, s4  }
0xd: {  	s12 =	sor.u32 $0x1C0D, s26;
	s26 =	simm.s32 $0x6;
	s3 =	sadd.s32 s3, s1  }
0xe: {  	s22 =	sshrl.u32 s7, $0x1;
	s25 =	sadd.s32 s5, s2;
	s6 =	sadd.s32 s5, s21  }
0xf: {  	s23 =	ssub.s32 s7, s22;
	s24 =	sadd.s32 $0xC400, s3;
	s3 =	sadd.s32 $0x2400, s3  }
0x10: {  	s7 =	sadd.s32 s0, s4;
	s13 =	sshrl.u32 s25, $0x3;
	s21 =	simm.s32 $0x1  }
0x11: {  	s22 =	simm.s32 $0x2;
	s25 =	simm.s32 $0x5;
	[dreg:$0x5] =	wrdreg s24  }
0x12: {  	s0 =	simm.s32 $0xB;
	s6 =	sshrl.u32 s6, $0x3;
	[dreg:$0x6] =	wrdreg s3  }
0x13: {  	s9 =	smax.u32 s23, $0x1;
	s23 =	simm.s32 $0x3;
	s1 =	sadd.s32 s6, s1  }
0x14: {  	s24 =	simm.s32 $0x4;
	s8 =	sadd.s32 $0x65A00, s1;
	s1 =	simm.s32 $0xC  }
.LBB2_1:
0x15: {  	s3 =	simm.s32 $0x0;
	s4 =	rddreg [dreg:$0x5]  }
0x16: {  	[tilespmem:s3], [sflag:$0xD] =	stream.linear.gather [hbm4b:s4+s3], $0x5000, $0x38;
	[tilespmem:$0x1FE00] =	vst v63  }
0x17: {  	_ =	swait.ge [sflag:s10], $0x5000  }
0x18: {  	[sflag:s10] =	ssyncset.done $0x0  }
0x19: {  	s5 =	simm.s32 $0x5000;
	s6 =	rddreg [dreg:$0x6];
	[sflag:s10] =	ssyncadd.s32 $0xFFFFB000  }
0x1a: {  	[tilespmem:s5], [sflag:$0xD] =	stream.linear.gather [hbm4b:s6+s3], $0x5000, $0x38;
	[tilespmem:$0x1FE00] =	vst v63  }
0x1b: {  	_ =	swait.ge [sflag:s10], $0x5000  }
0x1c: {  	[sflag:s10] =	ssyncset.done $0x0  }
0x1d: {  	s6 =	rddreg [dreg:$0x4];
	[sflag:s10] =	ssyncadd.s32 $0xFFFFB000  }
0x1e: {  	[spmem:s13], [sflag:s12] =	dma.local [hbm:s6], $0x13C0  }
0x1f: {  	_ =	swait.ge [sflag:s10], $0x13C0  }
0x20: {  	[sflag:s10] =	ssyncset.done $0x0  }
0x21: {  	[sflag:s10] =	ssyncadd.s32 $0xFFFFEC40  }
0x22: {  	s4 =	simm.s32 $0x0;
	[bflag:$0x0] =	sbarrier.arrive $0xFFFF  }
0x23: {  	[tilespmem:s15], [sflag:$0x1] =	stream.indirect.gather [hbm4b:s7+s14], $0x40, s4, s14, $0xb8;
	[tilespmem:$0x1FE00] =	vst v63  }
0x24: {  	s5 =	simm.s32 $0x80  }
0x25: {  	[tilespmem:s16], [sflag:$0x2] =	stream.indirect.gather [hbm4b:s7+s14], $0x40, s5, s14, $0xb8;
	[tilespmem:$0x1FE00] =	vst v63  }
0x26: {  	s6 =	simm.s32 $0x100  }
0x27: {  	[tilespmem:s17], [sflag:$0x3] =	stream.indirect.gather [hbm4b:s7+s14], $0x40, s6, s14, $0xb8;
	[tilespmem:$0x1FE00] =	vst v63  }
0x28: {  	s4 =	simm.s32 $0x180  }
0x29: {  	[tilespmem:s18], [sflag:$0x4] =	stream.indirect.gather [hbm4b:s7+s14], $0x40, s4, s14, $0xb8;
	[tilespmem:$0x1FE00] =	vst v63  }
0x2a: {  	s5 =	simm.s32 $0x200  }
0x2b: {  	[tilespmem:s19], [sflag:$0x5] =	stream.indirect.gather [hbm4b:s7+s14], $0x40, s5, s14, $0xb8;
	[tilespmem:$0x1FE00] =	vst v63  }
0x2c: {  	s6 =	simm.s32 $0x280  }
0x2d: {  	[tilespmem:s20], [sflag:$0x6] =	stream.indirect.gather [hbm4b:s7+s14], $0x40, s6, s14, $0xb8;
	[tilespmem:$0x1FE00] =	vst v63  }
0x2e: {  	_ =	swait.ge [sflag:s21], $0x2000  }
0x2f: {  	[sflag:s21] =	ssyncset.done $0x0  }
0x30: {  	s4 =	simm.s32 $0x5000;
	[sflag:s21] =	ssyncadd.s32 $0xFFFFE000  }
0x31: {  	[spmem:s2] =	stream.indirect.scatter.add.f32 [tilespmem:s15], [sflag:$0x7], $0x40, s4, s14, $0xb8;
	[tilespmem:$0x1FE00] =	vst v63  }
0x32: {  	_ =	swait.ge [sflag:s22], $0x2000  }
0x33: {  	[sflag:s22] =	ssyncset.done $0x0  }
0x34: {  	s5 =	simm.s32 $0x5080;
	[sflag:s22] =	ssyncadd.s32 $0xFFFFE000  }
0x35: {  	[spmem:s2] =	stream.indirect.scatter.add.f32 [tilespmem:s16], [sflag:$0x8], $0x40, s5, s14, $0xb8;
	[tilespmem:$0x1FE00] =	vst v63  }
0x36: {  	_ =	swait.ge [sflag:s23], $0x2000  }
0x37: {  	[sflag:s23] =	ssyncset.done $0x0  }
0x38: {  	s6 =	simm.s32 $0x5100;
	[sflag:s23] =	ssyncadd.s32 $0xFFFFE000  }
0x39: {  	[spmem:s2] =	stream.indirect.scatter.add.f32 [tilespmem:s17], [sflag:$0x9], $0x40, s6, s14, $0xb8;
	[tilespmem:$0x1FE00] =	vst v63  }
0x3a: {  	_ =	swait.ge [sflag:s24], $0x2000  }
0x3b: {  	[sflag:s24] =	ssyncset.done $0x0  }
0x3c: {  	s4 =	simm.s32 $0x5180;
	[sflag:s24] =	ssyncadd.s32 $0xFFFFE000  }
0x3d: {  	[spmem:s2] =	stream.indirect.scatter.add.f32 [tilespmem:s18], [sflag:$0xA], $0x40, s4, s14, $0xb8;
	[tilespmem:$0x1FE00] =	vst v63  }
0x3e: {  	_ =	swait.ge [sflag:s25], $0x2000  }
0x3f: {  	[sflag:s25] =	ssyncset.done $0x0  }
0x40: {  	s5 =	simm.s32 $0x5200;
	[sflag:s25] =	ssyncadd.s32 $0xFFFFE000  }
0x41: {  	[spmem:s2] =	stream.indirect.scatter.add.f32 [tilespmem:s19], [sflag:$0xB], $0x40, s5, s14, $0xb8;
	[tilespmem:$0x1FE00] =	vst v63  }
0x42: {  	_ =	swait.ge [sflag:s26], $0x2000  }
0x43: {  	[sflag:s26] =	ssyncset.done $0x0  }
0x44: {  	s6 =	simm.s32 $0x5280;
	[sflag:s26] =	ssyncadd.s32 $0xFFFFE000  }
0x45: {  	[spmem:s2] =	stream.indirect.scatter.add.f32 [tilespmem:s20], [sflag:$0xC], $0x40, s6, s14, $0xb8;
	[tilespmem:$0x1FE00] =	vst v63  }
0x46: {  	_ =	swait.ge [sflag:s28], $0x2000  }
0x47: {  	[sflag:s28] =	ssyncset.done $0x0  }
0x48: {  	[sflag:s28] =	ssyncadd.s32 $0xFFFFE000  }
0x49: {  	_ =	swait.ge [sflag:s29], $0x2000  }
0x4a: {  	[sflag:s29] =	ssyncset.done $0x0  }
0x4b: {  	[sflag:s29] =	ssyncadd.s32 $0xFFFFE000  }
0x4c: {  	_ =	swait.ge [sflag:s30], $0x2000  }
0x4d: {  	[sflag:s30] =	ssyncset.done $0x0  }
0x4e: {  	[sflag:s30] =	ssyncadd.s32 $0xFFFFE000  }
0x4f: {  	_ =	swait.ge [sflag:s31], $0x2000  }
0x50: {  	[sflag:s31] =	ssyncset.done $0x0  }
0x51: {  	[sflag:s31] =	ssyncadd.s32 $0xFFFFE000  }
0x52: {  	_ =	swait.ge [sflag:s0], $0x2000  }
0x53: {  	[sflag:s0] =	ssyncset.done $0x0  }
0x54: {  	[sflag:s0] =	ssyncadd.s32 $0xFFFFE000  }
0x55: {  	_ =	swait.ge [sflag:s1], $0x2000  }
0x56: {  	s3 =	simm.s32 $0xC00;
	s4 =	simm.s32 $0x1800;
	[sflag:s1] =	ssyncset.done $0x0  }
.LBB2_2:
0x57: {  	s5 =	sshra.s32 s3, $0x2  }
0x58: {  	[sflag:s1] =	ssyncadd.s32 $0xFFFFE000;
	s3 =	smov.u32 s4;
	s6 =	sadd.s32 $0xC00, s4  }
0x59: {  	[tilespmem:s15], [sflag:$0x1] =	stream.indirect.gather [hbm4b:s7+s14], $0x40, s5, s14, $0xb8;
	[tilespmem:$0x1FE00] =	vst v63  }
0x5a: {  	p0 =	sne.s32 s4, $0x12C00;
	s4 =	sadd.s32 $0x80, s5  }
0x5b: {  	[tilespmem:s16], [sflag:$0x2] =	stream.indirect.gather [hbm4b:s7+s14], $0x40, s4, s14, $0xb8;
	[tilespmem:$0x1FE00] =	vst v63  }
0x5c: {  	s4 =	sadd.s32 $0x100, s5  }
0x5d: {  	[tilespmem:s17], [sflag:$0x3] =	stream.indirect.gather [hbm4b:s7+s14], $0x40, s4, s14, $0xb8;
	[tilespmem:$0x1FE00] =	vst v63  }
0x5e: {  	s4 =	sadd.s32 $0x180, s5  }
0x5f: {  	[tilespmem:s18], [sflag:$0x4] =	stream.indirect.gather [hbm4b:s7+s14], $0x40, s4, s14, $0xb8;
	[tilespmem:$0x1FE00] =	vst v63  }
0x60: {  	s4 =	sadd.s32 $0x200, s5  }
0x61: {  	[tilespmem:s19], [sflag:$0x5] =	stream.indirect.gather [hbm4b:s7+s14], $0x40, s4, s14, $0xb8;
	[tilespmem:$0x1FE00] =	vst v63  }
0x62: {  	s4 =	sadd.s32 $0x280, s5  }
0x63: {  	[tilespmem:s20], [sflag:$0x6] =	stream.indirect.gather [hbm4b:s7+s14], $0x40, s4, s14, $0xb8;
	[tilespmem:$0x1FE00] =	vst v63  }
0x64: {  	_ =	swait.ge [sflag:s21], $0x2000  }
0x65: {  	[sflag:s21] =	ssyncset.done $0x0  }
0x66: {  	s4 =	sadd.s32 $0x5000, s5;
	[sflag:s21] =	ssyncadd.s32 $0xFFFFE000  }
0x67: {  	[spmem:s2] =	stream.indirect.scatter.add.f32 [tilespmem:s15], [sflag:$0x7], $0x40, s4, s14, $0xb8;
	[tilespmem:$0x1FE00] =	vst v63  }
0x68: {  	_ =	swait.ge [sflag:s22], $0x2000  }
0x69: {  	[sflag:s22] =	ssyncset.done $0x0  }
0x6a: {  	s4 =	sadd.s32 $0x5080, s5;
	[sflag:s22] =	ssyncadd.s32 $0xFFFFE000  }
0x6b: {  	[spmem:s2] =	stream.indirect.scatter.add.f32 [tilespmem:s16], [sflag:$0x8], $0x40, s4, s14, $0xb8;
	[tilespmem:$0x1FE00] =	vst v63  }
0x6c: {  	_ =	swait.ge [sflag:s23], $0x2000  }
0x6d: {  	[sflag:s23] =	ssyncset.done $0x0  }
0x6e: {  	s4 =	sadd.s32 $0x5100, s5;
	[sflag:s23] =	ssyncadd.s32 $0xFFFFE000  }
0x6f: {  	[spmem:s2] =	stream.indirect.scatter.add.f32 [tilespmem:s17], [sflag:$0x9], $0x40, s4, s14, $0xb8;
	[tilespmem:$0x1FE00] =	vst v63  }
0x70: {  	_ =	swait.ge [sflag:s24], $0x2000  }
0x71: {  	[sflag:s24] =	ssyncset.done $0x0  }
0x72: {  	s4 =	sadd.s32 $0x5180, s5;
	[sflag:s24] =	ssyncadd.s32 $0xFFFFE000  }
0x73: {  	[spmem:s2] =	stream.indirect.scatter.add.f32 [tilespmem:s18], [sflag:$0xA], $0x40, s4, s14, $0xb8;
	[tilespmem:$0x1FE00] =	vst v63  }
0x74: {  	_ =	swait.ge [sflag:s25], $0x2000  }
0x75: {  	[sflag:s25] =	ssyncset.done $0x0  }
0x76: {  	s4 =	sadd.s32 $0x5200, s5;
	[sflag:s25] =	ssyncadd.s32 $0xFFFFE000  }
0x77: {  	[spmem:s2] =	stream.indirect.scatter.add.f32 [tilespmem:s19], [sflag:$0xB], $0x40, s4, s14, $0xb8;
	[tilespmem:$0x1FE00] =	vst v63  }
0x78: {  	_ =	swait.ge [sflag:s26], $0x2000  }
0x79: {  	[sflag:s26] =	ssyncset.done $0x0  }
0x7a: {  	s4 =	sadd.s32 $0x5280, s5;
	[sflag:s26] =	ssyncadd.s32 $0xFFFFE000  }
0x7b: {  	[spmem:s2] =	stream.indirect.scatter.add.f32 [tilespmem:s20], [sflag:$0xC], $0x40, s4, s14, $0xb8;
	[tilespmem:$0x1FE00] =	vst v63  }
0x7c: {  	_ =	swait.ge [sflag:s28], $0x2000  }
0x7d: {  	[sflag:s28] =	ssyncset.done $0x0  }
0x7e: {  	[sflag:s28] =	ssyncadd.s32 $0xFFFFE000  }
0x7f: {  	_ =	swait.ge [sflag:s29], $0x2000  }
0x80: {  	[sflag:s29] =	ssyncset.done $0x0  }
0x81: {  	[sflag:s29] =	ssyncadd.s32 $0xFFFFE000  }
0x82: {  	_ =	swait.ge [sflag:s30], $0x2000  }
0x83: {  	[sflag:s30] =	ssyncset.done $0x0  }
0x84: {  	[sflag:s30] =	ssyncadd.s32 $0xFFFFE000  }
0x85: {  	_ =	swait.ge [sflag:s31], $0x2000  }
0x86: {  	[sflag:s31] =	ssyncset.done $0x0  }
0x87: {  	[sflag:s31] =	ssyncadd.s32 $0xFFFFE000  }
.Ltmp0:
0x88: {  	_ =	swait.ge [sflag:s0], $0x2000;
	(pc) =	sbr.rel @p0 .LBB2_2-.Ltmp0, $4  }
0x89: {  	[sflag:s0] =	ssyncset.done $0x0  }
0x8a: {  	[sflag:s0] =	ssyncadd.s32 $0xFFFFE000  }
0x8b: {  	_ =	swait.ge [sflag:s1], $0x2000  }
0x8c: {  	s4 =	smov.u32 s6;
	[sflag:s1] =	ssyncset.done $0x0  }
0x8d: {  	s3 =	sshra.s32 s3, $0x2;
	[sflag:s1] =	ssyncadd.s32 $0xFFFFE000  }
0x8e: {  	[tilespmem:s15], [sflag:$0x1] =	stream.indirect.gather [hbm4b:s7+s14], $0x40, s3, s14, $0xb8;
	[tilespmem:$0x1FE00] =	vst v63  }
0x8f: {  	s4 =	sadd.s32 $0x80, s3  }
0x90: {  	[tilespmem:s16], [sflag:$0x2] =	stream.indirect.gather [hbm4b:s7+s14], $0x40, s4, s14, $0xb8;
	[tilespmem:$0x1FE00] =	vst v63  }
0x91: {  	s6 =	sadd.s32 $0x100, s3  }
0x92: {  	[tilespmem:s17], [sflag:$0x3] =	stream.indirect.gather [hbm4b:s7+s14], $0x40, s6, s14, $0xb8;
	[tilespmem:$0x1FE00] =	vst v63  }
0x93: {  	s5 =	sadd.s32 $0x180, s3  }
0x94: {  	[tilespmem:s18], [sflag:$0x4] =	stream.indirect.gather [hbm4b:s7+s14], $0x40, s5, s14, $0xb8;
	[tilespmem:$0x1FE00] =	vst v63  }
0x95: {  	s6 =	sadd.s32 $0x200, s3  }
0x96: {  	[tilespmem:s19], [sflag:$0x5] =	stream.indirect.gather [hbm4b:s7+s14], $0x40, s6, s14, $0xb8;
	[tilespmem:$0x1FE00] =	vst v63  }
0x97: {  	s5 =	sadd.s32 $0x280, s3  }
0x98: {  	[tilespmem:s20], [sflag:$0x6] =	stream.indirect.gather [hbm4b:s7+s14], $0x40, s5, s14, $0xb8;
	[tilespmem:$0x1FE00] =	vst v63  }
0x99: {  	_ =	swait.ge [sflag:s21], $0x2000  }
0x9a: {  	[sflag:s21] =	ssyncset.done $0x0  }
0x9b: {  	s6 =	sadd.s32 $0x5000, s3;
	[sflag:s21] =	ssyncadd.s32 $0xFFFFE000  }
0x9c: {  	[spmem:s2] =	stream.indirect.scatter.add.f32 [tilespmem:s15], [sflag:$0x7], $0x40, s6, s14, $0xb8;
	[tilespmem:$0x1FE00] =	vst v63  }
0x9d: {  	_ =	swait.ge [sflag:s22], $0x2000  }
0x9e: {  	[sflag:s22] =	ssyncset.done $0x0  }
0x9f: {  	s5 =	sadd.s32 $0x5080, s3;
	[sflag:s22] =	ssyncadd.s32 $0xFFFFE000  }
0xa0: {  	[spmem:s2] =	stream.indirect.scatter.add.f32 [tilespmem:s16], [sflag:$0x8], $0x40, s5, s14, $0xb8;
	[tilespmem:$0x1FE00] =	vst v63  }
0xa1: {  	_ =	swait.ge [sflag:s23], $0x2000  }
0xa2: {  	[sflag:s23] =	ssyncset.done $0x0  }
0xa3: {  	s6 =	sadd.s32 $0x5100, s3;
	[sflag:s23] =	ssyncadd.s32 $0xFFFFE000  }
0xa4: {  	[spmem:s2] =	stream.indirect.scatter.add.f32 [tilespmem:s17], [sflag:$0x9], $0x40, s6, s14, $0xb8;
	[tilespmem:$0x1FE00] =	vst v63  }
0xa5: {  	_ =	swait.ge [sflag:s24], $0x2000  }
0xa6: {  	[sflag:s24] =	ssyncset.done $0x0  }
0xa7: {  	s5 =	sadd.s32 $0x5180, s3;
	[sflag:s24] =	ssyncadd.s32 $0xFFFFE000  }
0xa8: {  	[spmem:s2] =	stream.indirect.scatter.add.f32 [tilespmem:s18], [sflag:$0xA], $0x40, s5, s14, $0xb8;
	[tilespmem:$0x1FE00] =	vst v63  }
0xa9: {  	_ =	swait.ge [sflag:s25], $0x2000  }
0xaa: {  	[sflag:s25] =	ssyncset.done $0x0  }
0xab: {  	s6 =	sadd.s32 $0x5200, s3;
	[sflag:s25] =	ssyncadd.s32 $0xFFFFE000  }
0xac: {  	[spmem:s2] =	stream.indirect.scatter.add.f32 [tilespmem:s19], [sflag:$0xB], $0x40, s6, s14, $0xb8;
	[tilespmem:$0x1FE00] =	vst v63  }
0xad: {  	_ =	swait.ge [sflag:s26], $0x2000  }
0xae: {  	[sflag:s26] =	ssyncset.done $0x0  }
0xaf: {  	s3 =	sadd.s32 $0x5280, s3;
	[sflag:s26] =	ssyncadd.s32 $0xFFFFE000  }
0xb0: {  	[spmem:s2] =	stream.indirect.scatter.add.f32 [tilespmem:s20], [sflag:$0xC], $0x40, s3, s14, $0xb8;
	[tilespmem:$0x1FE00] =	vst v63  }
0xb1: {  	_ =	swait.ge [sflag:s28], $0x2000  }
0xb2: {  	[sflag:s28] =	ssyncset.done $0x0  }
0xb3: {  	[sflag:s28] =	ssyncadd.s32 $0xFFFFE000  }
0xb4: {  	_ =	swait.ge [sflag:s29], $0x2000  }
0xb5: {  	[sflag:s29] =	ssyncset.done $0x0  }
0xb6: {  	[sflag:s29] =	ssyncadd.s32 $0xFFFFE000  }
0xb7: {  	_ =	swait.ge [sflag:s30], $0x2000  }
0xb8: {  	[sflag:s30] =	ssyncset.done $0x0  }
0xb9: {  	[sflag:s30] =	ssyncadd.s32 $0xFFFFE000  }
0xba: {  	_ =	swait.ge [sflag:s31], $0x2000  }
0xbb: {  	[sflag:s31] =	ssyncset.done $0x0  }
0xbc: {  	[sflag:s31] =	ssyncadd.s32 $0xFFFFE000  }
0xbd: {  	_ =	swait.ge [sflag:s0], $0x2000  }
0xbe: {  	[sflag:s0] =	ssyncset.done $0x0  }
0xbf: {  	[sflag:s0] =	ssyncadd.s32 $0xFFFFE000  }
0xc0: {  	_ =	swait.ge [sflag:s1], $0x2000  }
0xc1: {  	[sflag:s1] =	ssyncset.done $0x0  }
0xc2: {  	s5 =	simm.s32 $0x4E00;
	[sflag:s1] =	ssyncadd.s32 $0xFFFFE000  }
0xc3: {  	[tilespmem:s15], [sflag:$0x1] =	stream.indirect.gather [hbm4b:s7+s14], $0x40, s5, s14, $0xb8;
	[tilespmem:$0x1FE00] =	vst v63  }
0xc4: {  	s6 =	simm.s32 $0x4E80  }
0xc5: {  	[tilespmem:s16], [sflag:$0x2] =	stream.indirect.gather [hbm4b:s7+s14], $0x40, s6, s14, $0xb8;
	[tilespmem:$0x1FE00] =	vst v63  }
0xc6: {  	s4 =	simm.s32 $0x4F00  }
0xc7: {  	[tilespmem:s17], [sflag:$0x3] =	stream.indirect.gather [hbm4b:s7+s14], $0x40, s4, s14, $0xb8;
	[tilespmem:$0x1FE00] =	vst v63  }
0xc8: {  	s5 =	simm.s32 $0x4F80  }
0xc9: {  	[tilespmem:s18], [sflag:$0x4] =	stream.indirect.gather [hbm4b:s7+s14], $0x40, s5, s14, $0xb8;
	[tilespmem:$0x1FE00] =	vst v63  }
0xca: {  	_ =	swait.ge [sflag:s21], $0x2000  }
0xcb: {  	[sflag:s21] =	ssyncset.done $0x0  }
0xcc: {  	s6 =	simm.s32 $0x9E00;
	[sflag:s21] =	ssyncadd.s32 $0xFFFFE000  }
0xcd: {  	[spmem:s2] =	stream.indirect.scatter.add.f32 [tilespmem:s15], [sflag:$0x7], $0x40, s6, s14, $0xb8;
	[tilespmem:$0x1FE00] =	vst v63  }
0xce: {  	_ =	swait.ge [sflag:s22], $0x2000  }
0xcf: {  	[sflag:s22] =	ssyncset.done $0x0  }
0xd0: {  	s4 =	simm.s32 $0x9E80;
	[sflag:s22] =	ssyncadd.s32 $0xFFFFE000  }
0xd1: {  	[spmem:s2] =	stream.indirect.scatter.add.f32 [tilespmem:s16], [sflag:$0x8], $0x40, s4, s14, $0xb8;
	[tilespmem:$0x1FE00] =	vst v63  }
0xd2: {  	_ =	swait.ge [sflag:s23], $0x2000  }
0xd3: {  	[sflag:s23] =	ssyncset.done $0x0  }
0xd4: {  	s5 =	simm.s32 $0x9F00;
	[sflag:s23] =	ssyncadd.s32 $0xFFFFE000  }
0xd5: {  	[spmem:s2] =	stream.indirect.scatter.add.f32 [tilespmem:s17], [sflag:$0x9], $0x40, s5, s14, $0xb8;
	[tilespmem:$0x1FE00] =	vst v63  }
0xd6: {  	_ =	swait.ge [sflag:s24], $0x2000  }
0xd7: {  	[sflag:s24] =	ssyncset.done $0x0  }
0xd8: {  	s6 =	simm.s32 $0x9F80;
	[sflag:s24] =	ssyncadd.s32 $0xFFFFE000  }
0xd9: {  	[spmem:s2] =	stream.indirect.scatter.add.f32 [tilespmem:s18], [sflag:$0xA], $0x40, s6, s14, $0xb8;
	[tilespmem:$0x1FE00] =	vst v63  }
0xda: {  	_ =	swait.ge [sflag:s28], $0x2000  }
0xdb: {  	[sflag:s28] =	ssyncset.done $0x0  }
0xdc: {  	[sflag:s28] =	ssyncadd.s32 $0xFFFFE000  }
0xdd: {  	_ =	swait.ge [sflag:s29], $0x2000  }
0xde: {  	[sflag:s29] =	ssyncset.done $0x0  }
0xdf: {  	[sflag:s29] =	ssyncadd.s32 $0xFFFFE000  }
0xe0: {  	_ =	swait.ge [sflag:s30], $0x2000  }
0xe1: {  	[sflag:s30] =	ssyncset.done $0x0  }
0xe2: {  	[sflag:s30] =	ssyncadd.s32 $0xFFFFE000  }
0xe3: {  	_ =	swait.ge [sflag:s31], $0x2000  }
0xe4: {  	s11 =	sadd.s32 $0x1, s11;
	[sflag:s31] =	ssyncset.done $0x0  }
0xe5: {  	p0 =	sne.s32 s11, s9;
	[sflag:s31] =	ssyncadd.s32 $0xFFFFE000  }
.Ltmp1:
0xe6: {  	[bflag:$0x0] =	sbarrier.arrive $0xFFFF;
	(pc) =	sbr.rel @p0 .LBB2_1-.Ltmp1, $4  }
0xe7: {  	[hbm:s8], [sflag:s12] =	dma.local [spmem:s13], $0x13C0  }
0xe8: {  	_ =	swait.ge [sflag:s10], $0x13C0  }
0xe9: {  	[sflag:s10] =	ssyncset.done $0x0  }
0xea: {  	[sflag:s10] =	ssyncadd.s32 $0xFFFFEC40  }
0xeb: {  	_ =	sfence.sel $0x180000  }
0xec: {  	[bflag:$0x0] =	sbarrier.arrive $0xFFFF  }
0xed: {  	_ =	strace $0x9000004A  }
0xee: {  	s0 =	stileid.u32;
	[bflag:$0x2] =	sbarrier.arrive $0xFFFF  }
0xef: {  	p0 =	sne.s32 s0, $0x0;
	s0 =	rddreg [dreg:$0x3]  }
0xf0: {  	s0 =	sadd.s32 @!p0 $0x100000, s0  }
0xf1: {  	[sflag:s0] =	ssyncadd.tile.s32 @!p0 $0x1;
	_ =	shalt  }
.Lfunc_end2:
_tile_overlayer_lowered:
.L_overlay_start_2:
0xf2: {  	(tag) =	ssettag $0x2  }
0xf3: {  	s0 =	rddreg [dreg:$0x0];
	s2 =	stileid.u32  }
0xf4: {  	s1 =	rddreg [dreg:$0x1];
	p0 =	sne.s32 s2, $0x0  }
0xf5: {  	s3 =	rddreg [dreg:$0x2];
	[bflag:$0x3] =	sbarrier.arrive $0xFFFF;
	s2 =	simm.s32 @!p0 $0x1C0D  }
0xf6: {  	[timem:s3], [sflag:s2] =	dma.local @!p0 [hbm:s0], s1  }
0xf7: {  	s0 =	simm.s32 @!p0 $0xD  }
0xf8: {  	_ =	swait.ge @!p0 [sflag:s0], s1  }
0xf9: {  	s1 =	ssub.s32 @!p0 $0x0, s1;
	[sflag:s0] =	ssyncset.done @!p0 $0x0  }
0xfa: {  	[sflag:s0] =	ssyncadd.s32 @!p0 s1  }
0xfb: {  	[bflag:$0x3] =	sbarrier.arrive $0xFFFF  }
0xfc: {  	_ =	shalt  }

// kernel: kernel.16.cloned.1.call-start
scs
__scs_entry_jumppad:
0x0: {  	(pc) =	sbr.rel $0x88, $3  }
0x1: {  	(tag) =	ssettag $0x0;
	lr =	simm.s32 $0x1  }
0x2: {  	[smem:$0x3F99] =	sst lr;
	_ =	strace $0xD0000000  }
0x3: {  	_ = 	snop  }
0x4: {  	_ = 	snop  }
0x5: {  	_ = 	snop  }
0x6: {  	_ = 	snop  }
0x7: {  	_ = 	snop  }
__scs_overlays_trampoline_lowered:
0x8: {  	[smem:$0x3FA8] =	sst s0  }
0x9: {  	[smem:$0x3FA9] =	sst s1  }
0xa: {  	[smem:$0x3FAA] =	sst s2  }
0xb: {  	[smem:$0x3FAB] =	sst s3  }
0xc: {  	[smem:$0x3FAC] =	sst s4  }
0xd: {  	[smem:$0x3FAD] =	sst s5  }
0xe: {  	[smem:$0x3FAE] =	sst s6  }
0xf: {  	[smem:$0x3FAF] =	sst s7  }
0x10: {  	[smem:$0x3FB0] =	sst s8  }
0x11: {  	[smem:$0x3FB1] =	sst s9;
	s0 =	simm.s32 @!p0 $0x0  }
0x12: {  	s1 =	sld [smem:$0x3F97];
	s0 =	simm.s32 @p0 $0x1  }
0x13: {  	[smem:$0x3FB2] =	sst s0;
	s0 =	simm.s32 @!p1 $0x0  }
0x14: {  	s2 =	sld [smem:$0x3F96];
	s0 =	simm.s32 @p1 $0x1  }
0x15: {  	[smem:$0x3FB3] =	sst s0;
	s0 =	simm.s32 @!p2 $0x0  }
0x16: {  	s3 =	sld [smem:$0x3FDB];
	s0 =	simm.s32 @p2 $0x1  }
0x17: {  	s4 =	simm.s32 $0x1BF5;
	[smem:$0x3FB5] =	sst s0  }
0x18: {  	s0 =	sld [smem:$0x3F98];
	_ =	swait.ge [sflag:s4], $0x0  }
0x19: {  	s7 =	sld [smem:$0x3F99]  }
0x1a: {  	s8 =	sadd.s32 $0xFFFFE003, lr  }
0x1b: {  	s9 =	sadd.s32 $0xFFFFFEF7, lr;
	s5 =	simm.s32 $0xFFFFFFFF;
	p2 =	slt.u32 s8, $0xFFFFF086  }
0x1c: {  	p1 =	slt.u32 s9, $0xF7A;
	s5 =	simm.s32 @!p2 $0x0  }
0x1d: {  	s5 =	simm.s32 @p1 $0x1;
	p0 =	seq.s32 s7, s2  }
0x1e: {  	s7 =	smul.u32 @!p0 $0xF7A, s2;
	p2 =	seq.s32 @!p0 s5, $0x0  }
0x1f: {  	s9 =	smul.u32 $0xF7A, s1;
	s8 =	simm.s32 @!p0 $0x1BF5;
	p2 =	por !p2, p0  }
0x20: {  	[sflag:s8] =	ssyncset.s32 @!p0 $0xFFFFF086;
	s6 =	sadd.s32 @!p0 s3, s7;
	s7 =	simm.s32 @!p0 $0x108  }
0x21: {  	s3 =	sadd.s32 s3, s9;
	s6 =	sadd.s32 @!p0 $0x88, s6;
	s7 =	simm.s32 @p2 $0x1082  }
0x22: {  	[simem:s7], [sflag:s8] =	dma.local @!p0 [hbm:s6], $0xF7A  }
0x23: {  	s9 =	sor.u32 $0xD0000000, s2;
	s6 =	simm.s32 $0x108;
	_ =	swait.ge @!p0 [sflag:s8], $0x0  }
0x24: {  	s3 =	sadd.s32 $0x88, s3;
	s6 =	simm.s32 @!p1 $0x1082;
	[sflag:s4] =	ssyncset.s32 $0xFFFFF086  }
0x25: {  	[simem:s6], [sflag:s4] =	dma.local [hbm:s3], $0xF7A  }
0x26: {  	[smem:$0x3F99] =	sst s1;
	(tag) =	ssettag s2;
	_ =	strace s9  }
0x27: {  	s1 =	sld [smem:$0x3FA9]  }
0x28: {  	s2 =	sld [smem:$0x3FAA]  }
0x29: {  	s4 =	sld [smem:$0x3FAC]  }
0x2a: {  	p0 =	seq.s32 s5, $0x0;
	s5 =	sld [smem:$0x3FAD]  }
0x2b: {  	s6 =	sld [smem:$0x3FAE]  }
0x2c: {  	s7 =	sld [smem:$0x3FAF]  }
0x2d: {  	s3 =	simm.s32 $0x108;
	s8 =	sld [smem:$0x3FB0]  }
0x2e: {  	s3 =	simm.s32 @!p0 $0x1082;
	s9 =	sld [smem:$0x3FB1]  }
0x2f: {  	lr =	sadd.s32 s0, s3;
	s0 =	sld [smem:$0x3FA8]  }
0x30: {  	s3 =	sld [smem:$0x3FAB]  }
0x31: {  	[smem:$0x3FB4] =	sst s10  }
0x32: {  	s10 =	sld [smem:$0x3FB2];
	_ =	sdelay $0x3  }
0x33: {  	p0 =	seq.s32 s10, $0x1;
	s10 =	sld [smem:$0x3FB4];
	_ =	sdelay $0x3  }
0x34: {  	[smem:$0x3FB4] =	sst s10  }
0x35: {  	s10 =	sld [smem:$0x3FB3];
	_ =	sdelay $0x3  }
0x36: {  	p1 =	seq.s32 s10, $0x1;
	s10 =	sld [smem:$0x3FB4];
	_ =	sdelay $0x3  }
0x37: {  	[smem:$0x3FB4] =	sst s10  }
0x38: {  	s10 =	sld [smem:$0x3FB5]  }
0x39: {  	_ = 	snop;
	(pc) =	sbr.ind lr, $3  }
0x3a: {  	_ = 	snop  }
0x3b: {  	_ = 	snop  }
0x3c: {  	p2 =	seq.s32 s10, $0x1;
	s10 =	sld [smem:$0x3FB4]  }
0x3d: {  	_ =	shalt  }
0x3e: {  	_ =	shalt  }
0x3f: {  	_ =	shalt  }
0x40: {  	_ =	shalt  }
0x41: {  	_ =	shalt  }
0x42: {  	_ =	shalt  }
0x43: {  	_ =	shalt  }
0x44: {  	_ =	shalt  }
0x45: {  	_ =	shalt  }
0x46: {  	_ =	shalt  }
0x47: {  	_ =	shalt  }
0x48: {  	_ =	shalt  }
0x49: {  	_ =	shalt  }
0x4a: {  	_ =	shalt  }
0x4b: {  	_ =	shalt  }
0x4c: {  	_ =	shalt  }
0x4d: {  	_ =	shalt  }
0x4e: {  	_ =	shalt  }
0x4f: {  	_ =	shalt  }
0x50: {  	_ =	shalt  }
0x51: {  	_ =	shalt  }
0x52: {  	_ =	shalt  }
0x53: {  	_ =	shalt  }
0x54: {  	_ =	shalt  }
0x55: {  	_ =	shalt  }
0x56: {  	_ =	shalt  }
0x57: {  	_ =	shalt  }
0x58: {  	_ =	shalt  }
0x59: {  	_ =	shalt  }
0x5a: {  	_ =	shalt  }
0x5b: {  	_ =	shalt  }
0x5c: {  	_ =	shalt  }
0x5d: {  	_ =	shalt  }
0x5e: {  	_ =	shalt  }
0x5f: {  	_ =	shalt  }
0x60: {  	_ =	shalt  }
0x61: {  	_ =	shalt  }
0x62: {  	_ =	shalt  }
0x63: {  	_ =	shalt  }
0x64: {  	_ =	shalt  }
0x65: {  	_ =	shalt  }
0x66: {  	_ =	shalt  }
0x67: {  	_ =	shalt  }
0x68: {  	_ =	shalt  }
0x69: {  	_ =	shalt  }
0x6a: {  	_ =	shalt  }
0x6b: {  	_ =	shalt  }
0x6c: {  	_ =	shalt  }
0x6d: {  	_ =	shalt  }
0x6e: {  	_ =	shalt  }
0x6f: {  	_ =	shalt  }
0x70: {  	_ =	shalt  }
0x71: {  	_ =	shalt  }
0x72: {  	_ =	shalt  }
0x73: {  	_ =	shalt  }
0x74: {  	_ =	shalt  }
0x75: {  	_ =	shalt  }
0x76: {  	_ =	shalt  }
0x77: {  	_ =	shalt  }
0x78: {  	_ =	shalt  }
0x79: {  	_ =	shalt  }
0x7a: {  	_ =	shalt  }
0x7b: {  	_ =	shalt  }
0x7c: {  	_ =	shalt  }
0x7d: {  	_ =	shalt  }
0x7e: {  	_ =	shalt  }
0x7f: {  	_ =	shalt  }
0x80: {  	_ =	shalt  }
0x81: {  	_ =	shalt  }
0x82: {  	_ =	shalt  }
0x83: {  	_ =	shalt  }
0x84: {  	_ =	shalt  }
0x85: {  	_ =	shalt  }
0x86: {  	_ =	shalt  }
0x87: {  	_ =	shalt  }
.Lfunc_end0:
.L_simem_size_0:
called_computation.2_lowered:
.L_overlay_start_0:
0x88: {  	s2 =	sld [smem:$0x3FD9]  }
0x89: {  	s3 =	sld [smem:$0x3FFE];
	_ =	sdelay $0x1  }
0x8a: {  	s1 =	srdreg.scid  }
0x8b: {  	s0 =	sand.u32 $0x1, s1  }
0x8c: {  	s17 =	sshll.u32 s0, $0xA;
	s2 =	sadd.s32 s3, s2  }
0x8d: {  	s2 =	sadd.s32 s2, s17  }
0x8e: {  	[smem:$0x3FC0] =	sst s2  }
0x8f: {  	_ = 	snop  }
0x90: {  	s2 =	sld [smem:$0x3FD0];
	(tm) =	ssettm $0x1  }
0x91: {  	s18 =	sld [smem:$0x3FFB];
	_ =	sdelay $0x3  }
0x92: {  	_ =	strace s18  }
0x93: {  	s3 =	sld [smem:$0x3FFC];
	_ =	sdelay $0x3  }
0x94: {  	_ =	strace s3  }
0x95: {  	s3 =	sld [smem:$0x3FFD];
	_ =	sdelay $0x3  }
0x96: {  	_ =	strace s3  }
0x97: {  	_ =	strace $0x8FFFFFFF  }
0x98: {  	s19 =	sld [smem:$0x3FDB];
	_ =	sdelay $0x1  }
0x99: {  	s4 =	simm.s32 $_scs_section_size  }
0x9a: {  	s5 =	simm.s32 $_size__tile_overlayer_lowered;
	s6 =	simm.s32 $_tile_overlayer_lowered  }
0x9b: {  	s22 =	simm.s32 $0x1BFF;
	s21 =	sshll.u32 s6, $0x1;
	s3 =	sadd.s32 s4, s19  }
0x9c: {  	s7 =	simm.s32 $0x0;
	s20 =	sshll.u32 s5, $0x1;
	s5 =	sadd.s32 s21, s3  }
0x9d: {  	[timem:s7], [sflag:s22] =	dma.local [hbm:s5], s20  }
0x9e: {  	_ =	swait.ge [sflag:s22], s20  }
0x9f: {  	s4 =	ssub.s32 $0x0, s20;
	[sflag:s22] =	ssyncset.done $0x0  }
0xa0: {  	[sflag:s22] =	ssyncadd.s32 s4;
	_ =	sdelay $0x1  }
0xa1: {  	s23 =	simm.s32 $0x1B8B  }
0xa2: {  	_ =	swait.ge [sflag:s23], $0x1  }
0xa3: {  	[sflag:s23] =	ssyncset.done $0x0  }
0xa4: {  	s25 =	simm.s32 $0x1B8E;
	s24 =	sld [smem:$0x3FFE];
	[sflag:s23] =	ssyncadd.s32 $0xFFFFFFFF  }
0xa5: {  	s26 =	simm.s32 $execute0_lowered;
	[smem:$0x3FD2] =	sst s25  }
0xa6: {  	s5 =	sshll.u32 s26, $0x1;
	_ =	strace $0x8000004C;
	[dreg:$0x1] =	wrdreg $0xFFFFFFFF  }
0xa7: {  	s28 =	simm.s32 $_size_execute0_lowered;
	s3 =	sadd.s32 s3, s5;
	[dreg:$0x0] =	wrdreg $0x0  }
0xa8: {  	s5 =	sshll.u32 s28, $0x1;
	[dreg:$0x2] =	wrdreg s3  }
0xa9: {  	[dreg:$0x3] =	wrdreg s5  }
0xaa: {  	[dreg:$0x4] =	wrdreg $0xC0  }
0xab: {  	_ =	task [dreg:s7], $0x5FFFF  }
0xac: {  	[dreg:$0x1] =	wrdreg $0xFFFFFFFF  }
0xad: {  	[dreg:$0x0] =	wrdreg $0x60  }
0xae: {  	[dreg:$0x2] =	wrdreg s2  }
0xaf: {  	[dreg:$0x3] =	wrdreg s24  }
0xb0: {  	[dreg:$0x4] =	wrdreg $0x160000  }
0xb1: {  	[dreg:$0x5] =	wrdreg $0x9  }
0xb2: {  	_ =	task.clear_ibuf [dreg:s7], $0x6FFFF;
	_ =	strace $0x9000004C  }
0xb3: {  	s29 =	simm.s32 $0x9;
	_ =	strace $0x8000004E  }
0xb4: {  	_ =	swait.ge [sflag:s29], $0x1  }
0xb5: {  	[sflag:s29] =	ssyncadd.s32 $0xFFFFFFFF  }
0xb6: {  	_ =	strace $0x9000004E  }
0xb7: {  	_ =	sfence  }
0xb8: {  	s30 =	sld [smem:$0x0];
	_ =	sdelay $0x2  }
0xb9: {  	s31 =	sshll.u32 s1, $0xD;
	s1 =	sshrl.u32 s1, $0x2  }
0xba: {  	s3 =	sand.u32 $0x4000, s31;
	s1 =	sadd.s32 s1, s30  }
0xbb: {  	s0 =	sor.u32 s3, s0;
	s1 =	sshll.u32 s1, $0x11  }
0xbc: {  	s0 =	sor.u32 s1, s0  }
0xbd: {  	s0 =	sadd.s32 $0x8F2B, s0  }
0xbe: {  	[sflag:s0] =	ssyncadd.remote.s32 $0x1  }
0xbf: {  	_ =	sfence.sel $0xFFFF  }
0xc0: {  	[dreg:$0x0] =	wrdreg $0xFFFFFFFF;
	(pc) =	sbr.abs _section_cstart, $3  }
0xc1: {  	[dreg:$0x1] =	wrdreg $0xFFFFFFFF  }
0xc2: {  	_ =	task.clear_ibuf [dreg:s7], $0x2FFFF;
	_ =	strace $0x9FFFFFFF  }
0xc3: {  	(tm) =	ssettm $0x7FFFFFFF  }
tec
execute0_lowered:
.L_overlay_start_1:
0x0: {  	(tag) =	ssettag $0x1  }
0x1: {  	s0 =	rddreg [dreg:$0x0]  }
0x2: {  	s1 =	rddreg [dreg:$0x1]  }
0x3: {  	s2 =	rddreg [dreg:$0x2]  }
0x4: {  	s11 =	stileid.u32;
	s4 =	srdreg.scid;
	s6 =	simm.s32 $0x0  }
0x5: {  	s10 =	simm.s32 $0xD;
	s14 =	simm.s32 $0x80;
	s15 =	simm.s32 $0xA000  }
0x6: {  	s16 =	simm.s32 $0xC000;
	s17 =	simm.s32 $0xE000;
	s18 =	simm.s32 $0x10000  }
0x7: {  	s19 =	simm.s32 $0x12000;
	s20 =	simm.s32 $0x14000;
	s28 =	simm.s32 $0x7  }
0x8: {  	s29 =	simm.s32 $0x8;
	s30 =	simm.s32 $0x9;
	s3 =	smul.u32 $0xA00, s11  }
0x9: {  	s31 =	simm.s32 $0xA;
	s4 =	sand.u32 $0x1, s4;
	s5 =	smul.u32 $0x9E00, s11  }
0xa: {  	[smem:$0x7FF] =	sst s6;
	s8 =	sadd.s32 $0x64600, s1;
	s26 =	sshll.u32 s11, $0x6  }
0xb: {  	s11 =	simm.s32 $0x0;
	s21 =	smul.u32 $0x9E000, s4;
	_ =	strace $0x8000004D  }
0xc: {  	s7 =	ssub.s32 $0x2, s4;
	[dreg:$0x4] =	wrdreg s8;
	s4 =	smul.u32 $0x13880, s4  }
0xd: {  	s12 =	sor.u32 $0x1C0D, s26;
	s26 =	simm.s32 $0x6;
	s3 =	sadd.s32 s3, s1  }
0xe: {  	s22 =	sshrl.u32 s7, $0x1;
	s25 =	sadd.s32 s5, s2;
	s6 =	sadd.s32 s5, s21  }
0xf: {  	s23 =	ssub.s32 s7, s22;
	s24 =	sadd.s32 $0xC400, s3;
	s3 =	sadd.s32 $0x2400, s3  }
0x10: {  	s7 =	sadd.s32 s0, s4;
	s13 =	sshrl.u32 s25, $0x3;
	s21 =	simm.s32 $0x1  }
0x11: {  	s22 =	simm.s32 $0x2;
	s25 =	simm.s32 $0x5;
	[dreg:$0x5] =	wrdreg s24  }
0x12: {  	s0 =	simm.s32 $0xB;
	s6 =	sshrl.u32 s6, $0x3;
	[dreg:$0x6] =	wrdreg s3  }
0x13: {  	s9 =	smax.u32 s23, $0x1;
	s23 =	simm.s32 $0x3;
	s1 =	sadd.s32 s6, s1  }
0x14: {  	s24 =	simm.s32 $0x4;
	s8 =	sadd.s32 $0x65A00, s1;
	s1 =	simm.s32 $0xC  }
.LBB2_1:
0x15: {  	s3 =	simm.s32 $0x0;
	s4 =	rddreg [dreg:$0x5]  }
0x16: {  	[tilespmem:s3], [sflag:$0xD] =	stream.linear.gather [hbm4b:s4+s3], $0x5000, $0x38;
	[tilespmem:$0x1FE00] =	vst v63  }
0x17: {  	_ =	swait.ge [sflag:s10], $0x5000  }
0x18: {  	[sflag:s10] =	ssyncset.done $0x0  }
0x19: {  	s5 =	simm.s32 $0x5000;
	s6 =	rddreg [dreg:$0x6];
	[sflag:s10] =	ssyncadd.s32 $0xFFFFB000  }
0x1a: {  	[tilespmem:s5], [sflag:$0xD] =	stream.linear.gather [hbm4b:s6+s3], $0x5000, $0x38;
	[tilespmem:$0x1FE00] =	vst v63  }
0x1b: {  	_ =	swait.ge [sflag:s10], $0x5000  }
0x1c: {  	[sflag:s10] =	ssyncset.done $0x0  }
0x1d: {  	s6 =	rddreg [dreg:$0x4];
	[sflag:s10] =	ssyncadd.s32 $0xFFFFB000  }
0x1e: {  	[spmem:s13], [sflag:s12] =	dma.local [hbm:s6], $0x13C0  }
0x1f: {  	_ =	swait.ge [sflag:s10], $0x13C0  }
0x20: {  	[sflag:s10] =	ssyncset.done $0x0  }
0x21: {  	[sflag:s10] =	ssyncadd.s32 $0xFFFFEC40  }
0x22: {  	s4 =	simm.s32 $0x0;
	[bflag:$0x0] =	sbarrier.arrive $0xFFFF  }
0x23: {  	[tilespmem:s15], [sflag:$0x1] =	stream.indirect.gather [hbm4b:s7+s14], $0x40, s4, s14, $0xb8;
	[tilespmem:$0x1FE00] =	vst v63  }
0x24: {  	s5 =	simm.s32 $0x80  }
0x25: {  	[tilespmem:s16], [sflag:$0x2] =	stream.indirect.gather [hbm4b:s7+s14], $0x40, s5, s14, $0xb8;
	[tilespmem:$0x1FE00] =	vst v63  }
0x26: {  	s6 =	simm.s32 $0x100  }
0x27: {  	[tilespmem:s17], [sflag:$0x3] =	stream.indirect.gather [hbm4b:s7+s14], $0x40, s6, s14, $0xb8;
	[tilespmem:$0x1FE00] =	vst v63  }
0x28: {  	s4 =	simm.s32 $0x180  }
0x29: {  	[tilespmem:s18], [sflag:$0x4] =	stream.indirect.gather [hbm4b:s7+s14], $0x40, s4, s14, $0xb8;
	[tilespmem:$0x1FE00] =	vst v63  }
0x2a: {  	s5 =	simm.s32 $0x200  }
0x2b: {  	[tilespmem:s19], [sflag:$0x5] =	stream.indirect.gather [hbm4b:s7+s14], $0x40, s5, s14, $0xb8;
	[tilespmem:$0x1FE00] =	vst v63  }
0x2c: {  	s6 =	simm.s32 $0x280  }
0x2d: {  	[tilespmem:s20], [sflag:$0x6] =	stream.indirect.gather [hbm4b:s7+s14], $0x40, s6, s14, $0xb8;
	[tilespmem:$0x1FE00] =	vst v63  }
0x2e: {  	_ =	swait.ge [sflag:s21], $0x2000  }
0x2f: {  	[sflag:s21] =	ssyncset.done $0x0  }
0x30: {  	s4 =	simm.s32 $0x5000;
	[sflag:s21] =	ssyncadd.s32 $0xFFFFE000  }
0x31: {  	[spmem:s2] =	stream.indirect.scatter.add.f32 [tilespmem:s15], [sflag:$0x7], $0x40, s4, s14, $0xb8;
	[tilespmem:$0x1FE00] =	vst v63  }
0x32: {  	_ =	swait.ge [sflag:s22], $0x2000  }
0x33: {  	[sflag:s22] =	ssyncset.done $0x0  }
0x34: {  	s5 =	simm.s32 $0x5080;
	[sflag:s22] =	ssyncadd.s32 $0xFFFFE000  }
0x35: {  	[spmem:s2] =	stream.indirect.scatter.add.f32 [tilespmem:s16], [sflag:$0x8], $0x40, s5, s14, $0xb8;
	[tilespmem:$0x1FE00] =	vst v63  }
0x36: {  	_ =	swait.ge [sflag:s23], $0x2000  }
0x37: {  	[sflag:s23] =	ssyncset.done $0x0  }
0x38: {  	s6 =	simm.s32 $0x5100;
	[sflag:s23] =	ssyncadd.s32 $0xFFFFE000  }
0x39: {  	[spmem:s2] =	stream.indirect.scatter.add.f32 [tilespmem:s17], [sflag:$0x9], $0x40, s6, s14, $0xb8;
	[tilespmem:$0x1FE00] =	vst v63  }
0x3a: {  	_ =	swait.ge [sflag:s24], $0x2000  }
0x3b: {  	[sflag:s24] =	ssyncset.done $0x0  }
0x3c: {  	s4 =	simm.s32 $0x5180;
	[sflag:s24] =	ssyncadd.s32 $0xFFFFE000  }
0x3d: {  	[spmem:s2] =	stream.indirect.scatter.add.f32 [tilespmem:s18], [sflag:$0xA], $0x40, s4, s14, $0xb8;
	[tilespmem:$0x1FE00] =	vst v63  }
0x3e: {  	_ =	swait.ge [sflag:s25], $0x2000  }
0x3f: {  	[sflag:s25] =	ssyncset.done $0x0  }
0x40: {  	s5 =	simm.s32 $0x5200;
	[sflag:s25] =	ssyncadd.s32 $0xFFFFE000  }
0x41: {  	[spmem:s2] =	stream.indirect.scatter.add.f32 [tilespmem:s19], [sflag:$0xB], $0x40, s5, s14, $0xb8;
	[tilespmem:$0x1FE00] =	vst v63  }
0x42: {  	_ =	swait.ge [sflag:s26], $0x2000  }
0x43: {  	[sflag:s26] =	ssyncset.done $0x0  }
0x44: {  	s6 =	simm.s32 $0x5280;
	[sflag:s26] =	ssyncadd.s32 $0xFFFFE000  }
0x45: {  	[spmem:s2] =	stream.indirect.scatter.add.f32 [tilespmem:s20], [sflag:$0xC], $0x40, s6, s14, $0xb8;
	[tilespmem:$0x1FE00] =	vst v63  }
0x46: {  	_ =	swait.ge [sflag:s28], $0x2000  }
0x47: {  	[sflag:s28] =	ssyncset.done $0x0  }
0x48: {  	[sflag:s28] =	ssyncadd.s32 $0xFFFFE000  }
0x49: {  	_ =	swait.ge [sflag:s29], $0x2000  }
0x4a: {  	[sflag:s29] =	ssyncset.done $0x0  }
0x4b: {  	[sflag:s29] =	ssyncadd.s32 $0xFFFFE000  }
0x4c: {  	_ =	swait.ge [sflag:s30], $0x2000  }
0x4d: {  	[sflag:s30] =	ssyncset.done $0x0  }
0x4e: {  	[sflag:s30] =	ssyncadd.s32 $0xFFFFE000  }
0x4f: {  	_ =	swait.ge [sflag:s31], $0x2000  }
0x50: {  	[sflag:s31] =	ssyncset.done $0x0  }
0x51: {  	[sflag:s31] =	ssyncadd.s32 $0xFFFFE000  }
0x52: {  	_ =	swait.ge [sflag:s0], $0x2000  }
0x53: {  	[sflag:s0] =	ssyncset.done $0x0  }
0x54: {  	[sflag:s0] =	ssyncadd.s32 $0xFFFFE000  }
0x55: {  	_ =	swait.ge [sflag:s1], $0x2000  }
0x56: {  	s3 =	simm.s32 $0xC00;
	s4 =	simm.s32 $0x1800;
	[sflag:s1] =	ssyncset.done $0x0  }
.LBB2_2:
0x57: {  	s5 =	sshra.s32 s3, $0x2  }
0x58: {  	[sflag:s1] =	ssyncadd.s32 $0xFFFFE000;
	s3 =	smov.u32 s4;
	s6 =	sadd.s32 $0xC00, s4  }
0x59: {  	[tilespmem:s15], [sflag:$0x1] =	stream.indirect.gather [hbm4b:s7+s14], $0x40, s5, s14, $0xb8;
	[tilespmem:$0x1FE00] =	vst v63  }
0x5a: {  	p0 =	sne.s32 s4, $0x12C00;
	s4 =	sadd.s32 $0x80, s5  }
0x5b: {  	[tilespmem:s16], [sflag:$0x2] =	stream.indirect.gather [hbm4b:s7+s14], $0x40, s4, s14, $0xb8;
	[tilespmem:$0x1FE00] =	vst v63  }
0x5c: {  	s4 =	sadd.s32 $0x100, s5  }
0x5d: {  	[tilespmem:s17], [sflag:$0x3] =	stream.indirect.gather [hbm4b:s7+s14], $0x40, s4, s14, $0xb8;
	[tilespmem:$0x1FE00] =	vst v63  }
0x5e: {  	s4 =	sadd.s32 $0x180, s5  }
0x5f: {  	[tilespmem:s18], [sflag:$0x4] =	stream.indirect.gather [hbm4b:s7+s14], $0x40, s4, s14, $0xb8;
	[tilespmem:$0x1FE00] =	vst v63  }
0x60: {  	s4 =	sadd.s32 $0x200, s5  }
0x61: {  	[tilespmem:s19], [sflag:$0x5] =	stream.indirect.gather [hbm4b:s7+s14], $0x40, s4, s14, $0xb8;
	[tilespmem:$0x1FE00] =	vst v63  }
0x62: {  	s4 =	sadd.s32 $0x280, s5  }
0x63: {  	[tilespmem:s20], [sflag:$0x6] =	stream.indirect.gather [hbm4b:s7+s14], $0x40, s4, s14, $0xb8;
	[tilespmem:$0x1FE00] =	vst v63  }
0x64: {  	_ =	swait.ge [sflag:s21], $0x2000  }
0x65: {  	[sflag:s21] =	ssyncset.done $0x0  }
0x66: {  	s4 =	sadd.s32 $0x5000, s5;
	[sflag:s21] =	ssyncadd.s32 $0xFFFFE000  }
0x67: {  	[spmem:s2] =	stream.indirect.scatter.add.f32 [tilespmem:s15], [sflag:$0x7], $0x40, s4, s14, $0xb8;
	[tilespmem:$0x1FE00] =	vst v63  }
0x68: {  	_ =	swait.ge [sflag:s22], $0x2000  }
0x69: {  	[sflag:s22] =	ssyncset.done $0x0  }
0x6a: {  	s4 =	sadd.s32 $0x5080, s5;
	[sflag:s22] =	ssyncadd.s32 $0xFFFFE000  }
0x6b: {  	[spmem:s2] =	stream.indirect.scatter.add.f32 [tilespmem:s16], [sflag:$0x8], $0x40, s4, s14, $0xb8;
	[tilespmem:$0x1FE00] =	vst v63  }
0x6c: {  	_ =	swait.ge [sflag:s23], $0x2000  }
0x6d: {  	[sflag:s23] =	ssyncset.done $0x0  }
0x6e: {  	s4 =	sadd.s32 $0x5100, s5;
	[sflag:s23] =	ssyncadd.s32 $0xFFFFE000  }
0x6f: {  	[spmem:s2] =	stream.indirect.scatter.add.f32 [tilespmem:s17], [sflag:$0x9], $0x40, s4, s14, $0xb8;
	[tilespmem:$0x1FE00] =	vst v63  }
0x70: {  	_ =	swait.ge [sflag:s24], $0x2000  }
0x71: {  	[sflag:s24] =	ssyncset.done $0x0  }
0x72: {  	s4 =	sadd.s32 $0x5180, s5;
	[sflag:s24] =	ssyncadd.s32 $0xFFFFE000  }
0x73: {  	[spmem:s2] =	stream.indirect.scatter.add.f32 [tilespmem:s18], [sflag:$0xA], $0x40, s4, s14, $0xb8;
	[tilespmem:$0x1FE00] =	vst v63  }
0x74: {  	_ =	swait.ge [sflag:s25], $0x2000  }
0x75: {  	[sflag:s25] =	ssyncset.done $0x0  }
0x76: {  	s4 =	sadd.s32 $0x5200, s5;
	[sflag:s25] =	ssyncadd.s32 $0xFFFFE000  }
0x77: {  	[spmem:s2] =	stream.indirect.scatter.add.f32 [tilespmem:s19], [sflag:$0xB], $0x40, s4, s14, $0xb8;
	[tilespmem:$0x1FE00] =	vst v63  }
0x78: {  	_ =	swait.ge [sflag:s26], $0x2000  }
0x79: {  	[sflag:s26] =	ssyncset.done $0x0  }
0x7a: {  	s4 =	sadd.s32 $0x5280, s5;
	[sflag:s26] =	ssyncadd.s32 $0xFFFFE000  }
0x7b: {  	[spmem:s2] =	stream.indirect.scatter.add.f32 [tilespmem:s20], [sflag:$0xC], $0x40, s4, s14, $0xb8;
	[tilespmem:$0x1FE00] =	vst v63  }
0x7c: {  	_ =	swait.ge [sflag:s28], $0x2000  }
0x7d: {  	[sflag:s28] =	ssyncset.done $0x0  }
0x7e: {  	[sflag:s28] =	ssyncadd.s32 $0xFFFFE000  }
0x7f: {  	_ =	swait.ge [sflag:s29], $0x2000  }
0x80: {  	[sflag:s29] =	ssyncset.done $0x0  }
0x81: {  	[sflag:s29] =	ssyncadd.s32 $0xFFFFE000  }
0x82: {  	_ =	swait.ge [sflag:s30], $0x2000  }
0x83: {  	[sflag:s30] =	ssyncset.done $0x0  }
0x84: {  	[sflag:s30] =	ssyncadd.s32 $0xFFFFE000  }
0x85: {  	_ =	swait.ge [sflag:s31], $0x2000  }
0x86: {  	[sflag:s31] =	ssyncset.done $0x0  }
0x87: {  	[sflag:s31] =	ssyncadd.s32 $0xFFFFE000  }
.Ltmp0:
0x88: {  	_ =	swait.ge [sflag:s0], $0x2000;
	(pc) =	sbr.rel @p0 .LBB2_2-.Ltmp0, $4  }
0x89: {  	[sflag:s0] =	ssyncset.done $0x0  }
0x8a: {  	[sflag:s0] =	ssyncadd.s32 $0xFFFFE000  }
0x8b: {  	_ =	swait.ge [sflag:s1], $0x2000  }
0x8c: {  	s4 =	smov.u32 s6;
	[sflag:s1] =	ssyncset.done $0x0  }
0x8d: {  	s3 =	sshra.s32 s3, $0x2;
	[sflag:s1] =	ssyncadd.s32 $0xFFFFE000  }
0x8e: {  	[tilespmem:s15], [sflag:$0x1] =	stream.indirect.gather [hbm4b:s7+s14], $0x40, s3, s14, $0xb8;
	[tilespmem:$0x1FE00] =	vst v63  }
0x8f: {  	s4 =	sadd.s32 $0x80, s3  }
0x90: {  	[tilespmem:s16], [sflag:$0x2] =	stream.indirect.gather [hbm4b:s7+s14], $0x40, s4, s14, $0xb8;
	[tilespmem:$0x1FE00] =	vst v63  }
0x91: {  	s6 =	sadd.s32 $0x100, s3  }
0x92: {  	[tilespmem:s17], [sflag:$0x3] =	stream.indirect.gather [hbm4b:s7+s14], $0x40, s6, s14, $0xb8;
	[tilespmem:$0x1FE00] =	vst v63  }
0x93: {  	s5 =	sadd.s32 $0x180, s3  }
0x94: {  	[tilespmem:s18], [sflag:$0x4] =	stream.indirect.gather [hbm4b:s7+s14], $0x40, s5, s14, $0xb8;
	[tilespmem:$0x1FE00] =	vst v63  }
0x95: {  	s6 =	sadd.s32 $0x200, s3  }
0x96: {  	[tilespmem:s19], [sflag:$0x5] =	stream.indirect.gather [hbm4b:s7+s14], $0x40, s6, s14, $0xb8;
	[tilespmem:$0x1FE00] =	vst v63  }
0x97: {  	s5 =	sadd.s32 $0x280, s3  }
0x98: {  	[tilespmem:s20], [sflag:$0x6] =	stream.indirect.gather [hbm4b:s7+s14], $0x40, s5, s14, $0xb8;
	[tilespmem:$0x1FE00] =	vst v63  }
0x99: {  	_ =	swait.ge [sflag:s21], $0x2000  }
0x9a: {  	[sflag:s21] =	ssyncset.done $0x0  }
0x9b: {  	s6 =	sadd.s32 $0x5000, s3;
	[sflag:s21] =	ssyncadd.s32 $0xFFFFE000  }
0x9c: {  	[spmem:s2] =	stream.indirect.scatter.add.f32 [tilespmem:s15], [sflag:$0x7], $0x40, s6, s14, $0xb8;
	[tilespmem:$0x1FE00] =	vst v63  }
0x9d: {  	_ =	swait.ge [sflag:s22], $0x2000  }
0x9e: {  	[sflag:s22] =	ssyncset.done $0x0  }
0x9f: {  	s5 =	sadd.s32 $0x5080, s3;
	[sflag:s22] =	ssyncadd.s32 $0xFFFFE000  }
0xa0: {  	[spmem:s2] =	stream.indirect.scatter.add.f32 [tilespmem:s16], [sflag:$0x8], $0x40, s5, s14, $0xb8;
	[tilespmem:$0x1FE00] =	vst v63  }
0xa1: {  	_ =	swait.ge [sflag:s23], $0x2000  }
0xa2: {  	[sflag:s23] =	ssyncset.done $0x0  }
0xa3: {  	s6 =	sadd.s32 $0x5100, s3;
	[sflag:s23] =	ssyncadd.s32 $0xFFFFE000  }
0xa4: {  	[spmem:s2] =	stream.indirect.scatter.add.f32 [tilespmem:s17], [sflag:$0x9], $0x40, s6, s14, $0xb8;
	[tilespmem:$0x1FE00] =	vst v63  }
0xa5: {  	_ =	swait.ge [sflag:s24], $0x2000  }
0xa6: {  	[sflag:s24] =	ssyncset.done $0x0  }
0xa7: {  	s5 =	sadd.s32 $0x5180, s3;
	[sflag:s24] =	ssyncadd.s32 $0xFFFFE000  }
0xa8: {  	[spmem:s2] =	stream.indirect.scatter.add.f32 [tilespmem:s18], [sflag:$0xA], $0x40, s5, s14, $0xb8;
	[tilespmem:$0x1FE00] =	vst v63  }
0xa9: {  	_ =	swait.ge [sflag:s25], $0x2000  }
0xaa: {  	[sflag:s25] =	ssyncset.done $0x0  }
0xab: {  	s6 =	sadd.s32 $0x5200, s3;
	[sflag:s25] =	ssyncadd.s32 $0xFFFFE000  }
0xac: {  	[spmem:s2] =	stream.indirect.scatter.add.f32 [tilespmem:s19], [sflag:$0xB], $0x40, s6, s14, $0xb8;
	[tilespmem:$0x1FE00] =	vst v63  }
0xad: {  	_ =	swait.ge [sflag:s26], $0x2000  }
0xae: {  	[sflag:s26] =	ssyncset.done $0x0  }
0xaf: {  	s3 =	sadd.s32 $0x5280, s3;
	[sflag:s26] =	ssyncadd.s32 $0xFFFFE000  }
0xb0: {  	[spmem:s2] =	stream.indirect.scatter.add.f32 [tilespmem:s20], [sflag:$0xC], $0x40, s3, s14, $0xb8;
	[tilespmem:$0x1FE00] =	vst v63  }
0xb1: {  	_ =	swait.ge [sflag:s28], $0x2000  }
0xb2: {  	[sflag:s28] =	ssyncset.done $0x0  }
0xb3: {  	[sflag:s28] =	ssyncadd.s32 $0xFFFFE000  }
0xb4: {  	_ =	swait.ge [sflag:s29], $0x2000  }
0xb5: {  	[sflag:s29] =	ssyncset.done $0x0  }
0xb6: {  	[sflag:s29] =	ssyncadd.s32 $0xFFFFE000  }
0xb7: {  	_ =	swait.ge [sflag:s30], $0x2000  }
0xb8: {  	[sflag:s30] =	ssyncset.done $0x0  }
0xb9: {  	[sflag:s30] =	ssyncadd.s32 $0xFFFFE000  }
0xba: {  	_ =	swait.ge [sflag:s31], $0x2000  }
0xbb: {  	[sflag:s31] =	ssyncset.done $0x0  }
0xbc: {  	[sflag:s31] =	ssyncadd.s32 $0xFFFFE000  }
0xbd: {  	_ =	swait.ge [sflag:s0], $0x2000  }
0xbe: {  	[sflag:s0] =	ssyncset.done $0x0  }
0xbf: {  	[sflag:s0] =	ssyncadd.s32 $0xFFFFE000  }
0xc0: {  	_ =	swait.ge [sflag:s1], $0x2000  }
0xc1: {  	[sflag:s1] =	ssyncset.done $0x0  }
0xc2: {  	s5 =	simm.s32 $0x4E00;
	[sflag:s1] =	ssyncadd.s32 $0xFFFFE000  }
0xc3: {  	[tilespmem:s15], [sflag:$0x1] =	stream.indirect.gather [hbm4b:s7+s14], $0x40, s5, s14, $0xb8;
	[tilespmem:$0x1FE00] =	vst v63  }
0xc4: {  	s6 =	simm.s32 $0x4E80  }
0xc5: {  	[tilespmem:s16], [sflag:$0x2] =	stream.indirect.gather [hbm4b:s7+s14], $0x40, s6, s14, $0xb8;
	[tilespmem:$0x1FE00] =	vst v63  }
0xc6: {  	s4 =	simm.s32 $0x4F00  }
0xc7: {  	[tilespmem:s17], [sflag:$0x3] =	stream.indirect.gather [hbm4b:s7+s14], $0x40, s4, s14, $0xb8;
	[tilespmem:$0x1FE00] =	vst v63  }
0xc8: {  	s5 =	simm.s32 $0x4F80  }
0xc9: {  	[tilespmem:s18], [sflag:$0x4] =	stream.indirect.gather [hbm4b:s7+s14], $0x40, s5, s14, $0xb8;
	[tilespmem:$0x1FE00] =	vst v63  }
0xca: {  	_ =	swait.ge [sflag:s21], $0x2000  }
0xcb: {  	[sflag:s21] =	ssyncset.done $0x0  }
0xcc: {  	s6 =	simm.s32 $0x9E00;
	[sflag:s21] =	ssyncadd.s32 $0xFFFFE000  }
0xcd: {  	[spmem:s2] =	stream.indirect.scatter.add.f32 [tilespmem:s15], [sflag:$0x7], $0x40, s6, s14, $0xb8;
	[tilespmem:$0x1FE00] =	vst v63  }
0xce: {  	_ =	swait.ge [sflag:s22], $0x2000  }
0xcf: {  	[sflag:s22] =	ssyncset.done $0x0  }
0xd0: {  	s4 =	simm.s32 $0x9E80;
	[sflag:s22] =	ssyncadd.s32 $0xFFFFE000  }
0xd1: {  	[spmem:s2] =	stream.indirect.scatter.add.f32 [tilespmem:s16], [sflag:$0x8], $0x40, s4, s14, $0xb8;
	[tilespmem:$0x1FE00] =	vst v63  }
0xd2: {  	_ =	swait.ge [sflag:s23], $0x2000  }
0xd3: {  	[sflag:s23] =	ssyncset.done $0x0  }
0xd4: {  	s5 =	simm.s32 $0x9F00;
	[sflag:s23] =	ssyncadd.s32 $0xFFFFE000  }
0xd5: {  	[spmem:s2] =	stream.indirect.scatter.add.f32 [tilespmem:s17], [sflag:$0x9], $0x40, s5, s14, $0xb8;
	[tilespmem:$0x1FE00] =	vst v63  }
0xd6: {  	_ =	swait.ge [sflag:s24], $0x2000  }
0xd7: {  	[sflag:s24] =	ssyncset.done $0x0  }
0xd8: {  	s6 =	simm.s32 $0x9F80;
	[sflag:s24] =	ssyncadd.s32 $0xFFFFE000  }
0xd9: {  	[spmem:s2] =	stream.indirect.scatter.add.f32 [tilespmem:s18], [sflag:$0xA], $0x40, s6, s14, $0xb8;
	[tilespmem:$0x1FE00] =	vst v63  }
0xda: {  	_ =	swait.ge [sflag:s28], $0x2000  }
0xdb: {  	[sflag:s28] =	ssyncset.done $0x0  }
0xdc: {  	[sflag:s28] =	ssyncadd.s32 $0xFFFFE000  }
0xdd: {  	_ =	swait.ge [sflag:s29], $0x2000  }
0xde: {  	[sflag:s29] =	ssyncset.done $0x0  }
0xdf: {  	[sflag:s29] =	ssyncadd.s32 $0xFFFFE000  }
0xe0: {  	_ =	swait.ge [sflag:s30], $0x2000  }
0xe1: {  	[sflag:s30] =	ssyncset.done $0x0  }
0xe2: {  	[sflag:s30] =	ssyncadd.s32 $0xFFFFE000  }
0xe3: {  	_ =	swait.ge [sflag:s31], $0x2000  }
0xe4: {  	s11 =	sadd.s32 $0x1, s11;
	[sflag:s31] =	ssyncset.done $0x0  }
0xe5: {  	p0 =	sne.s32 s11, s9;
	[sflag:s31] =	ssyncadd.s32 $0xFFFFE000  }
.Ltmp1:
0xe6: {  	[bflag:$0x0] =	sbarrier.arrive $0xFFFF;
	(pc) =	sbr.rel @p0 .LBB2_1-.Ltmp1, $4  }
0xe7: {  	[hbm:s8], [sflag:s12] =	dma.local [spmem:s13], $0x13C0  }
0xe8: {  	_ =	swait.ge [sflag:s10], $0x13C0  }
0xe9: {  	[sflag:s10] =	ssyncset.done $0x0  }
0xea: {  	[sflag:s10] =	ssyncadd.s32 $0xFFFFEC40  }
0xeb: {  	_ =	sfence.sel $0x180000  }
0xec: {  	[bflag:$0x0] =	sbarrier.arrive $0xFFFF  }
0xed: {  	_ =	strace $0x9000004D  }
0xee: {  	s0 =	stileid.u32;
	[bflag:$0x2] =	sbarrier.arrive $0xFFFF  }
0xef: {  	p0 =	sne.s32 s0, $0x0;
	s0 =	rddreg [dreg:$0x3]  }
0xf0: {  	s0 =	sadd.s32 @!p0 $0x100000, s0  }
0xf1: {  	[sflag:s0] =	ssyncadd.tile.s32 @!p0 $0x1;
	_ =	shalt  }
.Lfunc_end2:
_tile_overlayer_lowered:
.L_overlay_start_2:
0xf2: {  	(tag) =	ssettag $0x2  }
0xf3: {  	s0 =	rddreg [dreg:$0x0];
	s2 =	stileid.u32  }
0xf4: {  	s1 =	rddreg [dreg:$0x1];
	p0 =	sne.s32 s2, $0x0  }
0xf5: {  	s3 =	rddreg [dreg:$0x2];
	[bflag:$0x3] =	sbarrier.arrive $0xFFFF;
	s2 =	simm.s32 @!p0 $0x1C0D  }
0xf6: {  	[timem:s3], [sflag:s2] =	dma.local @!p0 [hbm:s0], s1  }
0xf7: {  	s0 =	simm.s32 @!p0 $0xD  }
0xf8: {  	_ =	swait.ge @!p0 [sflag:s0], s1  }
0xf9: {  	s1 =	ssub.s32 @!p0 $0x0, s1;
	[sflag:s0] =	ssyncset.done @!p0 $0x0  }
0xfa: {  	[sflag:s0] =	ssyncadd.s32 @!p0 s1  }
0xfb: {  	[bflag:$0x3] =	sbarrier.arrive $0xFFFF  }
0xfc: {  	_ =	shalt  }

// kernel: kernel.19.cloned.1.call-start
scs
__scs_entry_jumppad:
0x0: {  	(pc) =	sbr.rel $0x88, $3  }
0x1: {  	(tag) =	ssettag $0x0;
	lr =	simm.s32 $0x1  }
0x2: {  	[smem:$0x3F99] =	sst lr;
	_ =	strace $0xD0000000  }
0x3: {  	_ = 	snop  }
0x4: {  	_ = 	snop  }
0x5: {  	_ = 	snop  }
0x6: {  	_ = 	snop  }
0x7: {  	_ = 	snop  }
__scs_overlays_trampoline_lowered:
0x8: {  	[smem:$0x3FA8] =	sst s0  }
0x9: {  	[smem:$0x3FA9] =	sst s1  }
0xa: {  	[smem:$0x3FAA] =	sst s2  }
0xb: {  	[smem:$0x3FAB] =	sst s3  }
0xc: {  	[smem:$0x3FAC] =	sst s4  }
0xd: {  	[smem:$0x3FAD] =	sst s5  }
0xe: {  	[smem:$0x3FAE] =	sst s6  }
0xf: {  	[smem:$0x3FAF] =	sst s7  }
0x10: {  	[smem:$0x3FB0] =	sst s8  }
0x11: {  	[smem:$0x3FB1] =	sst s9;
	s0 =	simm.s32 @!p0 $0x0  }
0x12: {  	s1 =	sld [smem:$0x3F97];
	s0 =	simm.s32 @p0 $0x1  }
0x13: {  	[smem:$0x3FB2] =	sst s0;
	s0 =	simm.s32 @!p1 $0x0  }
0x14: {  	s2 =	sld [smem:$0x3F96];
	s0 =	simm.s32 @p1 $0x1  }
0x15: {  	[smem:$0x3FB3] =	sst s0;
	s0 =	simm.s32 @!p2 $0x0  }
0x16: {  	s3 =	sld [smem:$0x3FDB];
	s0 =	simm.s32 @p2 $0x1  }
0x17: {  	s4 =	simm.s32 $0x1BF5;
	[smem:$0x3FB5] =	sst s0  }
0x18: {  	s0 =	sld [smem:$0x3F98];
	_ =	swait.ge [sflag:s4], $0x0  }
0x19: {  	s7 =	sld [smem:$0x3F99]  }
0x1a: {  	s8 =	sadd.s32 $0xFFFFE003, lr  }
0x1b: {  	s9 =	sadd.s32 $0xFFFFFEF7, lr;
	s5 =	simm.s32 $0xFFFFFFFF;
	p2 =	slt.u32 s8, $0xFFFFF086  }
0x1c: {  	p1 =	slt.u32 s9, $0xF7A;
	s5 =	simm.s32 @!p2 $0x0  }
0x1d: {  	s5 =	simm.s32 @p1 $0x1;
	p0 =	seq.s32 s7, s2  }
0x1e: {  	s7 =	smul.u32 @!p0 $0xF7A, s2;
	p2 =	seq.s32 @!p0 s5, $0x0  }
0x1f: {  	s9 =	smul.u32 $0xF7A, s1;
	s8 =	simm.s32 @!p0 $0x1BF5;
	p2 =	por !p2, p0  }
0x20: {  	[sflag:s8] =	ssyncset.s32 @!p0 $0xFFFFF086;
	s6 =	sadd.s32 @!p0 s3, s7;
	s7 =	simm.s32 @!p0 $0x108  }
0x21: {  	s3 =	sadd.s32 s3, s9;
	s6 =	sadd.s32 @!p0 $0x88, s6;
	s7 =	simm.s32 @p2 $0x1082  }
0x22: {  	[simem:s7], [sflag:s8] =	dma.local @!p0 [hbm:s6], $0xF7A  }
0x23: {  	s9 =	sor.u32 $0xD0000000, s2;
	s6 =	simm.s32 $0x108;
	_ =	swait.ge @!p0 [sflag:s8], $0x0  }
0x24: {  	s3 =	sadd.s32 $0x88, s3;
	s6 =	simm.s32 @!p1 $0x1082;
	[sflag:s4] =	ssyncset.s32 $0xFFFFF086  }
0x25: {  	[simem:s6], [sflag:s4] =	dma.local [hbm:s3], $0xF7A  }
0x26: {  	[smem:$0x3F99] =	sst s1;
	(tag) =	ssettag s2;
	_ =	strace s9  }
0x27: {  	s1 =	sld [smem:$0x3FA9]  }
0x28: {  	s2 =	sld [smem:$0x3FAA]  }
0x29: {  	s4 =	sld [smem:$0x3FAC]  }
0x2a: {  	p0 =	seq.s32 s5, $0x0;
	s5 =	sld [smem:$0x3FAD]  }
0x2b: {  	s6 =	sld [smem:$0x3FAE]  }
0x2c: {  	s7 =	sld [smem:$0x3FAF]  }
0x2d: {  	s3 =	simm.s32 $0x108;
	s8 =	sld [smem:$0x3FB0]  }
0x2e: {  	s3 =	simm.s32 @!p0 $0x1082;
	s9 =	sld [smem:$0x3FB1]  }
0x2f: {  	lr =	sadd.s32 s0, s3;
	s0 =	sld [smem:$0x3FA8]  }
0x30: {  	s3 =	sld [smem:$0x3FAB]  }
0x31: {  	[smem:$0x3FB4] =	sst s10  }
0x32: {  	s10 =	sld [smem:$0x3FB2];
	_ =	sdelay $0x3  }
0x33: {  	p0 =	seq.s32 s10, $0x1;
	s10 =	sld [smem:$0x3FB4];
	_ =	sdelay $0x3  }
0x34: {  	[smem:$0x3FB4] =	sst s10  }
0x35: {  	s10 =	sld [smem:$0x3FB3];
	_ =	sdelay $0x3  }
0x36: {  	p1 =	seq.s32 s10, $0x1;
	s10 =	sld [smem:$0x3FB4];
	_ =	sdelay $0x3  }
0x37: {  	[smem:$0x3FB4] =	sst s10  }
0x38: {  	s10 =	sld [smem:$0x3FB5]  }
0x39: {  	_ = 	snop;
	(pc) =	sbr.ind lr, $3  }
0x3a: {  	_ = 	snop  }
0x3b: {  	_ = 	snop  }
0x3c: {  	p2 =	seq.s32 s10, $0x1;
	s10 =	sld [smem:$0x3FB4]  }
0x3d: {  	_ =	shalt  }
0x3e: {  	_ =	shalt  }
0x3f: {  	_ =	shalt  }
0x40: {  	_ =	shalt  }
0x41: {  	_ =	shalt  }
0x42: {  	_ =	shalt  }
0x43: {  	_ =	shalt  }
0x44: {  	_ =	shalt  }
0x45: {  	_ =	shalt  }
0x46: {  	_ =	shalt  }
0x47: {  	_ =	shalt  }
0x48: {  	_ =	shalt  }
0x49: {  	_ =	shalt  }
0x4a: {  	_ =	shalt  }
0x4b: {  	_ =	shalt  }
0x4c: {  	_ =	shalt  }
0x4d: {  	_ =	shalt  }
0x4e: {  	_ =	shalt  }
0x4f: {  	_ =	shalt  }
0x50: {  	_ =	shalt  }
0x51: {  	_ =	shalt  }
0x52: {  	_ =	shalt  }
0x53: {  	_ =	shalt  }
0x54: {  	_ =	shalt  }
0x55: {  	_ =	shalt  }
0x56: {  	_ =	shalt  }
0x57: {  	_ =	shalt  }
0x58: {  	_ =	shalt  }
0x59: {  	_ =	shalt  }
0x5a: {  	_ =	shalt  }
0x5b: {  	_ =	shalt  }
0x5c: {  	_ =	shalt  }
0x5d: {  	_ =	shalt  }
0x5e: {  	_ =	shalt  }
0x5f: {  	_ =	shalt  }
0x60: {  	_ =	shalt  }
0x61: {  	_ =	shalt  }
0x62: {  	_ =	shalt  }
0x63: {  	_ =	shalt  }
0x64: {  	_ =	shalt  }
0x65: {  	_ =	shalt  }
0x66: {  	_ =	shalt  }
0x67: {  	_ =	shalt  }
0x68: {  	_ =	shalt  }
0x69: {  	_ =	shalt  }
0x6a: {  	_ =	shalt  }
0x6b: {  	_ =	shalt  }
0x6c: {  	_ =	shalt  }
0x6d: {  	_ =	shalt  }
0x6e: {  	_ =	shalt  }
0x6f: {  	_ =	shalt  }
0x70: {  	_ =	shalt  }
0x71: {  	_ =	shalt  }
0x72: {  	_ =	shalt  }
0x73: {  	_ =	shalt  }
0x74: {  	_ =	shalt  }
0x75: {  	_ =	shalt  }
0x76: {  	_ =	shalt  }
0x77: {  	_ =	shalt  }
0x78: {  	_ =	shalt  }
0x79: {  	_ =	shalt  }
0x7a: {  	_ =	shalt  }
0x7b: {  	_ =	shalt  }
0x7c: {  	_ =	shalt  }
0x7d: {  	_ =	shalt  }
0x7e: {  	_ =	shalt  }
0x7f: {  	_ =	shalt  }
0x80: {  	_ =	shalt  }
0x81: {  	_ =	shalt  }
0x82: {  	_ =	shalt  }
0x83: {  	_ =	shalt  }
0x84: {  	_ =	shalt  }
0x85: {  	_ =	shalt  }
0x86: {  	_ =	shalt  }
0x87: {  	_ =	shalt  }
.Lfunc_end0:
.L_simem_size_0:
called_computation.3_lowered:
.L_overlay_start_0:
0x88: {  	s2 =	sld [smem:$0x3FD9]  }
0x89: {  	s3 =	sld [smem:$0x3FFE];
	_ =	sdelay $0x1  }
0x8a: {  	s1 =	srdreg.scid  }
0x8b: {  	s0 =	sand.u32 $0x1, s1  }
0x8c: {  	s17 =	sshll.u32 s0, $0xA;
	s2 =	sadd.s32 s3, s2  }
0x8d: {  	s2 =	sadd.s32 s2, s17  }
0x8e: {  	[smem:$0x3FC0] =	sst s2  }
0x8f: {  	_ = 	snop  }
0x90: {  	s2 =	sld [smem:$0x3FD0];
	(tm) =	ssettm $0x1  }
0x91: {  	s18 =	sld [smem:$0x3FFB];
	_ =	sdelay $0x3  }
0x92: {  	_ =	strace s18  }
0x93: {  	s3 =	sld [smem:$0x3FFC];
	_ =	sdelay $0x3  }
0x94: {  	_ =	strace s3  }
0x95: {  	s3 =	sld [smem:$0x3FFD];
	_ =	sdelay $0x3  }
0x96: {  	_ =	strace s3  }
0x97: {  	_ =	strace $0x8FFFFFFF  }
0x98: {  	s19 =	sld [smem:$0x3FDB];
	_ =	sdelay $0x1  }
0x99: {  	s4 =	simm.s32 $_scs_section_size  }
0x9a: {  	s5 =	simm.s32 $_size__tile_overlayer_lowered;
	s6 =	simm.s32 $_tile_overlayer_lowered  }
0x9b: {  	s22 =	simm.s32 $0x1BFF;
	s21 =	sshll.u32 s6, $0x1;
	s3 =	sadd.s32 s4, s19  }
0x9c: {  	s7 =	simm.s32 $0x0;
	s20 =	sshll.u32 s5, $0x1;
	s5 =	sadd.s32 s21, s3  }
0x9d: {  	[timem:s7], [sflag:s22] =	dma.local [hbm:s5], s20  }
0x9e: {  	_ =	swait.ge [sflag:s22], s20  }
0x9f: {  	s4 =	ssub.s32 $0x0, s20;
	[sflag:s22] =	ssyncset.done $0x0  }
0xa0: {  	[sflag:s22] =	ssyncadd.s32 s4;
	_ =	sdelay $0x1  }
0xa1: {  	s23 =	simm.s32 $0x1B8B  }
0xa2: {  	_ =	swait.ge [sflag:s23], $0x1  }
0xa3: {  	[sflag:s23] =	ssyncset.done $0x0  }
0xa4: {  	s25 =	simm.s32 $0x1B8E;
	s24 =	sld [smem:$0x3FFE];
	[sflag:s23] =	ssyncadd.s32 $0xFFFFFFFF  }
0xa5: {  	s26 =	simm.s32 $execute0_lowered;
	[smem:$0x3FD2] =	sst s25  }
0xa6: {  	s5 =	sshll.u32 s26, $0x1;
	_ =	strace $0x8000004F;
	[dreg:$0x1] =	wrdreg $0xFFFFFFFF  }
0xa7: {  	s28 =	simm.s32 $_size_execute0_lowered;
	s3 =	sadd.s32 s3, s5;
	[dreg:$0x0] =	wrdreg $0x0  }
0xa8: {  	s5 =	sshll.u32 s28, $0x1;
	[dreg:$0x2] =	wrdreg s3  }
0xa9: {  	[dreg:$0x3] =	wrdreg s5  }
0xaa: {  	[dreg:$0x4] =	wrdreg $0xC0  }
0xab: {  	_ =	task [dreg:s7], $0x5FFFF  }
0xac: {  	[dreg:$0x1] =	wrdreg $0xFFFFFFFF  }
0xad: {  	[dreg:$0x0] =	wrdreg $0x60  }
0xae: {  	[dreg:$0x2] =	wrdreg s2  }
0xaf: {  	[dreg:$0x3] =	wrdreg s24  }
0xb0: {  	[dreg:$0x4] =	wrdreg $0x160000  }
0xb1: {  	[dreg:$0x5] =	wrdreg $0x9  }
0xb2: {  	_ =	task.clear_ibuf [dreg:s7], $0x6FFFF;
	_ =	strace $0x9000004F  }
0xb3: {  	s29 =	simm.s32 $0x9;
	_ =	strace $0x80000051  }
0xb4: {  	_ =	swait.ge [sflag:s29], $0x1  }
0xb5: {  	[sflag:s29] =	ssyncadd.s32 $0xFFFFFFFF  }
0xb6: {  	_ =	strace $0x90000051  }
0xb7: {  	_ =	sfence  }
0xb8: {  	s30 =	sld [smem:$0x0];
	_ =	sdelay $0x2  }
0xb9: {  	s31 =	sshll.u32 s1, $0xD;
	s1 =	sshrl.u32 s1, $0x2  }
0xba: {  	s3 =	sand.u32 $0x4000, s31;
	s1 =	sadd.s32 s1, s30  }
0xbb: {  	s0 =	sor.u32 s3, s0;
	s1 =	sshll.u32 s1, $0x11  }
0xbc: {  	s0 =	sor.u32 s1, s0  }
0xbd: {  	s0 =	sadd.s32 $0x8F2B, s0  }
0xbe: {  	[sflag:s0] =	ssyncadd.remote.s32 $0x1  }
0xbf: {  	_ =	sfence.sel $0xFFFF  }
0xc0: {  	[dreg:$0x0] =	wrdreg $0xFFFFFFFF;
	(pc) =	sbr.abs _section_cstart, $3  }
0xc1: {  	[dreg:$0x1] =	wrdreg $0xFFFFFFFF  }
0xc2: {  	_ =	task.clear_ibuf [dreg:s7], $0x2FFFF;
	_ =	strace $0x9FFFFFFF  }
0xc3: {  	(tm) =	ssettm $0x7FFFFFFF  }
tec
execute0_lowered:
.L_overlay_start_1:
0x0: {  	(tag) =	ssettag $0x1  }
0x1: {  	s0 =	rddreg [dreg:$0x0]  }
0x2: {  	s1 =	rddreg [dreg:$0x1]  }
0x3: {  	s2 =	rddreg [dreg:$0x2]  }
0x4: {  	s11 =	stileid.u32;
	s4 =	srdreg.scid;
	s6 =	simm.s32 $0x0  }
0x5: {  	s10 =	simm.s32 $0xD;
	s14 =	simm.s32 $0x80;
	s15 =	simm.s32 $0xA000  }
0x6: {  	s16 =	simm.s32 $0xC000;
	s17 =	simm.s32 $0xE000;
	s18 =	simm.s32 $0x10000  }
0x7: {  	s19 =	simm.s32 $0x12000;
	s20 =	simm.s32 $0x14000;
	s28 =	simm.s32 $0x7  }
0x8: {  	s29 =	simm.s32 $0x8;
	s30 =	simm.s32 $0x9;
	s3 =	smul.u32 $0xA00, s11  }
0x9: {  	s31 =	simm.s32 $0xA;
	s4 =	sand.u32 $0x1, s4;
	s5 =	smul.u32 $0x9E00, s11  }
0xa: {  	[smem:$0x7FF] =	sst s6;
	s8 =	sadd.s32 $0x64600, s1;
	s26 =	sshll.u32 s11, $0x6  }
0xb: {  	s11 =	simm.s32 $0x0;
	s21 =	smul.u32 $0x9E000, s4;
	_ =	strace $0x80000050  }
0xc: {  	s7 =	ssub.s32 $0x2, s4;
	[dreg:$0x4] =	wrdreg s8;
	s4 =	smul.u32 $0x13880, s4  }
0xd: {  	s12 =	sor.u32 $0x1C0D, s26;
	s26 =	simm.s32 $0x6;
	s3 =	sadd.s32 s3, s1  }
0xe: {  	s22 =	sshrl.u32 s7, $0x1;
	s25 =	sadd.s32 s5, s2;
	s6 =	sadd.s32 s5, s21  }
0xf: {  	s23 =	ssub.s32 s7, s22;
	s24 =	sadd.s32 $0xC400, s3;
	s3 =	sadd.s32 $0x2400, s3  }
0x10: {  	s7 =	sadd.s32 s0, s4;
	s13 =	sshrl.u32 s25, $0x3;
	s21 =	simm.s32 $0x1  }
0x11: {  	s22 =	simm.s32 $0x2;
	s25 =	simm.s32 $0x5;
	[dreg:$0x5] =	wrdreg s24  }
0x12: {  	s0 =	simm.s32 $0xB;
	s6 =	sshrl.u32 s6, $0x3;
	[dreg:$0x6] =	wrdreg s3  }
0x13: {  	s9 =	smax.u32 s23, $0x1;
	s23 =	simm.s32 $0x3;
	s1 =	sadd.s32 s6, s1  }
0x14: {  	s24 =	simm.s32 $0x4;
	s8 =	sadd.s32 $0x16400, s1;
	s1 =	simm.s32 $0xC  }
.LBB2_1:
0x15: {  	s3 =	simm.s32 $0x0;
	s4 =	rddreg [dreg:$0x5]  }
0x16: {  	[tilespmem:s3], [sflag:$0xD] =	stream.linear.gather [hbm4b:s4+s3], $0x5000, $0x38;
	[tilespmem:$0x1FE00] =	vst v63  }
0x17: {  	_ =	swait.ge [sflag:s10], $0x5000  }
0x18: {  	[sflag:s10] =	ssyncset.done $0x0  }
0x19: {  	s5 =	simm.s32 $0x5000;
	s6 =	rddreg [dreg:$0x6];
	[sflag:s10] =	ssyncadd.s32 $0xFFFFB000  }
0x1a: {  	[tilespmem:s5], [sflag:$0xD] =	stream.linear.gather [hbm4b:s6+s3], $0x5000, $0x38;
	[tilespmem:$0x1FE00] =	vst v63  }
0x1b: {  	_ =	swait.ge [sflag:s10], $0x5000  }
0x1c: {  	[sflag:s10] =	ssyncset.done $0x0  }
0x1d: {  	s6 =	rddreg [dreg:$0x4];
	[sflag:s10] =	ssyncadd.s32 $0xFFFFB000  }
0x1e: {  	[spmem:s13], [sflag:s12] =	dma.local [hbm:s6], $0x13C0  }
0x1f: {  	_ =	swait.ge [sflag:s10], $0x13C0  }
0x20: {  	[sflag:s10] =	ssyncset.done $0x0  }
0x21: {  	[sflag:s10] =	ssyncadd.s32 $0xFFFFEC40  }
0x22: {  	s4 =	simm.s32 $0x0;
	[bflag:$0x0] =	sbarrier.arrive $0xFFFF  }
0x23: {  	[tilespmem:s15], [sflag:$0x1] =	stream.indirect.gather [hbm4b:s7+s14], $0x40, s4, s14, $0xb8;
	[tilespmem:$0x1FE00] =	vst v63  }
0x24: {  	s5 =	simm.s32 $0x80  }
0x25: {  	[tilespmem:s16], [sflag:$0x2] =	stream.indirect.gather [hbm4b:s7+s14], $0x40, s5, s14, $0xb8;
	[tilespmem:$0x1FE00] =	vst v63  }
0x26: {  	s6 =	simm.s32 $0x100  }
0x27: {  	[tilespmem:s17], [sflag:$0x3] =	stream.indirect.gather [hbm4b:s7+s14], $0x40, s6, s14, $0xb8;
	[tilespmem:$0x1FE00] =	vst v63  }
0x28: {  	s4 =	simm.s32 $0x180  }
0x29: {  	[tilespmem:s18], [sflag:$0x4] =	stream.indirect.gather [hbm4b:s7+s14], $0x40, s4, s14, $0xb8;
	[tilespmem:$0x1FE00] =	vst v63  }
0x2a: {  	s5 =	simm.s32 $0x200  }
0x2b: {  	[tilespmem:s19], [sflag:$0x5] =	stream.indirect.gather [hbm4b:s7+s14], $0x40, s5, s14, $0xb8;
	[tilespmem:$0x1FE00] =	vst v63  }
0x2c: {  	s6 =	simm.s32 $0x280  }
0x2d: {  	[tilespmem:s20], [sflag:$0x6] =	stream.indirect.gather [hbm4b:s7+s14], $0x40, s6, s14, $0xb8;
	[tilespmem:$0x1FE00] =	vst v63  }
0x2e: {  	_ =	swait.ge [sflag:s21], $0x2000  }
0x2f: {  	[sflag:s21] =	ssyncset.done $0x0  }
0x30: {  	s4 =	simm.s32 $0x5000;
	[sflag:s21] =	ssyncadd.s32 $0xFFFFE000  }
0x31: {  	[spmem:s2] =	stream.indirect.scatter.add.f32 [tilespmem:s15], [sflag:$0x7], $0x40, s4, s14, $0xb8;
	[tilespmem:$0x1FE00] =	vst v63  }
0x32: {  	_ =	swait.ge [sflag:s22], $0x2000  }
0x33: {  	[sflag:s22] =	ssyncset.done $0x0  }
0x34: {  	s5 =	simm.s32 $0x5080;
	[sflag:s22] =	ssyncadd.s32 $0xFFFFE000  }
0x35: {  	[spmem:s2] =	stream.indirect.scatter.add.f32 [tilespmem:s16], [sflag:$0x8], $0x40, s5, s14, $0xb8;
	[tilespmem:$0x1FE00] =	vst v63  }
0x36: {  	_ =	swait.ge [sflag:s23], $0x2000  }
0x37: {  	[sflag:s23] =	ssyncset.done $0x0  }
0x38: {  	s6 =	simm.s32 $0x5100;
	[sflag:s23] =	ssyncadd.s32 $0xFFFFE000  }
0x39: {  	[spmem:s2] =	stream.indirect.scatter.add.f32 [tilespmem:s17], [sflag:$0x9], $0x40, s6, s14, $0xb8;
	[tilespmem:$0x1FE00] =	vst v63  }
0x3a: {  	_ =	swait.ge [sflag:s24], $0x2000  }
0x3b: {  	[sflag:s24] =	ssyncset.done $0x0  }
0x3c: {  	s4 =	simm.s32 $0x5180;
	[sflag:s24] =	ssyncadd.s32 $0xFFFFE000  }
0x3d: {  	[spmem:s2] =	stream.indirect.scatter.add.f32 [tilespmem:s18], [sflag:$0xA], $0x40, s4, s14, $0xb8;
	[tilespmem:$0x1FE00] =	vst v63  }
0x3e: {  	_ =	swait.ge [sflag:s25], $0x2000  }
0x3f: {  	[sflag:s25] =	ssyncset.done $0x0  }
0x40: {  	s5 =	simm.s32 $0x5200;
	[sflag:s25] =	ssyncadd.s32 $0xFFFFE000  }
0x41: {  	[spmem:s2] =	stream.indirect.scatter.add.f32 [tilespmem:s19], [sflag:$0xB], $0x40, s5, s14, $0xb8;
	[tilespmem:$0x1FE00] =	vst v63  }
0x42: {  	_ =	swait.ge [sflag:s26], $0x2000  }
0x43: {  	[sflag:s26] =	ssyncset.done $0x0  }
0x44: {  	s6 =	simm.s32 $0x5280;
	[sflag:s26] =	ssyncadd.s32 $0xFFFFE000  }
0x45: {  	[spmem:s2] =	stream.indirect.scatter.add.f32 [tilespmem:s20], [sflag:$0xC], $0x40, s6, s14, $0xb8;
	[tilespmem:$0x1FE00] =	vst v63  }
0x46: {  	_ =	swait.ge [sflag:s28], $0x2000  }
0x47: {  	[sflag:s28] =	ssyncset.done $0x0  }
0x48: {  	[sflag:s28] =	ssyncadd.s32 $0xFFFFE000  }
0x49: {  	_ =	swait.ge [sflag:s29], $0x2000  }
0x4a: {  	[sflag:s29] =	ssyncset.done $0x0  }
0x4b: {  	[sflag:s29] =	ssyncadd.s32 $0xFFFFE000  }
0x4c: {  	_ =	swait.ge [sflag:s30], $0x2000  }
0x4d: {  	[sflag:s30] =	ssyncset.done $0x0  }
0x4e: {  	[sflag:s30] =	ssyncadd.s32 $0xFFFFE000  }
0x4f: {  	_ =	swait.ge [sflag:s31], $0x2000  }
0x50: {  	[sflag:s31] =	ssyncset.done $0x0  }
0x51: {  	[sflag:s31] =	ssyncadd.s32 $0xFFFFE000  }
0x52: {  	_ =	swait.ge [sflag:s0], $0x2000  }
0x53: {  	[sflag:s0] =	ssyncset.done $0x0  }
0x54: {  	[sflag:s0] =	ssyncadd.s32 $0xFFFFE000  }
0x55: {  	_ =	swait.ge [sflag:s1], $0x2000  }
0x56: {  	s3 =	simm.s32 $0xC00;
	s4 =	simm.s32 $0x1800;
	[sflag:s1] =	ssyncset.done $0x0  }
.LBB2_2:
0x57: {  	s5 =	sshra.s32 s3, $0x2  }
0x58: {  	[sflag:s1] =	ssyncadd.s32 $0xFFFFE000;
	s3 =	smov.u32 s4;
	s6 =	sadd.s32 $0xC00, s4  }
0x59: {  	[tilespmem:s15], [sflag:$0x1] =	stream.indirect.gather [hbm4b:s7+s14], $0x40, s5, s14, $0xb8;
	[tilespmem:$0x1FE00] =	vst v63  }
0x5a: {  	p0 =	sne.s32 s4, $0x12C00;
	s4 =	sadd.s32 $0x80, s5  }
0x5b: {  	[tilespmem:s16], [sflag:$0x2] =	stream.indirect.gather [hbm4b:s7+s14], $0x40, s4, s14, $0xb8;
	[tilespmem:$0x1FE00] =	vst v63  }
0x5c: {  	s4 =	sadd.s32 $0x100, s5  }
0x5d: {  	[tilespmem:s17], [sflag:$0x3] =	stream.indirect.gather [hbm4b:s7+s14], $0x40, s4, s14, $0xb8;
	[tilespmem:$0x1FE00] =	vst v63  }
0x5e: {  	s4 =	sadd.s32 $0x180, s5  }
0x5f: {  	[tilespmem:s18], [sflag:$0x4] =	stream.indirect.gather [hbm4b:s7+s14], $0x40, s4, s14, $0xb8;
	[tilespmem:$0x1FE00] =	vst v63  }
0x60: {  	s4 =	sadd.s32 $0x200, s5  }
0x61: {  	[tilespmem:s19], [sflag:$0x5] =	stream.indirect.gather [hbm4b:s7+s14], $0x40, s4, s14, $0xb8;
	[tilespmem:$0x1FE00] =	vst v63  }
0x62: {  	s4 =	sadd.s32 $0x280, s5  }
0x63: {  	[tilespmem:s20], [sflag:$0x6] =	stream.indirect.gather [hbm4b:s7+s14], $0x40, s4, s14, $0xb8;
	[tilespmem:$0x1FE00] =	vst v63  }
0x64: {  	_ =	swait.ge [sflag:s21], $0x2000  }
0x65: {  	[sflag:s21] =	ssyncset.done $0x0  }
0x66: {  	s4 =	sadd.s32 $0x5000, s5;
	[sflag:s21] =	ssyncadd.s32 $0xFFFFE000  }
0x67: {  	[spmem:s2] =	stream.indirect.scatter.add.f32 [tilespmem:s15], [sflag:$0x7], $0x40, s4, s14, $0xb8;
	[tilespmem:$0x1FE00] =	vst v63  }
0x68: {  	_ =	swait.ge [sflag:s22], $0x2000  }
0x69: {  	[sflag:s22] =	ssyncset.done $0x0  }
0x6a: {  	s4 =	sadd.s32 $0x5080, s5;
	[sflag:s22] =	ssyncadd.s32 $0xFFFFE000  }
0x6b: {  	[spmem:s2] =	stream.indirect.scatter.add.f32 [tilespmem:s16], [sflag:$0x8], $0x40, s4, s14, $0xb8;
	[tilespmem:$0x1FE00] =	vst v63  }
0x6c: {  	_ =	swait.ge [sflag:s23], $0x2000  }
0x6d: {  	[sflag:s23] =	ssyncset.done $0x0  }
0x6e: {  	s4 =	sadd.s32 $0x5100, s5;
	[sflag:s23] =	ssyncadd.s32 $0xFFFFE000  }
0x6f: {  	[spmem:s2] =	stream.indirect.scatter.add.f32 [tilespmem:s17], [sflag:$0x9], $0x40, s4, s14, $0xb8;
	[tilespmem:$0x1FE00] =	vst v63  }
0x70: {  	_ =	swait.ge [sflag:s24], $0x2000  }
0x71: {  	[sflag:s24] =	ssyncset.done $0x0  }
0x72: {  	s4 =	sadd.s32 $0x5180, s5;
	[sflag:s24] =	ssyncadd.s32 $0xFFFFE000  }
0x73: {  	[spmem:s2] =	stream.indirect.scatter.add.f32 [tilespmem:s18], [sflag:$0xA], $0x40, s4, s14, $0xb8;
	[tilespmem:$0x1FE00] =	vst v63  }
0x74: {  	_ =	swait.ge [sflag:s25], $0x2000  }
0x75: {  	[sflag:s25] =	ssyncset.done $0x0  }
0x76: {  	s4 =	sadd.s32 $0x5200, s5;
	[sflag:s25] =	ssyncadd.s32 $0xFFFFE000  }
0x77: {  	[spmem:s2] =	stream.indirect.scatter.add.f32 [tilespmem:s19], [sflag:$0xB], $0x40, s4, s14, $0xb8;
	[tilespmem:$0x1FE00] =	vst v63  }
0x78: {  	_ =	swait.ge [sflag:s26], $0x2000  }
0x79: {  	[sflag:s26] =	ssyncset.done $0x0  }
0x7a: {  	s4 =	sadd.s32 $0x5280, s5;
	[sflag:s26] =	ssyncadd.s32 $0xFFFFE000  }
0x7b: {  	[spmem:s2] =	stream.indirect.scatter.add.f32 [tilespmem:s20], [sflag:$0xC], $0x40, s4, s14, $0xb8;
	[tilespmem:$0x1FE00] =	vst v63  }
0x7c: {  	_ =	swait.ge [sflag:s28], $0x2000  }
0x7d: {  	[sflag:s28] =	ssyncset.done $0x0  }
0x7e: {  	[sflag:s28] =	ssyncadd.s32 $0xFFFFE000  }
0x7f: {  	_ =	swait.ge [sflag:s29], $0x2000  }
0x80: {  	[sflag:s29] =	ssyncset.done $0x0  }
0x81: {  	[sflag:s29] =	ssyncadd.s32 $0xFFFFE000  }
0x82: {  	_ =	swait.ge [sflag:s30], $0x2000  }
0x83: {  	[sflag:s30] =	ssyncset.done $0x0  }
0x84: {  	[sflag:s30] =	ssyncadd.s32 $0xFFFFE000  }
0x85: {  	_ =	swait.ge [sflag:s31], $0x2000  }
0x86: {  	[sflag:s31] =	ssyncset.done $0x0  }
0x87: {  	[sflag:s31] =	ssyncadd.s32 $0xFFFFE000  }
.Ltmp0:
0x88: {  	_ =	swait.ge [sflag:s0], $0x2000;
	(pc) =	sbr.rel @p0 .LBB2_2-.Ltmp0, $4  }
0x89: {  	[sflag:s0] =	ssyncset.done $0x0  }
0x8a: {  	[sflag:s0] =	ssyncadd.s32 $0xFFFFE000  }
0x8b: {  	_ =	swait.ge [sflag:s1], $0x2000  }
0x8c: {  	s4 =	smov.u32 s6;
	[sflag:s1] =	ssyncset.done $0x0  }
0x8d: {  	s3 =	sshra.s32 s3, $0x2;
	[sflag:s1] =	ssyncadd.s32 $0xFFFFE000  }
0x8e: {  	[tilespmem:s15], [sflag:$0x1] =	stream.indirect.gather [hbm4b:s7+s14], $0x40, s3, s14, $0xb8;
	[tilespmem:$0x1FE00] =	vst v63  }
0x8f: {  	s4 =	sadd.s32 $0x80, s3  }
0x90: {  	[tilespmem:s16], [sflag:$0x2] =	stream.indirect.gather [hbm4b:s7+s14], $0x40, s4, s14, $0xb8;
	[tilespmem:$0x1FE00] =	vst v63  }
0x91: {  	s6 =	sadd.s32 $0x100, s3  }
0x92: {  	[tilespmem:s17], [sflag:$0x3] =	stream.indirect.gather [hbm4b:s7+s14], $0x40, s6, s14, $0xb8;
	[tilespmem:$0x1FE00] =	vst v63  }
0x93: {  	s5 =	sadd.s32 $0x180, s3  }
0x94: {  	[tilespmem:s18], [sflag:$0x4] =	stream.indirect.gather [hbm4b:s7+s14], $0x40, s5, s14, $0xb8;
	[tilespmem:$0x1FE00] =	vst v63  }
0x95: {  	s6 =	sadd.s32 $0x200, s3  }
0x96: {  	[tilespmem:s19], [sflag:$0x5] =	stream.indirect.gather [hbm4b:s7+s14], $0x40, s6, s14, $0xb8;
	[tilespmem:$0x1FE00] =	vst v63  }
0x97: {  	s5 =	sadd.s32 $0x280, s3  }
0x98: {  	[tilespmem:s20], [sflag:$0x6] =	stream.indirect.gather [hbm4b:s7+s14], $0x40, s5, s14, $0xb8;
	[tilespmem:$0x1FE00] =	vst v63  }
0x99: {  	_ =	swait.ge [sflag:s21], $0x2000  }
0x9a: {  	[sflag:s21] =	ssyncset.done $0x0  }
0x9b: {  	s6 =	sadd.s32 $0x5000, s3;
	[sflag:s21] =	ssyncadd.s32 $0xFFFFE000  }
0x9c: {  	[spmem:s2] =	stream.indirect.scatter.add.f32 [tilespmem:s15], [sflag:$0x7], $0x40, s6, s14, $0xb8;
	[tilespmem:$0x1FE00] =	vst v63  }
0x9d: {  	_ =	swait.ge [sflag:s22], $0x2000  }
0x9e: {  	[sflag:s22] =	ssyncset.done $0x0  }
0x9f: {  	s5 =	sadd.s32 $0x5080, s3;
	[sflag:s22] =	ssyncadd.s32 $0xFFFFE000  }
0xa0: {  	[spmem:s2] =	stream.indirect.scatter.add.f32 [tilespmem:s16], [sflag:$0x8], $0x40, s5, s14, $0xb8;
	[tilespmem:$0x1FE00] =	vst v63  }
0xa1: {  	_ =	swait.ge [sflag:s23], $0x2000  }
0xa2: {  	[sflag:s23] =	ssyncset.done $0x0  }
0xa3: {  	s6 =	sadd.s32 $0x5100, s3;
	[sflag:s23] =	ssyncadd.s32 $0xFFFFE000  }
0xa4: {  	[spmem:s2] =	stream.indirect.scatter.add.f32 [tilespmem:s17], [sflag:$0x9], $0x40, s6, s14, $0xb8;
	[tilespmem:$0x1FE00] =	vst v63  }
0xa5: {  	_ =	swait.ge [sflag:s24], $0x2000  }
0xa6: {  	[sflag:s24] =	ssyncset.done $0x0  }
0xa7: {  	s5 =	sadd.s32 $0x5180, s3;
	[sflag:s24] =	ssyncadd.s32 $0xFFFFE000  }
0xa8: {  	[spmem:s2] =	stream.indirect.scatter.add.f32 [tilespmem:s18], [sflag:$0xA], $0x40, s5, s14, $0xb8;
	[tilespmem:$0x1FE00] =	vst v63  }
0xa9: {  	_ =	swait.ge [sflag:s25], $0x2000  }
0xaa: {  	[sflag:s25] =	ssyncset.done $0x0  }
0xab: {  	s6 =	sadd.s32 $0x5200, s3;
	[sflag:s25] =	ssyncadd.s32 $0xFFFFE000  }
0xac: {  	[spmem:s2] =	stream.indirect.scatter.add.f32 [tilespmem:s19], [sflag:$0xB], $0x40, s6, s14, $0xb8;
	[tilespmem:$0x1FE00] =	vst v63  }
0xad: {  	_ =	swait.ge [sflag:s26], $0x2000  }
0xae: {  	[sflag:s26] =	ssyncset.done $0x0  }
0xaf: {  	s3 =	sadd.s32 $0x5280, s3;
	[sflag:s26] =	ssyncadd.s32 $0xFFFFE000  }
0xb0: {  	[spmem:s2] =	stream.indirect.scatter.add.f32 [tilespmem:s20], [sflag:$0xC], $0x40, s3, s14, $0xb8;
	[tilespmem:$0x1FE00] =	vst v63  }
0xb1: {  	_ =	swait.ge [sflag:s28], $0x2000  }
0xb2: {  	[sflag:s28] =	ssyncset.done $0x0  }
0xb3: {  	[sflag:s28] =	ssyncadd.s32 $0xFFFFE000  }
0xb4: {  	_ =	swait.ge [sflag:s29], $0x2000  }
0xb5: {  	[sflag:s29] =	ssyncset.done $0x0  }
0xb6: {  	[sflag:s29] =	ssyncadd.s32 $0xFFFFE000  }
0xb7: {  	_ =	swait.ge [sflag:s30], $0x2000  }
0xb8: {  	[sflag:s30] =	ssyncset.done $0x0  }
0xb9: {  	[sflag:s30] =	ssyncadd.s32 $0xFFFFE000  }
0xba: {  	_ =	swait.ge [sflag:s31], $0x2000  }
0xbb: {  	[sflag:s31] =	ssyncset.done $0x0  }
0xbc: {  	[sflag:s31] =	ssyncadd.s32 $0xFFFFE000  }
0xbd: {  	_ =	swait.ge [sflag:s0], $0x2000  }
0xbe: {  	[sflag:s0] =	ssyncset.done $0x0  }
0xbf: {  	[sflag:s0] =	ssyncadd.s32 $0xFFFFE000  }
0xc0: {  	_ =	swait.ge [sflag:s1], $0x2000  }
0xc1: {  	[sflag:s1] =	ssyncset.done $0x0  }
0xc2: {  	s5 =	simm.s32 $0x4E00;
	[sflag:s1] =	ssyncadd.s32 $0xFFFFE000  }
0xc3: {  	[tilespmem:s15], [sflag:$0x1] =	stream.indirect.gather [hbm4b:s7+s14], $0x40, s5, s14, $0xb8;
	[tilespmem:$0x1FE00] =	vst v63  }
0xc4: {  	s6 =	simm.s32 $0x4E80  }
0xc5: {  	[tilespmem:s16], [sflag:$0x2] =	stream.indirect.gather [hbm4b:s7+s14], $0x40, s6, s14, $0xb8;
	[tilespmem:$0x1FE00] =	vst v63  }
0xc6: {  	s4 =	simm.s32 $0x4F00  }
0xc7: {  	[tilespmem:s17], [sflag:$0x3] =	stream.indirect.gather [hbm4b:s7+s14], $0x40, s4, s14, $0xb8;
	[tilespmem:$0x1FE00] =	vst v63  }
0xc8: {  	s5 =	simm.s32 $0x4F80  }
0xc9: {  	[tilespmem:s18], [sflag:$0x4] =	stream.indirect.gather [hbm4b:s7+s14], $0x40, s5, s14, $0xb8;
	[tilespmem:$0x1FE00] =	vst v63  }
0xca: {  	_ =	swait.ge [sflag:s21], $0x2000  }
0xcb: {  	[sflag:s21] =	ssyncset.done $0x0  }
0xcc: {  	s6 =	simm.s32 $0x9E00;
	[sflag:s21] =	ssyncadd.s32 $0xFFFFE000  }
0xcd: {  	[spmem:s2] =	stream.indirect.scatter.add.f32 [tilespmem:s15], [sflag:$0x7], $0x40, s6, s14, $0xb8;
	[tilespmem:$0x1FE00] =	vst v63  }
0xce: {  	_ =	swait.ge [sflag:s22], $0x2000  }
0xcf: {  	[sflag:s22] =	ssyncset.done $0x0  }
0xd0: {  	s4 =	simm.s32 $0x9E80;
	[sflag:s22] =	ssyncadd.s32 $0xFFFFE000  }
0xd1: {  	[spmem:s2] =	stream.indirect.scatter.add.f32 [tilespmem:s16], [sflag:$0x8], $0x40, s4, s14, $0xb8;
	[tilespmem:$0x1FE00] =	vst v63  }
0xd2: {  	_ =	swait.ge [sflag:s23], $0x2000  }
0xd3: {  	[sflag:s23] =	ssyncset.done $0x0  }
0xd4: {  	s5 =	simm.s32 $0x9F00;
	[sflag:s23] =	ssyncadd.s32 $0xFFFFE000  }
0xd5: {  	[spmem:s2] =	stream.indirect.scatter.add.f32 [tilespmem:s17], [sflag:$0x9], $0x40, s5, s14, $0xb8;
	[tilespmem:$0x1FE00] =	vst v63  }
0xd6: {  	_ =	swait.ge [sflag:s24], $0x2000  }
0xd7: {  	[sflag:s24] =	ssyncset.done $0x0  }
0xd8: {  	s6 =	simm.s32 $0x9F80;
	[sflag:s24] =	ssyncadd.s32 $0xFFFFE000  }
0xd9: {  	[spmem:s2] =	stream.indirect.scatter.add.f32 [tilespmem:s18], [sflag:$0xA], $0x40, s6, s14, $0xb8;
	[tilespmem:$0x1FE00] =	vst v63  }
0xda: {  	_ =	swait.ge [sflag:s28], $0x2000  }
0xdb: {  	[sflag:s28] =	ssyncset.done $0x0  }
0xdc: {  	[sflag:s28] =	ssyncadd.s32 $0xFFFFE000  }
0xdd: {  	_ =	swait.ge [sflag:s29], $0x2000  }
0xde: {  	[sflag:s29] =	ssyncset.done $0x0  }
0xdf: {  	[sflag:s29] =	ssyncadd.s32 $0xFFFFE000  }
0xe0: {  	_ =	swait.ge [sflag:s30], $0x2000  }
0xe1: {  	[sflag:s30] =	ssyncset.done $0x0  }
0xe2: {  	[sflag:s30] =	ssyncadd.s32 $0xFFFFE000  }
0xe3: {  	_ =	swait.ge [sflag:s31], $0x2000  }
0xe4: {  	s11 =	sadd.s32 $0x1, s11;
	[sflag:s31] =	ssyncset.done $0x0  }
0xe5: {  	p0 =	sne.s32 s11, s9;
	[sflag:s31] =	ssyncadd.s32 $0xFFFFE000  }
.Ltmp1:
0xe6: {  	[bflag:$0x0] =	sbarrier.arrive $0xFFFF;
	(pc) =	sbr.rel @p0 .LBB2_1-.Ltmp1, $4  }
0xe7: {  	[hbm:s8], [sflag:s12] =	dma.local [spmem:s13], $0x13C0  }
0xe8: {  	_ =	swait.ge [sflag:s10], $0x13C0  }
0xe9: {  	[sflag:s10] =	ssyncset.done $0x0  }
0xea: {  	[sflag:s10] =	ssyncadd.s32 $0xFFFFEC40  }
0xeb: {  	_ =	sfence.sel $0x180000  }
0xec: {  	[bflag:$0x0] =	sbarrier.arrive $0xFFFF  }
0xed: {  	_ =	strace $0x90000050  }
0xee: {  	s0 =	stileid.u32;
	[bflag:$0x2] =	sbarrier.arrive $0xFFFF  }
0xef: {  	p0 =	sne.s32 s0, $0x0;
	s0 =	rddreg [dreg:$0x3]  }
0xf0: {  	s0 =	sadd.s32 @!p0 $0x100000, s0  }
0xf1: {  	[sflag:s0] =	ssyncadd.tile.s32 @!p0 $0x1;
	_ =	shalt  }
.Lfunc_end2:
_tile_overlayer_lowered:
.L_overlay_start_2:
0xf2: {  	(tag) =	ssettag $0x2  }
0xf3: {  	s0 =	rddreg [dreg:$0x0];
	s2 =	stileid.u32  }
0xf4: {  	s1 =	rddreg [dreg:$0x1];
	p0 =	sne.s32 s2, $0x0  }
0xf5: {  	s3 =	rddreg [dreg:$0x2];
	[bflag:$0x3] =	sbarrier.arrive $0xFFFF;
	s2 =	simm.s32 @!p0 $0x1C0D  }
0xf6: {  	[timem:s3], [sflag:s2] =	dma.local @!p0 [hbm:s0], s1  }
0xf7: {  	s0 =	simm.s32 @!p0 $0xD  }
0xf8: {  	_ =	swait.ge @!p0 [sflag:s0], s1  }
0xf9: {  	s1 =	ssub.s32 @!p0 $0x0, s1;
	[sflag:s0] =	ssyncset.done @!p0 $0x0  }
0xfa: {  	[sflag:s0] =	ssyncadd.s32 @!p0 s1  }
0xfb: {  	[bflag:$0x3] =	sbarrier.arrive $0xFFFF  }
0xfc: {  	_ =	shalt  }

</sc_bundles>
